<compile_context>
chip_gen: v7x
topology: tpu7x:2x2x1
jax: 0.10.2.dev20260603
libtpu: 0.0.44.dev20260713+nightly
codegen_flags: <defaults>
</compile_context>

<pallas_src>
import functools

import jax
import jax.numpy as jnp
from jax import lax
from jax.experimental import pallas as pl
from jax.experimental.pallas import tpu as pltpu
from jax.experimental.pallas import tpu_sc as plsc

_VOCAB = 1000000
_D = 16
_F = 26
_B = 16384

_SLAB = 512
_NSLAB_FULL = _VOCAB // _SLAB
_TAIL = _VOCAB - _NSLAB_FULL * _SLAB
_TRIPLES = 21

_NC = 2
_NS = 16
_NW = _NC * _NS
_ROWS_PER_W = _B // _NW
_CHUNK = 64
_NCHUNK = _ROWS_PER_W // _CHUNK
_IDX_PER_CHUNK = _CHUNK * _F
_GATHER = 416
_GPC = _IDX_PER_CHUNK // _GATHER
_IDXROWS_PER_W = _ROWS_PER_W * _F // _GATHER


def _tr_body(tab_t_hbm, out_hbm, slabs, out_bufs, sem_in, sem_out):
    wid = lax.axis_index("s") * _NC + lax.axis_index("c")
    nper = jnp.where(wid == 0, 62, 61)
    base = 61 * wid + jnp.minimum(wid, 1)

    lane = lax.iota(jnp.int32, 16)
    zq4 = lax.shift_right_logical(lane, 3) * 4
    yv = lax.bitwise_and(lane, 7)
    bufv = tuple(jnp.full((16,), b, jnp.int32) for b in range(3))

    def issue_in(s, buf):
        col0 = s * _SLAB
        for i in range(2):
            for jj in range(4):
                pltpu.async_copy(
                    tab_t_hbm.at[pl.ds(8 * i, 8),
                                 pl.ds(col0 + 128 * jj, 128)],
                    slabs.at[buf, i * 4 + jj], sem_in)

    def drain_in(buf):
        for t in range(8):
            pltpu.make_async_copy(
                tab_t_hbm.at[pl.ds(0, 8), pl.ds(0, 128)],
                slabs.at[buf, t], sem_in).wait()

    def drain_out(buf):
        pltpu.make_async_copy(out_hbm.at[pl.ds(0, _SLAB * 16)],
                              out_bufs.at[buf], sem_out).wait()

    diags = [lax.bitwise_and(lane + sh, 15) for sh in range(16)]
    sbases = [diags[sh] * 16 + lane for sh in range(16)]
    zero16 = jnp.zeros((16,), jnp.int32)
    gbase0 = zq4 * 1024 + yv * 128

    def compute(s, buf):
        col0 = s * _SLAB

        def tile_body(t, carry):
            gbt = gbase0 + (t * 1024 + buf * 8192)
            obase = t * 2048

            @plsc.parallel_loop(0, 8, unroll=4)
            def g_body(g):
                cc0 = g * 16
                ga = gbt + cc0
                sb = lane + (obase + cc0 * 16)
                for sh in range(16):
                    v = plsc.load_gather(
                        slabs, [zero16, zero16, zero16, ga + diags[sh]])
                    plsc.store_scatter(
                        out_bufs, [bufv[buf], sb + sbases[sh]], v)

            return carry

        lax.fori_loop(0, 4, tile_body, jnp.int32(0))
        pltpu.async_copy(out_bufs.at[buf],
                         out_hbm.at[pl.ds(col0 * 16, _SLAB * 16)], sem_out)

    issue_in(base, 0)
    issue_in(base + 1, 1)

    def slot(k, buf):
        @pl.when(k < nper)
        def _():
            drain_in(buf)

            @pl.when(k + 2 < nper)
            def _():
                issue_in(base + k + 2, (buf + 2) % 3)

            @pl.when(k >= 3)
            def _():
                drain_out(buf)

            compute(base + k, buf)

    def triple_body(p, carry):
        k = 3 * p
        slot(k, 0)
        slot(k + 1, 1)
        slot(k + 2, 2)
        return carry

    lax.fori_loop(0, _TRIPLES, triple_body, jnp.int32(0))
    drain_out(0)
    drain_out(1)
    drain_out(2)


@jax.jit
def _tr_call(tab_t):
    mesh = plsc.VectorSubcoreMesh(core_axis_name="c", subcore_axis_name="s")
    return pl.kernel(
        _tr_body,
        mesh=mesh,
        out_type=jax.ShapeDtypeStruct((_VOCAB * _D,), jnp.float32),
        compiler_params=pltpu.CompilerParams(needs_layout_passes=False,
                                             use_tc_tiling_on_sc=True),
        scratch_types=[
            pltpu.VMEM((3, 8, 8, 128), jnp.float32),
            pltpu.VMEM((4, _SLAB * 16), jnp.float32),
            pltpu.SemaphoreType.DMA,
            pltpu.SemaphoreType.DMA,
        ],
    )(tab_t)


def _fm_body(idx_flat_hbm, table_hbm, wb_hbm, out_hbm,
             idx_lin, rows, out_v, wconst, sem0, sem1):
    wid = lax.axis_index("s") * _NC + lax.axis_index("c")
    sems = (sem0, sem1)

    pltpu.sync_copy(idx_flat_hbm.at[pl.ds(wid * (_ROWS_PER_W * _F),
                                          _ROWS_PER_W * _F)], idx_lin)
    pltpu.sync_copy(wb_hbm, wconst)

    w0 = wconst[pl.ds(0, 16)]
    w1 = wconst[pl.ds(16, 16)]
    bias16 = wconst[pl.ds(32, 16)]

    def issue(c, buf):
        handles = []
        for j in range(_GPC):
            g = c * _GPC + j
            handles.append(pltpu.async_copy(
                table_hbm.at[idx_lin.at[pl.ds(g * _GATHER, _GATHER)]],
                rows.at[buf, pl.ds(j * _GATHER, _GATHER), :],
                sems[buf]))
        return handles

    def compute(c, buf):
        @plsc.parallel_loop(0, _CHUNK, unroll=2)
        def row_body(lb):
            base = lb * _F
            boff = c * _IDX_PER_CHUNK + base
            v = rows[buf, base, :]
            s = v
            q = v * v
            for f in range(1, _F):
                v = rows[buf, base + f, :]
                s = s + v
                q = q + v * v
            i0 = idx_lin[pl.ds(boff, 16)].astype(jnp.float32)
            i1 = idx_lin[pl.ds(boff + 10, 16)].astype(jnp.float32)
            t = 0.5 * (s * s - q) + i0 * w0 + i1 * w1 + bias16
            dest = jnp.full((16,), c * _CHUNK + lb, jnp.int32)
            plsc.addupdate_scatter(out_v, [dest], t)

    def zero_out(k, _):
        out_v[pl.ds(k * 16, 16)] = jnp.zeros((16,), jnp.float32)
        return _

    lax.fori_loop(0, _ROWS_PER_W // 16, zero_out, jnp.int32(0))

    pending = issue(0, 0)
    for c in range(_NCHUNK):
        nxt = issue(c + 1, (c + 1) % 2) if c + 1 < _NCHUNK else []
        for h in pending:
            h.wait()
        compute(c, c % 2)
        pending = nxt

    pltpu.sync_copy(out_v, out_hbm.at[pl.ds(wid * _ROWS_PER_W,
                                            _ROWS_PER_W)])


@jax.jit
def _fm_call(idx_flat, table, wb):
    mesh = plsc.VectorSubcoreMesh(core_axis_name="c", subcore_axis_name="s")
    return pl.kernel(
        _fm_body,
        mesh=mesh,
        out_type=jax.ShapeDtypeStruct((_B,), jnp.float32),
        compiler_params=pltpu.CompilerParams(needs_layout_passes=False,
                                             use_tc_tiling_on_sc=False),
        scratch_types=[
            pltpu.VMEM((_ROWS_PER_W * _F,), jnp.int32),
            pltpu.VMEM((2, _IDX_PER_CHUNK, _D), jnp.float32),
            pltpu.VMEM((_ROWS_PER_W,), jnp.float32),
            pltpu.VMEM((48,), jnp.float32),
            pltpu.SemaphoreType.DMA,
            pltpu.SemaphoreType.DMA,
        ],
    )(idx_flat, table, wb)


def kernel(interaction_pairs, emb_table, lin_w, lin_b):
    t_lin = _tr_call(emb_table.T)
    tail = lax.slice(emb_table, (_NSLAB_FULL * _SLAB, 0), (_VOCAB, _D))
    t_lin = lax.dynamic_update_slice(
        t_lin, tail.reshape(-1), (jnp.int32(_NSLAB_FULL * _SLAB * _D),))
    table_c = t_lin.reshape(_VOCAB, _D)
    idx_flat = interaction_pairs.reshape(-1).astype(jnp.int32)
    w = lin_w.reshape(-1)
    w0 = w[:16]
    w1 = jnp.where(jnp.arange(16) >= 6,
                   jnp.concatenate([jnp.zeros((6,), w.dtype), w[16:26]]),
                   0.0).astype(jnp.float32)
    wb = jnp.concatenate([w0, w1,
                          jnp.full((16,), lin_b.reshape(-1)[0] / 16.0,
                                   jnp.float32)])
    return _fm_call(idx_flat, table_c, wb)

# --- scband reference (transcript-rebuilt; emitter-appended) ---
"""Pipeline reference for scband-factorization-machine-model-51049981281341 (READ-ONLY COPY).

The authoritative reference and input builder live on the scoring server;
editing this copy changes nothing except your own understanding.
"""

import jax, jax.numpy as jnp
import numpy as np

VOCAB = 1000000
EMBED_DIM = 16
NUM_FIELDS = 26
BATCH = 16384


def setup_inputs(seed: int = 0) -> dict:
    key = jax.random.key(seed)
    k_idx, k_emb, k_w, k_b = jax.random.split(key, 4)
    interaction_pairs = jax.random.randint(k_idx, (BATCH, NUM_FIELDS), 0, VOCAB, dtype=jnp.int64) if jax.config.read('jax_enable_x64') else jax.random.randint(k_idx, (BATCH, NUM_FIELDS), 0, VOCAB, dtype=jnp.int32)
    # xavier_normal init for embedding table: std = sqrt(2 / (fan_in + fan_out))
    std = float(np.sqrt(2.0 / (VOCAB + EMBED_DIM)))
    emb_table = jax.random.normal(k_emb, (VOCAB, EMBED_DIM), dtype=jnp.float32) * std
    # torch.nn.Linear(26, 1): weight [1, 26], bias [1], uniform(-1/sqrt(26), 1/sqrt(26))
    bound = 1.0 / float(np.sqrt(NUM_FIELDS))
    lin_w = jax.random.uniform(k_w, (1, NUM_FIELDS), dtype=jnp.float32, minval=-bound, maxval=bound)
    lin_b = jax.random.uniform(k_b, (1,), dtype=jnp.float32, minval=-bound, maxval=bound)
    return {"interaction_pairs": interaction_pairs, "emb_table": emb_table, "lin_w": lin_w, "lin_b": lin_b}


def reference(interaction_pairs, emb_table, lin_w, lin_b):
    # embedding lookup: [B, F, D]
    embeddings = jnp.take(emb_table, interaction_pairs, axis=0)
    # linear on raw index values cast to float: [B, 1]
    lin = interaction_pairs.astype(jnp.float32) @ lin_w.T + lin_b
    # FM second-order term
    square_of_sum = jnp.sum(embeddings, axis=1) ** 2          # [B, D]
    sum_of_square = jnp.sum(embeddings ** 2, axis=1)          # [B, D]
    ix = square_of_sum - sum_of_square
    ix = jnp.sum(ix, axis=1, keepdims=True)                   # [B, 1]
    fm = 0.5 * ix
    out = lin + fm                                            # [B, 1]
    return jnp.squeeze(out, axis=1)                           # [B]

if __name__ == "__main__":
    import jax
    _d = setup_inputs()
    print(jax.jit(kernel)(*tuple(_d.values())))

</pallas_src>

<mosaic_0001>
#map = affine_map<(d0, d1) -> (0, 0)>
#map1 = affine_map<(d0, d1) -> (0)>
module attributes {stable_mosaic.version = 14 : i64} {
  func.func @_tr_body(%arg0: i32, %arg1: i32, %arg2: memref<16x1000000xf32, #tpu.memory_space<hbm>>, %arg3: memref<16000000xf32, #tpu.memory_space<hbm>>, %arg4: memref<3x8x8x128xf32, #tpu.memory_space<vmem>>, %arg5: memref<4x8192xf32, #tpu.memory_space<vmem>>, %arg6: memref<!tpu.dma_semaphore, #tpu.memory_space<semaphore_mem>>, %arg7: memref<!tpu.dma_semaphore, #tpu.memory_space<semaphore_mem>>) attributes {dimension_semantics = [#tpu.dimension_semantics<core_parallel>, #tpu.dimension_semantics<subcore_parallel>], iteration_bounds = array<i64: 2, 16>, scalar_prefetch = 0 : i64, scratch_operands = 4 : i64, tpu.core_type = #tpu.core_type<sc_vector_subcore>, window_params = [{transform_indices = #map}, {transform_indices = #map1}]} {
    %mul3A = arith.constant 2 : i32
    %mul3A_0 = arith.muli %arg1, %mul3A : i32
    %add3A = arith.addi %mul3A_0, %arg0 : i32
    %eq3A = arith.constant 0 : i32
    %eq3A_1 = arith.cmpi eq, %add3A, %eq3A : i32
    %jit3A = arith.constant 62 : i32
    %jit3A_2 = arith.constant 61 : i32
    %select_n3A = arith.select %eq3A_1, %jit3A, %jit3A_2 : i32
    %mul3A_3 = arith.constant 61 : i32
    %mul3A_4 = arith.muli %mul3A_3, %add3A : i32
    %min3A = arith.constant 1 : i32
    %min3A_5 = arith.minsi %add3A, %min3A : i32
    %add3A_6 = arith.addi %mul3A_4, %min3A_5 : i32
    %iota3A = tpu.iota {dimensions = array<i32: 0>} : vector<16xi32>
    %shift_right_logical3A = arith.constant 3 : i32
    %shift_right_logical3A_7 = vector.broadcast %shift_right_logical3A : i32 to vector<16xi32>
    %shift_right_logical3A_8 = arith.shrui %iota3A, %shift_right_logical3A_7 : vector<16xi32>
    %mul3A_9 = arith.constant 4 : i32
    %mul3A_10 = vector.broadcast %mul3A_9 : i32 to vector<16xi32>
    %mul3A_11 = arith.muli %shift_right_logical3A_8, %mul3A_10 : vector<16xi32>
    %and3A = arith.constant 7 : i32
    %and3A_12 = vector.broadcast %and3A : i32 to vector<16xi32>
    %and3A_13 = arith.andi %iota3A, %and3A_12 : vector<16xi32>
    %broadcast_in_dim3A = arith.constant 0 : i32
    %broadcast_in_dim3A_14 = vector.broadcast %broadcast_in_dim3A : i32 to vector<16xi32>
    %broadcast_in_dim3A_15 = arith.constant 1 : i32
    %broadcast_in_dim3A_16 = vector.broadcast %broadcast_in_dim3A_15 : i32 to vector<16xi32>
    %broadcast_in_dim3A_17 = arith.constant 2 : i32
    %broadcast_in_dim3A_18 = vector.broadcast %broadcast_in_dim3A_17 : i32 to vector<16xi32>
    %add3A_19 = arith.constant 0 : i32
    %add3A_20 = vector.broadcast %add3A_19 : i32 to vector<16xi32>
    %add3A_21 = arith.addi %iota3A, %add3A_20 : vector<16xi32>
    %and3A_22 = arith.constant 15 : i32
    %and3A_23 = vector.broadcast %and3A_22 : i32 to vector<16xi32>
    %and3A_24 = arith.andi %add3A_21, %and3A_23 : vector<16xi32>
    %add3A_25 = arith.constant 1 : i32
    %add3A_26 = vector.broadcast %add3A_25 : i32 to vector<16xi32>
    %add3A_27 = arith.addi %iota3A, %add3A_26 : vector<16xi32>
    %and3A_28 = arith.constant 15 : i32
    %and3A_29 = vector.broadcast %and3A_28 : i32 to vector<16xi32>
    %and3A_30 = arith.andi %add3A_27, %and3A_29 : vector<16xi32>
    %add3A_31 = arith.constant 2 : i32
    %add3A_32 = vector.broadcast %add3A_31 : i32 to vector<16xi32>
    %add3A_33 = arith.addi %iota3A, %add3A_32 : vector<16xi32>
    %and3A_34 = arith.constant 15 : i32
    %and3A_35 = vector.broadcast %and3A_34 : i32 to vector<16xi32>
    %and3A_36 = arith.andi %add3A_33, %and3A_35 : vector<16xi32>
    %add3A_37 = arith.constant 3 : i32
    %add3A_38 = vector.broadcast %add3A_37 : i32 to vector<16xi32>
    %add3A_39 = arith.addi %iota3A, %add3A_38 : vector<16xi32>
    %and3A_40 = arith.constant 15 : i32
    %and3A_41 = vector.broadcast %and3A_40 : i32 to vector<16xi32>
    %and3A_42 = arith.andi %add3A_39, %and3A_41 : vector<16xi32>
    %add3A_43 = arith.constant 4 : i32
    %add3A_44 = vector.broadcast %add3A_43 : i32 to vector<16xi32>
    %add3A_45 = arith.addi %iota3A, %add3A_44 : vector<16xi32>
    %and3A_46 = arith.constant 15 : i32
    %and3A_47 = vector.broadcast %and3A_46 : i32 to vector<16xi32>
    %and3A_48 = arith.andi %add3A_45, %and3A_47 : vector<16xi32>
    %add3A_49 = arith.constant 5 : i32
    %add3A_50 = vector.broadcast %add3A_49 : i32 to vector<16xi32>
    %add3A_51 = arith.addi %iota3A, %add3A_50 : vector<16xi32>
    %and3A_52 = arith.constant 15 : i32
    %and3A_53 = vector.broadcast %and3A_52 : i32 to vector<16xi32>
    %and3A_54 = arith.andi %add3A_51, %and3A_53 : vector<16xi32>
    %add3A_55 = arith.constant 6 : i32
    %add3A_56 = vector.broadcast %add3A_55 : i32 to vector<16xi32>
    %add3A_57 = arith.addi %iota3A, %add3A_56 : vector<16xi32>
    %and3A_58 = arith.constant 15 : i32
    %and3A_59 = vector.broadcast %and3A_58 : i32 to vector<16xi32>
    %and3A_60 = arith.andi %add3A_57, %and3A_59 : vector<16xi32>
    %add3A_61 = arith.constant 7 : i32
    %add3A_62 = vector.broadcast %add3A_61 : i32 to vector<16xi32>
    %add3A_63 = arith.addi %iota3A, %add3A_62 : vector<16xi32>
    %and3A_64 = arith.constant 15 : i32
    %and3A_65 = vector.broadcast %and3A_64 : i32 to vector<16xi32>
    %and3A_66 = arith.andi %add3A_63, %and3A_65 : vector<16xi32>
    %add3A_67 = arith.constant 8 : i32
    %add3A_68 = vector.broadcast %add3A_67 : i32 to vector<16xi32>
    %add3A_69 = arith.addi %iota3A, %add3A_68 : vector<16xi32>
    %and3A_70 = arith.constant 15 : i32
    %and3A_71 = vector.broadcast %and3A_70 : i32 to vector<16xi32>
    %and3A_72 = arith.andi %add3A_69, %and3A_71 : vector<16xi32>
    %add3A_73 = arith.constant 9 : i32
    %add3A_74 = vector.broadcast %add3A_73 : i32 to vector<16xi32>
    %add3A_75 = arith.addi %iota3A, %add3A_74 : vector<16xi32>
    %and3A_76 = arith.constant 15 : i32
    %and3A_77 = vector.broadcast %and3A_76 : i32 to vector<16xi32>
    %and3A_78 = arith.andi %add3A_75, %and3A_77 : vector<16xi32>
    %add3A_79 = arith.constant 10 : i32
    %add3A_80 = vector.broadcast %add3A_79 : i32 to vector<16xi32>
    %add3A_81 = arith.addi %iota3A, %add3A_80 : vector<16xi32>
    %and3A_82 = arith.constant 15 : i32
    %and3A_83 = vector.broadcast %and3A_82 : i32 to vector<16xi32>
    %and3A_84 = arith.andi %add3A_81, %and3A_83 : vector<16xi32>
    %add3A_85 = arith.constant 11 : i32
    %add3A_86 = vector.broadcast %add3A_85 : i32 to vector<16xi32>
    %add3A_87 = arith.addi %iota3A, %add3A_86 : vector<16xi32>
    %and3A_88 = arith.constant 15 : i32
    %and3A_89 = vector.broadcast %and3A_88 : i32 to vector<16xi32>
    %and3A_90 = arith.andi %add3A_87, %and3A_89 : vector<16xi32>
    %add3A_91 = arith.constant 12 : i32
    %add3A_92 = vector.broadcast %add3A_91 : i32 to vector<16xi32>
    %add3A_93 = arith.addi %iota3A, %add3A_92 : vector<16xi32>
    %and3A_94 = arith.constant 15 : i32
    %and3A_95 = vector.broadcast %and3A_94 : i32 to vector<16xi32>
    %and3A_96 = arith.andi %add3A_93, %and3A_95 : vector<16xi32>
    %add3A_97 = arith.constant 13 : i32
    %add3A_98 = vector.broadcast %add3A_97 : i32 to vector<16xi32>
    %add3A_99 = arith.addi %iota3A, %add3A_98 : vector<16xi32>
    %and3A_100 = arith.constant 15 : i32
    %and3A_101 = vector.broadcast %and3A_100 : i32 to vector<16xi32>
    %and3A_102 = arith.andi %add3A_99, %and3A_101 : vector<16xi32>
    %add3A_103 = arith.constant 14 : i32
    %add3A_104 = vector.broadcast %add3A_103 : i32 to vector<16xi32>
    %add3A_105 = arith.addi %iota3A, %add3A_104 : vector<16xi32>
    %and3A_106 = arith.constant 15 : i32
    %and3A_107 = vector.broadcast %and3A_106 : i32 to vector<16xi32>
    %and3A_108 = arith.andi %add3A_105, %and3A_107 : vector<16xi32>
    %add3A_109 = arith.constant 15 : i32
    %add3A_110 = vector.broadcast %add3A_109 : i32 to vector<16xi32>
    %add3A_111 = arith.addi %iota3A, %add3A_110 : vector<16xi32>
    %and3A_112 = arith.constant 15 : i32
    %and3A_113 = vector.broadcast %and3A_112 : i32 to vector<16xi32>
    %and3A_114 = arith.andi %add3A_111, %and3A_113 : vector<16xi32>
    %mul3A_115 = arith.constant 16 : i32
    %mul3A_116 = vector.broadcast %mul3A_115 : i32 to vector<16xi32>
    %mul3A_117 = arith.muli %and3A_24, %mul3A_116 : vector<16xi32>
    %add3A_118 = arith.addi %mul3A_117, %iota3A : vector<16xi32>
    %mul3A_119 = arith.constant 16 : i32
    %mul3A_120 = vector.broadcast %mul3A_119 : i32 to vector<16xi32>
    %mul3A_121 = arith.muli %and3A_30, %mul3A_120 : vector<16xi32>
    %add3A_122 = arith.addi %mul3A_121, %iota3A : vector<16xi32>
    %mul3A_123 = arith.constant 16 : i32
    %mul3A_124 = vector.broadcast %mul3A_123 : i32 to vector<16xi32>
    %mul3A_125 = arith.muli %and3A_36, %mul3A_124 : vector<16xi32>
    %add3A_126 = arith.addi %mul3A_125, %iota3A : vector<16xi32>
    %mul3A_127 = arith.constant 16 : i32
    %mul3A_128 = vector.broadcast %mul3A_127 : i32 to vector<16xi32>
    %mul3A_129 = arith.muli %and3A_42, %mul3A_128 : vector<16xi32>
    %add3A_130 = arith.addi %mul3A_129, %iota3A : vector<16xi32>
    %mul3A_131 = arith.constant 16 : i32
    %mul3A_132 = vector.broadcast %mul3A_131 : i32 to vector<16xi32>
    %mul3A_133 = arith.muli %and3A_48, %mul3A_132 : vector<16xi32>
    %add3A_134 = arith.addi %mul3A_133, %iota3A : vector<16xi32>
    %mul3A_135 = arith.constant 16 : i32
    %mul3A_136 = vector.broadcast %mul3A_135 : i32 to vector<16xi32>
    %mul3A_137 = arith.muli %and3A_54, %mul3A_136 : vector<16xi32>
    %add3A_138 = arith.addi %mul3A_137, %iota3A : vector<16xi32>
    %mul3A_139 = arith.constant 16 : i32
    %mul3A_140 = vector.broadcast %mul3A_139 : i32 to vector<16xi32>
    %mul3A_141 = arith.muli %and3A_60, %mul3A_140 : vector<16xi32>
    %add3A_142 = arith.addi %mul3A_141, %iota3A : vector<16xi32>
    %mul3A_143 = arith.constant 16 : i32
    %mul3A_144 = vector.broadcast %mul3A_143 : i32 to vector<16xi32>
    %mul3A_145 = arith.muli %and3A_66, %mul3A_144 : vector<16xi32>
    %add3A_146 = arith.addi %mul3A_145, %iota3A : vector<16xi32>
    %mul3A_147 = arith.constant 16 : i32
    %mul3A_148 = vector.broadcast %mul3A_147 : i32 to vector<16xi32>
    %mul3A_149 = arith.muli %and3A_72, %mul3A_148 : vector<16xi32>
    %add3A_150 = arith.addi %mul3A_149, %iota3A : vector<16xi32>
    %mul3A_151 = arith.constant 16 : i32
    %mul3A_152 = vector.broadcast %mul3A_151 : i32 to vector<16xi32>
    %mul3A_153 = arith.muli %and3A_78, %mul3A_152 : vector<16xi32>
    %add3A_154 = arith.addi %mul3A_153, %iota3A : vector<16xi32>
    %mul3A_155 = arith.constant 16 : i32
    %mul3A_156 = vector.broadcast %mul3A_155 : i32 to vector<16xi32>
    %mul3A_157 = arith.muli %and3A_84, %mul3A_156 : vector<16xi32>
    %add3A_158 = arith.addi %mul3A_157, %iota3A : vector<16xi32>
    %mul3A_159 = arith.constant 16 : i32
    %mul3A_160 = vector.broadcast %mul3A_159 : i32 to vector<16xi32>
    %mul3A_161 = arith.muli %and3A_90, %mul3A_160 : vector<16xi32>
    %add3A_162 = arith.addi %mul3A_161, %iota3A : vector<16xi32>
    %mul3A_163 = arith.constant 16 : i32
    %mul3A_164 = vector.broadcast %mul3A_163 : i32 to vector<16xi32>
    %mul3A_165 = arith.muli %and3A_96, %mul3A_164 : vector<16xi32>
    %add3A_166 = arith.addi %mul3A_165, %iota3A : vector<16xi32>
    %mul3A_167 = arith.constant 16 : i32
    %mul3A_168 = vector.broadcast %mul3A_167 : i32 to vector<16xi32>
    %mul3A_169 = arith.muli %and3A_102, %mul3A_168 : vector<16xi32>
    %add3A_170 = arith.addi %mul3A_169, %iota3A : vector<16xi32>
    %mul3A_171 = arith.constant 16 : i32
    %mul3A_172 = vector.broadcast %mul3A_171 : i32 to vector<16xi32>
    %mul3A_173 = arith.muli %and3A_108, %mul3A_172 : vector<16xi32>
    %add3A_174 = arith.addi %mul3A_173, %iota3A : vector<16xi32>
    %mul3A_175 = arith.constant 16 : i32
    %mul3A_176 = vector.broadcast %mul3A_175 : i32 to vector<16xi32>
    %mul3A_177 = arith.muli %and3A_114, %mul3A_176 : vector<16xi32>
    %add3A_178 = arith.addi %mul3A_177, %iota3A : vector<16xi32>
    %broadcast_in_dim3A_179 = arith.constant 0 : i32
    %broadcast_in_dim3A_180 = vector.broadcast %broadcast_in_dim3A_179 : i32 to vector<16xi32>
    %mul3A_181 = arith.constant 1024 : i32
    %mul3A_182 = vector.broadcast %mul3A_181 : i32 to vector<16xi32>
    %mul3A_183 = arith.muli %mul3A_11, %mul3A_182 : vector<16xi32>
    %mul3A_184 = arith.constant 128 : i32
    %mul3A_185 = vector.broadcast %mul3A_184 : i32 to vector<16xi32>
    %mul3A_186 = arith.muli %and3A_13, %mul3A_185 : vector<16xi32>
    %add3A_187 = arith.addi %mul3A_183, %mul3A_186 : vector<16xi32>
    %mul3A_188 = arith.constant 512 : i32
    %mul3A_189 = arith.muli %add3A_6, %mul3A_188 : i32
    %add3A_190 = arith.constant 0 : i32
    %add3A_191 = arith.addi %mul3A_189, %add3A_190 : i32
    %dma_start3A = arith.constant 0 : i32
    %dma_start3A_192 = arith.constant 0 : i32
    %dma_start3A_193 = arith.constant 0 : i32
    %dma_start3A_194 = arith.constant 0 : i32
    %dma_start3A_195 = tpu.memref_slice %arg4[%dma_start3A, %dma_start3A_192, %dma_start3A_193, %dma_start3A_194] : memref<3x8x8x128xf32, #tpu.memory_space<vmem>> -> memref<1x1x8x128xf32, #tpu.memory_space<vmem>>
    %dma_start3A_196 = tpu.memref_squeeze %dma_start3A_195 : memref<1x1x8x128xf32, #tpu.memory_space<vmem>> -> memref<8x128xf32, #tpu.memory_space<vmem>>
    %dma_start3A_197 = arith.constant 0 : i32
    %dma_start3A_198 = tpu.memref_slice %arg2[%dma_start3A_197, %add3A_191] : memref<16x1000000xf32, #tpu.memory_space<hbm>> -> memref<8x128xf32, #tpu.memory_space<hbm>>
    %dma_start3A_199 = arith.constant 0 : i32
    %dma_start3A_200 = arith.constant 0 : i32
    %dma_start3A_201 = tpu.memref_slice %arg4[%dma_start3A, %dma_start3A_192, %dma_start3A_199, %dma_start3A_200] : memref<3x8x8x128xf32, #tpu.memory_space<vmem>> -> memref<1x1x8x128xf32, #tpu.memory_space<vmem>>
    %dma_start3A_202 = tpu.memref_squeeze %dma_start3A_201 : memref<1x1x8x128xf32, #tpu.memory_space<vmem>> -> memref<8x128xf32, #tpu.memory_space<vmem>>
    %dma_start3A_203 = arith.constant 0 : i32
    %dma_start3A_204 = tpu.memref_slice %arg2[%dma_start3A_203, %add3A_191] : memref<16x1000000xf32, #tpu.memory_space<hbm>> -> memref<8x128xf32, #tpu.memory_space<hbm>>
    tpu.enqueue_dma source(%dma_start3A_204 : memref<8x128xf32, #tpu.memory_space<hbm>>) target(%dma_start3A_202 : memref<8x128xf32, #tpu.memory_space<vmem>>) target_semaphore(%arg6 : memref<!tpu.dma_semaphore, #tpu.memory_space<semaphore_mem>>)
    %add3A_205 = arith.constant 128 : i32
    %add3A_206 = arith.addi %mul3A_189, %add3A_205 : i32
    %dma_start3A_207 = arith.constant 0 : i32
    %dma_start3A_208 = arith.constant 1 : i32
    %dma_start3A_209 = arith.constant 0 : i32
    %dma_start3A_210 = arith.constant 0 : i32
    %dma_start3A_211 = tpu.memref_slice %arg4[%dma_start3A_207, %dma_start3A_208, %dma_start3A_209, %dma_start3A_210] : memref<3x8x8x128xf32, #tpu.memory_space<vmem>> -> memref<1x1x8x128xf32, #tpu.memory_space<vmem>>
    %dma_start3A_212 = tpu.memref_squeeze %dma_start3A_211 : memref<1x1x8x128xf32, #tpu.memory_space<vmem>> -> memref<8x128xf32, #tpu.memory_space<vmem>>
    %dma_start3A_213 = arith.constant 0 : i32
    %dma_start3A_214 = tpu.memref_slice %arg2[%dma_start3A_213, %add3A_206] : memref<16x1000000xf32, #tpu.memory_space<hbm>> -> memref<8x128xf32, #tpu.memory_space<hbm>>
    %dma_start3A_215 = arith.constant 0 : i32
    %dma_start3A_216 = arith.constant 0 : i32
    %dma_start3A_217 = tpu.memref_slice %arg4[%dma_start3A_207, %dma_start3A_208, %dma_start3A_215, %dma_start3A_216] : memref<3x8x8x128xf32, #tpu.memory_space<vmem>> -> memref<1x1x8x128xf32, #tpu.memory_space<vmem>>
    %dma_start3A_218 = tpu.memref_squeeze %dma_start3A_217 : memref<1x1x8x128xf32, #tpu.memory_space<vmem>> -> memref<8x128xf32, #tpu.memory_space<vmem>>
    %dma_start3A_219 = arith.constant 0 : i32
    %dma_start3A_220 = tpu.memref_slice %arg2[%dma_start3A_219, %add3A_206] : memref<16x1000000xf32, #tpu.memory_space<hbm>> -> memref<8x128xf32, #tpu.memory_space<hbm>>
    tpu.enqueue_dma source(%dma_start3A_220 : memref<8x128xf32, #tpu.memory_space<hbm>>) target(%dma_start3A_218 : memref<8x128xf32, #tpu.memory_space<vmem>>) target_semaphore(%arg6 : memref<!tpu.dma_semaphore, #tpu.memory_space<semaphore_mem>>)
    %add3A_221 = arith.constant 256 : i32
    %add3A_222 = arith.addi %mul3A_189, %add3A_221 : i32
    %dma_start3A_223 = arith.constant 0 : i32
    %dma_start3A_224 = arith.constant 2 : i32
    %dma_start3A_225 = arith.constant 0 : i32
    %dma_start3A_226 = arith.constant 0 : i32
    %dma_start3A_227 = tpu.memref_slice %arg4[%dma_start3A_223, %dma_start3A_224, %dma_start3A_225, %dma_start3A_226] : memref<3x8x8x128xf32, #tpu.memory_space<vmem>> -> memref<1x1x8x128xf32, #tpu.memory_space<vmem>>
    %dma_start3A_228 = tpu.memref_squeeze %dma_start3A_227 : memref<1x1x8x128xf32, #tpu.memory_space<vmem>> -> memref<8x128xf32, #tpu.memory_space<vmem>>
    %dma_start3A_229 = arith.constant 0 : i32
    %dma_start3A_230 = tpu.memref_slice %arg2[%dma_start3A_229, %add3A_222] : memref<16x1000000xf32, #tpu.memory_space<hbm>> -> memref<8x128xf32, #tpu.memory_space<hbm>>
    %dma_start3A_231 = arith.constant 0 : i32
    %dma_start3A_232 = arith.constant 0 : i32
    %dma_start3A_233 = tpu.memref_slice %arg4[%dma_start3A_223, %dma_start3A_224, %dma_start3A_231, %dma_start3A_232] : memref<3x8x8x128xf32, #tpu.memory_space<vmem>> -> memref<1x1x8x128xf32, #tpu.memory_space<vmem>>
    %dma_start3A_234 = tpu.memref_squeeze %dma_start3A_233 : memref<1x1x8x128xf32, #tpu.memory_space<vmem>> -> memref<8x128xf32, #tpu.memory_space<vmem>>
    %dma_start3A_235 = arith.constant 0 : i32
    %dma_start3A_236 = tpu.memref_slice %arg2[%dma_start3A_235, %add3A_222] : memref<16x1000000xf32, #tpu.memory_space<hbm>> -> memref<8x128xf32, #tpu.memory_space<hbm>>
    tpu.enqueue_dma source(%dma_start3A_236 : memref<8x128xf32, #tpu.memory_space<hbm>>) target(%dma_start3A_234 : memref<8x128xf32, #tpu.memory_space<vmem>>) target_semaphore(%arg6 : memref<!tpu.dma_semaphore, #tpu.memory_space<semaphore_mem>>)
    %add3A_237 = arith.constant 384 : i32
    %add3A_238 = arith.addi %mul3A_189, %add3A_237 : i32
    %dma_start3A_239 = arith.constant 0 : i32
    %dma_start3A_240 = arith.constant 3 : i32
    %dma_start3A_241 = arith.constant 0 : i32
    %dma_start3A_242 = arith.constant 0 : i32
    %dma_start3A_243 = tpu.memref_slice %arg4[%dma_start3A_239, %dma_start3A_240, %dma_start3A_241, %dma_start3A_242] : memref<3x8x8x128xf32, #tpu.memory_space<vmem>> -> memref<1x1x8x128xf32, #tpu.memory_space<vmem>>
    %dma_start3A_244 = tpu.memref_squeeze %dma_start3A_243 : memref<1x1x8x128xf32, #tpu.memory_space<vmem>> -> memref<8x128xf32, #tpu.memory_space<vmem>>
    %dma_start3A_245 = arith.constant 0 : i32
    %dma_start3A_246 = tpu.memref_slice %arg2[%dma_start3A_245, %add3A_238] : memref<16x1000000xf32, #tpu.memory_space<hbm>> -> memref<8x128xf32, #tpu.memory_space<hbm>>
    %dma_start3A_247 = arith.constant 0 : i32
    %dma_start3A_248 = arith.constant 0 : i32
    %dma_start3A_249 = tpu.memref_slice %arg4[%dma_start3A_239, %dma_start3A_240, %dma_start3A_247, %dma_start3A_248] : memref<3x8x8x128xf32, #tpu.memory_space<vmem>> -> memref<1x1x8x128xf32, #tpu.memory_space<vmem>>
    %dma_start3A_250 = tpu.memref_squeeze %dma_start3A_249 : memref<1x1x8x128xf32, #tpu.memory_space<vmem>> -> memref<8x128xf32, #tpu.memory_space<vmem>>
    %dma_start3A_251 = arith.constant 0 : i32
    %dma_start3A_252 = tpu.memref_slice %arg2[%dma_start3A_251, %add3A_238] : memref<16x1000000xf32, #tpu.memory_space<hbm>> -> memref<8x128xf32, #tpu.memory_space<hbm>>
    tpu.enqueue_dma source(%dma_start3A_252 : memref<8x128xf32, #tpu.memory_space<hbm>>) target(%dma_start3A_250 : memref<8x128xf32, #tpu.memory_space<vmem>>) target_semaphore(%arg6 : memref<!tpu.dma_semaphore, #tpu.memory_space<semaphore_mem>>)
    %add3A_253 = arith.constant 0 : i32
    %add3A_254 = arith.addi %mul3A_189, %add3A_253 : i32
    %dma_start3A_255 = arith.constant 0 : i32
    %dma_start3A_256 = arith.constant 4 : i32
    %dma_start3A_257 = arith.constant 0 : i32
    %dma_start3A_258 = arith.constant 0 : i32
    %dma_start3A_259 = tpu.memref_slice %arg4[%dma_start3A_255, %dma_start3A_256, %dma_start3A_257, %dma_start3A_258] : memref<3x8x8x128xf32, #tpu.memory_space<vmem>> -> memref<1x1x8x128xf32, #tpu.memory_space<vmem>>
    %dma_start3A_260 = tpu.memref_squeeze %dma_start3A_259 : memref<1x1x8x128xf32, #tpu.memory_space<vmem>> -> memref<8x128xf32, #tpu.memory_space<vmem>>
    %dma_start3A_261 = arith.constant 8 : i32
    %dma_start3A_262 = tpu.memref_slice %arg2[%dma_start3A_261, %add3A_254] : memref<16x1000000xf32, #tpu.memory_space<hbm>> -> memref<8x128xf32, #tpu.memory_space<hbm>>
    %dma_start3A_263 = arith.constant 0 : i32
    %dma_start3A_264 = arith.constant 0 : i32
    %dma_start3A_265 = tpu.memref_slice %arg4[%dma_start3A_255, %dma_start3A_256, %dma_start3A_263, %dma_start3A_264] : memref<3x8x8x128xf32, #tpu.memory_space<vmem>> -> memref<1x1x8x128xf32, #tpu.memory_space<vmem>>
    %dma_start3A_266 = tpu.memref_squeeze %dma_start3A_265 : memref<1x1x8x128xf32, #tpu.memory_space<vmem>> -> memref<8x128xf32, #tpu.memory_space<vmem>>
    %dma_start3A_267 = arith.constant 8 : i32
    %dma_start3A_268 = tpu.memref_slice %arg2[%dma_start3A_267, %add3A_254] : memref<16x1000000xf32, #tpu.memory_space<hbm>> -> memref<8x128xf32, #tpu.memory_space<hbm>>
    tpu.enqueue_dma source(%dma_start3A_268 : memref<8x128xf32, #tpu.memory_space<hbm>>) target(%dma_start3A_266 : memref<8x128xf32, #tpu.memory_space<vmem>>) target_semaphore(%arg6 : memref<!tpu.dma_semaphore, #tpu.memory_space<semaphore_mem>>)
    %add3A_269 = arith.constant 128 : i32
    %add3A_270 = arith.addi %mul3A_189, %add3A_269 : i32
    %dma_start3A_271 = arith.constant 0 : i32
    %dma_start3A_272 = arith.constant 5 : i32
    %dma_start3A_273 = arith.constant 0 : i32
    %dma_start3A_274 = arith.constant 0 : i32
    %dma_start3A_275 = tpu.memref_slice %arg4[%dma_start3A_271, %dma_start3A_272, %dma_start3A_273, %dma_start3A_274] : memref<3x8x8x128xf32, #tpu.memory_space<vmem>> -> memref<1x1x8x128xf32, #tpu.memory_space<vmem>>
    %dma_start3A_276 = tpu.memref_squeeze %dma_start3A_275 : memref<1x1x8x128xf32, #tpu.memory_space<vmem>> -> memref<8x128xf32, #tpu.memory_space<vmem>>
    %dma_start3A_277 = arith.constant 8 : i32
    %dma_start3A_278 = tpu.memref_slice %arg2[%dma_start3A_277, %add3A_270] : memref<16x1000000xf32, #tpu.memory_space<hbm>> -> memref<8x128xf32, #tpu.memory_space<hbm>>
    %dma_start3A_279 = arith.constant 0 : i32
    %dma_start3A_280 = arith.constant 0 : i32
    %dma_start3A_281 = tpu.memref_slice %arg4[%dma_start3A_271, %dma_start3A_272, %dma_start3A_279, %dma_start3A_280] : memref<3x8x8x128xf32, #tpu.memory_space<vmem>> -> memref<1x1x8x128xf32, #tpu.memory_space<vmem>>
    %dma_start3A_282 = tpu.memref_squeeze %dma_start3A_281 : memref<1x1x8x128xf32, #tpu.memory_space<vmem>> -> memref<8x128xf32, #tpu.memory_space<vmem>>
    %dma_start3A_283 = arith.constant 8 : i32
    %dma_start3A_284 = tpu.memref_slice %arg2[%dma_start3A_283, %add3A_270] : memref<16x1000000xf32, #tpu.memory_space<hbm>> -> memref<8x128xf32, #tpu.memory_space<hbm>>
    tpu.enqueue_dma source(%dma_start3A_284 : memref<8x128xf32, #tpu.memory_space<hbm>>) target(%dma_start3A_282 : memref<8x128xf32, #tpu.memory_space<vmem>>) target_semaphore(%arg6 : memref<!tpu.dma_semaphore, #tpu.memory_space<semaphore_mem>>)
    %add3A_285 = arith.constant 256 : i32
    %add3A_286 = arith.addi %mul3A_189, %add3A_285 : i32
    %dma_start3A_287 = arith.constant 0 : i32
    %dma_start3A_288 = arith.constant 6 : i32
    %dma_start3A_289 = arith.constant 0 : i32
    %dma_start3A_290 = arith.constant 0 : i32
    %dma_start3A_291 = tpu.memref_slice %arg4[%dma_start3A_287, %dma_start3A_288, %dma_start3A_289, %dma_start3A_290] : memref<3x8x8x128xf32, #tpu.memory_space<vmem>> -> memref<1x1x8x128xf32, #tpu.memory_space<vmem>>
    %dma_start3A_292 = tpu.memref_squeeze %dma_start3A_291 : memref<1x1x8x128xf32, #tpu.memory_space<vmem>> -> memref<8x128xf32, #tpu.memory_space<vmem>>
    %dma_start3A_293 = arith.constant 8 : i32
    %dma_start3A_294 = tpu.memref_slice %arg2[%dma_start3A_293, %add3A_286] : memref<16x1000000xf32, #tpu.memory_space<hbm>> -> memref<8x128xf32, #tpu.memory_space<hbm>>
    %dma_start3A_295 = arith.constant 0 : i32
    %dma_start3A_296 = arith.constant 0 : i32
    %dma_start3A_297 = tpu.memref_slice %arg4[%dma_start3A_287, %dma_start3A_288, %dma_start3A_295, %dma_start3A_296] : memref<3x8x8x128xf32, #tpu.memory_space<vmem>> -> memref<1x1x8x128xf32, #tpu.memory_space<vmem>>
    %dma_start3A_298 = tpu.memref_squeeze %dma_start3A_297 : memref<1x1x8x128xf32, #tpu.memory_space<vmem>> -> memref<8x128xf32, #tpu.memory_space<vmem>>
    %dma_start3A_299 = arith.constant 8 : i32
    %dma_start3A_300 = tpu.memref_slice %arg2[%dma_start3A_299, %add3A_286] : memref<16x1000000xf32, #tpu.memory_space<hbm>> -> memref<8x128xf32, #tpu.memory_space<hbm>>
    tpu.enqueue_dma source(%dma_start3A_300 : memref<8x128xf32, #tpu.memory_space<hbm>>) target(%dma_start3A_298 : memref<8x128xf32, #tpu.memory_space<vmem>>) target_semaphore(%arg6 : memref<!tpu.dma_semaphore, #tpu.memory_space<semaphore_mem>>)
    %add3A_301 = arith.constant 384 : i32
    %add3A_302 = arith.addi %mul3A_189, %add3A_301 : i32
    %dma_start3A_303 = arith.constant 0 : i32
    %dma_start3A_304 = arith.constant 7 : i32
    %dma_start3A_305 = arith.constant 0 : i32
    %dma_start3A_306 = arith.constant 0 : i32
    %dma_start3A_307 = tpu.memref_slice %arg4[%dma_start3A_303, %dma_start3A_304, %dma_start3A_305, %dma_start3A_306] : memref<3x8x8x128xf32, #tpu.memory_space<vmem>> -> memref<1x1x8x128xf32, #tpu.memory_space<vmem>>
    %dma_start3A_308 = tpu.memref_squeeze %dma_start3A_307 : memref<1x1x8x128xf32, #tpu.memory_space<vmem>> -> memref<8x128xf32, #tpu.memory_space<vmem>>
    %dma_start3A_309 = arith.constant 8 : i32
    %dma_start3A_310 = tpu.memref_slice %arg2[%dma_start3A_309, %add3A_302] : memref<16x1000000xf32, #tpu.memory_space<hbm>> -> memref<8x128xf32, #tpu.memory_space<hbm>>
    %dma_start3A_311 = arith.constant 0 : i32
    %dma_start3A_312 = arith.constant 0 : i32
    %dma_start3A_313 = tpu.memref_slice %arg4[%dma_start3A_303, %dma_start3A_304, %dma_start3A_311, %dma_start3A_312] : memref<3x8x8x128xf32, #tpu.memory_space<vmem>> -> memref<1x1x8x128xf32, #tpu.memory_space<vmem>>
    %dma_start3A_314 = tpu.memref_squeeze %dma_start3A_313 : memref<1x1x8x128xf32, #tpu.memory_space<vmem>> -> memref<8x128xf32, #tpu.memory_space<vmem>>
    %dma_start3A_315 = arith.constant 8 : i32
    %dma_start3A_316 = tpu.memref_slice %arg2[%dma_start3A_315, %add3A_302] : memref<16x1000000xf32, #tpu.memory_space<hbm>> -> memref<8x128xf32, #tpu.memory_space<hbm>>
    tpu.enqueue_dma source(%dma_start3A_316 : memref<8x128xf32, #tpu.memory_space<hbm>>) target(%dma_start3A_314 : memref<8x128xf32, #tpu.memory_space<vmem>>) target_semaphore(%arg6 : memref<!tpu.dma_semaphore, #tpu.memory_space<semaphore_mem>>)
    %add3A_317 = arith.constant 1 : i32
    %add3A_318 = arith.addi %add3A_6, %add3A_317 : i32
    %mul3A_319 = arith.constant 512 : i32
    %mul3A_320 = arith.muli %add3A_318, %mul3A_319 : i32
    %add3A_321 = arith.constant 0 : i32
    %add3A_322 = arith.addi %mul3A_320, %add3A_321 : i32
    %dma_start3A_323 = arith.constant 1 : i32
    %dma_start3A_324 = arith.constant 0 : i32
    %dma_start3A_325 = arith.constant 0 : i32
    %dma_start3A_326 = arith.constant 0 : i32
    %dma_start3A_327 = tpu.memref_slice %arg4[%dma_start3A_323, %dma_start3A_324, %dma_start3A_325, %dma_start3A_326] : memref<3x8x8x128xf32, #tpu.memory_space<vmem>> -> memref<1x1x8x128xf32, #tpu.memory_space<vmem>>
    %dma_start3A_328 = tpu.memref_squeeze %dma_start3A_327 : memref<1x1x8x128xf32, #tpu.memory_space<vmem>> -> memref<8x128xf32, #tpu.memory_space<vmem>>
    %dma_start3A_329 = arith.constant 0 : i32
    %dma_start3A_330 = tpu.memref_slice %arg2[%dma_start3A_329, %add3A_322] : memref<16x1000000xf32, #tpu.memory_space<hbm>> -> memref<8x128xf32, #tpu.memory_space<hbm>>
    %dma_start3A_331 = arith.constant 0 : i32
    %dma_start3A_332 = arith.constant 0 : i32
    %dma_start3A_333 = tpu.memref_slice %arg4[%dma_start3A_323, %dma_start3A_324, %dma_start3A_331, %dma_start3A_332] : memref<3x8x8x128xf32, #tpu.memory_space<vmem>> -> memref<1x1x8x128xf32, #tpu.memory_space<vmem>>
    %dma_start3A_334 = tpu.memref_squeeze %dma_start3A_333 : memref<1x1x8x128xf32, #tpu.memory_space<vmem>> -> memref<8x128xf32, #tpu.memory_space<vmem>>
    %dma_start3A_335 = arith.constant 0 : i32
    %dma_start3A_336 = tpu.memref_slice %arg2[%dma_start3A_335, %add3A_322] : memref<16x1000000xf32, #tpu.memory_space<hbm>> -> memref<8x128xf32, #tpu.memory_space<hbm>>
    tpu.enqueue_dma source(%dma_start3A_336 : memref<8x128xf32, #tpu.memory_space<hbm>>) target(%dma_start3A_334 : memref<8x128xf32, #tpu.memory_space<vmem>>) target_semaphore(%arg6 : memref<!tpu.dma_semaphore, #tpu.memory_space<semaphore_mem>>)
    %add3A_337 = arith.constant 128 : i32
    %add3A_338 = arith.addi %mul3A_320, %add3A_337 : i32
    %dma_start3A_339 = arith.constant 1 : i32
    %dma_start3A_340 = arith.constant 1 : i32
    %dma_start3A_341 = arith.constant 0 : i32
    %dma_start3A_342 = arith.constant 0 : i32
    %dma_start3A_343 = tpu.memref_slice %arg4[%dma_start3A_339, %dma_start3A_340, %dma_start3A_341, %dma_start3A_342] : memref<3x8x8x128xf32, #tpu.memory_space<vmem>> -> memref<1x1x8x128xf32, #tpu.memory_space<vmem>>
    %dma_start3A_344 = tpu.memref_squeeze %dma_start3A_343 : memref<1x1x8x128xf32, #tpu.memory_space<vmem>> -> memref<8x128xf32, #tpu.memory_space<vmem>>
    %dma_start3A_345 = arith.constant 0 : i32
    %dma_start3A_346 = tpu.memref_slice %arg2[%dma_start3A_345, %add3A_338] : memref<16x1000000xf32, #tpu.memory_space<hbm>> -> memref<8x128xf32, #tpu.memory_space<hbm>>
    %dma_start3A_347 = arith.constant 0 : i32
    %dma_start3A_348 = arith.constant 0 : i32
    %dma_start3A_349 = tpu.memref_slice %arg4[%dma_start3A_339, %dma_start3A_340, %dma_start3A_347, %dma_start3A_348] : memref<3x8x8x128xf32, #tpu.memory_space<vmem>> -> memref<1x1x8x128xf32, #tpu.memory_space<vmem>>
    %dma_start3A_350 = tpu.memref_squeeze %dma_start3A_349 : memref<1x1x8x128xf32, #tpu.memory_space<vmem>> -> memref<8x128xf32, #tpu.memory_space<vmem>>
    %dma_start3A_351 = arith.constant 0 : i32
    %dma_start3A_352 = tpu.memref_slice %arg2[%dma_start3A_351, %add3A_338] : memref<16x1000000xf32, #tpu.memory_space<hbm>> -> memref<8x128xf32, #tpu.memory_space<hbm>>
    tpu.enqueue_dma source(%dma_start3A_352 : memref<8x128xf32, #tpu.memory_space<hbm>>) target(%dma_start3A_350 : memref<8x128xf32, #tpu.memory_space<vmem>>) target_semaphore(%arg6 : memref<!tpu.dma_semaphore, #tpu.memory_space<semaphore_mem>>)
    %add3A_353 = arith.constant 256 : i32
    %add3A_354 = arith.addi %mul3A_320, %add3A_353 : i32
    %dma_start3A_355 = arith.constant 1 : i32
    %dma_start3A_356 = arith.constant 2 : i32
    %dma_start3A_357 = arith.constant 0 : i32
    %dma_start3A_358 = arith.constant 0 : i32
    %dma_start3A_359 = tpu.memref_slice %arg4[%dma_start3A_355, %dma_start3A_356, %dma_start3A_357, %dma_start3A_358] : memref<3x8x8x128xf32, #tpu.memory_space<vmem>> -> memref<1x1x8x128xf32, #tpu.memory_space<vmem>>
    %dma_start3A_360 = tpu.memref_squeeze %dma_start3A_359 : memref<1x1x8x128xf32, #tpu.memory_space<vmem>> -> memref<8x128xf32, #tpu.memory_space<vmem>>
    %dma_start3A_361 = arith.constant 0 : i32
    %dma_start3A_362 = tpu.memref_slice %arg2[%dma_start3A_361, %add3A_354] : memref<16x1000000xf32, #tpu.memory_space<hbm>> -> memref<8x128xf32, #tpu.memory_space<hbm>>
    %dma_start3A_363 = arith.constant 0 : i32
    %dma_start3A_364 = arith.constant 0 : i32
    %dma_start3A_365 = tpu.memref_slice %arg4[%dma_start3A_355, %dma_start3A_356, %dma_start3A_363, %dma_start3A_364] : memref<3x8x8x128xf32, #tpu.memory_space<vmem>> -> memref<1x1x8x128xf32, #tpu.memory_space<vmem>>
    %dma_start3A_366 = tpu.memref_squeeze %dma_start3A_365 : memref<1x1x8x128xf32, #tpu.memory_space<vmem>> -> memref<8x128xf32, #tpu.memory_space<vmem>>
    %dma_start3A_367 = arith.constant 0 : i32
    %dma_start3A_368 = tpu.memref_slice %arg2[%dma_start3A_367, %add3A_354] : memref<16x1000000xf32, #tpu.memory_space<hbm>> -> memref<8x128xf32, #tpu.memory_space<hbm>>
    tpu.enqueue_dma source(%dma_start3A_368 : memref<8x128xf32, #tpu.memory_space<hbm>>) target(%dma_start3A_366 : memref<8x128xf32, #tpu.memory_space<vmem>>) target_semaphore(%arg6 : memref<!tpu.dma_semaphore, #tpu.memory_space<semaphore_mem>>)
    %add3A_369 = arith.constant 384 : i32
    %add3A_370 = arith.addi %mul3A_320, %add3A_369 : i32
    %dma_start3A_371 = arith.constant 1 : i32
    %dma_start3A_372 = arith.constant 3 : i32
    %dma_start3A_373 = arith.constant 0 : i32
    %dma_start3A_374 = arith.constant 0 : i32
    %dma_start3A_375 = tpu.memref_slice %arg4[%dma_start3A_371, %dma_start3A_372, %dma_start3A_373, %dma_start3A_374] : memref<3x8x8x128xf32, #tpu.memory_space<vmem>> -> memref<1x1x8x128xf32, #tpu.memory_space<vmem>>
    %dma_start3A_376 = tpu.memref_squeeze %dma_start3A_375 : memref<1x1x8x128xf32, #tpu.memory_space<vmem>> -> memref<8x128xf32, #tpu.memory_space<vmem>>
    %dma_start3A_377 = arith.constant 0 : i32
    %dma_start3A_378 = tpu.memref_slice %arg2[%dma_start3A_377, %add3A_370] : memref<16x1000000xf32, #tpu.memory_space<hbm>> -> memref<8x128xf32, #tpu.memory_space<hbm>>
    %dma_start3A_379 = arith.constant 0 : i32
    %dma_start3A_380 = arith.constant 0 : i32
    %dma_start3A_381 = tpu.memref_slice %arg4[%dma_start3A_371, %dma_start3A_372, %dma_start3A_379, %dma_start3A_380] : memref<3x8x8x128xf32, #tpu.memory_space<vmem>> -> memref<1x1x8x128xf32, #tpu.memory_space<vmem>>
    %dma_start3A_382 = tpu.memref_squeeze %dma_start3A_381 : memref<1x1x8x128xf32, #tpu.memory_space<vmem>> -> memref<8x128xf32, #tpu.memory_space<vmem>>
    %dma_start3A_383 = arith.constant 0 : i32
    %dma_start3A_384 = tpu.memref_slice %arg2[%dma_start3A_383, %add3A_370] : memref<16x1000000xf32, #tpu.memory_space<hbm>> -> memref<8x128xf32, #tpu.memory_space<hbm>>
    tpu.enqueue_dma source(%dma_start3A_384 : memref<8x128xf32, #tpu.memory_space<hbm>>) target(%dma_start3A_382 : memref<8x128xf32, #tpu.memory_space<vmem>>) target_semaphore(%arg6 : memref<!tpu.dma_semaphore, #tpu.memory_space<semaphore_mem>>)
    %add3A_385 = arith.constant 0 : i32
    %add3A_386 = arith.addi %mul3A_320, %add3A_385 : i32
    %dma_start3A_387 = arith.constant 1 : i32
    %dma_start3A_388 = arith.constant 4 : i32
    %dma_start3A_389 = arith.constant 0 : i32
    %dma_start3A_390 = arith.constant 0 : i32
    %dma_start3A_391 = tpu.memref_slice %arg4[%dma_start3A_387, %dma_start3A_388, %dma_start3A_389, %dma_start3A_390] : memref<3x8x8x128xf32, #tpu.memory_space<vmem>> -> memref<1x1x8x128xf32, #tpu.memory_space<vmem>>
    %dma_start3A_392 = tpu.memref_squeeze %dma_start3A_391 : memref<1x1x8x128xf32, #tpu.memory_space<vmem>> -> memref<8x128xf32, #tpu.memory_space<vmem>>
    %dma_start3A_393 = arith.constant 8 : i32
    %dma_start3A_394 = tpu.memref_slice %arg2[%dma_start3A_393, %add3A_386] : memref<16x1000000xf32, #tpu.memory_space<hbm>> -> memref<8x128xf32, #tpu.memory_space<hbm>>
    %dma_start3A_395 = arith.constant 0 : i32
    %dma_start3A_396 = arith.constant 0 : i32
    %dma_start3A_397 = tpu.memref_slice %arg4[%dma_start3A_387, %dma_start3A_388, %dma_start3A_395, %dma_start3A_396] : memref<3x8x8x128xf32, #tpu.memory_space<vmem>> -> memref<1x1x8x128xf32, #tpu.memory_space<vmem>>
    %dma_start3A_398 = tpu.memref_squeeze %dma_start3A_397 : memref<1x1x8x128xf32, #tpu.memory_space<vmem>> -> memref<8x128xf32, #tpu.memory_space<vmem>>
    %dma_start3A_399 = arith.constant 8 : i32
    %dma_start3A_400 = tpu.memref_slice %arg2[%dma_start3A_399, %add3A_386] : memref<16x1000000xf32, #tpu.memory_space<hbm>> -> memref<8x128xf32, #tpu.memory_space<hbm>>
    tpu.enqueue_dma source(%dma_start3A_400 : memref<8x128xf32, #tpu.memory_space<hbm>>) target(%dma_start3A_398 : memref<8x128xf32, #tpu.memory_space<vmem>>) target_semaphore(%arg6 : memref<!tpu.dma_semaphore, #tpu.memory_space<semaphore_mem>>)
    %add3A_401 = arith.constant 128 : i32
    %add3A_402 = arith.addi %mul3A_320, %add3A_401 : i32
    %dma_start3A_403 = arith.constant 1 : i32
    %dma_start3A_404 = arith.constant 5 : i32
    %dma_start3A_405 = arith.constant 0 : i32
    %dma_start3A_406 = arith.constant 0 : i32
    %dma_start3A_407 = tpu.memref_slice %arg4[%dma_start3A_403, %dma_start3A_404, %dma_start3A_405, %dma_start3A_406] : memref<3x8x8x128xf32, #tpu.memory_space<vmem>> -> memref<1x1x8x128xf32, #tpu.memory_space<vmem>>
    %dma_start3A_408 = tpu.memref_squeeze %dma_start3A_407 : memref<1x1x8x128xf32, #tpu.memory_space<vmem>> -> memref<8x128xf32, #tpu.memory_space<vmem>>
    %dma_start3A_409 = arith.constant 8 : i32
    %dma_start3A_410 = tpu.memref_slice %arg2[%dma_start3A_409, %add3A_402] : memref<16x1000000xf32, #tpu.memory_space<hbm>> -> memref<8x128xf32, #tpu.memory_space<hbm>>
    %dma_start3A_411 = arith.constant 0 : i32
    %dma_start3A_412 = arith.constant 0 : i32
    %dma_start3A_413 = tpu.memref_slice %arg4[%dma_start3A_403, %dma_start3A_404, %dma_start3A_411, %dma_start3A_412] : memref<3x8x8x128xf32, #tpu.memory_space<vmem>> -> memref<1x1x8x128xf32, #tpu.memory_space<vmem>>
    %dma_start3A_414 = tpu.memref_squeeze %dma_start3A_413 : memref<1x1x8x128xf32, #tpu.memory_space<vmem>> -> memref<8x128xf32, #tpu.memory_space<vmem>>
    %dma_start3A_415 = arith.constant 8 : i32
    %dma_start3A_416 = tpu.memref_slice %arg2[%dma_start3A_415, %add3A_402] : memref<16x1000000xf32, #tpu.memory_space<hbm>> -> memref<8x128xf32, #tpu.memory_space<hbm>>
    tpu.enqueue_dma source(%dma_start3A_416 : memref<8x128xf32, #tpu.memory_space<hbm>>) target(%dma_start3A_414 : memref<8x128xf32, #tpu.memory_space<vmem>>) target_semaphore(%arg6 : memref<!tpu.dma_semaphore, #tpu.memory_space<semaphore_mem>>)
    %add3A_417 = arith.constant 256 : i32
    %add3A_418 = arith.addi %mul3A_320, %add3A_417 : i32
    %dma_start3A_419 = arith.constant 1 : i32
    %dma_start3A_420 = arith.constant 6 : i32
    %dma_start3A_421 = arith.constant 0 : i32
    %dma_start3A_422 = arith.constant 0 : i32
    %dma_start3A_423 = tpu.memref_slice %arg4[%dma_start3A_419, %dma_start3A_420, %dma_start3A_421, %dma_start3A_422] : memref<3x8x8x128xf32, #tpu.memory_space<vmem>> -> memref<1x1x8x128xf32, #tpu.memory_space<vmem>>
    %dma_start3A_424 = tpu.memref_squeeze %dma_start3A_423 : memref<1x1x8x128xf32, #tpu.memory_space<vmem>> -> memref<8x128xf32, #tpu.memory_space<vmem>>
    %dma_start3A_425 = arith.constant 8 : i32
    %dma_start3A_426 = tpu.memref_slice %arg2[%dma_start3A_425, %add3A_418] : memref<16x1000000xf32, #tpu.memory_space<hbm>> -> memref<8x128xf32, #tpu.memory_space<hbm>>
    %dma_start3A_427 = arith.constant 0 : i32
    %dma_start3A_428 = arith.constant 0 : i32
    %dma_start3A_429 = tpu.memref_slice %arg4[%dma_start3A_419, %dma_start3A_420, %dma_start3A_427, %dma_start3A_428] : memref<3x8x8x128xf32, #tpu.memory_space<vmem>> -> memref<1x1x8x128xf32, #tpu.memory_space<vmem>>
    %dma_start3A_430 = tpu.memref_squeeze %dma_start3A_429 : memref<1x1x8x128xf32, #tpu.memory_space<vmem>> -> memref<8x128xf32, #tpu.memory_space<vmem>>
    %dma_start3A_431 = arith.constant 8 : i32
    %dma_start3A_432 = tpu.memref_slice %arg2[%dma_start3A_431, %add3A_418] : memref<16x1000000xf32, #tpu.memory_space<hbm>> -> memref<8x128xf32, #tpu.memory_space<hbm>>
    tpu.enqueue_dma source(%dma_start3A_432 : memref<8x128xf32, #tpu.memory_space<hbm>>) target(%dma_start3A_430 : memref<8x128xf32, #tpu.memory_space<vmem>>) target_semaphore(%arg6 : memref<!tpu.dma_semaphore, #tpu.memory_space<semaphore_mem>>)
    %add3A_433 = arith.constant 384 : i32
    %add3A_434 = arith.addi %mul3A_320, %add3A_433 : i32
    %dma_start3A_435 = arith.constant 1 : i32
    %dma_start3A_436 = arith.constant 7 : i32
    %dma_start3A_437 = arith.constant 0 : i32
    %dma_start3A_438 = arith.constant 0 : i32
    %dma_start3A_439 = tpu.memref_slice %arg4[%dma_start3A_435, %dma_start3A_436, %dma_start3A_437, %dma_start3A_438] : memref<3x8x8x128xf32, #tpu.memory_space<vmem>> -> memref<1x1x8x128xf32, #tpu.memory_space<vmem>>
    %dma_start3A_440 = tpu.memref_squeeze %dma_start3A_439 : memref<1x1x8x128xf32, #tpu.memory_space<vmem>> -> memref<8x128xf32, #tpu.memory_space<vmem>>
    %dma_start3A_441 = arith.constant 8 : i32
    %dma_start3A_442 = tpu.memref_slice %arg2[%dma_start3A_441, %add3A_434] : memref<16x1000000xf32, #tpu.memory_space<hbm>> -> memref<8x128xf32, #tpu.memory_space<hbm>>
    %dma_start3A_443 = arith.constant 0 : i32
    %dma_start3A_444 = arith.constant 0 : i32
    %dma_start3A_445 = tpu.memref_slice %arg4[%dma_start3A_435, %dma_start3A_436, %dma_start3A_443, %dma_start3A_444] : memref<3x8x8x128xf32, #tpu.memory_space<vmem>> -> memref<1x1x8x128xf32, #tpu.memory_space<vmem>>
    %dma_start3A_446 = tpu.memref_squeeze %dma_start3A_445 : memref<1x1x8x128xf32, #tpu.memory_space<vmem>> -> memref<8x128xf32, #tpu.memory_space<vmem>>
    %dma_start3A_447 = arith.constant 8 : i32
    %dma_start3A_448 = tpu.memref_slice %arg2[%dma_start3A_447, %add3A_434] : memref<16x1000000xf32, #tpu.memory_space<hbm>> -> memref<8x128xf32, #tpu.memory_space<hbm>>
    tpu.enqueue_dma source(%dma_start3A_448 : memref<8x128xf32, #tpu.memory_space<hbm>>) target(%dma_start3A_446 : memref<8x128xf32, #tpu.memory_space<vmem>>) target_semaphore(%arg6 : memref<!tpu.dma_semaphore, #tpu.memory_space<semaphore_mem>>)
    %scan3A = arith.constant 0 : i32
    %scan3A_449 = arith.constant 0 : i32
    %scan3A_450 = arith.constant 21 : i32
    %scan3A_451 = arith.addi %scan3A_449, %scan3A_450 : i32
    %scan3A_452 = arith.constant 1 : i32
    scf.for %scan3A_486 = %scan3A_449 to %scan3A_451 step %scan3A_452  : i32 {
      %mul3A_487 = arith.constant 3 : i32
      %mul3A_488 = arith.muli %mul3A_487, %scan3A_486 : i32
      %lt3A = arith.cmpi slt, %mul3A_488, %select_n3A : i32
      %convert_element_type3A = arith.extui %lt3A : i1 to i32
      %cond3A = arith.constant 0 : i32
      %cond3A_489 = arith.cmpi ne, %convert_element_type3A, %cond3A : i32
      scf.if %cond3A_489 {
        %dma_wait3A_502 = arith.constant 0 : i32
        %dma_wait3A_503 = arith.constant 0 : i32
        %dma_wait3A_504 = arith.constant 0 : i32
        %dma_wait3A_505 = arith.constant 0 : i32
        %dma_wait3A_506 = tpu.memref_slice %arg4[%dma_wait3A_502, %dma_wait3A_503, %dma_wait3A_504, %dma_wait3A_505] : memref<3x8x8x128xf32, #tpu.memory_space<vmem>> -> memref<1x1x8x128xf32, #tpu.memory_space<vmem>>
        %dma_wait3A_507 = tpu.memref_squeeze %dma_wait3A_506 : memref<1x1x8x128xf32, #tpu.memory_space<vmem>> -> memref<8x128xf32, #tpu.memory_space<vmem>>
        %dma_wait3A_508 = arith.constant 0 : i32
        %dma_wait3A_509 = arith.constant 0 : i32
        %dma_wait3A_510 = tpu.memref_slice %arg2[%dma_wait3A_508, %dma_wait3A_509] : memref<16x1000000xf32, #tpu.memory_space<hbm>> -> memref<8x128xf32, #tpu.memory_space<hbm>>
        %dma_wait3A_511 = arith.constant 0 : i32
        %dma_wait3A_512 = arith.constant 0 : i32
        %dma_wait3A_513 = tpu.memref_slice %arg4[%dma_wait3A_502, %dma_wait3A_503, %dma_wait3A_511, %dma_wait3A_512] : memref<3x8x8x128xf32, #tpu.memory_space<vmem>> -> memref<1x1x8x128xf32, #tpu.memory_space<vmem>>
        %dma_wait3A_514 = tpu.memref_squeeze %dma_wait3A_513 : memref<1x1x8x128xf32, #tpu.memory_space<vmem>> -> memref<8x128xf32, #tpu.memory_space<vmem>>
        %dma_wait3A_515 = arith.constant 0 : i32
        %dma_wait3A_516 = arith.constant 0 : i32
        %dma_wait3A_517 = tpu.memref_slice %arg2[%dma_wait3A_515, %dma_wait3A_516] : memref<16x1000000xf32, #tpu.memory_space<hbm>> -> memref<8x128xf32, #tpu.memory_space<hbm>>
        tpu.wait_dma2 semaphore(%arg6 : memref<!tpu.dma_semaphore, #tpu.memory_space<semaphore_mem>>) src(%dma_wait3A_517 : memref<8x128xf32, #tpu.memory_space<hbm>>) dst(%dma_wait3A_514 : memref<8x128xf32, #tpu.memory_space<vmem>>)
        %dma_wait3A_518 = arith.constant 0 : i32
        %dma_wait3A_519 = arith.constant 1 : i32
        %dma_wait3A_520 = arith.constant 0 : i32
        %dma_wait3A_521 = arith.constant 0 : i32
        %dma_wait3A_522 = tpu.memref_slice %arg4[%dma_wait3A_518, %dma_wait3A_519, %dma_wait3A_520, %dma_wait3A_521] : memref<3x8x8x128xf32, #tpu.memory_space<vmem>> -> memref<1x1x8x128xf32, #tpu.memory_space<vmem>>
        %dma_wait3A_523 = tpu.memref_squeeze %dma_wait3A_522 : memref<1x1x8x128xf32, #tpu.memory_space<vmem>> -> memref<8x128xf32, #tpu.memory_space<vmem>>
        %dma_wait3A_524 = arith.constant 0 : i32
        %dma_wait3A_525 = arith.constant 0 : i32
        %dma_wait3A_526 = tpu.memref_slice %arg2[%dma_wait3A_524, %dma_wait3A_525] : memref<16x1000000xf32, #tpu.memory_space<hbm>> -> memref<8x128xf32, #tpu.memory_space<hbm>>
        %dma_wait3A_527 = arith.constant 0 : i32
        %dma_wait3A_528 = arith.constant 0 : i32
        %dma_wait3A_529 = tpu.memref_slice %arg4[%dma_wait3A_518, %dma_wait3A_519, %dma_wait3A_527, %dma_wait3A_528] : memref<3x8x8x128xf32, #tpu.memory_space<vmem>> -> memref<1x1x8x128xf32, #tpu.memory_space<vmem>>
        %dma_wait3A_530 = tpu.memref_squeeze %dma_wait3A_529 : memref<1x1x8x128xf32, #tpu.memory_space<vmem>> -> memref<8x128xf32, #tpu.memory_space<vmem>>
        %dma_wait3A_531 = arith.constant 0 : i32
        %dma_wait3A_532 = arith.constant 0 : i32
        %dma_wait3A_533 = tpu.memref_slice %arg2[%dma_wait3A_531, %dma_wait3A_532] : memref<16x1000000xf32, #tpu.memory_space<hbm>> -> memref<8x128xf32, #tpu.memory_space<hbm>>
        tpu.wait_dma2 semaphore(%arg6 : memref<!tpu.dma_semaphore, #tpu.memory_space<semaphore_mem>>) src(%dma_wait3A_533 : memref<8x128xf32, #tpu.memory_space<hbm>>) dst(%dma_wait3A_530 : memref<8x128xf32, #tpu.memory_space<vmem>>)
        %dma_wait3A_534 = arith.constant 0 : i32
        %dma_wait3A_535 = arith.constant 2 : i32
        %dma_wait3A_536 = arith.constant 0 : i32
        %dma_wait3A_537 = arith.constant 0 : i32
        %dma_wait3A_538 = tpu.memref_slice %arg4[%dma_wait3A_534, %dma_wait3A_535, %dma_wait3A_536, %dma_wait3A_537] : memref<3x8x8x128xf32, #tpu.memory_space<vmem>> -> memref<1x1x8x128xf32, #tpu.memory_space<vmem>>
        %dma_wait3A_539 = tpu.memref_squeeze %dma_wait3A_538 : memref<1x1x8x128xf32, #tpu.memory_space<vmem>> -> memref<8x128xf32, #tpu.memory_space<vmem>>
        %dma_wait3A_540 = arith.constant 0 : i32
        %dma_wait3A_541 = arith.constant 0 : i32
        %dma_wait3A_542 = tpu.memref_slice %arg2[%dma_wait3A_540, %dma_wait3A_541] : memref<16x1000000xf32, #tpu.memory_space<hbm>> -> memref<8x128xf32, #tpu.memory_space<hbm>>
        %dma_wait3A_543 = arith.constant 0 : i32
        %dma_wait3A_544 = arith.constant 0 : i32
        %dma_wait3A_545 = tpu.memref_slice %arg4[%dma_wait3A_534, %dma_wait3A_535, %dma_wait3A_543, %dma_wait3A_544] : memref<3x8x8x128xf32, #tpu.memory_space<vmem>> -> memref<1x1x8x128xf32, #tpu.memory_space<vmem>>
        %dma_wait3A_546 = tpu.memref_squeeze %dma_wait3A_545 : memref<1x1x8x128xf32, #tpu.memory_space<vmem>> -> memref<8x128xf32, #tpu.memory_space<vmem>>
        %dma_wait3A_547 = arith.constant 0 : i32
        %dma_wait3A_548 = arith.constant 0 : i32
        %dma_wait3A_549 = tpu.memref_slice %arg2[%dma_wait3A_547, %dma_wait3A_548] : memref<16x1000000xf32, #tpu.memory_space<hbm>> -> memref<8x128xf32, #tpu.memory_space<hbm>>
        tpu.wait_dma2 semaphore(%arg6 : memref<!tpu.dma_semaphore, #tpu.memory_space<semaphore_mem>>) src(%dma_wait3A_549 : memref<8x128xf32, #tpu.memory_space<hbm>>) dst(%dma_wait3A_546 : memref<8x128xf32, #tpu.memory_space<vmem>>)
        %dma_wait3A_550 = arith.constant 0 : i32
        %dma_wait3A_551 = arith.constant 3 : i32
        %dma_wait3A_552 = arith.constant 0 : i32
        %dma_wait3A_553 = arith.constant 0 : i32
        %dma_wait3A_554 = tpu.memref_slice %arg4[%dma_wait3A_550, %dma_wait3A_551, %dma_wait3A_552, %dma_wait3A_553] : memref<3x8x8x128xf32, #tpu.memory_space<vmem>> -> memref<1x1x8x128xf32, #tpu.memory_space<vmem>>
        %dma_wait3A_555 = tpu.memref_squeeze %dma_wait3A_554 : memref<1x1x8x128xf32, #tpu.memory_space<vmem>> -> memref<8x128xf32, #tpu.memory_space<vmem>>
        %dma_wait3A_556 = arith.constant 0 : i32
        %dma_wait3A_557 = arith.constant 0 : i32
        %dma_wait3A_558 = tpu.memref_slice %arg2[%dma_wait3A_556, %dma_wait3A_557] : memref<16x1000000xf32, #tpu.memory_space<hbm>> -> memref<8x128xf32, #tpu.memory_space<hbm>>
        %dma_wait3A_559 = arith.constant 0 : i32
        %dma_wait3A_560 = arith.constant 0 : i32
        %dma_wait3A_561 = tpu.memref_slice %arg4[%dma_wait3A_550, %dma_wait3A_551, %dma_wait3A_559, %dma_wait3A_560] : memref<3x8x8x128xf32, #tpu.memory_space<vmem>> -> memref<1x1x8x128xf32, #tpu.memory_space<vmem>>
        %dma_wait3A_562 = tpu.memref_squeeze %dma_wait3A_561 : memref<1x1x8x128xf32, #tpu.memory_space<vmem>> -> memref<8x128xf32, #tpu.memory_space<vmem>>
        %dma_wait3A_563 = arith.constant 0 : i32
        %dma_wait3A_564 = arith.constant 0 : i32
        %dma_wait3A_565 = tpu.memref_slice %arg2[%dma_wait3A_563, %dma_wait3A_564] : memref<16x1000000xf32, #tpu.memory_space<hbm>> -> memref<8x128xf32, #tpu.memory_space<hbm>>
        tpu.wait_dma2 semaphore(%arg6 : memref<!tpu.dma_semaphore, #tpu.memory_space<semaphore_mem>>) src(%dma_wait3A_565 : memref<8x128xf32, #tpu.memory_space<hbm>>) dst(%dma_wait3A_562 : memref<8x128xf32, #tpu.memory_space<vmem>>)
        %dma_wait3A_566 = arith.constant 0 : i32
        %dma_wait3A_567 = arith.constant 4 : i32
        %dma_wait3A_568 = arith.constant 0 : i32
        %dma_wait3A_569 = arith.constant 0 : i32
        %dma_wait3A_570 = tpu.memref_slice %arg4[%dma_wait3A_566, %dma_wait3A_567, %dma_wait3A_568, %dma_wait3A_569] : memref<3x8x8x128xf32, #tpu.memory_space<vmem>> -> memref<1x1x8x128xf32, #tpu.memory_space<vmem>>
        %dma_wait3A_571 = tpu.memref_squeeze %dma_wait3A_570 : memref<1x1x8x128xf32, #tpu.memory_space<vmem>> -> memref<8x128xf32, #tpu.memory_space<vmem>>
        %dma_wait3A_572 = arith.constant 0 : i32
        %dma_wait3A_573 = arith.constant 0 : i32
        %dma_wait3A_574 = tpu.memref_slice %arg2[%dma_wait3A_572, %dma_wait3A_573] : memref<16x1000000xf32, #tpu.memory_space<hbm>> -> memref<8x128xf32, #tpu.memory_space<hbm>>
        %dma_wait3A_575 = arith.constant 0 : i32
        %dma_wait3A_576 = arith.constant 0 : i32
        %dma_wait3A_577 = tpu.memref_slice %arg4[%dma_wait3A_566, %dma_wait3A_567, %dma_wait3A_575, %dma_wait3A_576] : memref<3x8x8x128xf32, #tpu.memory_space<vmem>> -> memref<1x1x8x128xf32, #tpu.memory_space<vmem>>
        %dma_wait3A_578 = tpu.memref_squeeze %dma_wait3A_577 : memref<1x1x8x128xf32, #tpu.memory_space<vmem>> -> memref<8x128xf32, #tpu.memory_space<vmem>>
        %dma_wait3A_579 = arith.constant 0 : i32
        %dma_wait3A_580 = arith.constant 0 : i32
        %dma_wait3A_581 = tpu.memref_slice %arg2[%dma_wait3A_579, %dma_wait3A_580] : memref<16x1000000xf32, #tpu.memory_space<hbm>> -> memref<8x128xf32, #tpu.memory_space<hbm>>
        tpu.wait_dma2 semaphore(%arg6 : memref<!tpu.dma_semaphore, #tpu.memory_space<semaphore_mem>>) src(%dma_wait3A_581 : memref<8x128xf32, #tpu.memory_space<hbm>>) dst(%dma_wait3A_578 : memref<8x128xf32, #tpu.memory_space<vmem>>)
        %dma_wait3A_582 = arith.constant 0 : i32
        %dma_wait3A_583 = arith.constant 5 : i32
        %dma_wait3A_584 = arith.constant 0 : i32
        %dma_wait3A_585 = arith.constant 0 : i32
        %dma_wait3A_586 = tpu.memref_slice %arg4[%dma_wait3A_582, %dma_wait3A_583, %dma_wait3A_584, %dma_wait3A_585] : memref<3x8x8x128xf32, #tpu.memory_space<vmem>> -> memref<1x1x8x128xf32, #tpu.memory_space<vmem>>
        %dma_wait3A_587 = tpu.memref_squeeze %dma_wait3A_586 : memref<1x1x8x128xf32, #tpu.memory_space<vmem>> -> memref<8x128xf32, #tpu.memory_space<vmem>>
        %dma_wait3A_588 = arith.constant 0 : i32
        %dma_wait3A_589 = arith.constant 0 : i32
        %dma_wait3A_590 = tpu.memref_slice %arg2[%dma_wait3A_588, %dma_wait3A_589] : memref<16x1000000xf32, #tpu.memory_space<hbm>> -> memref<8x128xf32, #tpu.memory_space<hbm>>
        %dma_wait3A_591 = arith.constant 0 : i32
        %dma_wait3A_592 = arith.constant 0 : i32
        %dma_wait3A_593 = tpu.memref_slice %arg4[%dma_wait3A_582, %dma_wait3A_583, %dma_wait3A_591, %dma_wait3A_592] : memref<3x8x8x128xf32, #tpu.memory_space<vmem>> -> memref<1x1x8x128xf32, #tpu.memory_space<vmem>>
        %dma_wait3A_594 = tpu.memref_squeeze %dma_wait3A_593 : memref<1x1x8x128xf32, #tpu.memory_space<vmem>> -> memref<8x128xf32, #tpu.memory_space<vmem>>
        %dma_wait3A_595 = arith.constant 0 : i32
        %dma_wait3A_596 = arith.constant 0 : i32
        %dma_wait3A_597 = tpu.memref_slice %arg2[%dma_wait3A_595, %dma_wait3A_596] : memref<16x1000000xf32, #tpu.memory_space<hbm>> -> memref<8x128xf32, #tpu.memory_space<hbm>>
        tpu.wait_dma2 semaphore(%arg6 : memref<!tpu.dma_semaphore, #tpu.memory_space<semaphore_mem>>) src(%dma_wait3A_597 : memref<8x128xf32, #tpu.memory_space<hbm>>) dst(%dma_wait3A_594 : memref<8x128xf32, #tpu.memory_space<vmem>>)
        %dma_wait3A_598 = arith.constant 0 : i32
        %dma_wait3A_599 = arith.constant 6 : i32
        %dma_wait3A_600 = arith.constant 0 : i32
        %dma_wait3A_601 = arith.constant 0 : i32
        %dma_wait3A_602 = tpu.memref_slice %arg4[%dma_wait3A_598, %dma_wait3A_599, %dma_wait3A_600, %dma_wait3A_601] : memref<3x8x8x128xf32, #tpu.memory_space<vmem>> -> memref<1x1x8x128xf32, #tpu.memory_space<vmem>>
        %dma_wait3A_603 = tpu.memref_squeeze %dma_wait3A_602 : memref<1x1x8x128xf32, #tpu.memory_space<vmem>> -> memref<8x128xf32, #tpu.memory_space<vmem>>
        %dma_wait3A_604 = arith.constant 0 : i32
        %dma_wait3A_605 = arith.constant 0 : i32
        %dma_wait3A_606 = tpu.memref_slice %arg2[%dma_wait3A_604, %dma_wait3A_605] : memref<16x1000000xf32, #tpu.memory_space<hbm>> -> memref<8x128xf32, #tpu.memory_space<hbm>>
        %dma_wait3A_607 = arith.constant 0 : i32
        %dma_wait3A_608 = arith.constant 0 : i32
        %dma_wait3A_609 = tpu.memref_slice %arg4[%dma_wait3A_598, %dma_wait3A_599, %dma_wait3A_607, %dma_wait3A_608] : memref<3x8x8x128xf32, #tpu.memory_space<vmem>> -> memref<1x1x8x128xf32, #tpu.memory_space<vmem>>
        %dma_wait3A_610 = tpu.memref_squeeze %dma_wait3A_609 : memref<1x1x8x128xf32, #tpu.memory_space<vmem>> -> memref<8x128xf32, #tpu.memory_space<vmem>>
        %dma_wait3A_611 = arith.constant 0 : i32
        %dma_wait3A_612 = arith.constant 0 : i32
        %dma_wait3A_613 = tpu.memref_slice %arg2[%dma_wait3A_611, %dma_wait3A_612] : memref<16x1000000xf32, #tpu.memory_space<hbm>> -> memref<8x128xf32, #tpu.memory_space<hbm>>
        tpu.wait_dma2 semaphore(%arg6 : memref<!tpu.dma_semaphore, #tpu.memory_space<semaphore_mem>>) src(%dma_wait3A_613 : memref<8x128xf32, #tpu.memory_space<hbm>>) dst(%dma_wait3A_610 : memref<8x128xf32, #tpu.memory_space<vmem>>)
        %dma_wait3A_614 = arith.constant 0 : i32
        %dma_wait3A_615 = arith.constant 7 : i32
        %dma_wait3A_616 = arith.constant 0 : i32
        %dma_wait3A_617 = arith.constant 0 : i32
        %dma_wait3A_618 = tpu.memref_slice %arg4[%dma_wait3A_614, %dma_wait3A_615, %dma_wait3A_616, %dma_wait3A_617] : memref<3x8x8x128xf32, #tpu.memory_space<vmem>> -> memref<1x1x8x128xf32, #tpu.memory_space<vmem>>
        %dma_wait3A_619 = tpu.memref_squeeze %dma_wait3A_618 : memref<1x1x8x128xf32, #tpu.memory_space<vmem>> -> memref<8x128xf32, #tpu.memory_space<vmem>>
        %dma_wait3A_620 = arith.constant 0 : i32
        %dma_wait3A_621 = arith.constant 0 : i32
        %dma_wait3A_622 = tpu.memref_slice %arg2[%dma_wait3A_620, %dma_wait3A_621] : memref<16x1000000xf32, #tpu.memory_space<hbm>> -> memref<8x128xf32, #tpu.memory_space<hbm>>
        %dma_wait3A_623 = arith.constant 0 : i32
        %dma_wait3A_624 = arith.constant 0 : i32
        %dma_wait3A_625 = tpu.memref_slice %arg4[%dma_wait3A_614, %dma_wait3A_615, %dma_wait3A_623, %dma_wait3A_624] : memref<3x8x8x128xf32, #tpu.memory_space<vmem>> -> memref<1x1x8x128xf32, #tpu.memory_space<vmem>>
        %dma_wait3A_626 = tpu.memref_squeeze %dma_wait3A_625 : memref<1x1x8x128xf32, #tpu.memory_space<vmem>> -> memref<8x128xf32, #tpu.memory_space<vmem>>
        %dma_wait3A_627 = arith.constant 0 : i32
        %dma_wait3A_628 = arith.constant 0 : i32
        %dma_wait3A_629 = tpu.memref_slice %arg2[%dma_wait3A_627, %dma_wait3A_628] : memref<16x1000000xf32, #tpu.memory_space<hbm>> -> memref<8x128xf32, #tpu.memory_space<hbm>>
        tpu.wait_dma2 semaphore(%arg6 : memref<!tpu.dma_semaphore, #tpu.memory_space<semaphore_mem>>) src(%dma_wait3A_629 : memref<8x128xf32, #tpu.memory_space<hbm>>) dst(%dma_wait3A_626 : memref<8x128xf32, #tpu.memory_space<vmem>>)
        %add3A_630 = arith.constant 2 : i32
        %add3A_631 = arith.addi %mul3A_488, %add3A_630 : i32
        %lt3A_632 = arith.cmpi slt, %add3A_631, %select_n3A : i32
        %convert_element_type3A_633 = arith.extui %lt3A_632 : i1 to i32
        %cond3A_634 = arith.constant 0 : i32
        %cond3A_635 = arith.cmpi ne, %convert_element_type3A_633, %cond3A_634 : i32
        scf.if %cond3A_635 {
          %add3A_660 = arith.addi %add3A_6, %mul3A_488 : i32
          %add3A_661 = arith.constant 2 : i32
          %add3A_662 = arith.addi %add3A_660, %add3A_661 : i32
          %mul3A_663 = arith.constant 512 : i32
          %mul3A_664 = arith.muli %add3A_662, %mul3A_663 : i32
          %add3A_665 = arith.constant 0 : i32
          %add3A_666 = arith.addi %mul3A_664, %add3A_665 : i32
          %dma_start3A_667 = arith.constant 2 : i32
          %dma_start3A_668 = arith.constant 0 : i32
          %dma_start3A_669 = arith.constant 0 : i32
          %dma_start3A_670 = arith.constant 0 : i32
          %dma_start3A_671 = tpu.memref_slice %arg4[%dma_start3A_667, %dma_start3A_668, %dma_start3A_669, %dma_start3A_670] : memref<3x8x8x128xf32, #tpu.memory_space<vmem>> -> memref<1x1x8x128xf32, #tpu.memory_space<vmem>>
          %dma_start3A_672 = tpu.memref_squeeze %dma_start3A_671 : memref<1x1x8x128xf32, #tpu.memory_space<vmem>> -> memref<8x128xf32, #tpu.memory_space<vmem>>
          %dma_start3A_673 = arith.constant 0 : i32
          %dma_start3A_674 = tpu.memref_slice %arg2[%dma_start3A_673, %add3A_666] : memref<16x1000000xf32, #tpu.memory_space<hbm>> -> memref<8x128xf32, #tpu.memory_space<hbm>>
          %dma_start3A_675 = arith.constant 0 : i32
          %dma_start3A_676 = arith.constant 0 : i32
          %dma_start3A_677 = tpu.memref_slice %arg4[%dma_start3A_667, %dma_start3A_668, %dma_start3A_675, %dma_start3A_676] : memref<3x8x8x128xf32, #tpu.memory_space<vmem>> -> memref<1x1x8x128xf32, #tpu.memory_space<vmem>>
          %dma_start3A_678 = tpu.memref_squeeze %dma_start3A_677 : memref<1x1x8x128xf32, #tpu.memory_space<vmem>> -> memref<8x128xf32, #tpu.memory_space<vmem>>
          %dma_start3A_679 = arith.constant 0 : i32
          %dma_start3A_680 = tpu.memref_slice %arg2[%dma_start3A_679, %add3A_666] : memref<16x1000000xf32, #tpu.memory_space<hbm>> -> memref<8x128xf32, #tpu.memory_space<hbm>>
          tpu.enqueue_dma source(%dma_start3A_680 : memref<8x128xf32, #tpu.memory_space<hbm>>) target(%dma_start3A_678 : memref<8x128xf32, #tpu.memory_space<vmem>>) target_semaphore(%arg6 : memref<!tpu.dma_semaphore, #tpu.memory_space<semaphore_mem>>)
          %add3A_681 = arith.constant 128 : i32
          %add3A_682 = arith.addi %mul3A_664, %add3A_681 : i32
          %dma_start3A_683 = arith.constant 2 : i32
          %dma_start3A_684 = arith.constant 1 : i32
          %dma_start3A_685 = arith.constant 0 : i32
          %dma_start3A_686 = arith.constant 0 : i32
          %dma_start3A_687 = tpu.memref_slice %arg4[%dma_start3A_683, %dma_start3A_684, %dma_start3A_685, %dma_start3A_686] : memref<3x8x8x128xf32, #tpu.memory_space<vmem>> -> memref<1x1x8x128xf32, #tpu.memory_space<vmem>>
          %dma_start3A_688 = tpu.memref_squeeze %dma_start3A_687 : memref<1x1x8x128xf32, #tpu.memory_space<vmem>> -> memref<8x128xf32, #tpu.memory_space<vmem>>
          %dma_start3A_689 = arith.constant 0 : i32
          %dma_start3A_690 = tpu.memref_slice %arg2[%dma_start3A_689, %add3A_682] : memref<16x1000000xf32, #tpu.memory_space<hbm>> -> memref<8x128xf32, #tpu.memory_space<hbm>>
          %dma_start3A_691 = arith.constant 0 : i32
          %dma_start3A_692 = arith.constant 0 : i32
          %dma_start3A_693 = tpu.memref_slice %arg4[%dma_start3A_683, %dma_start3A_684, %dma_start3A_691, %dma_start3A_692] : memref<3x8x8x128xf32, #tpu.memory_space<vmem>> -> memref<1x1x8x128xf32, #tpu.memory_space<vmem>>
          %dma_start3A_694 = tpu.memref_squeeze %dma_start3A_693 : memref<1x1x8x128xf32, #tpu.memory_space<vmem>> -> memref<8x128xf32, #tpu.memory_space<vmem>>
          %dma_start3A_695 = arith.constant 0 : i32
          %dma_start3A_696 = tpu.memref_slice %arg2[%dma_start3A_695, %add3A_682] : memref<16x1000000xf32, #tpu.memory_space<hbm>> -> memref<8x128xf32, #tpu.memory_space<hbm>>
          tpu.enqueue_dma source(%dma_start3A_696 : memref<8x128xf32, #tpu.memory_space<hbm>>) target(%dma_start3A_694 : memref<8x128xf32, #tpu.memory_space<vmem>>) target_semaphore(%arg6 : memref<!tpu.dma_semaphore, #tpu.memory_space<semaphore_mem>>)
          %add3A_697 = arith.constant 256 : i32
          %add3A_698 = arith.addi %mul3A_664, %add3A_697 : i32
          %dma_start3A_699 = arith.constant 2 : i32
          %dma_start3A_700 = arith.constant 2 : i32
          %dma_start3A_701 = arith.constant 0 : i32
          %dma_start3A_702 = arith.constant 0 : i32
          %dma_start3A_703 = tpu.memref_slice %arg4[%dma_start3A_699, %dma_start3A_700, %dma_start3A_701, %dma_start3A_702] : memref<3x8x8x128xf32, #tpu.memory_space<vmem>> -> memref<1x1x8x128xf32, #tpu.memory_space<vmem>>
          %dma_start3A_704 = tpu.memref_squeeze %dma_start3A_703 : memref<1x1x8x128xf32, #tpu.memory_space<vmem>> -> memref<8x128xf32, #tpu.memory_space<vmem>>
          %dma_start3A_705 = arith.constant 0 : i32
          %dma_start3A_706 = tpu.memref_slice %arg2[%dma_start3A_705, %add3A_698] : memref<16x1000000xf32, #tpu.memory_space<hbm>> -> memref<8x128xf32, #tpu.memory_space<hbm>>
          %dma_start3A_707 = arith.constant 0 : i32
          %dma_start3A_708 = arith.constant 0 : i32
          %dma_start3A_709 = tpu.memref_slice %arg4[%dma_start3A_699, %dma_start3A_700, %dma_start3A_707, %dma_start3A_708] : memref<3x8x8x128xf32, #tpu.memory_space<vmem>> -> memref<1x1x8x128xf32, #tpu.memory_space<vmem>>
          %dma_start3A_710 = tpu.memref_squeeze %dma_start3A_709 : memref<1x1x8x128xf32, #tpu.memory_space<vmem>> -> memref<8x128xf32, #tpu.memory_space<vmem>>
          %dma_start3A_711 = arith.constant 0 : i32
          %dma_start3A_712 = tpu.memref_slice %arg2[%dma_start3A_711, %add3A_698] : memref<16x1000000xf32, #tpu.memory_space<hbm>> -> memref<8x128xf32, #tpu.memory_space<hbm>>
          tpu.enqueue_dma source(%dma_start3A_712 : memref<8x128xf32, #tpu.memory_space<hbm>>) target(%dma_start3A_710 : memref<8x128xf32, #tpu.memory_space<vmem>>) target_semaphore(%arg6 : memref<!tpu.dma_semaphore, #tpu.memory_space<semaphore_mem>>)
          %add3A_713 = arith.constant 384 : i32
          %add3A_714 = arith.addi %mul3A_664, %add3A_713 : i32
          %dma_start3A_715 = arith.constant 2 : i32
          %dma_start3A_716 = arith.constant 3 : i32
          %dma_start3A_717 = arith.constant 0 : i32
          %dma_start3A_718 = arith.constant 0 : i32
          %dma_start3A_719 = tpu.memref_slice %arg4[%dma_start3A_715, %dma_start3A_716, %dma_start3A_717, %dma_start3A_718] : memref<3x8x8x128xf32, #tpu.memory_space<vmem>> -> memref<1x1x8x128xf32, #tpu.memory_space<vmem>>
          %dma_start3A_720 = tpu.memref_squeeze %dma_start3A_719 : memref<1x1x8x128xf32, #tpu.memory_space<vmem>> -> memref<8x128xf32, #tpu.memory_space<vmem>>
          %dma_start3A_721 = arith.constant 0 : i32
          %dma_start3A_722 = tpu.memref_slice %arg2[%dma_start3A_721, %add3A_714] : memref<16x1000000xf32, #tpu.memory_space<hbm>> -> memref<8x128xf32, #tpu.memory_space<hbm>>
          %dma_start3A_723 = arith.constant 0 : i32
          %dma_start3A_724 = arith.constant 0 : i32
          %dma_start3A_725 = tpu.memref_slice %arg4[%dma_start3A_715, %dma_start3A_716, %dma_start3A_723, %dma_start3A_724] : memref<3x8x8x128xf32, #tpu.memory_space<vmem>> -> memref<1x1x8x128xf32, #tpu.memory_space<vmem>>
          %dma_start3A_726 = tpu.memref_squeeze %dma_start3A_725 : memref<1x1x8x128xf32, #tpu.memory_space<vmem>> -> memref<8x128xf32, #tpu.memory_space<vmem>>
          %dma_start3A_727 = arith.constant 0 : i32
          %dma_start3A_728 = tpu.memref_slice %arg2[%dma_start3A_727, %add3A_714] : memref<16x1000000xf32, #tpu.memory_space<hbm>> -> memref<8x128xf32, #tpu.memory_space<hbm>>
          tpu.enqueue_dma source(%dma_start3A_728 : memref<8x128xf32, #tpu.memory_space<hbm>>) target(%dma_start3A_726 : memref<8x128xf32, #tpu.memory_space<vmem>>) target_semaphore(%arg6 : memref<!tpu.dma_semaphore, #tpu.memory_space<semaphore_mem>>)
          %add3A_729 = arith.constant 0 : i32
          %add3A_730 = arith.addi %mul3A_664, %add3A_729 : i32
          %dma_start3A_731 = arith.constant 2 : i32
          %dma_start3A_732 = arith.constant 4 : i32
          %dma_start3A_733 = arith.constant 0 : i32
          %dma_start3A_734 = arith.constant 0 : i32
          %dma_start3A_735 = tpu.memref_slice %arg4[%dma_start3A_731, %dma_start3A_732, %dma_start3A_733, %dma_start3A_734] : memref<3x8x8x128xf32, #tpu.memory_space<vmem>> -> memref<1x1x8x128xf32, #tpu.memory_space<vmem>>
          %dma_start3A_736 = tpu.memref_squeeze %dma_start3A_735 : memref<1x1x8x128xf32, #tpu.memory_space<vmem>> -> memref<8x128xf32, #tpu.memory_space<vmem>>
          %dma_start3A_737 = arith.constant 8 : i32
          %dma_start3A_738 = tpu.memref_slice %arg2[%dma_start3A_737, %add3A_730] : memref<16x1000000xf32, #tpu.memory_space<hbm>> -> memref<8x128xf32, #tpu.memory_space<hbm>>
          %dma_start3A_739 = arith.constant 0 : i32
          %dma_start3A_740 = arith.constant 0 : i32
          %dma_start3A_741 = tpu.memref_slice %arg4[%dma_start3A_731, %dma_start3A_732, %dma_start3A_739, %dma_start3A_740] : memref<3x8x8x128xf32, #tpu.memory_space<vmem>> -> memref<1x1x8x128xf32, #tpu.memory_space<vmem>>
          %dma_start3A_742 = tpu.memref_squeeze %dma_start3A_741 : memref<1x1x8x128xf32, #tpu.memory_space<vmem>> -> memref<8x128xf32, #tpu.memory_space<vmem>>
          %dma_start3A_743 = arith.constant 8 : i32
          %dma_start3A_744 = tpu.memref_slice %arg2[%dma_start3A_743, %add3A_730] : memref<16x1000000xf32, #tpu.memory_space<hbm>> -> memref<8x128xf32, #tpu.memory_space<hbm>>
          tpu.enqueue_dma source(%dma_start3A_744 : memref<8x128xf32, #tpu.memory_space<hbm>>) target(%dma_start3A_742 : memref<8x128xf32, #tpu.memory_space<vmem>>) target_semaphore(%arg6 : memref<!tpu.dma_semaphore, #tpu.memory_space<semaphore_mem>>)
          %add3A_745 = arith.constant 128 : i32
          %add3A_746 = arith.addi %mul3A_664, %add3A_745 : i32
          %dma_start3A_747 = arith.constant 2 : i32
          %dma_start3A_748 = arith.constant 5 : i32
          %dma_start3A_749 = arith.constant 0 : i32
          %dma_start3A_750 = arith.constant 0 : i32
          %dma_start3A_751 = tpu.memref_slice %arg4[%dma_start3A_747, %dma_start3A_748, %dma_start3A_749, %dma_start3A_750] : memref<3x8x8x128xf32, #tpu.memory_space<vmem>> -> memref<1x1x8x128xf32, #tpu.memory_space<vmem>>
          %dma_start3A_752 = tpu.memref_squeeze %dma_start3A_751 : memref<1x1x8x128xf32, #tpu.memory_space<vmem>> -> memref<8x128xf32, #tpu.memory_space<vmem>>
          %dma_start3A_753 = arith.constant 8 : i32
          %dma_start3A_754 = tpu.memref_slice %arg2[%dma_start3A_753, %add3A_746] : memref<16x1000000xf32, #tpu.memory_space<hbm>> -> memref<8x128xf32, #tpu.memory_space<hbm>>
          %dma_start3A_755 = arith.constant 0 : i32
          %dma_start3A_756 = arith.constant 0 : i32
          %dma_start3A_757 = tpu.memref_slice %arg4[%dma_start3A_747, %dma_start3A_748, %dma_start3A_755, %dma_start3A_756] : memref<3x8x8x128xf32, #tpu.memory_space<vmem>> -> memref<1x1x8x128xf32, #tpu.memory_space<vmem>>
          %dma_start3A_758 = tpu.memref_squeeze %dma_start3A_757 : memref<1x1x8x128xf32, #tpu.memory_space<vmem>> -> memref<8x128xf32, #tpu.memory_space<vmem>>
          %dma_start3A_759 = arith.constant 8 : i32
          %dma_start3A_760 = tpu.memref_slice %arg2[%dma_start3A_759, %add3A_746] : memref<16x1000000xf32, #tpu.memory_space<hbm>> -> memref<8x128xf32, #tpu.memory_space<hbm>>
          tpu.enqueue_dma source(%dma_start3A_760 : memref<8x128xf32, #tpu.memory_space<hbm>>) target(%dma_start3A_758 : memref<8x128xf32, #tpu.memory_space<vmem>>) target_semaphore(%arg6 : memref<!tpu.dma_semaphore, #tpu.memory_space<semaphore_mem>>)
          %add3A_761 = arith.constant 256 : i32
          %add3A_762 = arith.addi %mul3A_664, %add3A_761 : i32
          %dma_start3A_763 = arith.constant 2 : i32
          %dma_start3A_764 = arith.constant 6 : i32
          %dma_start3A_765 = arith.constant 0 : i32
          %dma_start3A_766 = arith.constant 0 : i32
          %dma_start3A_767 = tpu.memref_slice %arg4[%dma_start3A_763, %dma_start3A_764, %dma_start3A_765, %dma_start3A_766] : memref<3x8x8x128xf32, #tpu.memory_space<vmem>> -> memref<1x1x8x128xf32, #tpu.memory_space<vmem>>
          %dma_start3A_768 = tpu.memref_squeeze %dma_start3A_767 : memref<1x1x8x128xf32, #tpu.memory_space<vmem>> -> memref<8x128xf32, #tpu.memory_space<vmem>>
          %dma_start3A_769 = arith.constant 8 : i32
          %dma_start3A_770 = tpu.memref_slice %arg2[%dma_start3A_769, %add3A_762] : memref<16x1000000xf32, #tpu.memory_space<hbm>> -> memref<8x128xf32, #tpu.memory_space<hbm>>
          %dma_start3A_771 = arith.constant 0 : i32
          %dma_start3A_772 = arith.constant 0 : i32
          %dma_start3A_773 = tpu.memref_slice %arg4[%dma_start3A_763, %dma_start3A_764, %dma_start3A_771, %dma_start3A_772] : memref<3x8x8x128xf32, #tpu.memory_space<vmem>> -> memref<1x1x8x128xf32, #tpu.memory_space<vmem>>
          %dma_start3A_774 = tpu.memref_squeeze %dma_start3A_773 : memref<1x1x8x128xf32, #tpu.memory_space<vmem>> -> memref<8x128xf32, #tpu.memory_space<vmem>>
          %dma_start3A_775 = arith.constant 8 : i32
          %dma_start3A_776 = tpu.memref_slice %arg2[%dma_start3A_775, %add3A_762] : memref<16x1000000xf32, #tpu.memory_space<hbm>> -> memref<8x128xf32, #tpu.memory_space<hbm>>
          tpu.enqueue_dma source(%dma_start3A_776 : memref<8x128xf32, #tpu.memory_space<hbm>>) target(%dma_start3A_774 : memref<8x128xf32, #tpu.memory_space<vmem>>) target_semaphore(%arg6 : memref<!tpu.dma_semaphore, #tpu.memory_space<semaphore_mem>>)
          %add3A_777 = arith.constant 384 : i32
          %add3A_778 = arith.addi %mul3A_664, %add3A_777 : i32
          %dma_start3A_779 = arith.constant 2 : i32
          %dma_start3A_780 = arith.constant 7 : i32
          %dma_start3A_781 = arith.constant 0 : i32
          %dma_start3A_782 = arith.constant 0 : i32
          %dma_start3A_783 = tpu.memref_slice %arg4[%dma_start3A_779, %dma_start3A_780, %dma_start3A_781, %dma_start3A_782] : memref<3x8x8x128xf32, #tpu.memory_space<vmem>> -> memref<1x1x8x128xf32, #tpu.memory_space<vmem>>
          %dma_start3A_784 = tpu.memref_squeeze %dma_start3A_783 : memref<1x1x8x128xf32, #tpu.memory_space<vmem>> -> memref<8x128xf32, #tpu.memory_space<vmem>>
          %dma_start3A_785 = arith.constant 8 : i32
          %dma_start3A_786 = tpu.memref_slice %arg2[%dma_start3A_785, %add3A_778] : memref<16x1000000xf32, #tpu.memory_space<hbm>> -> memref<8x128xf32, #tpu.memory_space<hbm>>
          %dma_start3A_787 = arith.constant 0 : i32
          %dma_start3A_788 = arith.constant 0 : i32
          %dma_start3A_789 = tpu.memref_slice %arg4[%dma_start3A_779, %dma_start3A_780, %dma_start3A_787, %dma_start3A_788] : memref<3x8x8x128xf32, #tpu.memory_space<vmem>> -> memref<1x1x8x128xf32, #tpu.memory_space<vmem>>
          %dma_start3A_790 = tpu.memref_squeeze %dma_start3A_789 : memref<1x1x8x128xf32, #tpu.memory_space<vmem>> -> memref<8x128xf32, #tpu.memory_space<vmem>>
          %dma_start3A_791 = arith.constant 8 : i32
          %dma_start3A_792 = tpu.memref_slice %arg2[%dma_start3A_791, %add3A_778] : memref<16x1000000xf32, #tpu.memory_space<hbm>> -> memref<8x128xf32, #tpu.memory_space<hbm>>
          tpu.enqueue_dma source(%dma_start3A_792 : memref<8x128xf32, #tpu.memory_space<hbm>>) target(%dma_start3A_790 : memref<8x128xf32, #tpu.memory_space<vmem>>) target_semaphore(%arg6 : memref<!tpu.dma_semaphore, #tpu.memory_space<semaphore_mem>>)
        } else {
        }
        %ge3A = arith.constant 3 : i32
        %ge3A_636 = arith.cmpi sge, %mul3A_488, %ge3A : i32
        %convert_element_type3A_637 = arith.extui %ge3A_636 : i1 to i32
        %cond3A_638 = arith.constant 0 : i32
        %cond3A_639 = arith.cmpi ne, %convert_element_type3A_637, %cond3A_638 : i32
        scf.if %cond3A_639 {
          %dma_wait3A_660 = arith.constant 0 : i32
          %dma_wait3A_661 = arith.constant 0 : i32
          %dma_wait3A_662 = tpu.memref_slice %arg5[%dma_wait3A_660, %dma_wait3A_661] : memref<4x8192xf32, #tpu.memory_space<vmem>> -> memref<1x8192xf32, #tpu.memory_space<vmem>>
          %dma_wait3A_663 = tpu.memref_squeeze %dma_wait3A_662 : memref<1x8192xf32, #tpu.memory_space<vmem>> -> memref<8192xf32, #tpu.memory_space<vmem>>
          %dma_wait3A_664 = arith.constant 0 : i32
          %dma_wait3A_665 = tpu.memref_slice %arg3[%dma_wait3A_664] : memref<16000000xf32, #tpu.memory_space<hbm>> -> memref<8192xf32, #tpu.memory_space<hbm>>
          %dma_wait3A_666 = arith.constant 0 : i32
          %dma_wait3A_667 = tpu.memref_slice %arg5[%dma_wait3A_660, %dma_wait3A_666] : memref<4x8192xf32, #tpu.memory_space<vmem>> -> memref<1x8192xf32, #tpu.memory_space<vmem>>
          %dma_wait3A_668 = tpu.memref_squeeze %dma_wait3A_667 : memref<1x8192xf32, #tpu.memory_space<vmem>> -> memref<8192xf32, #tpu.memory_space<vmem>>
          %dma_wait3A_669 = arith.constant 0 : i32
          %dma_wait3A_670 = tpu.memref_slice %arg3[%dma_wait3A_669] : memref<16000000xf32, #tpu.memory_space<hbm>> -> memref<8192xf32, #tpu.memory_space<hbm>>
          tpu.wait_dma2 semaphore(%arg7 : memref<!tpu.dma_semaphore, #tpu.memory_space<semaphore_mem>>) src(%dma_wait3A_670 : memref<8192xf32, #tpu.memory_space<hbm>>) dst(%dma_wait3A_668 : memref<8192xf32, #tpu.memory_space<vmem>>)
        } else {
        }
        %add3A_640 = arith.addi %add3A_6, %mul3A_488 : i32
        %mul3A_641 = arith.constant 512 : i32
        %mul3A_642 = arith.muli %add3A_640, %mul3A_641 : i32
        %scan3A_643 = arith.constant 0 : i32
        %scan3A_644 = arith.constant 0 : i32
        %scan3A_645 = arith.constant 4 : i32
        %scan3A_646 = arith.addi %scan3A_644, %scan3A_645 : i32
        %scan3A_647 = arith.constant 1 : i32
        scf.for %scan3A_660 = %scan3A_644 to %scan3A_646 step %scan3A_647  : i32 {
          %mul3A_661 = arith.constant 1024 : i32
          %mul3A_662 = arith.muli %scan3A_660, %mul3A_661 : i32
          %add3A_663 = arith.constant 0 : i32
          %add3A_664 = arith.addi %mul3A_662, %add3A_663 : i32
          %add3A_665 = vector.broadcast %add3A_664 : i32 to vector<16xi32>
          %add3A_666 = arith.addi %add3A_187, %add3A_665 : vector<16xi32>
          %mul3A_667 = arith.constant 2048 : i32
          %mul3A_668 = arith.muli %scan3A_660, %mul3A_667 : i32
          %parallel_loop3A = arith.constant 0 : i32
          %parallel_loop3A_669 = arith.constant 8 : i32
          %parallel_loop3A_670 = arith.constant 1 : i32
          scf.for %parallel_loop3A_671 = %parallel_loop3A to %parallel_loop3A_669 step %parallel_loop3A_670  : i32 {
            %parallel_loop3A_672 = arith.constant 16 : i32
            %parallel_loop3A_673 = arith.muli %parallel_loop3A_671, %parallel_loop3A_672 : i32
            %parallel_loop3A_674 = vector.broadcast %parallel_loop3A_673 : i32 to vector<16xi32>
            %parallel_loop3A_675 = arith.addi %add3A_666, %parallel_loop3A_674 : vector<16xi32>
            %parallel_loop3A_676 = arith.constant 16 : i32
            %parallel_loop3A_677 = arith.muli %parallel_loop3A_673, %parallel_loop3A_676 : i32
            %parallel_loop3A_678 = arith.addi %mul3A_668, %parallel_loop3A_677 : i32
            %parallel_loop3A_679 = vector.broadcast %parallel_loop3A_678 : i32 to vector<16xi32>
            %parallel_loop3A_680 = arith.addi %iota3A, %parallel_loop3A_679 : vector<16xi32>
            %parallel_loop3A_681 = arith.addi %parallel_loop3A_675, %and3A_24 : vector<16xi32>
            %parallel_loop3A_682 = tpu.vector_load_idx %arg4[%broadcast_in_dim3A_180, %broadcast_in_dim3A_180, %broadcast_in_dim3A_180, %parallel_loop3A_681] : memref<3x8x8x128xf32, #tpu.memory_space<vmem>>[vector<16xi32>, vector<16xi32>, vector<16xi32>, vector<16xi32>], vector<16xf32>,
            %parallel_loop3A_683 = arith.addi %parallel_loop3A_680, %add3A_118 : vector<16xi32>
            tpu.vector_store_idx %arg5[%broadcast_in_dim3A_14, %parallel_loop3A_683], %parallel_loop3A_682 : memref<4x8192xf32, #tpu.memory_space<vmem>>[vector<16xi32>, vector<16xi32>], vector<16xf32>,
            %parallel_loop3A_684 = arith.addi %parallel_loop3A_675, %and3A_30 : vector<16xi32>
            %parallel_loop3A_685 = tpu.vector_load_idx %arg4[%broadcast_in_dim3A_180, %broadcast_in_dim3A_180, %broadcast_in_dim3A_180, %parallel_loop3A_684] : memref<3x8x8x128xf32, #tpu.memory_space<vmem>>[vector<16xi32>, vector<16xi32>, vector<16xi32>, vector<16xi32>], vector<16xf32>,
            %parallel_loop3A_686 = arith.addi %parallel_loop3A_680, %add3A_122 : vector<16xi32>
            tpu.vector_store_idx %arg5[%broadcast_in_dim3A_14, %parallel_loop3A_686], %parallel_loop3A_685 : memref<4x8192xf32, #tpu.memory_space<vmem>>[vector<16xi32>, vector<16xi32>], vector<16xf32>,
            %parallel_loop3A_687 = arith.addi %parallel_loop3A_675, %and3A_36 : vector<16xi32>
            %parallel_loop3A_688 = tpu.vector_load_idx %arg4[%broadcast_in_dim3A_180, %broadcast_in_dim3A_180, %broadcast_in_dim3A_180, %parallel_loop3A_687] : memref<3x8x8x128xf32, #tpu.memory_space<vmem>>[vector<16xi32>, vector<16xi32>, vector<16xi32>, vector<16xi32>], vector<16xf32>,
            %parallel_loop3A_689 = arith.addi %parallel_loop3A_680, %add3A_126 : vector<16xi32>
            tpu.vector_store_idx %arg5[%broadcast_in_dim3A_14, %parallel_loop3A_689], %parallel_loop3A_688 : memref<4x8192xf32, #tpu.memory_space<vmem>>[vector<16xi32>, vector<16xi32>], vector<16xf32>,
            %parallel_loop3A_690 = arith.addi %parallel_loop3A_675, %and3A_42 : vector<16xi32>
            %parallel_loop3A_691 = tpu.vector_load_idx %arg4[%broadcast_in_dim3A_180, %broadcast_in_dim3A_180, %broadcast_in_dim3A_180, %parallel_loop3A_690] : memref<3x8x8x128xf32, #tpu.memory_space<vmem>>[vector<16xi32>, vector<16xi32>, vector<16xi32>, vector<16xi32>], vector<16xf32>,
            %parallel_loop3A_692 = arith.addi %parallel_loop3A_680, %add3A_130 : vector<16xi32>
            tpu.vector_store_idx %arg5[%broadcast_in_dim3A_14, %parallel_loop3A_692], %parallel_loop3A_691 : memref<4x8192xf32, #tpu.memory_space<vmem>>[vector<16xi32>, vector<16xi32>], vector<16xf32>,
            %parallel_loop3A_693 = arith.addi %parallel_loop3A_675, %and3A_48 : vector<16xi32>
            %parallel_loop3A_694 = tpu.vector_load_idx %arg4[%broadcast_in_dim3A_180, %broadcast_in_dim3A_180, %broadcast_in_dim3A_180, %parallel_loop3A_693] : memref<3x8x8x128xf32, #tpu.memory_space<vmem>>[vector<16xi32>, vector<16xi32>, vector<16xi32>, vector<16xi32>], vector<16xf32>,
            %parallel_loop3A_695 = arith.addi %parallel_loop3A_680, %add3A_134 : vector<16xi32>
            tpu.vector_store_idx %arg5[%broadcast_in_dim3A_14, %parallel_loop3A_695], %parallel_loop3A_694 : memref<4x8192xf32, #tpu.memory_space<vmem>>[vector<16xi32>, vector<16xi32>], vector<16xf32>,
            %parallel_loop3A_696 = arith.addi %parallel_loop3A_675, %and3A_54 : vector<16xi32>
            %parallel_loop3A_697 = tpu.vector_load_idx %arg4[%broadcast_in_dim3A_180, %broadcast_in_dim3A_180, %broadcast_in_dim3A_180, %parallel_loop3A_696] : memref<3x8x8x128xf32, #tpu.memory_space<vmem>>[vector<16xi32>, vector<16xi32>, vector<16xi32>, vector<16xi32>], vector<16xf32>,
            %parallel_loop3A_698 = arith.addi %parallel_loop3A_680, %add3A_138 : vector<16xi32>
            tpu.vector_store_idx %arg5[%broadcast_in_dim3A_14, %parallel_loop3A_698], %parallel_loop3A_697 : memref<4x8192xf32, #tpu.memory_space<vmem>>[vector<16xi32>, vector<16xi32>], vector<16xf32>,
            %parallel_loop3A_699 = arith.addi %parallel_loop3A_675, %and3A_60 : vector<16xi32>
            %parallel_loop3A_700 = tpu.vector_load_idx %arg4[%broadcast_in_dim3A_180, %broadcast_in_dim3A_180, %broadcast_in_dim3A_180, %parallel_loop3A_699] : memref<3x8x8x128xf32, #tpu.memory_space<vmem>>[vector<16xi32>, vector<16xi32>, vector<16xi32>, vector<16xi32>], vector<16xf32>,
            %parallel_loop3A_701 = arith.addi %parallel_loop3A_680, %add3A_142 : vector<16xi32>
            tpu.vector_store_idx %arg5[%broadcast_in_dim3A_14, %parallel_loop3A_701], %parallel_loop3A_700 : memref<4x8192xf32, #tpu.memory_space<vmem>>[vector<16xi32>, vector<16xi32>], vector<16xf32>,
            %parallel_loop3A_702 = arith.addi %parallel_loop3A_675, %and3A_66 : vector<16xi32>
            %parallel_loop3A_703 = tpu.vector_load_idx %arg4[%broadcast_in_dim3A_180, %broadcast_in_dim3A_180, %broadcast_in_dim3A_180, %parallel_loop3A_702] : memref<3x8x8x128xf32, #tpu.memory_space<vmem>>[vector<16xi32>, vector<16xi32>, vector<16xi32>, vector<16xi32>], vector<16xf32>,
            %parallel_loop3A_704 = arith.addi %parallel_loop3A_680, %add3A_146 : vector<16xi32>
            tpu.vector_store_idx %arg5[%broadcast_in_dim3A_14, %parallel_loop3A_704], %parallel_loop3A_703 : memref<4x8192xf32, #tpu.memory_space<vmem>>[vector<16xi32>, vector<16xi32>], vector<16xf32>,
            %parallel_loop3A_705 = arith.addi %parallel_loop3A_675, %and3A_72 : vector<16xi32>
            %parallel_loop3A_706 = tpu.vector_load_idx %arg4[%broadcast_in_dim3A_180, %broadcast_in_dim3A_180, %broadcast_in_dim3A_180, %parallel_loop3A_705] : memref<3x8x8x128xf32, #tpu.memory_space<vmem>>[vector<16xi32>, vector<16xi32>, vector<16xi32>, vector<16xi32>], vector<16xf32>,
            %parallel_loop3A_707 = arith.addi %parallel_loop3A_680, %add3A_150 : vector<16xi32>
            tpu.vector_store_idx %arg5[%broadcast_in_dim3A_14, %parallel_loop3A_707], %parallel_loop3A_706 : memref<4x8192xf32, #tpu.memory_space<vmem>>[vector<16xi32>, vector<16xi32>], vector<16xf32>,
            %parallel_loop3A_708 = arith.addi %parallel_loop3A_675, %and3A_78 : vector<16xi32>
            %parallel_loop3A_709 = tpu.vector_load_idx %arg4[%broadcast_in_dim3A_180, %broadcast_in_dim3A_180, %broadcast_in_dim3A_180, %parallel_loop3A_708] : memref<3x8x8x128xf32, #tpu.memory_space<vmem>>[vector<16xi32>, vector<16xi32>, vector<16xi32>, vector<16xi32>], vector<16xf32>,
            %parallel_loop3A_710 = arith.addi %parallel_loop3A_680, %add3A_154 : vector<16xi32>
            tpu.vector_store_idx %arg5[%broadcast_in_dim3A_14, %parallel_loop3A_710], %parallel_loop3A_709 : memref<4x8192xf32, #tpu.memory_space<vmem>>[vector<16xi32>, vector<16xi32>], vector<16xf32>,
            %parallel_loop3A_711 = arith.addi %parallel_loop3A_675, %and3A_84 : vector<16xi32>
            %parallel_loop3A_712 = tpu.vector_load_idx %arg4[%broadcast_in_dim3A_180, %broadcast_in_dim3A_180, %broadcast_in_dim3A_180, %parallel_loop3A_711] : memref<3x8x8x128xf32, #tpu.memory_space<vmem>>[vector<16xi32>, vector<16xi32>, vector<16xi32>, vector<16xi32>], vector<16xf32>,
            %parallel_loop3A_713 = arith.addi %parallel_loop3A_680, %add3A_158 : vector<16xi32>
            tpu.vector_store_idx %arg5[%broadcast_in_dim3A_14, %parallel_loop3A_713], %parallel_loop3A_712 : memref<4x8192xf32, #tpu.memory_space<vmem>>[vector<16xi32>, vector<16xi32>], vector<16xf32>,
            %parallel_loop3A_714 = arith.addi %parallel_loop3A_675, %and3A_90 : vector<16xi32>
            %parallel_loop3A_715 = tpu.vector_load_idx %arg4[%broadcast_in_dim3A_180, %broadcast_in_dim3A_180, %broadcast_in_dim3A_180, %parallel_loop3A_714] : memref<3x8x8x128xf32, #tpu.memory_space<vmem>>[vector<16xi32>, vector<16xi32>, vector<16xi32>, vector<16xi32>], vector<16xf32>,
            %parallel_loop3A_716 = arith.addi %parallel_loop3A_680, %add3A_162 : vector<16xi32>
            tpu.vector_store_idx %arg5[%broadcast_in_dim3A_14, %parallel_loop3A_716], %parallel_loop3A_715 : memref<4x8192xf32, #tpu.memory_space<vmem>>[vector<16xi32>, vector<16xi32>], vector<16xf32>,
            %parallel_loop3A_717 = arith.addi %parallel_loop3A_675, %and3A_96 : vector<16xi32>
            %parallel_loop3A_718 = tpu.vector_load_idx %arg4[%broadcast_in_dim3A_180, %broadcast_in_dim3A_180, %broadcast_in_dim3A_180, %parallel_loop3A_717] : memref<3x8x8x128xf32, #tpu.memory_space<vmem>>[vector<16xi32>, vector<16xi32>, vector<16xi32>, vector<16xi32>], vector<16xf32>,
            %parallel_loop3A_719 = arith.addi %parallel_loop3A_680, %add3A_166 : vector<16xi32>
            tpu.vector_store_idx %arg5[%broadcast_in_dim3A_14, %parallel_loop3A_719], %parallel_loop3A_718 : memref<4x8192xf32, #tpu.memory_space<vmem>>[vector<16xi32>, vector<16xi32>], vector<16xf32>,
            %parallel_loop3A_720 = arith.addi %parallel_loop3A_675, %and3A_102 : vector<16xi32>
            %parallel_loop3A_721 = tpu.vector_load_idx %arg4[%broadcast_in_dim3A_180, %broadcast_in_dim3A_180, %broadcast_in_dim3A_180, %parallel_loop3A_720] : memref<3x8x8x128xf32, #tpu.memory_space<vmem>>[vector<16xi32>, vector<16xi32>, vector<16xi32>, vector<16xi32>], vector<16xf32>,
            %parallel_loop3A_722 = arith.addi %parallel_loop3A_680, %add3A_170 : vector<16xi32>
            tpu.vector_store_idx %arg5[%broadcast_in_dim3A_14, %parallel_loop3A_722], %parallel_loop3A_721 : memref<4x8192xf32, #tpu.memory_space<vmem>>[vector<16xi32>, vector<16xi32>], vector<16xf32>,
            %parallel_loop3A_723 = arith.addi %parallel_loop3A_675, %and3A_108 : vector<16xi32>
            %parallel_loop3A_724 = tpu.vector_load_idx %arg4[%broadcast_in_dim3A_180, %broadcast_in_dim3A_180, %broadcast_in_dim3A_180, %parallel_loop3A_723] : memref<3x8x8x128xf32, #tpu.memory_space<vmem>>[vector<16xi32>, vector<16xi32>, vector<16xi32>, vector<16xi32>], vector<16xf32>,
            %parallel_loop3A_725 = arith.addi %parallel_loop3A_680, %add3A_174 : vector<16xi32>
            tpu.vector_store_idx %arg5[%broadcast_in_dim3A_14, %parallel_loop3A_725], %parallel_loop3A_724 : memref<4x8192xf32, #tpu.memory_space<vmem>>[vector<16xi32>, vector<16xi32>], vector<16xf32>,
            %parallel_loop3A_726 = arith.addi %parallel_loop3A_675, %and3A_114 : vector<16xi32>
            %parallel_loop3A_727 = tpu.vector_load_idx %arg4[%broadcast_in_dim3A_180, %broadcast_in_dim3A_180, %broadcast_in_dim3A_180, %parallel_loop3A_726] : memref<3x8x8x128xf32, #tpu.memory_space<vmem>>[vector<16xi32>, vector<16xi32>, vector<16xi32>, vector<16xi32>], vector<16xf32>,
            %parallel_loop3A_728 = arith.addi %parallel_loop3A_680, %add3A_178 : vector<16xi32>
            tpu.vector_store_idx %arg5[%broadcast_in_dim3A_14, %parallel_loop3A_728], %parallel_loop3A_727 : memref<4x8192xf32, #tpu.memory_space<vmem>>[vector<16xi32>, vector<16xi32>], vector<16xf32>,
          } {sc.loop_unroll_factor = 4 : i64, sc.parallel_access}
        }
        %scan3A_648 = arith.constant 4 : i32
        %mul3A_649 = arith.constant 16 : i32
        %mul3A_650 = arith.muli %mul3A_642, %mul3A_649 : i32
        %dma_start3A_651 = arith.constant 0 : i32
        %dma_start3A_652 = arith.constant 0 : i32
        %dma_start3A_653 = tpu.memref_slice %arg5[%dma_start3A_651, %dma_start3A_652] : memref<4x8192xf32, #tpu.memory_space<vmem>> -> memref<1x8192xf32, #tpu.memory_space<vmem>>
        %dma_start3A_654 = tpu.memref_squeeze %dma_start3A_653 : memref<1x8192xf32, #tpu.memory_space<vmem>> -> memref<8192xf32, #tpu.memory_space<vmem>>
        %dma_start3A_655 = tpu.memref_slice %arg3[%mul3A_650] : memref<16000000xf32, #tpu.memory_space<hbm>> -> memref<8192xf32, #tpu.memory_space<hbm>>
        %dma_start3A_656 = tpu.memref_slice %arg3[%mul3A_650] : memref<16000000xf32, #tpu.memory_space<hbm>> -> memref<8192xf32, #tpu.memory_space<hbm>>
        %dma_start3A_657 = arith.constant 0 : i32
        %dma_start3A_658 = tpu.memref_slice %arg5[%dma_start3A_651, %dma_start3A_657] : memref<4x8192xf32, #tpu.memory_space<vmem>> -> memref<1x8192xf32, #tpu.memory_space<vmem>>
        %dma_start3A_659 = tpu.memref_squeeze %dma_start3A_658 : memref<1x8192xf32, #tpu.memory_space<vmem>> -> memref<8192xf32, #tpu.memory_space<vmem>>
        tpu.enqueue_dma source(%dma_start3A_659 : memref<8192xf32, #tpu.memory_space<vmem>>) target(%dma_start3A_656 : memref<8192xf32, #tpu.memory_space<hbm>>) target_semaphore(%arg7 : memref<!tpu.dma_semaphore, #tpu.memory_space<semaphore_mem>>)
      } else {
      }
      %add3A_490 = arith.constant 1 : i32
      %add3A_491 = arith.addi %mul3A_488, %add3A_490 : i32
      %lt3A_492 = arith.cmpi slt, %add3A_491, %select_n3A : i32
      %convert_element_type3A_493 = arith.extui %lt3A_492 : i1 to i32
      %cond3A_494 = arith.constant 0 : i32
      %cond3A_495 = arith.cmpi ne, %convert_element_type3A_493, %cond3A_494 : i32
      scf.if %cond3A_495 {
        %dma_wait3A_502 = arith.constant 1 : i32
        %dma_wait3A_503 = arith.constant 0 : i32
        %dma_wait3A_504 = arith.constant 0 : i32
        %dma_wait3A_505 = arith.constant 0 : i32
        %dma_wait3A_506 = tpu.memref_slice %arg4[%dma_wait3A_502, %dma_wait3A_503, %dma_wait3A_504, %dma_wait3A_505] : memref<3x8x8x128xf32, #tpu.memory_space<vmem>> -> memref<1x1x8x128xf32, #tpu.memory_space<vmem>>
        %dma_wait3A_507 = tpu.memref_squeeze %dma_wait3A_506 : memref<1x1x8x128xf32, #tpu.memory_space<vmem>> -> memref<8x128xf32, #tpu.memory_space<vmem>>
        %dma_wait3A_508 = arith.constant 0 : i32
        %dma_wait3A_509 = arith.constant 0 : i32
        %dma_wait3A_510 = tpu.memref_slice %arg2[%dma_wait3A_508, %dma_wait3A_509] : memref<16x1000000xf32, #tpu.memory_space<hbm>> -> memref<8x128xf32, #tpu.memory_space<hbm>>
        %dma_wait3A_511 = arith.constant 0 : i32
        %dma_wait3A_512 = arith.constant 0 : i32
        %dma_wait3A_513 = tpu.memref_slice %arg4[%dma_wait3A_502, %dma_wait3A_503, %dma_wait3A_511, %dma_wait3A_512] : memref<3x8x8x128xf32, #tpu.memory_space<vmem>> -> memref<1x1x8x128xf32, #tpu.memory_space<vmem>>
        %dma_wait3A_514 = tpu.memref_squeeze %dma_wait3A_513 : memref<1x1x8x128xf32, #tpu.memory_space<vmem>> -> memref<8x128xf32, #tpu.memory_space<vmem>>
        %dma_wait3A_515 = arith.constant 0 : i32
        %dma_wait3A_516 = arith.constant 0 : i32
        %dma_wait3A_517 = tpu.memref_slice %arg2[%dma_wait3A_515, %dma_wait3A_516] : memref<16x1000000xf32, #tpu.memory_space<hbm>> -> memref<8x128xf32, #tpu.memory_space<hbm>>
        tpu.wait_dma2 semaphore(%arg6 : memref<!tpu.dma_semaphore, #tpu.memory_space<semaphore_mem>>) src(%dma_wait3A_517 : memref<8x128xf32, #tpu.memory_space<hbm>>) dst(%dma_wait3A_514 : memref<8x128xf32, #tpu.memory_space<vmem>>)
        %dma_wait3A_518 = arith.constant 1 : i32
        %dma_wait3A_519 = arith.constant 1 : i32
        %dma_wait3A_520 = arith.constant 0 : i32
        %dma_wait3A_521 = arith.constant 0 : i32
        %dma_wait3A_522 = tpu.memref_slice %arg4[%dma_wait3A_518, %dma_wait3A_519, %dma_wait3A_520, %dma_wait3A_521] : memref<3x8x8x128xf32, #tpu.memory_space<vmem>> -> memref<1x1x8x128xf32, #tpu.memory_space<vmem>>
        %dma_wait3A_523 = tpu.memref_squeeze %dma_wait3A_522 : memref<1x1x8x128xf32, #tpu.memory_space<vmem>> -> memref<8x128xf32, #tpu.memory_space<vmem>>
        %dma_wait3A_524 = arith.constant 0 : i32
        %dma_wait3A_525 = arith.constant 0 : i32
        %dma_wait3A_526 = tpu.memref_slice %arg2[%dma_wait3A_524, %dma_wait3A_525] : memref<16x1000000xf32, #tpu.memory_space<hbm>> -> memref<8x128xf32, #tpu.memory_space<hbm>>
        %dma_wait3A_527 = arith.constant 0 : i32
        %dma_wait3A_528 = arith.constant 0 : i32
        %dma_wait3A_529 = tpu.memref_slice %arg4[%dma_wait3A_518, %dma_wait3A_519, %dma_wait3A_527, %dma_wait3A_528] : memref<3x8x8x128xf32, #tpu.memory_space<vmem>> -> memref<1x1x8x128xf32, #tpu.memory_space<vmem>>
        %dma_wait3A_530 = tpu.memref_squeeze %dma_wait3A_529 : memref<1x1x8x128xf32, #tpu.memory_space<vmem>> -> memref<8x128xf32, #tpu.memory_space<vmem>>
        %dma_wait3A_531 = arith.constant 0 : i32
        %dma_wait3A_532 = arith.constant 0 : i32
        %dma_wait3A_533 = tpu.memref_slice %arg2[%dma_wait3A_531, %dma_wait3A_532] : memref<16x1000000xf32, #tpu.memory_space<hbm>> -> memref<8x128xf32, #tpu.memory_space<hbm>>
        tpu.wait_dma2 semaphore(%arg6 : memref<!tpu.dma_semaphore, #tpu.memory_space<semaphore_mem>>) src(%dma_wait3A_533 : memref<8x128xf32, #tpu.memory_space<hbm>>) dst(%dma_wait3A_530 : memref<8x128xf32, #tpu.memory_space<vmem>>)
        %dma_wait3A_534 = arith.constant 1 : i32
        %dma_wait3A_535 = arith.constant 2 : i32
        %dma_wait3A_536 = arith.constant 0 : i32
        %dma_wait3A_537 = arith.constant 0 : i32
        %dma_wait3A_538 = tpu.memref_slice %arg4[%dma_wait3A_534, %dma_wait3A_535, %dma_wait3A_536, %dma_wait3A_537] : memref<3x8x8x128xf32, #tpu.memory_space<vmem>> -> memref<1x1x8x128xf32, #tpu.memory_space<vmem>>
        %dma_wait3A_539 = tpu.memref_squeeze %dma_wait3A_538 : memref<1x1x8x128xf32, #tpu.memory_space<vmem>> -> memref<8x128xf32, #tpu.memory_space<vmem>>
        %dma_wait3A_540 = arith.constant 0 : i32
        %dma_wait3A_541 = arith.constant 0 : i32
        %dma_wait3A_542 = tpu.memref_slice %arg2[%dma_wait3A_540, %dma_wait3A_541] : memref<16x1000000xf32, #tpu.memory_space<hbm>> -> memref<8x128xf32, #tpu.memory_space<hbm>>
        %dma_wait3A_543 = arith.constant 0 : i32
        %dma_wait3A_544 = arith.constant 0 : i32
        %dma_wait3A_545 = tpu.memref_slice %arg4[%dma_wait3A_534, %dma_wait3A_535, %dma_wait3A_543, %dma_wait3A_544] : memref<3x8x8x128xf32, #tpu.memory_space<vmem>> -> memref<1x1x8x128xf32, #tpu.memory_space<vmem>>
        %dma_wait3A_546 = tpu.memref_squeeze %dma_wait3A_545 : memref<1x1x8x128xf32, #tpu.memory_space<vmem>> -> memref<8x128xf32, #tpu.memory_space<vmem>>
        %dma_wait3A_547 = arith.constant 0 : i32
        %dma_wait3A_548 = arith.constant 0 : i32
        %dma_wait3A_549 = tpu.memref_slice %arg2[%dma_wait3A_547, %dma_wait3A_548] : memref<16x1000000xf32, #tpu.memory_space<hbm>> -> memref<8x128xf32, #tpu.memory_space<hbm>>
        tpu.wait_dma2 semaphore(%arg6 : memref<!tpu.dma_semaphore, #tpu.memory_space<semaphore_mem>>) src(%dma_wait3A_549 : memref<8x128xf32, #tpu.memory_space<hbm>>) dst(%dma_wait3A_546 : memref<8x128xf32, #tpu.memory_space<vmem>>)
        %dma_wait3A_550 = arith.constant 1 : i32
        %dma_wait3A_551 = arith.constant 3 : i32
        %dma_wait3A_552 = arith.constant 0 : i32
        %dma_wait3A_553 = arith.constant 0 : i32
        %dma_wait3A_554 = tpu.memref_slice %arg4[%dma_wait3A_550, %dma_wait3A_551, %dma_wait3A_552, %dma_wait3A_553] : memref<3x8x8x128xf32, #tpu.memory_space<vmem>> -> memref<1x1x8x128xf32, #tpu.memory_space<vmem>>
        %dma_wait3A_555 = tpu.memref_squeeze %dma_wait3A_554 : memref<1x1x8x128xf32, #tpu.memory_space<vmem>> -> memref<8x128xf32, #tpu.memory_space<vmem>>
        %dma_wait3A_556 = arith.constant 0 : i32
        %dma_wait3A_557 = arith.constant 0 : i32
        %dma_wait3A_558 = tpu.memref_slice %arg2[%dma_wait3A_556, %dma_wait3A_557] : memref<16x1000000xf32, #tpu.memory_space<hbm>> -> memref<8x128xf32, #tpu.memory_space<hbm>>
        %dma_wait3A_559 = arith.constant 0 : i32
        %dma_wait3A_560 = arith.constant 0 : i32
        %dma_wait3A_561 = tpu.memref_slice %arg4[%dma_wait3A_550, %dma_wait3A_551, %dma_wait3A_559, %dma_wait3A_560] : memref<3x8x8x128xf32, #tpu.memory_space<vmem>> -> memref<1x1x8x128xf32, #tpu.memory_space<vmem>>
        %dma_wait3A_562 = tpu.memref_squeeze %dma_wait3A_561 : memref<1x1x8x128xf32, #tpu.memory_space<vmem>> -> memref<8x128xf32, #tpu.memory_space<vmem>>
        %dma_wait3A_563 = arith.constant 0 : i32
        %dma_wait3A_564 = arith.constant 0 : i32
        %dma_wait3A_565 = tpu.memref_slice %arg2[%dma_wait3A_563, %dma_wait3A_564] : memref<16x1000000xf32, #tpu.memory_space<hbm>> -> memref<8x128xf32, #tpu.memory_space<hbm>>
        tpu.wait_dma2 semaphore(%arg6 : memref<!tpu.dma_semaphore, #tpu.memory_space<semaphore_mem>>) src(%dma_wait3A_565 : memref<8x128xf32, #tpu.memory_space<hbm>>) dst(%dma_wait3A_562 : memref<8x128xf32, #tpu.memory_space<vmem>>)
        %dma_wait3A_566 = arith.constant 1 : i32
        %dma_wait3A_567 = arith.constant 4 : i32
        %dma_wait3A_568 = arith.constant 0 : i32
        %dma_wait3A_569 = arith.constant 0 : i32
        %dma_wait3A_570 = tpu.memref_slice %arg4[%dma_wait3A_566, %dma_wait3A_567, %dma_wait3A_568, %dma_wait3A_569] : memref<3x8x8x128xf32, #tpu.memory_space<vmem>> -> memref<1x1x8x128xf32, #tpu.memory_space<vmem>>
        %dma_wait3A_571 = tpu.memref_squeeze %dma_wait3A_570 : memref<1x1x8x128xf32, #tpu.memory_space<vmem>> -> memref<8x128xf32, #tpu.memory_space<vmem>>
        %dma_wait3A_572 = arith.constant 0 : i32
        %dma_wait3A_573 = arith.constant 0 : i32
        %dma_wait3A_574 = tpu.memref_slice %arg2[%dma_wait3A_572, %dma_wait3A_573] : memref<16x1000000xf32, #tpu.memory_space<hbm>> -> memref<8x128xf32, #tpu.memory_space<hbm>>
        %dma_wait3A_575 = arith.constant 0 : i32
        %dma_wait3A_576 = arith.constant 0 : i32
        %dma_wait3A_577 = tpu.memref_slice %arg4[%dma_wait3A_566, %dma_wait3A_567, %dma_wait3A_575, %dma_wait3A_576] : memref<3x8x8x128xf32, #tpu.memory_space<vmem>> -> memref<1x1x8x128xf32, #tpu.memory_space<vmem>>
        %dma_wait3A_578 = tpu.memref_squeeze %dma_wait3A_577 : memref<1x1x8x128xf32, #tpu.memory_space<vmem>> -> memref<8x128xf32, #tpu.memory_space<vmem>>
        %dma_wait3A_579 = arith.constant 0 : i32
        %dma_wait3A_580 = arith.constant 0 : i32
        %dma_wait3A_581 = tpu.memref_slice %arg2[%dma_wait3A_579, %dma_wait3A_580] : memref<16x1000000xf32, #tpu.memory_space<hbm>> -> memref<8x128xf32, #tpu.memory_space<hbm>>
        tpu.wait_dma2 semaphore(%arg6 : memref<!tpu.dma_semaphore, #tpu.memory_space<semaphore_mem>>) src(%dma_wait3A_581 : memref<8x128xf32, #tpu.memory_space<hbm>>) dst(%dma_wait3A_578 : memref<8x128xf32, #tpu.memory_space<vmem>>)
        %dma_wait3A_582 = arith.constant 1 : i32
        %dma_wait3A_583 = arith.constant 5 : i32
        %dma_wait3A_584 = arith.constant 0 : i32
        %dma_wait3A_585 = arith.constant 0 : i32
        %dma_wait3A_586 = tpu.memref_slice %arg4[%dma_wait3A_582, %dma_wait3A_583, %dma_wait3A_584, %dma_wait3A_585] : memref<3x8x8x128xf32, #tpu.memory_space<vmem>> -> memref<1x1x8x128xf32, #tpu.memory_space<vmem>>
        %dma_wait3A_587 = tpu.memref_squeeze %dma_wait3A_586 : memref<1x1x8x128xf32, #tpu.memory_space<vmem>> -> memref<8x128xf32, #tpu.memory_space<vmem>>
        %dma_wait3A_588 = arith.constant 0 : i32
        %dma_wait3A_589 = arith.constant 0 : i32
        %dma_wait3A_590 = tpu.memref_slice %arg2[%dma_wait3A_588, %dma_wait3A_589] : memref<16x1000000xf32, #tpu.memory_space<hbm>> -> memref<8x128xf32, #tpu.memory_space<hbm>>
        %dma_wait3A_591 = arith.constant 0 : i32
        %dma_wait3A_592 = arith.constant 0 : i32
        %dma_wait3A_593 = tpu.memref_slice %arg4[%dma_wait3A_582, %dma_wait3A_583, %dma_wait3A_591, %dma_wait3A_592] : memref<3x8x8x128xf32, #tpu.memory_space<vmem>> -> memref<1x1x8x128xf32, #tpu.memory_space<vmem>>
        %dma_wait3A_594 = tpu.memref_squeeze %dma_wait3A_593 : memref<1x1x8x128xf32, #tpu.memory_space<vmem>> -> memref<8x128xf32, #tpu.memory_space<vmem>>
        %dma_wait3A_595 = arith.constant 0 : i32
        %dma_wait3A_596 = arith.constant 0 : i32
        %dma_wait3A_597 = tpu.memref_slice %arg2[%dma_wait3A_595, %dma_wait3A_596] : memref<16x1000000xf32, #tpu.memory_space<hbm>> -> memref<8x128xf32, #tpu.memory_space<hbm>>
        tpu.wait_dma2 semaphore(%arg6 : memref<!tpu.dma_semaphore, #tpu.memory_space<semaphore_mem>>) src(%dma_wait3A_597 : memref<8x128xf32, #tpu.memory_space<hbm>>) dst(%dma_wait3A_594 : memref<8x128xf32, #tpu.memory_space<vmem>>)
        %dma_wait3A_598 = arith.constant 1 : i32
        %dma_wait3A_599 = arith.constant 6 : i32
        %dma_wait3A_600 = arith.constant 0 : i32
        %dma_wait3A_601 = arith.constant 0 : i32
        %dma_wait3A_602 = tpu.memref_slice %arg4[%dma_wait3A_598, %dma_wait3A_599, %dma_wait3A_600, %dma_wait3A_601] : memref<3x8x8x128xf32, #tpu.memory_space<vmem>> -> memref<1x1x8x128xf32, #tpu.memory_space<vmem>>
        %dma_wait3A_603 = tpu.memref_squeeze %dma_wait3A_602 : memref<1x1x8x128xf32, #tpu.memory_space<vmem>> -> memref<8x128xf32, #tpu.memory_space<vmem>>
        %dma_wait3A_604 = arith.constant 0 : i32
        %dma_wait3A_605 = arith.constant 0 : i32
        %dma_wait3A_606 = tpu.memref_slice %arg2[%dma_wait3A_604, %dma_wait3A_605] : memref<16x1000000xf32, #tpu.memory_space<hbm>> -> memref<8x128xf32, #tpu.memory_space<hbm>>
        %dma_wait3A_607 = arith.constant 0 : i32
        %dma_wait3A_608 = arith.constant 0 : i32
        %dma_wait3A_609 = tpu.memref_slice %arg4[%dma_wait3A_598, %dma_wait3A_599, %dma_wait3A_607, %dma_wait3A_608] : memref<3x8x8x128xf32, #tpu.memory_space<vmem>> -> memref<1x1x8x128xf32, #tpu.memory_space<vmem>>
        %dma_wait3A_610 = tpu.memref_squeeze %dma_wait3A_609 : memref<1x1x8x128xf32, #tpu.memory_space<vmem>> -> memref<8x128xf32, #tpu.memory_space<vmem>>
        %dma_wait3A_611 = arith.constant 0 : i32
        %dma_wait3A_612 = arith.constant 0 : i32
        %dma_wait3A_613 = tpu.memref_slice %arg2[%dma_wait3A_611, %dma_wait3A_612] : memref<16x1000000xf32, #tpu.memory_space<hbm>> -> memref<8x128xf32, #tpu.memory_space<hbm>>
        tpu.wait_dma2 semaphore(%arg6 : memref<!tpu.dma_semaphore, #tpu.memory_space<semaphore_mem>>) src(%dma_wait3A_613 : memref<8x128xf32, #tpu.memory_space<hbm>>) dst(%dma_wait3A_610 : memref<8x128xf32, #tpu.memory_space<vmem>>)
        %dma_wait3A_614 = arith.constant 1 : i32
        %dma_wait3A_615 = arith.constant 7 : i32
        %dma_wait3A_616 = arith.constant 0 : i32
        %dma_wait3A_617 = arith.constant 0 : i32
        %dma_wait3A_618 = tpu.memref_slice %arg4[%dma_wait3A_614, %dma_wait3A_615, %dma_wait3A_616, %dma_wait3A_617] : memref<3x8x8x128xf32, #tpu.memory_space<vmem>> -> memref<1x1x8x128xf32, #tpu.memory_space<vmem>>
        %dma_wait3A_619 = tpu.memref_squeeze %dma_wait3A_618 : memref<1x1x8x128xf32, #tpu.memory_space<vmem>> -> memref<8x128xf32, #tpu.memory_space<vmem>>
        %dma_wait3A_620 = arith.constant 0 : i32
        %dma_wait3A_621 = arith.constant 0 : i32
        %dma_wait3A_622 = tpu.memref_slice %arg2[%dma_wait3A_620, %dma_wait3A_621] : memref<16x1000000xf32, #tpu.memory_space<hbm>> -> memref<8x128xf32, #tpu.memory_space<hbm>>
        %dma_wait3A_623 = arith.constant 0 : i32
        %dma_wait3A_624 = arith.constant 0 : i32
        %dma_wait3A_625 = tpu.memref_slice %arg4[%dma_wait3A_614, %dma_wait3A_615, %dma_wait3A_623, %dma_wait3A_624] : memref<3x8x8x128xf32, #tpu.memory_space<vmem>> -> memref<1x1x8x128xf32, #tpu.memory_space<vmem>>
        %dma_wait3A_626 = tpu.memref_squeeze %dma_wait3A_625 : memref<1x1x8x128xf32, #tpu.memory_space<vmem>> -> memref<8x128xf32, #tpu.memory_space<vmem>>
        %dma_wait3A_627 = arith.constant 0 : i32
        %dma_wait3A_628 = arith.constant 0 : i32
        %dma_wait3A_629 = tpu.memref_slice %arg2[%dma_wait3A_627, %dma_wait3A_628] : memref<16x1000000xf32, #tpu.memory_space<hbm>> -> memref<8x128xf32, #tpu.memory_space<hbm>>
        tpu.wait_dma2 semaphore(%arg6 : memref<!tpu.dma_semaphore, #tpu.memory_space<semaphore_mem>>) src(%dma_wait3A_629 : memref<8x128xf32, #tpu.memory_space<hbm>>) dst(%dma_wait3A_626 : memref<8x128xf32, #tpu.memory_space<vmem>>)
        %add3A_630 = arith.constant 2 : i32
        %add3A_631 = arith.addi %add3A_491, %add3A_630 : i32
        %lt3A_632 = arith.cmpi slt, %add3A_631, %select_n3A : i32
        %convert_element_type3A_633 = arith.extui %lt3A_632 : i1 to i32
        %cond3A_634 = arith.constant 0 : i32
        %cond3A_635 = arith.cmpi ne, %convert_element_type3A_633, %cond3A_634 : i32
        scf.if %cond3A_635 {
          %add3A_660 = arith.addi %add3A_6, %add3A_491 : i32
          %add3A_661 = arith.constant 2 : i32
          %add3A_662 = arith.addi %add3A_660, %add3A_661 : i32
          %mul3A_663 = arith.constant 512 : i32
          %mul3A_664 = arith.muli %add3A_662, %mul3A_663 : i32
          %add3A_665 = arith.constant 0 : i32
          %add3A_666 = arith.addi %mul3A_664, %add3A_665 : i32
          %dma_start3A_667 = arith.constant 0 : i32
          %dma_start3A_668 = arith.constant 0 : i32
          %dma_start3A_669 = arith.constant 0 : i32
          %dma_start3A_670 = arith.constant 0 : i32
          %dma_start3A_671 = tpu.memref_slice %arg4[%dma_start3A_667, %dma_start3A_668, %dma_start3A_669, %dma_start3A_670] : memref<3x8x8x128xf32, #tpu.memory_space<vmem>> -> memref<1x1x8x128xf32, #tpu.memory_space<vmem>>
          %dma_start3A_672 = tpu.memref_squeeze %dma_start3A_671 : memref<1x1x8x128xf32, #tpu.memory_space<vmem>> -> memref<8x128xf32, #tpu.memory_space<vmem>>
          %dma_start3A_673 = arith.constant 0 : i32
          %dma_start3A_674 = tpu.memref_slice %arg2[%dma_start3A_673, %add3A_666] : memref<16x1000000xf32, #tpu.memory_space<hbm>> -> memref<8x128xf32, #tpu.memory_space<hbm>>
          %dma_start3A_675 = arith.constant 0 : i32
          %dma_start3A_676 = arith.constant 0 : i32
          %dma_start3A_677 = tpu.memref_slice %arg4[%dma_start3A_667, %dma_start3A_668, %dma_start3A_675, %dma_start3A_676] : memref<3x8x8x128xf32, #tpu.memory_space<vmem>> -> memref<1x1x8x128xf32, #tpu.memory_space<vmem>>
          %dma_start3A_678 = tpu.memref_squeeze %dma_start3A_677 : memref<1x1x8x128xf32, #tpu.memory_space<vmem>> -> memref<8x128xf32, #tpu.memory_space<vmem>>
          %dma_start3A_679 = arith.constant 0 : i32
          %dma_start3A_680 = tpu.memref_slice %arg2[%dma_start3A_679, %add3A_666] : memref<16x1000000xf32, #tpu.memory_space<hbm>> -> memref<8x128xf32, #tpu.memory_space<hbm>>
          tpu.enqueue_dma source(%dma_start3A_680 : memref<8x128xf32, #tpu.memory_space<hbm>>) target(%dma_start3A_678 : memref<8x128xf32, #tpu.memory_space<vmem>>) target_semaphore(%arg6 : memref<!tpu.dma_semaphore, #tpu.memory_space<semaphore_mem>>)
          %add3A_681 = arith.constant 128 : i32
          %add3A_682 = arith.addi %mul3A_664, %add3A_681 : i32
          %dma_start3A_683 = arith.constant 0 : i32
          %dma_start3A_684 = arith.constant 1 : i32
          %dma_start3A_685 = arith.constant 0 : i32
          %dma_start3A_686 = arith.constant 0 : i32
          %dma_start3A_687 = tpu.memref_slice %arg4[%dma_start3A_683, %dma_start3A_684, %dma_start3A_685, %dma_start3A_686] : memref<3x8x8x128xf32, #tpu.memory_space<vmem>> -> memref<1x1x8x128xf32, #tpu.memory_space<vmem>>
          %dma_start3A_688 = tpu.memref_squeeze %dma_start3A_687 : memref<1x1x8x128xf32, #tpu.memory_space<vmem>> -> memref<8x128xf32, #tpu.memory_space<vmem>>
          %dma_start3A_689 = arith.constant 0 : i32
          %dma_start3A_690 = tpu.memref_slice %arg2[%dma_start3A_689, %add3A_682] : memref<16x1000000xf32, #tpu.memory_space<hbm>> -> memref<8x128xf32, #tpu.memory_space<hbm>>
          %dma_start3A_691 = arith.constant 0 : i32
          %dma_start3A_692 = arith.constant 0 : i32
          %dma_start3A_693 = tpu.memref_slice %arg4[%dma_start3A_683, %dma_start3A_684, %dma_start3A_691, %dma_start3A_692] : memref<3x8x8x128xf32, #tpu.memory_space<vmem>> -> memref<1x1x8x128xf32, #tpu.memory_space<vmem>>
          %dma_start3A_694 = tpu.memref_squeeze %dma_start3A_693 : memref<1x1x8x128xf32, #tpu.memory_space<vmem>> -> memref<8x128xf32, #tpu.memory_space<vmem>>
          %dma_start3A_695 = arith.constant 0 : i32
          %dma_start3A_696 = tpu.memref_slice %arg2[%dma_start3A_695, %add3A_682] : memref<16x1000000xf32, #tpu.memory_space<hbm>> -> memref<8x128xf32, #tpu.memory_space<hbm>>
          tpu.enqueue_dma source(%dma_start3A_696 : memref<8x128xf32, #tpu.memory_space<hbm>>) target(%dma_start3A_694 : memref<8x128xf32, #tpu.memory_space<vmem>>) target_semaphore(%arg6 : memref<!tpu.dma_semaphore, #tpu.memory_space<semaphore_mem>>)
          %add3A_697 = arith.constant 256 : i32
          %add3A_698 = arith.addi %mul3A_664, %add3A_697 : i32
          %dma_start3A_699 = arith.constant 0 : i32
          %dma_start3A_700 = arith.constant 2 : i32
          %dma_start3A_701 = arith.constant 0 : i32
          %dma_start3A_702 = arith.constant 0 : i32
          %dma_start3A_703 = tpu.memref_slice %arg4[%dma_start3A_699, %dma_start3A_700, %dma_start3A_701, %dma_start3A_702] : memref<3x8x8x128xf32, #tpu.memory_space<vmem>> -> memref<1x1x8x128xf32, #tpu.memory_space<vmem>>
          %dma_start3A_704 = tpu.memref_squeeze %dma_start3A_703 : memref<1x1x8x128xf32, #tpu.memory_space<vmem>> -> memref<8x128xf32, #tpu.memory_space<vmem>>
          %dma_start3A_705 = arith.constant 0 : i32
          %dma_start3A_706 = tpu.memref_slice %arg2[%dma_start3A_705, %add3A_698] : memref<16x1000000xf32, #tpu.memory_space<hbm>> -> memref<8x128xf32, #tpu.memory_space<hbm>>
          %dma_start3A_707 = arith.constant 0 : i32
          %dma_start3A_708 = arith.constant 0 : i32
          %dma_start3A_709 = tpu.memref_slice %arg4[%dma_start3A_699, %dma_start3A_700, %dma_start3A_707, %dma_start3A_708] : memref<3x8x8x128xf32, #tpu.memory_space<vmem>> -> memref<1x1x8x128xf32, #tpu.memory_space<vmem>>
          %dma_start3A_710 = tpu.memref_squeeze %dma_start3A_709 : memref<1x1x8x128xf32, #tpu.memory_space<vmem>> -> memref<8x128xf32, #tpu.memory_space<vmem>>
          %dma_start3A_711 = arith.constant 0 : i32
          %dma_start3A_712 = tpu.memref_slice %arg2[%dma_start3A_711, %add3A_698] : memref<16x1000000xf32, #tpu.memory_space<hbm>> -> memref<8x128xf32, #tpu.memory_space<hbm>>
          tpu.enqueue_dma source(%dma_start3A_712 : memref<8x128xf32, #tpu.memory_space<hbm>>) target(%dma_start3A_710 : memref<8x128xf32, #tpu.memory_space<vmem>>) target_semaphore(%arg6 : memref<!tpu.dma_semaphore, #tpu.memory_space<semaphore_mem>>)
          %add3A_713 = arith.constant 384 : i32
          %add3A_714 = arith.addi %mul3A_664, %add3A_713 : i32
          %dma_start3A_715 = arith.constant 0 : i32
          %dma_start3A_716 = arith.constant 3 : i32
          %dma_start3A_717 = arith.constant 0 : i32
          %dma_start3A_718 = arith.constant 0 : i32
          %dma_start3A_719 = tpu.memref_slice %arg4[%dma_start3A_715, %dma_start3A_716, %dma_start3A_717, %dma_start3A_718] : memref<3x8x8x128xf32, #tpu.memory_space<vmem>> -> memref<1x1x8x128xf32, #tpu.memory_space<vmem>>
          %dma_start3A_720 = tpu.memref_squeeze %dma_start3A_719 : memref<1x1x8x128xf32, #tpu.memory_space<vmem>> -> memref<8x128xf32, #tpu.memory_space<vmem>>
          %dma_start3A_721 = arith.constant 0 : i32
          %dma_start3A_722 = tpu.memref_slice %arg2[%dma_start3A_721, %add3A_714] : memref<16x1000000xf32, #tpu.memory_space<hbm>> -> memref<8x128xf32, #tpu.memory_space<hbm>>
          %dma_start3A_723 = arith.constant 0 : i32
          %dma_start3A_724 = arith.constant 0 : i32
          %dma_start3A_725 = tpu.memref_slice %arg4[%dma_start3A_715, %dma_start3A_716, %dma_start3A_723, %dma_start3A_724] : memref<3x8x8x128xf32, #tpu.memory_space<vmem>> -> memref<1x1x8x128xf32, #tpu.memory_space<vmem>>
          %dma_start3A_726 = tpu.memref_squeeze %dma_start3A_725 : memref<1x1x8x128xf32, #tpu.memory_space<vmem>> -> memref<8x128xf32, #tpu.memory_space<vmem>>
          %dma_start3A_727 = arith.constant 0 : i32
          %dma_start3A_728 = tpu.memref_slice %arg2[%dma_start3A_727, %add3A_714] : memref<16x1000000xf32, #tpu.memory_space<hbm>> -> memref<8x128xf32, #tpu.memory_space<hbm>>
          tpu.enqueue_dma source(%dma_start3A_728 : memref<8x128xf32, #tpu.memory_space<hbm>>) target(%dma_start3A_726 : memref<8x128xf32, #tpu.memory_space<vmem>>) target_semaphore(%arg6 : memref<!tpu.dma_semaphore, #tpu.memory_space<semaphore_mem>>)
          %add3A_729 = arith.constant 0 : i32
          %add3A_730 = arith.addi %mul3A_664, %add3A_729 : i32
          %dma_start3A_731 = arith.constant 0 : i32
          %dma_start3A_732 = arith.constant 4 : i32
          %dma_start3A_733 = arith.constant 0 : i32
          %dma_start3A_734 = arith.constant 0 : i32
          %dma_start3A_735 = tpu.memref_slice %arg4[%dma_start3A_731, %dma_start3A_732, %dma_start3A_733, %dma_start3A_734] : memref<3x8x8x128xf32, #tpu.memory_space<vmem>> -> memref<1x1x8x128xf32, #tpu.memory_space<vmem>>
          %dma_start3A_736 = tpu.memref_squeeze %dma_start3A_735 : memref<1x1x8x128xf32, #tpu.memory_space<vmem>> -> memref<8x128xf32, #tpu.memory_space<vmem>>
          %dma_start3A_737 = arith.constant 8 : i32
          %dma_start3A_738 = tpu.memref_slice %arg2[%dma_start3A_737, %add3A_730] : memref<16x1000000xf32, #tpu.memory_space<hbm>> -> memref<8x128xf32, #tpu.memory_space<hbm>>
          %dma_start3A_739 = arith.constant 0 : i32
          %dma_start3A_740 = arith.constant 0 : i32
          %dma_start3A_741 = tpu.memref_slice %arg4[%dma_start3A_731, %dma_start3A_732, %dma_start3A_739, %dma_start3A_740] : memref<3x8x8x128xf32, #tpu.memory_space<vmem>> -> memref<1x1x8x128xf32, #tpu.memory_space<vmem>>
          %dma_start3A_742 = tpu.memref_squeeze %dma_start3A_741 : memref<1x1x8x128xf32, #tpu.memory_space<vmem>> -> memref<8x128xf32, #tpu.memory_space<vmem>>
          %dma_start3A_743 = arith.constant 8 : i32
          %dma_start3A_744 = tpu.memref_slice %arg2[%dma_start3A_743, %add3A_730] : memref<16x1000000xf32, #tpu.memory_space<hbm>> -> memref<8x128xf32, #tpu.memory_space<hbm>>
          tpu.enqueue_dma source(%dma_start3A_744 : memref<8x128xf32, #tpu.memory_space<hbm>>) target(%dma_start3A_742 : memref<8x128xf32, #tpu.memory_space<vmem>>) target_semaphore(%arg6 : memref<!tpu.dma_semaphore, #tpu.memory_space<semaphore_mem>>)
          %add3A_745 = arith.constant 128 : i32
          %add3A_746 = arith.addi %mul3A_664, %add3A_745 : i32
          %dma_start3A_747 = arith.constant 0 : i32
          %dma_start3A_748 = arith.constant 5 : i32
          %dma_start3A_749 = arith.constant 0 : i32
          %dma_start3A_750 = arith.constant 0 : i32
          %dma_start3A_751 = tpu.memref_slice %arg4[%dma_start3A_747, %dma_start3A_748, %dma_start3A_749, %dma_start3A_750] : memref<3x8x8x128xf32, #tpu.memory_space<vmem>> -> memref<1x1x8x128xf32, #tpu.memory_space<vmem>>
          %dma_start3A_752 = tpu.memref_squeeze %dma_start3A_751 : memref<1x1x8x128xf32, #tpu.memory_space<vmem>> -> memref<8x128xf32, #tpu.memory_space<vmem>>
          %dma_start3A_753 = arith.constant 8 : i32
          %dma_start3A_754 = tpu.memref_slice %arg2[%dma_start3A_753, %add3A_746] : memref<16x1000000xf32, #tpu.memory_space<hbm>> -> memref<8x128xf32, #tpu.memory_space<hbm>>
          %dma_start3A_755 = arith.constant 0 : i32
          %dma_start3A_756 = arith.constant 0 : i32
          %dma_start3A_757 = tpu.memref_slice %arg4[%dma_start3A_747, %dma_start3A_748, %dma_start3A_755, %dma_start3A_756] : memref<3x8x8x128xf32, #tpu.memory_space<vmem>> -> memref<1x1x8x128xf32, #tpu.memory_space<vmem>>
          %dma_start3A_758 = tpu.memref_squeeze %dma_start3A_757 : memref<1x1x8x128xf32, #tpu.memory_space<vmem>> -> memref<8x128xf32, #tpu.memory_space<vmem>>
          %dma_start3A_759 = arith.constant 8 : i32
          %dma_start3A_760 = tpu.memref_slice %arg2[%dma_start3A_759, %add3A_746] : memref<16x1000000xf32, #tpu.memory_space<hbm>> -> memref<8x128xf32, #tpu.memory_space<hbm>>
          tpu.enqueue_dma source(%dma_start3A_760 : memref<8x128xf32, #tpu.memory_space<hbm>>) target(%dma_start3A_758 : memref<8x128xf32, #tpu.memory_space<vmem>>) target_semaphore(%arg6 : memref<!tpu.dma_semaphore, #tpu.memory_space<semaphore_mem>>)
          %add3A_761 = arith.constant 256 : i32
          %add3A_762 = arith.addi %mul3A_664, %add3A_761 : i32
          %dma_start3A_763 = arith.constant 0 : i32
          %dma_start3A_764 = arith.constant 6 : i32
          %dma_start3A_765 = arith.constant 0 : i32
          %dma_start3A_766 = arith.constant 0 : i32
          %dma_start3A_767 = tpu.memref_slice %arg4[%dma_start3A_763, %dma_start3A_764, %dma_start3A_765, %dma_start3A_766] : memref<3x8x8x128xf32, #tpu.memory_space<vmem>> -> memref<1x1x8x128xf32, #tpu.memory_space<vmem>>
          %dma_start3A_768 = tpu.memref_squeeze %dma_start3A_767 : memref<1x1x8x128xf32, #tpu.memory_space<vmem>> -> memref<8x128xf32, #tpu.memory_space<vmem>>
          %dma_start3A_769 = arith.constant 8 : i32
          %dma_start3A_770 = tpu.memref_slice %arg2[%dma_start3A_769, %add3A_762] : memref<16x1000000xf32, #tpu.memory_space<hbm>> -> memref<8x128xf32, #tpu.memory_space<hbm>>
          %dma_start3A_771 = arith.constant 0 : i32
          %dma_start3A_772 = arith.constant 0 : i32
          %dma_start3A_773 = tpu.memref_slice %arg4[%dma_start3A_763, %dma_start3A_764, %dma_start3A_771, %dma_start3A_772] : memref<3x8x8x128xf32, #tpu.memory_space<vmem>> -> memref<1x1x8x128xf32, #tpu.memory_space<vmem>>
          %dma_start3A_774 = tpu.memref_squeeze %dma_start3A_773 : memref<1x1x8x128xf32, #tpu.memory_space<vmem>> -> memref<8x128xf32, #tpu.memory_space<vmem>>
          %dma_start3A_775 = arith.constant 8 : i32
          %dma_start3A_776 = tpu.memref_slice %arg2[%dma_start3A_775, %add3A_762] : memref<16x1000000xf32, #tpu.memory_space<hbm>> -> memref<8x128xf32, #tpu.memory_space<hbm>>
          tpu.enqueue_dma source(%dma_start3A_776 : memref<8x128xf32, #tpu.memory_space<hbm>>) target(%dma_start3A_774 : memref<8x128xf32, #tpu.memory_space<vmem>>) target_semaphore(%arg6 : memref<!tpu.dma_semaphore, #tpu.memory_space<semaphore_mem>>)
          %add3A_777 = arith.constant 384 : i32
          %add3A_778 = arith.addi %mul3A_664, %add3A_777 : i32
          %dma_start3A_779 = arith.constant 0 : i32
          %dma_start3A_780 = arith.constant 7 : i32
          %dma_start3A_781 = arith.constant 0 : i32
          %dma_start3A_782 = arith.constant 0 : i32
          %dma_start3A_783 = tpu.memref_slice %arg4[%dma_start3A_779, %dma_start3A_780, %dma_start3A_781, %dma_start3A_782] : memref<3x8x8x128xf32, #tpu.memory_space<vmem>> -> memref<1x1x8x128xf32, #tpu.memory_space<vmem>>
          %dma_start3A_784 = tpu.memref_squeeze %dma_start3A_783 : memref<1x1x8x128xf32, #tpu.memory_space<vmem>> -> memref<8x128xf32, #tpu.memory_space<vmem>>
          %dma_start3A_785 = arith.constant 8 : i32
          %dma_start3A_786 = tpu.memref_slice %arg2[%dma_start3A_785, %add3A_778] : memref<16x1000000xf32, #tpu.memory_space<hbm>> -> memref<8x128xf32, #tpu.memory_space<hbm>>
          %dma_start3A_787 = arith.constant 0 : i32
          %dma_start3A_788 = arith.constant 0 : i32
          %dma_start3A_789 = tpu.memref_slice %arg4[%dma_start3A_779, %dma_start3A_780, %dma_start3A_787, %dma_start3A_788] : memref<3x8x8x128xf32, #tpu.memory_space<vmem>> -> memref<1x1x8x128xf32, #tpu.memory_space<vmem>>
          %dma_start3A_790 = tpu.memref_squeeze %dma_start3A_789 : memref<1x1x8x128xf32, #tpu.memory_space<vmem>> -> memref<8x128xf32, #tpu.memory_space<vmem>>
          %dma_start3A_791 = arith.constant 8 : i32
          %dma_start3A_792 = tpu.memref_slice %arg2[%dma_start3A_791, %add3A_778] : memref<16x1000000xf32, #tpu.memory_space<hbm>> -> memref<8x128xf32, #tpu.memory_space<hbm>>
          tpu.enqueue_dma source(%dma_start3A_792 : memref<8x128xf32, #tpu.memory_space<hbm>>) target(%dma_start3A_790 : memref<8x128xf32, #tpu.memory_space<vmem>>) target_semaphore(%arg6 : memref<!tpu.dma_semaphore, #tpu.memory_space<semaphore_mem>>)
        } else {
        }
        %ge3A = arith.constant 3 : i32
        %ge3A_636 = arith.cmpi sge, %add3A_491, %ge3A : i32
        %convert_element_type3A_637 = arith.extui %ge3A_636 : i1 to i32
        %cond3A_638 = arith.constant 0 : i32
        %cond3A_639 = arith.cmpi ne, %convert_element_type3A_637, %cond3A_638 : i32
        scf.if %cond3A_639 {
          %dma_wait3A_660 = arith.constant 1 : i32
          %dma_wait3A_661 = arith.constant 0 : i32
          %dma_wait3A_662 = tpu.memref_slice %arg5[%dma_wait3A_660, %dma_wait3A_661] : memref<4x8192xf32, #tpu.memory_space<vmem>> -> memref<1x8192xf32, #tpu.memory_space<vmem>>
          %dma_wait3A_663 = tpu.memref_squeeze %dma_wait3A_662 : memref<1x8192xf32, #tpu.memory_space<vmem>> -> memref<8192xf32, #tpu.memory_space<vmem>>
          %dma_wait3A_664 = arith.constant 0 : i32
          %dma_wait3A_665 = tpu.memref_slice %arg3[%dma_wait3A_664] : memref<16000000xf32, #tpu.memory_space<hbm>> -> memref<8192xf32, #tpu.memory_space<hbm>>
          %dma_wait3A_666 = arith.constant 0 : i32
          %dma_wait3A_667 = tpu.memref_slice %arg5[%dma_wait3A_660, %dma_wait3A_666] : memref<4x8192xf32, #tpu.memory_space<vmem>> -> memref<1x8192xf32, #tpu.memory_space<vmem>>
          %dma_wait3A_668 = tpu.memref_squeeze %dma_wait3A_667 : memref<1x8192xf32, #tpu.memory_space<vmem>> -> memref<8192xf32, #tpu.memory_space<vmem>>
          %dma_wait3A_669 = arith.constant 0 : i32
          %dma_wait3A_670 = tpu.memref_slice %arg3[%dma_wait3A_669] : memref<16000000xf32, #tpu.memory_space<hbm>> -> memref<8192xf32, #tpu.memory_space<hbm>>
          tpu.wait_dma2 semaphore(%arg7 : memref<!tpu.dma_semaphore, #tpu.memory_space<semaphore_mem>>) src(%dma_wait3A_670 : memref<8192xf32, #tpu.memory_space<hbm>>) dst(%dma_wait3A_668 : memref<8192xf32, #tpu.memory_space<vmem>>)
        } else {
        }
        %add3A_640 = arith.addi %add3A_6, %add3A_491 : i32
        %mul3A_641 = arith.constant 512 : i32
        %mul3A_642 = arith.muli %add3A_640, %mul3A_641 : i32
        %scan3A_643 = arith.constant 0 : i32
        %scan3A_644 = arith.constant 0 : i32
        %scan3A_645 = arith.constant 4 : i32
        %scan3A_646 = arith.addi %scan3A_644, %scan3A_645 : i32
        %scan3A_647 = arith.constant 1 : i32
        scf.for %scan3A_660 = %scan3A_644 to %scan3A_646 step %scan3A_647  : i32 {
          %mul3A_661 = arith.constant 1024 : i32
          %mul3A_662 = arith.muli %scan3A_660, %mul3A_661 : i32
          %add3A_663 = arith.constant 8192 : i32
          %add3A_664 = arith.addi %mul3A_662, %add3A_663 : i32
          %add3A_665 = vector.broadcast %add3A_664 : i32 to vector<16xi32>
          %add3A_666 = arith.addi %add3A_187, %add3A_665 : vector<16xi32>
          %mul3A_667 = arith.constant 2048 : i32
          %mul3A_668 = arith.muli %scan3A_660, %mul3A_667 : i32
          %parallel_loop3A = arith.constant 0 : i32
          %parallel_loop3A_669 = arith.constant 8 : i32
          %parallel_loop3A_670 = arith.constant 1 : i32
          scf.for %parallel_loop3A_671 = %parallel_loop3A to %parallel_loop3A_669 step %parallel_loop3A_670  : i32 {
            %parallel_loop3A_672 = arith.constant 16 : i32
            %parallel_loop3A_673 = arith.muli %parallel_loop3A_671, %parallel_loop3A_672 : i32
            %parallel_loop3A_674 = vector.broadcast %parallel_loop3A_673 : i32 to vector<16xi32>
            %parallel_loop3A_675 = arith.addi %add3A_666, %parallel_loop3A_674 : vector<16xi32>
            %parallel_loop3A_676 = arith.constant 16 : i32
            %parallel_loop3A_677 = arith.muli %parallel_loop3A_673, %parallel_loop3A_676 : i32
            %parallel_loop3A_678 = arith.addi %mul3A_668, %parallel_loop3A_677 : i32
            %parallel_loop3A_679 = vector.broadcast %parallel_loop3A_678 : i32 to vector<16xi32>
            %parallel_loop3A_680 = arith.addi %iota3A, %parallel_loop3A_679 : vector<16xi32>
            %parallel_loop3A_681 = arith.addi %parallel_loop3A_675, %and3A_24 : vector<16xi32>
            %parallel_loop3A_682 = tpu.vector_load_idx %arg4[%broadcast_in_dim3A_180, %broadcast_in_dim3A_180, %broadcast_in_dim3A_180, %parallel_loop3A_681] : memref<3x8x8x128xf32, #tpu.memory_space<vmem>>[vector<16xi32>, vector<16xi32>, vector<16xi32>, vector<16xi32>], vector<16xf32>,
            %parallel_loop3A_683 = arith.addi %parallel_loop3A_680, %add3A_118 : vector<16xi32>
            tpu.vector_store_idx %arg5[%broadcast_in_dim3A_16, %parallel_loop3A_683], %parallel_loop3A_682 : memref<4x8192xf32, #tpu.memory_space<vmem>>[vector<16xi32>, vector<16xi32>], vector<16xf32>,
            %parallel_loop3A_684 = arith.addi %parallel_loop3A_675, %and3A_30 : vector<16xi32>
            %parallel_loop3A_685 = tpu.vector_load_idx %arg4[%broadcast_in_dim3A_180, %broadcast_in_dim3A_180, %broadcast_in_dim3A_180, %parallel_loop3A_684] : memref<3x8x8x128xf32, #tpu.memory_space<vmem>>[vector<16xi32>, vector<16xi32>, vector<16xi32>, vector<16xi32>], vector<16xf32>,
            %parallel_loop3A_686 = arith.addi %parallel_loop3A_680, %add3A_122 : vector<16xi32>
            tpu.vector_store_idx %arg5[%broadcast_in_dim3A_16, %parallel_loop3A_686], %parallel_loop3A_685 : memref<4x8192xf32, #tpu.memory_space<vmem>>[vector<16xi32>, vector<16xi32>], vector<16xf32>,
            %parallel_loop3A_687 = arith.addi %parallel_loop3A_675, %and3A_36 : vector<16xi32>
            %parallel_loop3A_688 = tpu.vector_load_idx %arg4[%broadcast_in_dim3A_180, %broadcast_in_dim3A_180, %broadcast_in_dim3A_180, %parallel_loop3A_687] : memref<3x8x8x128xf32, #tpu.memory_space<vmem>>[vector<16xi32>, vector<16xi32>, vector<16xi32>, vector<16xi32>], vector<16xf32>,
            %parallel_loop3A_689 = arith.addi %parallel_loop3A_680, %add3A_126 : vector<16xi32>
            tpu.vector_store_idx %arg5[%broadcast_in_dim3A_16, %parallel_loop3A_689], %parallel_loop3A_688 : memref<4x8192xf32, #tpu.memory_space<vmem>>[vector<16xi32>, vector<16xi32>], vector<16xf32>,
            %parallel_loop3A_690 = arith.addi %parallel_loop3A_675, %and3A_42 : vector<16xi32>
            %parallel_loop3A_691 = tpu.vector_load_idx %arg4[%broadcast_in_dim3A_180, %broadcast_in_dim3A_180, %broadcast_in_dim3A_180, %parallel_loop3A_690] : memref<3x8x8x128xf32, #tpu.memory_space<vmem>>[vector<16xi32>, vector<16xi32>, vector<16xi32>, vector<16xi32>], vector<16xf32>,
            %parallel_loop3A_692 = arith.addi %parallel_loop3A_680, %add3A_130 : vector<16xi32>
            tpu.vector_store_idx %arg5[%broadcast_in_dim3A_16, %parallel_loop3A_692], %parallel_loop3A_691 : memref<4x8192xf32, #tpu.memory_space<vmem>>[vector<16xi32>, vector<16xi32>], vector<16xf32>,
            %parallel_loop3A_693 = arith.addi %parallel_loop3A_675, %and3A_48 : vector<16xi32>
            %parallel_loop3A_694 = tpu.vector_load_idx %arg4[%broadcast_in_dim3A_180, %broadcast_in_dim3A_180, %broadcast_in_dim3A_180, %parallel_loop3A_693] : memref<3x8x8x128xf32, #tpu.memory_space<vmem>>[vector<16xi32>, vector<16xi32>, vector<16xi32>, vector<16xi32>], vector<16xf32>,
            %parallel_loop3A_695 = arith.addi %parallel_loop3A_680, %add3A_134 : vector<16xi32>
            tpu.vector_store_idx %arg5[%broadcast_in_dim3A_16, %parallel_loop3A_695], %parallel_loop3A_694 : memref<4x8192xf32, #tpu.memory_space<vmem>>[vector<16xi32>, vector<16xi32>], vector<16xf32>,
            %parallel_loop3A_696 = arith.addi %parallel_loop3A_675, %and3A_54 : vector<16xi32>
            %parallel_loop3A_697 = tpu.vector_load_idx %arg4[%broadcast_in_dim3A_180, %broadcast_in_dim3A_180, %broadcast_in_dim3A_180, %parallel_loop3A_696] : memref<3x8x8x128xf32, #tpu.memory_space<vmem>>[vector<16xi32>, vector<16xi32>, vector<16xi32>, vector<16xi32>], vector<16xf32>,
            %parallel_loop3A_698 = arith.addi %parallel_loop3A_680, %add3A_138 : vector<16xi32>
            tpu.vector_store_idx %arg5[%broadcast_in_dim3A_16, %parallel_loop3A_698], %parallel_loop3A_697 : memref<4x8192xf32, #tpu.memory_space<vmem>>[vector<16xi32>, vector<16xi32>], vector<16xf32>,
            %parallel_loop3A_699 = arith.addi %parallel_loop3A_675, %and3A_60 : vector<16xi32>
            %parallel_loop3A_700 = tpu.vector_load_idx %arg4[%broadcast_in_dim3A_180, %broadcast_in_dim3A_180, %broadcast_in_dim3A_180, %parallel_loop3A_699] : memref<3x8x8x128xf32, #tpu.memory_space<vmem>>[vector<16xi32>, vector<16xi32>, vector<16xi32>, vector<16xi32>], vector<16xf32>,
            %parallel_loop3A_701 = arith.addi %parallel_loop3A_680, %add3A_142 : vector<16xi32>
            tpu.vector_store_idx %arg5[%broadcast_in_dim3A_16, %parallel_loop3A_701], %parallel_loop3A_700 : memref<4x8192xf32, #tpu.memory_space<vmem>>[vector<16xi32>, vector<16xi32>], vector<16xf32>,
            %parallel_loop3A_702 = arith.addi %parallel_loop3A_675, %and3A_66 : vector<16xi32>
            %parallel_loop3A_703 = tpu.vector_load_idx %arg4[%broadcast_in_dim3A_180, %broadcast_in_dim3A_180, %broadcast_in_dim3A_180, %parallel_loop3A_702] : memref<3x8x8x128xf32, #tpu.memory_space<vmem>>[vector<16xi32>, vector<16xi32>, vector<16xi32>, vector<16xi32>], vector<16xf32>,
            %parallel_loop3A_704 = arith.addi %parallel_loop3A_680, %add3A_146 : vector<16xi32>
            tpu.vector_store_idx %arg5[%broadcast_in_dim3A_16, %parallel_loop3A_704], %parallel_loop3A_703 : memref<4x8192xf32, #tpu.memory_space<vmem>>[vector<16xi32>, vector<16xi32>], vector<16xf32>,
            %parallel_loop3A_705 = arith.addi %parallel_loop3A_675, %and3A_72 : vector<16xi32>
            %parallel_loop3A_706 = tpu.vector_load_idx %arg4[%broadcast_in_dim3A_180, %broadcast_in_dim3A_180, %broadcast_in_dim3A_180, %parallel_loop3A_705] : memref<3x8x8x128xf32, #tpu.memory_space<vmem>>[vector<16xi32>, vector<16xi32>, vector<16xi32>, vector<16xi32>], vector<16xf32>,
            %parallel_loop3A_707 = arith.addi %parallel_loop3A_680, %add3A_150 : vector<16xi32>
            tpu.vector_store_idx %arg5[%broadcast_in_dim3A_16, %parallel_loop3A_707], %parallel_loop3A_706 : memref<4x8192xf32, #tpu.memory_space<vmem>>[vector<16xi32>, vector<16xi32>], vector<16xf32>,
            %parallel_loop3A_708 = arith.addi %parallel_loop3A_675, %and3A_78 : vector<16xi32>
            %parallel_loop3A_709 = tpu.vector_load_idx %arg4[%broadcast_in_dim3A_180, %broadcast_in_dim3A_180, %broadcast_in_dim3A_180, %parallel_loop3A_708] : memref<3x8x8x128xf32, #tpu.memory_space<vmem>>[vector<16xi32>, vector<16xi32>, vector<16xi32>, vector<16xi32>], vector<16xf32>,
            %parallel_loop3A_710 = arith.addi %parallel_loop3A_680, %add3A_154 : vector<16xi32>
            tpu.vector_store_idx %arg5[%broadcast_in_dim3A_16, %parallel_loop3A_710], %parallel_loop3A_709 : memref<4x8192xf32, #tpu.memory_space<vmem>>[vector<16xi32>, vector<16xi32>], vector<16xf32>,
            %parallel_loop3A_711 = arith.addi %parallel_loop3A_675, %and3A_84 : vector<16xi32>
            %parallel_loop3A_712 = tpu.vector_load_idx %arg4[%broadcast_in_dim3A_180, %broadcast_in_dim3A_180, %broadcast_in_dim3A_180, %parallel_loop3A_711] : memref<3x8x8x128xf32, #tpu.memory_space<vmem>>[vector<16xi32>, vector<16xi32>, vector<16xi32>, vector<16xi32>], vector<16xf32>,
            %parallel_loop3A_713 = arith.addi %parallel_loop3A_680, %add3A_158 : vector<16xi32>
            tpu.vector_store_idx %arg5[%broadcast_in_dim3A_16, %parallel_loop3A_713], %parallel_loop3A_712 : memref<4x8192xf32, #tpu.memory_space<vmem>>[vector<16xi32>, vector<16xi32>], vector<16xf32>,
            %parallel_loop3A_714 = arith.addi %parallel_loop3A_675, %and3A_90 : vector<16xi32>
            %parallel_loop3A_715 = tpu.vector_load_idx %arg4[%broadcast_in_dim3A_180, %broadcast_in_dim3A_180, %broadcast_in_dim3A_180, %parallel_loop3A_714] : memref<3x8x8x128xf32, #tpu.memory_space<vmem>>[vector<16xi32>, vector<16xi32>, vector<16xi32>, vector<16xi32>], vector<16xf32>,
            %parallel_loop3A_716 = arith.addi %parallel_loop3A_680, %add3A_162 : vector<16xi32>
            tpu.vector_store_idx %arg5[%broadcast_in_dim3A_16, %parallel_loop3A_716], %parallel_loop3A_715 : memref<4x8192xf32, #tpu.memory_space<vmem>>[vector<16xi32>, vector<16xi32>], vector<16xf32>,
            %parallel_loop3A_717 = arith.addi %parallel_loop3A_675, %and3A_96 : vector<16xi32>
            %parallel_loop3A_718 = tpu.vector_load_idx %arg4[%broadcast_in_dim3A_180, %broadcast_in_dim3A_180, %broadcast_in_dim3A_180, %parallel_loop3A_717] : memref<3x8x8x128xf32, #tpu.memory_space<vmem>>[vector<16xi32>, vector<16xi32>, vector<16xi32>, vector<16xi32>], vector<16xf32>,
            %parallel_loop3A_719 = arith.addi %parallel_loop3A_680, %add3A_166 : vector<16xi32>
            tpu.vector_store_idx %arg5[%broadcast_in_dim3A_16, %parallel_loop3A_719], %parallel_loop3A_718 : memref<4x8192xf32, #tpu.memory_space<vmem>>[vector<16xi32>, vector<16xi32>], vector<16xf32>,
            %parallel_loop3A_720 = arith.addi %parallel_loop3A_675, %and3A_102 : vector<16xi32>
            %parallel_loop3A_721 = tpu.vector_load_idx %arg4[%broadcast_in_dim3A_180, %broadcast_in_dim3A_180, %broadcast_in_dim3A_180, %parallel_loop3A_720] : memref<3x8x8x128xf32, #tpu.memory_space<vmem>>[vector<16xi32>, vector<16xi32>, vector<16xi32>, vector<16xi32>], vector<16xf32>,
            %parallel_loop3A_722 = arith.addi %parallel_loop3A_680, %add3A_170 : vector<16xi32>
            tpu.vector_store_idx %arg5[%broadcast_in_dim3A_16, %parallel_loop3A_722], %parallel_loop3A_721 : memref<4x8192xf32, #tpu.memory_space<vmem>>[vector<16xi32>, vector<16xi32>], vector<16xf32>,
            %parallel_loop3A_723 = arith.addi %parallel_loop3A_675, %and3A_108 : vector<16xi32>
            %parallel_loop3A_724 = tpu.vector_load_idx %arg4[%broadcast_in_dim3A_180, %broadcast_in_dim3A_180, %broadcast_in_dim3A_180, %parallel_loop3A_723] : memref<3x8x8x128xf32, #tpu.memory_space<vmem>>[vector<16xi32>, vector<16xi32>, vector<16xi32>, vector<16xi32>], vector<16xf32>,
            %parallel_loop3A_725 = arith.addi %parallel_loop3A_680, %add3A_174 : vector<16xi32>
            tpu.vector_store_idx %arg5[%broadcast_in_dim3A_16, %parallel_loop3A_725], %parallel_loop3A_724 : memref<4x8192xf32, #tpu.memory_space<vmem>>[vector<16xi32>, vector<16xi32>], vector<16xf32>,
            %parallel_loop3A_726 = arith.addi %parallel_loop3A_675, %and3A_114 : vector<16xi32>
            %parallel_loop3A_727 = tpu.vector_load_idx %arg4[%broadcast_in_dim3A_180, %broadcast_in_dim3A_180, %broadcast_in_dim3A_180, %parallel_loop3A_726] : memref<3x8x8x128xf32, #tpu.memory_space<vmem>>[vector<16xi32>, vector<16xi32>, vector<16xi32>, vector<16xi32>], vector<16xf32>,
            %parallel_loop3A_728 = arith.addi %parallel_loop3A_680, %add3A_178 : vector<16xi32>
            tpu.vector_store_idx %arg5[%broadcast_in_dim3A_16, %parallel_loop3A_728], %parallel_loop3A_727 : memref<4x8192xf32, #tpu.memory_space<vmem>>[vector<16xi32>, vector<16xi32>], vector<16xf32>,
          } {sc.loop_unroll_factor = 4 : i64, sc.parallel_access}
        }
        %scan3A_648 = arith.constant 4 : i32
        %mul3A_649 = arith.constant 16 : i32
        %mul3A_650 = arith.muli %mul3A_642, %mul3A_649 : i32
        %dma_start3A_651 = arith.constant 1 : i32
        %dma_start3A_652 = arith.constant 0 : i32
        %dma_start3A_653 = tpu.memref_slice %arg5[%dma_start3A_651, %dma_start3A_652] : memref<4x8192xf32, #tpu.memory_space<vmem>> -> memref<1x8192xf32, #tpu.memory_space<vmem>>
        %dma_start3A_654 = tpu.memref_squeeze %dma_start3A_653 : memref<1x8192xf32, #tpu.memory_space<vmem>> -> memref<8192xf32, #tpu.memory_space<vmem>>
        %dma_start3A_655 = tpu.memref_slice %arg3[%mul3A_650] : memref<16000000xf32, #tpu.memory_space<hbm>> -> memref<8192xf32, #tpu.memory_space<hbm>>
        %dma_start3A_656 = tpu.memref_slice %arg3[%mul3A_650] : memref<16000000xf32, #tpu.memory_space<hbm>> -> memref<8192xf32, #tpu.memory_space<hbm>>
        %dma_start3A_657 = arith.constant 0 : i32
        %dma_start3A_658 = tpu.memref_slice %arg5[%dma_start3A_651, %dma_start3A_657] : memref<4x8192xf32, #tpu.memory_space<vmem>> -> memref<1x8192xf32, #tpu.memory_space<vmem>>
        %dma_start3A_659 = tpu.memref_squeeze %dma_start3A_658 : memref<1x8192xf32, #tpu.memory_space<vmem>> -> memref<8192xf32, #tpu.memory_space<vmem>>
        tpu.enqueue_dma source(%dma_start3A_659 : memref<8192xf32, #tpu.memory_space<vmem>>) target(%dma_start3A_656 : memref<8192xf32, #tpu.memory_space<hbm>>) target_semaphore(%arg7 : memref<!tpu.dma_semaphore, #tpu.memory_space<semaphore_mem>>)
      } else {
      }
      %add3A_496 = arith.constant 2 : i32
      %add3A_497 = arith.addi %mul3A_488, %add3A_496 : i32
      %lt3A_498 = arith.cmpi slt, %add3A_497, %select_n3A : i32
      %convert_element_type3A_499 = arith.extui %lt3A_498 : i1 to i32
      %cond3A_500 = arith.constant 0 : i32
      %cond3A_501 = arith.cmpi ne, %convert_element_type3A_499, %cond3A_500 : i32
      scf.if %cond3A_501 {
        %dma_wait3A_502 = arith.constant 2 : i32
        %dma_wait3A_503 = arith.constant 0 : i32
        %dma_wait3A_504 = arith.constant 0 : i32
        %dma_wait3A_505 = arith.constant 0 : i32
        %dma_wait3A_506 = tpu.memref_slice %arg4[%dma_wait3A_502, %dma_wait3A_503, %dma_wait3A_504, %dma_wait3A_505] : memref<3x8x8x128xf32, #tpu.memory_space<vmem>> -> memref<1x1x8x128xf32, #tpu.memory_space<vmem>>
        %dma_wait3A_507 = tpu.memref_squeeze %dma_wait3A_506 : memref<1x1x8x128xf32, #tpu.memory_space<vmem>> -> memref<8x128xf32, #tpu.memory_space<vmem>>
        %dma_wait3A_508 = arith.constant 0 : i32
        %dma_wait3A_509 = arith.constant 0 : i32
        %dma_wait3A_510 = tpu.memref_slice %arg2[%dma_wait3A_508, %dma_wait3A_509] : memref<16x1000000xf32, #tpu.memory_space<hbm>> -> memref<8x128xf32, #tpu.memory_space<hbm>>
        %dma_wait3A_511 = arith.constant 0 : i32
        %dma_wait3A_512 = arith.constant 0 : i32
        %dma_wait3A_513 = tpu.memref_slice %arg4[%dma_wait3A_502, %dma_wait3A_503, %dma_wait3A_511, %dma_wait3A_512] : memref<3x8x8x128xf32, #tpu.memory_space<vmem>> -> memref<1x1x8x128xf32, #tpu.memory_space<vmem>>
        %dma_wait3A_514 = tpu.memref_squeeze %dma_wait3A_513 : memref<1x1x8x128xf32, #tpu.memory_space<vmem>> -> memref<8x128xf32, #tpu.memory_space<vmem>>
        %dma_wait3A_515 = arith.constant 0 : i32
        %dma_wait3A_516 = arith.constant 0 : i32
        %dma_wait3A_517 = tpu.memref_slice %arg2[%dma_wait3A_515, %dma_wait3A_516] : memref<16x1000000xf32, #tpu.memory_space<hbm>> -> memref<8x128xf32, #tpu.memory_space<hbm>>
        tpu.wait_dma2 semaphore(%arg6 : memref<!tpu.dma_semaphore, #tpu.memory_space<semaphore_mem>>) src(%dma_wait3A_517 : memref<8x128xf32, #tpu.memory_space<hbm>>) dst(%dma_wait3A_514 : memref<8x128xf32, #tpu.memory_space<vmem>>)
        %dma_wait3A_518 = arith.constant 2 : i32
        %dma_wait3A_519 = arith.constant 1 : i32
        %dma_wait3A_520 = arith.constant 0 : i32
        %dma_wait3A_521 = arith.constant 0 : i32
        %dma_wait3A_522 = tpu.memref_slice %arg4[%dma_wait3A_518, %dma_wait3A_519, %dma_wait3A_520, %dma_wait3A_521] : memref<3x8x8x128xf32, #tpu.memory_space<vmem>> -> memref<1x1x8x128xf32, #tpu.memory_space<vmem>>
        %dma_wait3A_523 = tpu.memref_squeeze %dma_wait3A_522 : memref<1x1x8x128xf32, #tpu.memory_space<vmem>> -> memref<8x128xf32, #tpu.memory_space<vmem>>
        %dma_wait3A_524 = arith.constant 0 : i32
        %dma_wait3A_525 = arith.constant 0 : i32
        %dma_wait3A_526 = tpu.memref_slice %arg2[%dma_wait3A_524, %dma_wait3A_525] : memref<16x1000000xf32, #tpu.memory_space<hbm>> -> memref<8x128xf32, #tpu.memory_space<hbm>>
        %dma_wait3A_527 = arith.constant 0 : i32
        %dma_wait3A_528 = arith.constant 0 : i32
        %dma_wait3A_529 = tpu.memref_slice %arg4[%dma_wait3A_518, %dma_wait3A_519, %dma_wait3A_527, %dma_wait3A_528] : memref<3x8x8x128xf32, #tpu.memory_space<vmem>> -> memref<1x1x8x128xf32, #tpu.memory_space<vmem>>
        %dma_wait3A_530 = tpu.memref_squeeze %dma_wait3A_529 : memref<1x1x8x128xf32, #tpu.memory_space<vmem>> -> memref<8x128xf32, #tpu.memory_space<vmem>>
        %dma_wait3A_531 = arith.constant 0 : i32
        %dma_wait3A_532 = arith.constant 0 : i32
        %dma_wait3A_533 = tpu.memref_slice %arg2[%dma_wait3A_531, %dma_wait3A_532] : memref<16x1000000xf32, #tpu.memory_space<hbm>> -> memref<8x128xf32, #tpu.memory_space<hbm>>
        tpu.wait_dma2 semaphore(%arg6 : memref<!tpu.dma_semaphore, #tpu.memory_space<semaphore_mem>>) src(%dma_wait3A_533 : memref<8x128xf32, #tpu.memory_space<hbm>>) dst(%dma_wait3A_530 : memref<8x128xf32, #tpu.memory_space<vmem>>)
        %dma_wait3A_534 = arith.constant 2 : i32
        %dma_wait3A_535 = arith.constant 2 : i32
        %dma_wait3A_536 = arith.constant 0 : i32
        %dma_wait3A_537 = arith.constant 0 : i32
        %dma_wait3A_538 = tpu.memref_slice %arg4[%dma_wait3A_534, %dma_wait3A_535, %dma_wait3A_536, %dma_wait3A_537] : memref<3x8x8x128xf32, #tpu.memory_space<vmem>> -> memref<1x1x8x128xf32, #tpu.memory_space<vmem>>
        %dma_wait3A_539 = tpu.memref_squeeze %dma_wait3A_538 : memref<1x1x8x128xf32, #tpu.memory_space<vmem>> -> memref<8x128xf32, #tpu.memory_space<vmem>>
        %dma_wait3A_540 = arith.constant 0 : i32
        %dma_wait3A_541 = arith.constant 0 : i32
        %dma_wait3A_542 = tpu.memref_slice %arg2[%dma_wait3A_540, %dma_wait3A_541] : memref<16x1000000xf32, #tpu.memory_space<hbm>> -> memref<8x128xf32, #tpu.memory_space<hbm>>
        %dma_wait3A_543 = arith.constant 0 : i32
        %dma_wait3A_544 = arith.constant 0 : i32
        %dma_wait3A_545 = tpu.memref_slice %arg4[%dma_wait3A_534, %dma_wait3A_535, %dma_wait3A_543, %dma_wait3A_544] : memref<3x8x8x128xf32, #tpu.memory_space<vmem>> -> memref<1x1x8x128xf32, #tpu.memory_space<vmem>>
        %dma_wait3A_546 = tpu.memref_squeeze %dma_wait3A_545 : memref<1x1x8x128xf32, #tpu.memory_space<vmem>> -> memref<8x128xf32, #tpu.memory_space<vmem>>
        %dma_wait3A_547 = arith.constant 0 : i32
        %dma_wait3A_548 = arith.constant 0 : i32
        %dma_wait3A_549 = tpu.memref_slice %arg2[%dma_wait3A_547, %dma_wait3A_548] : memref<16x1000000xf32, #tpu.memory_space<hbm>> -> memref<8x128xf32, #tpu.memory_space<hbm>>
        tpu.wait_dma2 semaphore(%arg6 : memref<!tpu.dma_semaphore, #tpu.memory_space<semaphore_mem>>) src(%dma_wait3A_549 : memref<8x128xf32, #tpu.memory_space<hbm>>) dst(%dma_wait3A_546 : memref<8x128xf32, #tpu.memory_space<vmem>>)
        %dma_wait3A_550 = arith.constant 2 : i32
        %dma_wait3A_551 = arith.constant 3 : i32
        %dma_wait3A_552 = arith.constant 0 : i32
        %dma_wait3A_553 = arith.constant 0 : i32
        %dma_wait3A_554 = tpu.memref_slice %arg4[%dma_wait3A_550, %dma_wait3A_551, %dma_wait3A_552, %dma_wait3A_553] : memref<3x8x8x128xf32, #tpu.memory_space<vmem>> -> memref<1x1x8x128xf32, #tpu.memory_space<vmem>>
        %dma_wait3A_555 = tpu.memref_squeeze %dma_wait3A_554 : memref<1x1x8x128xf32, #tpu.memory_space<vmem>> -> memref<8x128xf32, #tpu.memory_space<vmem>>
        %dma_wait3A_556 = arith.constant 0 : i32
        %dma_wait3A_557 = arith.constant 0 : i32
        %dma_wait3A_558 = tpu.memref_slice %arg2[%dma_wait3A_556, %dma_wait3A_557] : memref<16x1000000xf32, #tpu.memory_space<hbm>> -> memref<8x128xf32, #tpu.memory_space<hbm>>
        %dma_wait3A_559 = arith.constant 0 : i32
        %dma_wait3A_560 = arith.constant 0 : i32
        %dma_wait3A_561 = tpu.memref_slice %arg4[%dma_wait3A_550, %dma_wait3A_551, %dma_wait3A_559, %dma_wait3A_560] : memref<3x8x8x128xf32, #tpu.memory_space<vmem>> -> memref<1x1x8x128xf32, #tpu.memory_space<vmem>>
        %dma_wait3A_562 = tpu.memref_squeeze %dma_wait3A_561 : memref<1x1x8x128xf32, #tpu.memory_space<vmem>> -> memref<8x128xf32, #tpu.memory_space<vmem>>
        %dma_wait3A_563 = arith.constant 0 : i32
        %dma_wait3A_564 = arith.constant 0 : i32
        %dma_wait3A_565 = tpu.memref_slice %arg2[%dma_wait3A_563, %dma_wait3A_564] : memref<16x1000000xf32, #tpu.memory_space<hbm>> -> memref<8x128xf32, #tpu.memory_space<hbm>>
        tpu.wait_dma2 semaphore(%arg6 : memref<!tpu.dma_semaphore, #tpu.memory_space<semaphore_mem>>) src(%dma_wait3A_565 : memref<8x128xf32, #tpu.memory_space<hbm>>) dst(%dma_wait3A_562 : memref<8x128xf32, #tpu.memory_space<vmem>>)
        %dma_wait3A_566 = arith.constant 2 : i32
        %dma_wait3A_567 = arith.constant 4 : i32
        %dma_wait3A_568 = arith.constant 0 : i32
        %dma_wait3A_569 = arith.constant 0 : i32
        %dma_wait3A_570 = tpu.memref_slice %arg4[%dma_wait3A_566, %dma_wait3A_567, %dma_wait3A_568, %dma_wait3A_569] : memref<3x8x8x128xf32, #tpu.memory_space<vmem>> -> memref<1x1x8x128xf32, #tpu.memory_space<vmem>>
        %dma_wait3A_571 = tpu.memref_squeeze %dma_wait3A_570 : memref<1x1x8x128xf32, #tpu.memory_space<vmem>> -> memref<8x128xf32, #tpu.memory_space<vmem>>
        %dma_wait3A_572 = arith.constant 0 : i32
        %dma_wait3A_573 = arith.constant 0 : i32
        %dma_wait3A_574 = tpu.memref_slice %arg2[%dma_wait3A_572, %dma_wait3A_573] : memref<16x1000000xf32, #tpu.memory_space<hbm>> -> memref<8x128xf32, #tpu.memory_space<hbm>>
        %dma_wait3A_575 = arith.constant 0 : i32
        %dma_wait3A_576 = arith.constant 0 : i32
        %dma_wait3A_577 = tpu.memref_slice %arg4[%dma_wait3A_566, %dma_wait3A_567, %dma_wait3A_575, %dma_wait3A_576] : memref<3x8x8x128xf32, #tpu.memory_space<vmem>> -> memref<1x1x8x128xf32, #tpu.memory_space<vmem>>
        %dma_wait3A_578 = tpu.memref_squeeze %dma_wait3A_577 : memref<1x1x8x128xf32, #tpu.memory_space<vmem>> -> memref<8x128xf32, #tpu.memory_space<vmem>>
        %dma_wait3A_579 = arith.constant 0 : i32
        %dma_wait3A_580 = arith.constant 0 : i32
        %dma_wait3A_581 = tpu.memref_slice %arg2[%dma_wait3A_579, %dma_wait3A_580] : memref<16x1000000xf32, #tpu.memory_space<hbm>> -> memref<8x128xf32, #tpu.memory_space<hbm>>
        tpu.wait_dma2 semaphore(%arg6 : memref<!tpu.dma_semaphore, #tpu.memory_space<semaphore_mem>>) src(%dma_wait3A_581 : memref<8x128xf32, #tpu.memory_space<hbm>>) dst(%dma_wait3A_578 : memref<8x128xf32, #tpu.memory_space<vmem>>)
        %dma_wait3A_582 = arith.constant 2 : i32
        %dma_wait3A_583 = arith.constant 5 : i32
        %dma_wait3A_584 = arith.constant 0 : i32
        %dma_wait3A_585 = arith.constant 0 : i32
        %dma_wait3A_586 = tpu.memref_slice %arg4[%dma_wait3A_582, %dma_wait3A_583, %dma_wait3A_584, %dma_wait3A_585] : memref<3x8x8x128xf32, #tpu.memory_space<vmem>> -> memref<1x1x8x128xf32, #tpu.memory_space<vmem>>
        %dma_wait3A_587 = tpu.memref_squeeze %dma_wait3A_586 : memref<1x1x8x128xf32, #tpu.memory_space<vmem>> -> memref<8x128xf32, #tpu.memory_space<vmem>>
        %dma_wait3A_588 = arith.constant 0 : i32
        %dma_wait3A_589 = arith.constant 0 : i32
        %dma_wait3A_590 = tpu.memref_slice %arg2[%dma_wait3A_588, %dma_wait3A_589] : memref<16x1000000xf32, #tpu.memory_space<hbm>> -> memref<8x128xf32, #tpu.memory_space<hbm>>
        %dma_wait3A_591 = arith.constant 0 : i32
        %dma_wait3A_592 = arith.constant 0 : i32
        %dma_wait3A_593 = tpu.memref_slice %arg4[%dma_wait3A_582, %dma_wait3A_583, %dma_wait3A_591, %dma_wait3A_592] : memref<3x8x8x128xf32, #tpu.memory_space<vmem>> -> memref<1x1x8x128xf32, #tpu.memory_space<vmem>>
        %dma_wait3A_594 = tpu.memref_squeeze %dma_wait3A_593 : memref<1x1x8x128xf32, #tpu.memory_space<vmem>> -> memref<8x128xf32, #tpu.memory_space<vmem>>
        %dma_wait3A_595 = arith.constant 0 : i32
        %dma_wait3A_596 = arith.constant 0 : i32
        %dma_wait3A_597 = tpu.memref_slice %arg2[%dma_wait3A_595, %dma_wait3A_596] : memref<16x1000000xf32, #tpu.memory_space<hbm>> -> memref<8x128xf32, #tpu.memory_space<hbm>>
        tpu.wait_dma2 semaphore(%arg6 : memref<!tpu.dma_semaphore, #tpu.memory_space<semaphore_mem>>) src(%dma_wait3A_597 : memref<8x128xf32, #tpu.memory_space<hbm>>) dst(%dma_wait3A_594 : memref<8x128xf32, #tpu.memory_space<vmem>>)
        %dma_wait3A_598 = arith.constant 2 : i32
        %dma_wait3A_599 = arith.constant 6 : i32
        %dma_wait3A_600 = arith.constant 0 : i32
        %dma_wait3A_601 = arith.constant 0 : i32
        %dma_wait3A_602 = tpu.memref_slice %arg4[%dma_wait3A_598, %dma_wait3A_599, %dma_wait3A_600, %dma_wait3A_601] : memref<3x8x8x128xf32, #tpu.memory_space<vmem>> -> memref<1x1x8x128xf32, #tpu.memory_space<vmem>>
        %dma_wait3A_603 = tpu.memref_squeeze %dma_wait3A_602 : memref<1x1x8x128xf32, #tpu.memory_space<vmem>> -> memref<8x128xf32, #tpu.memory_space<vmem>>
        %dma_wait3A_604 = arith.constant 0 : i32
        %dma_wait3A_605 = arith.constant 0 : i32
        %dma_wait3A_606 = tpu.memref_slice %arg2[%dma_wait3A_604, %dma_wait3A_605] : memref<16x1000000xf32, #tpu.memory_space<hbm>> -> memref<8x128xf32, #tpu.memory_space<hbm>>
        %dma_wait3A_607 = arith.constant 0 : i32
        %dma_wait3A_608 = arith.constant 0 : i32
        %dma_wait3A_609 = tpu.memref_slice %arg4[%dma_wait3A_598, %dma_wait3A_599, %dma_wait3A_607, %dma_wait3A_608] : memref<3x8x8x128xf32, #tpu.memory_space<vmem>> -> memref<1x1x8x128xf32, #tpu.memory_space<vmem>>
        %dma_wait3A_610 = tpu.memref_squeeze %dma_wait3A_609 : memref<1x1x8x128xf32, #tpu.memory_space<vmem>> -> memref<8x128xf32, #tpu.memory_space<vmem>>
        %dma_wait3A_611 = arith.constant 0 : i32
        %dma_wait3A_612 = arith.constant 0 : i32
        %dma_wait3A_613 = tpu.memref_slice %arg2[%dma_wait3A_611, %dma_wait3A_612] : memref<16x1000000xf32, #tpu.memory_space<hbm>> -> memref<8x128xf32, #tpu.memory_space<hbm>>
        tpu.wait_dma2 semaphore(%arg6 : memref<!tpu.dma_semaphore, #tpu.memory_space<semaphore_mem>>) src(%dma_wait3A_613 : memref<8x128xf32, #tpu.memory_space<hbm>>) dst(%dma_wait3A_610 : memref<8x128xf32, #tpu.memory_space<vmem>>)
        %dma_wait3A_614 = arith.constant 2 : i32
        %dma_wait3A_615 = arith.constant 7 : i32
        %dma_wait3A_616 = arith.constant 0 : i32
        %dma_wait3A_617 = arith.constant 0 : i32
        %dma_wait3A_618 = tpu.memref_slice %arg4[%dma_wait3A_614, %dma_wait3A_615, %dma_wait3A_616, %dma_wait3A_617] : memref<3x8x8x128xf32, #tpu.memory_space<vmem>> -> memref<1x1x8x128xf32, #tpu.memory_space<vmem>>
        %dma_wait3A_619 = tpu.memref_squeeze %dma_wait3A_618 : memref<1x1x8x128xf32, #tpu.memory_space<vmem>> -> memref<8x128xf32, #tpu.memory_space<vmem>>
        %dma_wait3A_620 = arith.constant 0 : i32
        %dma_wait3A_621 = arith.constant 0 : i32
        %dma_wait3A_622 = tpu.memref_slice %arg2[%dma_wait3A_620, %dma_wait3A_621] : memref<16x1000000xf32, #tpu.memory_space<hbm>> -> memref<8x128xf32, #tpu.memory_space<hbm>>
        %dma_wait3A_623 = arith.constant 0 : i32
        %dma_wait3A_624 = arith.constant 0 : i32
        %dma_wait3A_625 = tpu.memref_slice %arg4[%dma_wait3A_614, %dma_wait3A_615, %dma_wait3A_623, %dma_wait3A_624] : memref<3x8x8x128xf32, #tpu.memory_space<vmem>> -> memref<1x1x8x128xf32, #tpu.memory_space<vmem>>
        %dma_wait3A_626 = tpu.memref_squeeze %dma_wait3A_625 : memref<1x1x8x128xf32, #tpu.memory_space<vmem>> -> memref<8x128xf32, #tpu.memory_space<vmem>>
        %dma_wait3A_627 = arith.constant 0 : i32
        %dma_wait3A_628 = arith.constant 0 : i32
        %dma_wait3A_629 = tpu.memref_slice %arg2[%dma_wait3A_627, %dma_wait3A_628] : memref<16x1000000xf32, #tpu.memory_space<hbm>> -> memref<8x128xf32, #tpu.memory_space<hbm>>
        tpu.wait_dma2 semaphore(%arg6 : memref<!tpu.dma_semaphore, #tpu.memory_space<semaphore_mem>>) src(%dma_wait3A_629 : memref<8x128xf32, #tpu.memory_space<hbm>>) dst(%dma_wait3A_626 : memref<8x128xf32, #tpu.memory_space<vmem>>)
        %add3A_630 = arith.constant 2 : i32
        %add3A_631 = arith.addi %add3A_497, %add3A_630 : i32
        %lt3A_632 = arith.cmpi slt, %add3A_631, %select_n3A : i32
        %convert_element_type3A_633 = arith.extui %lt3A_632 : i1 to i32
        %cond3A_634 = arith.constant 0 : i32
        %cond3A_635 = arith.cmpi ne, %convert_element_type3A_633, %cond3A_634 : i32
        scf.if %cond3A_635 {
          %add3A_660 = arith.addi %add3A_6, %add3A_497 : i32
          %add3A_661 = arith.constant 2 : i32
          %add3A_662 = arith.addi %add3A_660, %add3A_661 : i32
          %mul3A_663 = arith.constant 512 : i32
          %mul3A_664 = arith.muli %add3A_662, %mul3A_663 : i32
          %add3A_665 = arith.constant 0 : i32
          %add3A_666 = arith.addi %mul3A_664, %add3A_665 : i32
          %dma_start3A_667 = arith.constant 1 : i32
          %dma_start3A_668 = arith.constant 0 : i32
          %dma_start3A_669 = arith.constant 0 : i32
          %dma_start3A_670 = arith.constant 0 : i32
          %dma_start3A_671 = tpu.memref_slice %arg4[%dma_start3A_667, %dma_start3A_668, %dma_start3A_669, %dma_start3A_670] : memref<3x8x8x128xf32, #tpu.memory_space<vmem>> -> memref<1x1x8x128xf32, #tpu.memory_space<vmem>>
          %dma_start3A_672 = tpu.memref_squeeze %dma_start3A_671 : memref<1x1x8x128xf32, #tpu.memory_space<vmem>> -> memref<8x128xf32, #tpu.memory_space<vmem>>
          %dma_start3A_673 = arith.constant 0 : i32
          %dma_start3A_674 = tpu.memref_slice %arg2[%dma_start3A_673, %add3A_666] : memref<16x1000000xf32, #tpu.memory_space<hbm>> -> memref<8x128xf32, #tpu.memory_space<hbm>>
          %dma_start3A_675 = arith.constant 0 : i32
          %dma_start3A_676 = arith.constant 0 : i32
          %dma_start3A_677 = tpu.memref_slice %arg4[%dma_start3A_667, %dma_start3A_668, %dma_start3A_675, %dma_start3A_676] : memref<3x8x8x128xf32, #tpu.memory_space<vmem>> -> memref<1x1x8x128xf32, #tpu.memory_space<vmem>>
          %dma_start3A_678 = tpu.memref_squeeze %dma_start3A_677 : memref<1x1x8x128xf32, #tpu.memory_space<vmem>> -> memref<8x128xf32, #tpu.memory_space<vmem>>
          %dma_start3A_679 = arith.constant 0 : i32
          %dma_start3A_680 = tpu.memref_slice %arg2[%dma_start3A_679, %add3A_666] : memref<16x1000000xf32, #tpu.memory_space<hbm>> -> memref<8x128xf32, #tpu.memory_space<hbm>>
          tpu.enqueue_dma source(%dma_start3A_680 : memref<8x128xf32, #tpu.memory_space<hbm>>) target(%dma_start3A_678 : memref<8x128xf32, #tpu.memory_space<vmem>>) target_semaphore(%arg6 : memref<!tpu.dma_semaphore, #tpu.memory_space<semaphore_mem>>)
          %add3A_681 = arith.constant 128 : i32
          %add3A_682 = arith.addi %mul3A_664, %add3A_681 : i32
          %dma_start3A_683 = arith.constant 1 : i32
          %dma_start3A_684 = arith.constant 1 : i32
          %dma_start3A_685 = arith.constant 0 : i32
          %dma_start3A_686 = arith.constant 0 : i32
          %dma_start3A_687 = tpu.memref_slice %arg4[%dma_start3A_683, %dma_start3A_684, %dma_start3A_685, %dma_start3A_686] : memref<3x8x8x128xf32, #tpu.memory_space<vmem>> -> memref<1x1x8x128xf32, #tpu.memory_space<vmem>>
          %dma_start3A_688 = tpu.memref_squeeze %dma_start3A_687 : memref<1x1x8x128xf32, #tpu.memory_space<vmem>> -> memref<8x128xf32, #tpu.memory_space<vmem>>
          %dma_start3A_689 = arith.constant 0 : i32
          %dma_start3A_690 = tpu.memref_slice %arg2[%dma_start3A_689, %add3A_682] : memref<16x1000000xf32, #tpu.memory_space<hbm>> -> memref<8x128xf32, #tpu.memory_space<hbm>>
          %dma_start3A_691 = arith.constant 0 : i32
          %dma_start3A_692 = arith.constant 0 : i32
          %dma_start3A_693 = tpu.memref_slice %arg4[%dma_start3A_683, %dma_start3A_684, %dma_start3A_691, %dma_start3A_692] : memref<3x8x8x128xf32, #tpu.memory_space<vmem>> -> memref<1x1x8x128xf32, #tpu.memory_space<vmem>>
          %dma_start3A_694 = tpu.memref_squeeze %dma_start3A_693 : memref<1x1x8x128xf32, #tpu.memory_space<vmem>> -> memref<8x128xf32, #tpu.memory_space<vmem>>
          %dma_start3A_695 = arith.constant 0 : i32
          %dma_start3A_696 = tpu.memref_slice %arg2[%dma_start3A_695, %add3A_682] : memref<16x1000000xf32, #tpu.memory_space<hbm>> -> memref<8x128xf32, #tpu.memory_space<hbm>>
          tpu.enqueue_dma source(%dma_start3A_696 : memref<8x128xf32, #tpu.memory_space<hbm>>) target(%dma_start3A_694 : memref<8x128xf32, #tpu.memory_space<vmem>>) target_semaphore(%arg6 : memref<!tpu.dma_semaphore, #tpu.memory_space<semaphore_mem>>)
          %add3A_697 = arith.constant 256 : i32
          %add3A_698 = arith.addi %mul3A_664, %add3A_697 : i32
          %dma_start3A_699 = arith.constant 1 : i32
          %dma_start3A_700 = arith.constant 2 : i32
          %dma_start3A_701 = arith.constant 0 : i32
          %dma_start3A_702 = arith.constant 0 : i32
          %dma_start3A_703 = tpu.memref_slice %arg4[%dma_start3A_699, %dma_start3A_700, %dma_start3A_701, %dma_start3A_702] : memref<3x8x8x128xf32, #tpu.memory_space<vmem>> -> memref<1x1x8x128xf32, #tpu.memory_space<vmem>>
          %dma_start3A_704 = tpu.memref_squeeze %dma_start3A_703 : memref<1x1x8x128xf32, #tpu.memory_space<vmem>> -> memref<8x128xf32, #tpu.memory_space<vmem>>
          %dma_start3A_705 = arith.constant 0 : i32
          %dma_start3A_706 = tpu.memref_slice %arg2[%dma_start3A_705, %add3A_698] : memref<16x1000000xf32, #tpu.memory_space<hbm>> -> memref<8x128xf32, #tpu.memory_space<hbm>>
          %dma_start3A_707 = arith.constant 0 : i32
          %dma_start3A_708 = arith.constant 0 : i32
          %dma_start3A_709 = tpu.memref_slice %arg4[%dma_start3A_699, %dma_start3A_700, %dma_start3A_707, %dma_start3A_708] : memref<3x8x8x128xf32, #tpu.memory_space<vmem>> -> memref<1x1x8x128xf32, #tpu.memory_space<vmem>>
          %dma_start3A_710 = tpu.memref_squeeze %dma_start3A_709 : memref<1x1x8x128xf32, #tpu.memory_space<vmem>> -> memref<8x128xf32, #tpu.memory_space<vmem>>
          %dma_start3A_711 = arith.constant 0 : i32
          %dma_start3A_712 = tpu.memref_slice %arg2[%dma_start3A_711, %add3A_698] : memref<16x1000000xf32, #tpu.memory_space<hbm>> -> memref<8x128xf32, #tpu.memory_space<hbm>>
          tpu.enqueue_dma source(%dma_start3A_712 : memref<8x128xf32, #tpu.memory_space<hbm>>) target(%dma_start3A_710 : memref<8x128xf32, #tpu.memory_space<vmem>>) target_semaphore(%arg6 : memref<!tpu.dma_semaphore, #tpu.memory_space<semaphore_mem>>)
          %add3A_713 = arith.constant 384 : i32
          %add3A_714 = arith.addi %mul3A_664, %add3A_713 : i32
          %dma_start3A_715 = arith.constant 1 : i32
          %dma_start3A_716 = arith.constant 3 : i32
          %dma_start3A_717 = arith.constant 0 : i32
          %dma_start3A_718 = arith.constant 0 : i32
          %dma_start3A_719 = tpu.memref_slice %arg4[%dma_start3A_715, %dma_start3A_716, %dma_start3A_717, %dma_start3A_718] : memref<3x8x8x128xf32, #tpu.memory_space<vmem>> -> memref<1x1x8x128xf32, #tpu.memory_space<vmem>>
          %dma_start3A_720 = tpu.memref_squeeze %dma_start3A_719 : memref<1x1x8x128xf32, #tpu.memory_space<vmem>> -> memref<8x128xf32, #tpu.memory_space<vmem>>
          %dma_start3A_721 = arith.constant 0 : i32
          %dma_start3A_722 = tpu.memref_slice %arg2[%dma_start3A_721, %add3A_714] : memref<16x1000000xf32, #tpu.memory_space<hbm>> -> memref<8x128xf32, #tpu.memory_space<hbm>>
          %dma_start3A_723 = arith.constant 0 : i32
          %dma_start3A_724 = arith.constant 0 : i32
          %dma_start3A_725 = tpu.memref_slice %arg4[%dma_start3A_715, %dma_start3A_716, %dma_start3A_723, %dma_start3A_724] : memref<3x8x8x128xf32, #tpu.memory_space<vmem>> -> memref<1x1x8x128xf32, #tpu.memory_space<vmem>>
          %dma_start3A_726 = tpu.memref_squeeze %dma_start3A_725 : memref<1x1x8x128xf32, #tpu.memory_space<vmem>> -> memref<8x128xf32, #tpu.memory_space<vmem>>
          %dma_start3A_727 = arith.constant 0 : i32
          %dma_start3A_728 = tpu.memref_slice %arg2[%dma_start3A_727, %add3A_714] : memref<16x1000000xf32, #tpu.memory_space<hbm>> -> memref<8x128xf32, #tpu.memory_space<hbm>>
          tpu.enqueue_dma source(%dma_start3A_728 : memref<8x128xf32, #tpu.memory_space<hbm>>) target(%dma_start3A_726 : memref<8x128xf32, #tpu.memory_space<vmem>>) target_semaphore(%arg6 : memref<!tpu.dma_semaphore, #tpu.memory_space<semaphore_mem>>)
          %add3A_729 = arith.constant 0 : i32
          %add3A_730 = arith.addi %mul3A_664, %add3A_729 : i32
          %dma_start3A_731 = arith.constant 1 : i32
          %dma_start3A_732 = arith.constant 4 : i32
          %dma_start3A_733 = arith.constant 0 : i32
          %dma_start3A_734 = arith.constant 0 : i32
          %dma_start3A_735 = tpu.memref_slice %arg4[%dma_start3A_731, %dma_start3A_732, %dma_start3A_733, %dma_start3A_734] : memref<3x8x8x128xf32, #tpu.memory_space<vmem>> -> memref<1x1x8x128xf32, #tpu.memory_space<vmem>>
          %dma_start3A_736 = tpu.memref_squeeze %dma_start3A_735 : memref<1x1x8x128xf32, #tpu.memory_space<vmem>> -> memref<8x128xf32, #tpu.memory_space<vmem>>
          %dma_start3A_737 = arith.constant 8 : i32
          %dma_start3A_738 = tpu.memref_slice %arg2[%dma_start3A_737, %add3A_730] : memref<16x1000000xf32, #tpu.memory_space<hbm>> -> memref<8x128xf32, #tpu.memory_space<hbm>>
          %dma_start3A_739 = arith.constant 0 : i32
          %dma_start3A_740 = arith.constant 0 : i32
          %dma_start3A_741 = tpu.memref_slice %arg4[%dma_start3A_731, %dma_start3A_732, %dma_start3A_739, %dma_start3A_740] : memref<3x8x8x128xf32, #tpu.memory_space<vmem>> -> memref<1x1x8x128xf32, #tpu.memory_space<vmem>>
          %dma_start3A_742 = tpu.memref_squeeze %dma_start3A_741 : memref<1x1x8x128xf32, #tpu.memory_space<vmem>> -> memref<8x128xf32, #tpu.memory_space<vmem>>
          %dma_start3A_743 = arith.constant 8 : i32
          %dma_start3A_744 = tpu.memref_slice %arg2[%dma_start3A_743, %add3A_730] : memref<16x1000000xf32, #tpu.memory_space<hbm>> -> memref<8x128xf32, #tpu.memory_space<hbm>>
          tpu.enqueue_dma source(%dma_start3A_744 : memref<8x128xf32, #tpu.memory_space<hbm>>) target(%dma_start3A_742 : memref<8x128xf32, #tpu.memory_space<vmem>>) target_semaphore(%arg6 : memref<!tpu.dma_semaphore, #tpu.memory_space<semaphore_mem>>)
          %add3A_745 = arith.constant 128 : i32
          %add3A_746 = arith.addi %mul3A_664, %add3A_745 : i32
          %dma_start3A_747 = arith.constant 1 : i32
          %dma_start3A_748 = arith.constant 5 : i32
          %dma_start3A_749 = arith.constant 0 : i32
          %dma_start3A_750 = arith.constant 0 : i32
          %dma_start3A_751 = tpu.memref_slice %arg4[%dma_start3A_747, %dma_start3A_748, %dma_start3A_749, %dma_start3A_750] : memref<3x8x8x128xf32, #tpu.memory_space<vmem>> -> memref<1x1x8x128xf32, #tpu.memory_space<vmem>>
          %dma_start3A_752 = tpu.memref_squeeze %dma_start3A_751 : memref<1x1x8x128xf32, #tpu.memory_space<vmem>> -> memref<8x128xf32, #tpu.memory_space<vmem>>
          %dma_start3A_753 = arith.constant 8 : i32
          %dma_start3A_754 = tpu.memref_slice %arg2[%dma_start3A_753, %add3A_746] : memref<16x1000000xf32, #tpu.memory_space<hbm>> -> memref<8x128xf32, #tpu.memory_space<hbm>>
          %dma_start3A_755 = arith.constant 0 : i32
          %dma_start3A_756 = arith.constant 0 : i32
          %dma_start3A_757 = tpu.memref_slice %arg4[%dma_start3A_747, %dma_start3A_748, %dma_start3A_755, %dma_start3A_756] : memref<3x8x8x128xf32, #tpu.memory_space<vmem>> -> memref<1x1x8x128xf32, #tpu.memory_space<vmem>>
          %dma_start3A_758 = tpu.memref_squeeze %dma_start3A_757 : memref<1x1x8x128xf32, #tpu.memory_space<vmem>> -> memref<8x128xf32, #tpu.memory_space<vmem>>
          %dma_start3A_759 = arith.constant 8 : i32
          %dma_start3A_760 = tpu.memref_slice %arg2[%dma_start3A_759, %add3A_746] : memref<16x1000000xf32, #tpu.memory_space<hbm>> -> memref<8x128xf32, #tpu.memory_space<hbm>>
          tpu.enqueue_dma source(%dma_start3A_760 : memref<8x128xf32, #tpu.memory_space<hbm>>) target(%dma_start3A_758 : memref<8x128xf32, #tpu.memory_space<vmem>>) target_semaphore(%arg6 : memref<!tpu.dma_semaphore, #tpu.memory_space<semaphore_mem>>)
          %add3A_761 = arith.constant 256 : i32
          %add3A_762 = arith.addi %mul3A_664, %add3A_761 : i32
          %dma_start3A_763 = arith.constant 1 : i32
          %dma_start3A_764 = arith.constant 6 : i32
          %dma_start3A_765 = arith.constant 0 : i32
          %dma_start3A_766 = arith.constant 0 : i32
          %dma_start3A_767 = tpu.memref_slice %arg4[%dma_start3A_763, %dma_start3A_764, %dma_start3A_765, %dma_start3A_766] : memref<3x8x8x128xf32, #tpu.memory_space<vmem>> -> memref<1x1x8x128xf32, #tpu.memory_space<vmem>>
          %dma_start3A_768 = tpu.memref_squeeze %dma_start3A_767 : memref<1x1x8x128xf32, #tpu.memory_space<vmem>> -> memref<8x128xf32, #tpu.memory_space<vmem>>
          %dma_start3A_769 = arith.constant 8 : i32
          %dma_start3A_770 = tpu.memref_slice %arg2[%dma_start3A_769, %add3A_762] : memref<16x1000000xf32, #tpu.memory_space<hbm>> -> memref<8x128xf32, #tpu.memory_space<hbm>>
          %dma_start3A_771 = arith.constant 0 : i32
          %dma_start3A_772 = arith.constant 0 : i32
          %dma_start3A_773 = tpu.memref_slice %arg4[%dma_start3A_763, %dma_start3A_764, %dma_start3A_771, %dma_start3A_772] : memref<3x8x8x128xf32, #tpu.memory_space<vmem>> -> memref<1x1x8x128xf32, #tpu.memory_space<vmem>>
          %dma_start3A_774 = tpu.memref_squeeze %dma_start3A_773 : memref<1x1x8x128xf32, #tpu.memory_space<vmem>> -> memref<8x128xf32, #tpu.memory_space<vmem>>
          %dma_start3A_775 = arith.constant 8 : i32
          %dma_start3A_776 = tpu.memref_slice %arg2[%dma_start3A_775, %add3A_762] : memref<16x1000000xf32, #tpu.memory_space<hbm>> -> memref<8x128xf32, #tpu.memory_space<hbm>>
          tpu.enqueue_dma source(%dma_start3A_776 : memref<8x128xf32, #tpu.memory_space<hbm>>) target(%dma_start3A_774 : memref<8x128xf32, #tpu.memory_space<vmem>>) target_semaphore(%arg6 : memref<!tpu.dma_semaphore, #tpu.memory_space<semaphore_mem>>)
          %add3A_777 = arith.constant 384 : i32
          %add3A_778 = arith.addi %mul3A_664, %add3A_777 : i32
          %dma_start3A_779 = arith.constant 1 : i32
          %dma_start3A_780 = arith.constant 7 : i32
          %dma_start3A_781 = arith.constant 0 : i32
          %dma_start3A_782 = arith.constant 0 : i32
          %dma_start3A_783 = tpu.memref_slice %arg4[%dma_start3A_779, %dma_start3A_780, %dma_start3A_781, %dma_start3A_782] : memref<3x8x8x128xf32, #tpu.memory_space<vmem>> -> memref<1x1x8x128xf32, #tpu.memory_space<vmem>>
          %dma_start3A_784 = tpu.memref_squeeze %dma_start3A_783 : memref<1x1x8x128xf32, #tpu.memory_space<vmem>> -> memref<8x128xf32, #tpu.memory_space<vmem>>
          %dma_start3A_785 = arith.constant 8 : i32
          %dma_start3A_786 = tpu.memref_slice %arg2[%dma_start3A_785, %add3A_778] : memref<16x1000000xf32, #tpu.memory_space<hbm>> -> memref<8x128xf32, #tpu.memory_space<hbm>>
          %dma_start3A_787 = arith.constant 0 : i32
          %dma_start3A_788 = arith.constant 0 : i32
          %dma_start3A_789 = tpu.memref_slice %arg4[%dma_start3A_779, %dma_start3A_780, %dma_start3A_787, %dma_start3A_788] : memref<3x8x8x128xf32, #tpu.memory_space<vmem>> -> memref<1x1x8x128xf32, #tpu.memory_space<vmem>>
          %dma_start3A_790 = tpu.memref_squeeze %dma_start3A_789 : memref<1x1x8x128xf32, #tpu.memory_space<vmem>> -> memref<8x128xf32, #tpu.memory_space<vmem>>
          %dma_start3A_791 = arith.constant 8 : i32
          %dma_start3A_792 = tpu.memref_slice %arg2[%dma_start3A_791, %add3A_778] : memref<16x1000000xf32, #tpu.memory_space<hbm>> -> memref<8x128xf32, #tpu.memory_space<hbm>>
          tpu.enqueue_dma source(%dma_start3A_792 : memref<8x128xf32, #tpu.memory_space<hbm>>) target(%dma_start3A_790 : memref<8x128xf32, #tpu.memory_space<vmem>>) target_semaphore(%arg6 : memref<!tpu.dma_semaphore, #tpu.memory_space<semaphore_mem>>)
        } else {
        }
        %ge3A = arith.constant 3 : i32
        %ge3A_636 = arith.cmpi sge, %add3A_497, %ge3A : i32
        %convert_element_type3A_637 = arith.extui %ge3A_636 : i1 to i32
        %cond3A_638 = arith.constant 0 : i32
        %cond3A_639 = arith.cmpi ne, %convert_element_type3A_637, %cond3A_638 : i32
        scf.if %cond3A_639 {
          %dma_wait3A_660 = arith.constant 2 : i32
          %dma_wait3A_661 = arith.constant 0 : i32
          %dma_wait3A_662 = tpu.memref_slice %arg5[%dma_wait3A_660, %dma_wait3A_661] : memref<4x8192xf32, #tpu.memory_space<vmem>> -> memref<1x8192xf32, #tpu.memory_space<vmem>>
          %dma_wait3A_663 = tpu.memref_squeeze %dma_wait3A_662 : memref<1x8192xf32, #tpu.memory_space<vmem>> -> memref<8192xf32, #tpu.memory_space<vmem>>
          %dma_wait3A_664 = arith.constant 0 : i32
          %dma_wait3A_665 = tpu.memref_slice %arg3[%dma_wait3A_664] : memref<16000000xf32, #tpu.memory_space<hbm>> -> memref<8192xf32, #tpu.memory_space<hbm>>
          %dma_wait3A_666 = arith.constant 0 : i32
          %dma_wait3A_667 = tpu.memref_slice %arg5[%dma_wait3A_660, %dma_wait3A_666] : memref<4x8192xf32, #tpu.memory_space<vmem>> -> memref<1x8192xf32, #tpu.memory_space<vmem>>
          %dma_wait3A_668 = tpu.memref_squeeze %dma_wait3A_667 : memref<1x8192xf32, #tpu.memory_space<vmem>> -> memref<8192xf32, #tpu.memory_space<vmem>>
          %dma_wait3A_669 = arith.constant 0 : i32
          %dma_wait3A_670 = tpu.memref_slice %arg3[%dma_wait3A_669] : memref<16000000xf32, #tpu.memory_space<hbm>> -> memref<8192xf32, #tpu.memory_space<hbm>>
          tpu.wait_dma2 semaphore(%arg7 : memref<!tpu.dma_semaphore, #tpu.memory_space<semaphore_mem>>) src(%dma_wait3A_670 : memref<8192xf32, #tpu.memory_space<hbm>>) dst(%dma_wait3A_668 : memref<8192xf32, #tpu.memory_space<vmem>>)
        } else {
        }
        %add3A_640 = arith.addi %add3A_6, %add3A_497 : i32
        %mul3A_641 = arith.constant 512 : i32
        %mul3A_642 = arith.muli %add3A_640, %mul3A_641 : i32
        %scan3A_643 = arith.constant 0 : i32
        %scan3A_644 = arith.constant 0 : i32
        %scan3A_645 = arith.constant 4 : i32
        %scan3A_646 = arith.addi %scan3A_644, %scan3A_645 : i32
        %scan3A_647 = arith.constant 1 : i32
        scf.for %scan3A_660 = %scan3A_644 to %scan3A_646 step %scan3A_647  : i32 {
          %mul3A_661 = arith.constant 1024 : i32
          %mul3A_662 = arith.muli %scan3A_660, %mul3A_661 : i32
          %add3A_663 = arith.constant 16384 : i32
          %add3A_664 = arith.addi %mul3A_662, %add3A_663 : i32
          %add3A_665 = vector.broadcast %add3A_664 : i32 to vector<16xi32>
          %add3A_666 = arith.addi %add3A_187, %add3A_665 : vector<16xi32>
          %mul3A_667 = arith.constant 2048 : i32
          %mul3A_668 = arith.muli %scan3A_660, %mul3A_667 : i32
          %parallel_loop3A = arith.constant 0 : i32
          %parallel_loop3A_669 = arith.constant 8 : i32
          %parallel_loop3A_670 = arith.constant 1 : i32
          scf.for %parallel_loop3A_671 = %parallel_loop3A to %parallel_loop3A_669 step %parallel_loop3A_670  : i32 {
            %parallel_loop3A_672 = arith.constant 16 : i32
            %parallel_loop3A_673 = arith.muli %parallel_loop3A_671, %parallel_loop3A_672 : i32
            %parallel_loop3A_674 = vector.broadcast %parallel_loop3A_673 : i32 to vector<16xi32>
            %parallel_loop3A_675 = arith.addi %add3A_666, %parallel_loop3A_674 : vector<16xi32>
            %parallel_loop3A_676 = arith.constant 16 : i32
            %parallel_loop3A_677 = arith.muli %parallel_loop3A_673, %parallel_loop3A_676 : i32
            %parallel_loop3A_678 = arith.addi %mul3A_668, %parallel_loop3A_677 : i32
            %parallel_loop3A_679 = vector.broadcast %parallel_loop3A_678 : i32 to vector<16xi32>
            %parallel_loop3A_680 = arith.addi %iota3A, %parallel_loop3A_679 : vector<16xi32>
            %parallel_loop3A_681 = arith.addi %parallel_loop3A_675, %and3A_24 : vector<16xi32>
            %parallel_loop3A_682 = tpu.vector_load_idx %arg4[%broadcast_in_dim3A_180, %broadcast_in_dim3A_180, %broadcast_in_dim3A_180, %parallel_loop3A_681] : memref<3x8x8x128xf32, #tpu.memory_space<vmem>>[vector<16xi32>, vector<16xi32>, vector<16xi32>, vector<16xi32>], vector<16xf32>,
            %parallel_loop3A_683 = arith.addi %parallel_loop3A_680, %add3A_118 : vector<16xi32>
            tpu.vector_store_idx %arg5[%broadcast_in_dim3A_18, %parallel_loop3A_683], %parallel_loop3A_682 : memref<4x8192xf32, #tpu.memory_space<vmem>>[vector<16xi32>, vector<16xi32>], vector<16xf32>,
            %parallel_loop3A_684 = arith.addi %parallel_loop3A_675, %and3A_30 : vector<16xi32>
            %parallel_loop3A_685 = tpu.vector_load_idx %arg4[%broadcast_in_dim3A_180, %broadcast_in_dim3A_180, %broadcast_in_dim3A_180, %parallel_loop3A_684] : memref<3x8x8x128xf32, #tpu.memory_space<vmem>>[vector<16xi32>, vector<16xi32>, vector<16xi32>, vector<16xi32>], vector<16xf32>,
            %parallel_loop3A_686 = arith.addi %parallel_loop3A_680, %add3A_122 : vector<16xi32>
            tpu.vector_store_idx %arg5[%broadcast_in_dim3A_18, %parallel_loop3A_686], %parallel_loop3A_685 : memref<4x8192xf32, #tpu.memory_space<vmem>>[vector<16xi32>, vector<16xi32>], vector<16xf32>,
            %parallel_loop3A_687 = arith.addi %parallel_loop3A_675, %and3A_36 : vector<16xi32>
            %parallel_loop3A_688 = tpu.vector_load_idx %arg4[%broadcast_in_dim3A_180, %broadcast_in_dim3A_180, %broadcast_in_dim3A_180, %parallel_loop3A_687] : memref<3x8x8x128xf32, #tpu.memory_space<vmem>>[vector<16xi32>, vector<16xi32>, vector<16xi32>, vector<16xi32>], vector<16xf32>,
            %parallel_loop3A_689 = arith.addi %parallel_loop3A_680, %add3A_126 : vector<16xi32>
            tpu.vector_store_idx %arg5[%broadcast_in_dim3A_18, %parallel_loop3A_689], %parallel_loop3A_688 : memref<4x8192xf32, #tpu.memory_space<vmem>>[vector<16xi32>, vector<16xi32>], vector<16xf32>,
            %parallel_loop3A_690 = arith.addi %parallel_loop3A_675, %and3A_42 : vector<16xi32>
            %parallel_loop3A_691 = tpu.vector_load_idx %arg4[%broadcast_in_dim3A_180, %broadcast_in_dim3A_180, %broadcast_in_dim3A_180, %parallel_loop3A_690] : memref<3x8x8x128xf32, #tpu.memory_space<vmem>>[vector<16xi32>, vector<16xi32>, vector<16xi32>, vector<16xi32>], vector<16xf32>,
            %parallel_loop3A_692 = arith.addi %parallel_loop3A_680, %add3A_130 : vector<16xi32>
            tpu.vector_store_idx %arg5[%broadcast_in_dim3A_18, %parallel_loop3A_692], %parallel_loop3A_691 : memref<4x8192xf32, #tpu.memory_space<vmem>>[vector<16xi32>, vector<16xi32>], vector<16xf32>,
            %parallel_loop3A_693 = arith.addi %parallel_loop3A_675, %and3A_48 : vector<16xi32>
            %parallel_loop3A_694 = tpu.vector_load_idx %arg4[%broadcast_in_dim3A_180, %broadcast_in_dim3A_180, %broadcast_in_dim3A_180, %parallel_loop3A_693] : memref<3x8x8x128xf32, #tpu.memory_space<vmem>>[vector<16xi32>, vector<16xi32>, vector<16xi32>, vector<16xi32>], vector<16xf32>,
            %parallel_loop3A_695 = arith.addi %parallel_loop3A_680, %add3A_134 : vector<16xi32>
            tpu.vector_store_idx %arg5[%broadcast_in_dim3A_18, %parallel_loop3A_695], %parallel_loop3A_694 : memref<4x8192xf32, #tpu.memory_space<vmem>>[vector<16xi32>, vector<16xi32>], vector<16xf32>,
            %parallel_loop3A_696 = arith.addi %parallel_loop3A_675, %and3A_54 : vector<16xi32>
            %parallel_loop3A_697 = tpu.vector_load_idx %arg4[%broadcast_in_dim3A_180, %broadcast_in_dim3A_180, %broadcast_in_dim3A_180, %parallel_loop3A_696] : memref<3x8x8x128xf32, #tpu.memory_space<vmem>>[vector<16xi32>, vector<16xi32>, vector<16xi32>, vector<16xi32>], vector<16xf32>,
            %parallel_loop3A_698 = arith.addi %parallel_loop3A_680, %add3A_138 : vector<16xi32>
            tpu.vector_store_idx %arg5[%broadcast_in_dim3A_18, %parallel_loop3A_698], %parallel_loop3A_697 : memref<4x8192xf32, #tpu.memory_space<vmem>>[vector<16xi32>, vector<16xi32>], vector<16xf32>,
            %parallel_loop3A_699 = arith.addi %parallel_loop3A_675, %and3A_60 : vector<16xi32>
            %parallel_loop3A_700 = tpu.vector_load_idx %arg4[%broadcast_in_dim3A_180, %broadcast_in_dim3A_180, %broadcast_in_dim3A_180, %parallel_loop3A_699] : memref<3x8x8x128xf32, #tpu.memory_space<vmem>>[vector<16xi32>, vector<16xi32>, vector<16xi32>, vector<16xi32>], vector<16xf32>,
            %parallel_loop3A_701 = arith.addi %parallel_loop3A_680, %add3A_142 : vector<16xi32>
            tpu.vector_store_idx %arg5[%broadcast_in_dim3A_18, %parallel_loop3A_701], %parallel_loop3A_700 : memref<4x8192xf32, #tpu.memory_space<vmem>>[vector<16xi32>, vector<16xi32>], vector<16xf32>,
            %parallel_loop3A_702 = arith.addi %parallel_loop3A_675, %and3A_66 : vector<16xi32>
            %parallel_loop3A_703 = tpu.vector_load_idx %arg4[%broadcast_in_dim3A_180, %broadcast_in_dim3A_180, %broadcast_in_dim3A_180, %parallel_loop3A_702] : memref<3x8x8x128xf32, #tpu.memory_space<vmem>>[vector<16xi32>, vector<16xi32>, vector<16xi32>, vector<16xi32>], vector<16xf32>,
            %parallel_loop3A_704 = arith.addi %parallel_loop3A_680, %add3A_146 : vector<16xi32>
            tpu.vector_store_idx %arg5[%broadcast_in_dim3A_18, %parallel_loop3A_704], %parallel_loop3A_703 : memref<4x8192xf32, #tpu.memory_space<vmem>>[vector<16xi32>, vector<16xi32>], vector<16xf32>,
            %parallel_loop3A_705 = arith.addi %parallel_loop3A_675, %and3A_72 : vector<16xi32>
            %parallel_loop3A_706 = tpu.vector_load_idx %arg4[%broadcast_in_dim3A_180, %broadcast_in_dim3A_180, %broadcast_in_dim3A_180, %parallel_loop3A_705] : memref<3x8x8x128xf32, #tpu.memory_space<vmem>>[vector<16xi32>, vector<16xi32>, vector<16xi32>, vector<16xi32>], vector<16xf32>,
            %parallel_loop3A_707 = arith.addi %parallel_loop3A_680, %add3A_150 : vector<16xi32>
            tpu.vector_store_idx %arg5[%broadcast_in_dim3A_18, %parallel_loop3A_707], %parallel_loop3A_706 : memref<4x8192xf32, #tpu.memory_space<vmem>>[vector<16xi32>, vector<16xi32>], vector<16xf32>,
            %parallel_loop3A_708 = arith.addi %parallel_loop3A_675, %and3A_78 : vector<16xi32>
            %parallel_loop3A_709 = tpu.vector_load_idx %arg4[%broadcast_in_dim3A_180, %broadcast_in_dim3A_180, %broadcast_in_dim3A_180, %parallel_loop3A_708] : memref<3x8x8x128xf32, #tpu.memory_space<vmem>>[vector<16xi32>, vector<16xi32>, vector<16xi32>, vector<16xi32>], vector<16xf32>,
            %parallel_loop3A_710 = arith.addi %parallel_loop3A_680, %add3A_154 : vector<16xi32>
            tpu.vector_store_idx %arg5[%broadcast_in_dim3A_18, %parallel_loop3A_710], %parallel_loop3A_709 : memref<4x8192xf32, #tpu.memory_space<vmem>>[vector<16xi32>, vector<16xi32>], vector<16xf32>,
            %parallel_loop3A_711 = arith.addi %parallel_loop3A_675, %and3A_84 : vector<16xi32>
            %parallel_loop3A_712 = tpu.vector_load_idx %arg4[%broadcast_in_dim3A_180, %broadcast_in_dim3A_180, %broadcast_in_dim3A_180, %parallel_loop3A_711] : memref<3x8x8x128xf32, #tpu.memory_space<vmem>>[vector<16xi32>, vector<16xi32>, vector<16xi32>, vector<16xi32>], vector<16xf32>,
            %parallel_loop3A_713 = arith.addi %parallel_loop3A_680, %add3A_158 : vector<16xi32>
            tpu.vector_store_idx %arg5[%broadcast_in_dim3A_18, %parallel_loop3A_713], %parallel_loop3A_712 : memref<4x8192xf32, #tpu.memory_space<vmem>>[vector<16xi32>, vector<16xi32>], vector<16xf32>,
            %parallel_loop3A_714 = arith.addi %parallel_loop3A_675, %and3A_90 : vector<16xi32>
            %parallel_loop3A_715 = tpu.vector_load_idx %arg4[%broadcast_in_dim3A_180, %broadcast_in_dim3A_180, %broadcast_in_dim3A_180, %parallel_loop3A_714] : memref<3x8x8x128xf32, #tpu.memory_space<vmem>>[vector<16xi32>, vector<16xi32>, vector<16xi32>, vector<16xi32>], vector<16xf32>,
            %parallel_loop3A_716 = arith.addi %parallel_loop3A_680, %add3A_162 : vector<16xi32>
            tpu.vector_store_idx %arg5[%broadcast_in_dim3A_18, %parallel_loop3A_716], %parallel_loop3A_715 : memref<4x8192xf32, #tpu.memory_space<vmem>>[vector<16xi32>, vector<16xi32>], vector<16xf32>,
            %parallel_loop3A_717 = arith.addi %parallel_loop3A_675, %and3A_96 : vector<16xi32>
            %parallel_loop3A_718 = tpu.vector_load_idx %arg4[%broadcast_in_dim3A_180, %broadcast_in_dim3A_180, %broadcast_in_dim3A_180, %parallel_loop3A_717] : memref<3x8x8x128xf32, #tpu.memory_space<vmem>>[vector<16xi32>, vector<16xi32>, vector<16xi32>, vector<16xi32>], vector<16xf32>,
            %parallel_loop3A_719 = arith.addi %parallel_loop3A_680, %add3A_166 : vector<16xi32>
            tpu.vector_store_idx %arg5[%broadcast_in_dim3A_18, %parallel_loop3A_719], %parallel_loop3A_718 : memref<4x8192xf32, #tpu.memory_space<vmem>>[vector<16xi32>, vector<16xi32>], vector<16xf32>,
            %parallel_loop3A_720 = arith.addi %parallel_loop3A_675, %and3A_102 : vector<16xi32>
            %parallel_loop3A_721 = tpu.vector_load_idx %arg4[%broadcast_in_dim3A_180, %broadcast_in_dim3A_180, %broadcast_in_dim3A_180, %parallel_loop3A_720] : memref<3x8x8x128xf32, #tpu.memory_space<vmem>>[vector<16xi32>, vector<16xi32>, vector<16xi32>, vector<16xi32>], vector<16xf32>,
            %parallel_loop3A_722 = arith.addi %parallel_loop3A_680, %add3A_170 : vector<16xi32>
            tpu.vector_store_idx %arg5[%broadcast_in_dim3A_18, %parallel_loop3A_722], %parallel_loop3A_721 : memref<4x8192xf32, #tpu.memory_space<vmem>>[vector<16xi32>, vector<16xi32>], vector<16xf32>,
            %parallel_loop3A_723 = arith.addi %parallel_loop3A_675, %and3A_108 : vector<16xi32>
            %parallel_loop3A_724 = tpu.vector_load_idx %arg4[%broadcast_in_dim3A_180, %broadcast_in_dim3A_180, %broadcast_in_dim3A_180, %parallel_loop3A_723] : memref<3x8x8x128xf32, #tpu.memory_space<vmem>>[vector<16xi32>, vector<16xi32>, vector<16xi32>, vector<16xi32>], vector<16xf32>,
            %parallel_loop3A_725 = arith.addi %parallel_loop3A_680, %add3A_174 : vector<16xi32>
            tpu.vector_store_idx %arg5[%broadcast_in_dim3A_18, %parallel_loop3A_725], %parallel_loop3A_724 : memref<4x8192xf32, #tpu.memory_space<vmem>>[vector<16xi32>, vector<16xi32>], vector<16xf32>,
            %parallel_loop3A_726 = arith.addi %parallel_loop3A_675, %and3A_114 : vector<16xi32>
            %parallel_loop3A_727 = tpu.vector_load_idx %arg4[%broadcast_in_dim3A_180, %broadcast_in_dim3A_180, %broadcast_in_dim3A_180, %parallel_loop3A_726] : memref<3x8x8x128xf32, #tpu.memory_space<vmem>>[vector<16xi32>, vector<16xi32>, vector<16xi32>, vector<16xi32>], vector<16xf32>,
            %parallel_loop3A_728 = arith.addi %parallel_loop3A_680, %add3A_178 : vector<16xi32>
            tpu.vector_store_idx %arg5[%broadcast_in_dim3A_18, %parallel_loop3A_728], %parallel_loop3A_727 : memref<4x8192xf32, #tpu.memory_space<vmem>>[vector<16xi32>, vector<16xi32>], vector<16xf32>,
          } {sc.loop_unroll_factor = 4 : i64, sc.parallel_access}
        }
        %scan3A_648 = arith.constant 4 : i32
        %mul3A_649 = arith.constant 16 : i32
        %mul3A_650 = arith.muli %mul3A_642, %mul3A_649 : i32
        %dma_start3A_651 = arith.constant 2 : i32
        %dma_start3A_652 = arith.constant 0 : i32
        %dma_start3A_653 = tpu.memref_slice %arg5[%dma_start3A_651, %dma_start3A_652] : memref<4x8192xf32, #tpu.memory_space<vmem>> -> memref<1x8192xf32, #tpu.memory_space<vmem>>
        %dma_start3A_654 = tpu.memref_squeeze %dma_start3A_653 : memref<1x8192xf32, #tpu.memory_space<vmem>> -> memref<8192xf32, #tpu.memory_space<vmem>>
        %dma_start3A_655 = tpu.memref_slice %arg3[%mul3A_650] : memref<16000000xf32, #tpu.memory_space<hbm>> -> memref<8192xf32, #tpu.memory_space<hbm>>
        %dma_start3A_656 = tpu.memref_slice %arg3[%mul3A_650] : memref<16000000xf32, #tpu.memory_space<hbm>> -> memref<8192xf32, #tpu.memory_space<hbm>>
        %dma_start3A_657 = arith.constant 0 : i32
        %dma_start3A_658 = tpu.memref_slice %arg5[%dma_start3A_651, %dma_start3A_657] : memref<4x8192xf32, #tpu.memory_space<vmem>> -> memref<1x8192xf32, #tpu.memory_space<vmem>>
        %dma_start3A_659 = tpu.memref_squeeze %dma_start3A_658 : memref<1x8192xf32, #tpu.memory_space<vmem>> -> memref<8192xf32, #tpu.memory_space<vmem>>
        tpu.enqueue_dma source(%dma_start3A_659 : memref<8192xf32, #tpu.memory_space<vmem>>) target(%dma_start3A_656 : memref<8192xf32, #tpu.memory_space<hbm>>) target_semaphore(%arg7 : memref<!tpu.dma_semaphore, #tpu.memory_space<semaphore_mem>>)
      } else {
      }
    }
    %scan3A_453 = arith.constant 21 : i32
    %dma_wait3A = arith.constant 0 : i32
    %dma_wait3A_454 = arith.constant 0 : i32
    %dma_wait3A_455 = tpu.memref_slice %arg5[%dma_wait3A, %dma_wait3A_454] : memref<4x8192xf32, #tpu.memory_space<vmem>> -> memref<1x8192xf32, #tpu.memory_space<vmem>>
    %dma_wait3A_456 = tpu.memref_squeeze %dma_wait3A_455 : memref<1x8192xf32, #tpu.memory_space<vmem>> -> memref<8192xf32, #tpu.memory_space<vmem>>
    %dma_wait3A_457 = arith.constant 0 : i32
    %dma_wait3A_458 = tpu.memref_slice %arg3[%dma_wait3A_457] : memref<16000000xf32, #tpu.memory_space<hbm>> -> memref<8192xf32, #tpu.memory_space<hbm>>
    %dma_wait3A_459 = arith.constant 0 : i32
    %dma_wait3A_460 = tpu.memref_slice %arg5[%dma_wait3A, %dma_wait3A_459] : memref<4x8192xf32, #tpu.memory_space<vmem>> -> memref<1x8192xf32, #tpu.memory_space<vmem>>
    %dma_wait3A_461 = tpu.memref_squeeze %dma_wait3A_460 : memref<1x8192xf32, #tpu.memory_space<vmem>> -> memref<8192xf32, #tpu.memory_space<vmem>>
    %dma_wait3A_462 = arith.constant 0 : i32
    %dma_wait3A_463 = tpu.memref_slice %arg3[%dma_wait3A_462] : memref<16000000xf32, #tpu.memory_space<hbm>> -> memref<8192xf32, #tpu.memory_space<hbm>>
    tpu.wait_dma2 semaphore(%arg7 : memref<!tpu.dma_semaphore, #tpu.memory_space<semaphore_mem>>) src(%dma_wait3A_463 : memref<8192xf32, #tpu.memory_space<hbm>>) dst(%dma_wait3A_461 : memref<8192xf32, #tpu.memory_space<vmem>>)
    %dma_wait3A_464 = arith.constant 1 : i32
    %dma_wait3A_465 = arith.constant 0 : i32
    %dma_wait3A_466 = tpu.memref_slice %arg5[%dma_wait3A_464, %dma_wait3A_465] : memref<4x8192xf32, #tpu.memory_space<vmem>> -> memref<1x8192xf32, #tpu.memory_space<vmem>>
    %dma_wait3A_467 = tpu.memref_squeeze %dma_wait3A_466 : memref<1x8192xf32, #tpu.memory_space<vmem>> -> memref<8192xf32, #tpu.memory_space<vmem>>
    %dma_wait3A_468 = arith.constant 0 : i32
    %dma_wait3A_469 = tpu.memref_slice %arg3[%dma_wait3A_468] : memref<16000000xf32, #tpu.memory_space<hbm>> -> memref<8192xf32, #tpu.memory_space<hbm>>
    %dma_wait3A_470 = arith.constant 0 : i32
    %dma_wait3A_471 = tpu.memref_slice %arg5[%dma_wait3A_464, %dma_wait3A_470] : memref<4x8192xf32, #tpu.memory_space<vmem>> -> memref<1x8192xf32, #tpu.memory_space<vmem>>
    %dma_wait3A_472 = tpu.memref_squeeze %dma_wait3A_471 : memref<1x8192xf32, #tpu.memory_space<vmem>> -> memref<8192xf32, #tpu.memory_space<vmem>>
    %dma_wait3A_473 = arith.constant 0 : i32
    %dma_wait3A_474 = tpu.memref_slice %arg3[%dma_wait3A_473] : memref<16000000xf32, #tpu.memory_space<hbm>> -> memref<8192xf32, #tpu.memory_space<hbm>>
    tpu.wait_dma2 semaphore(%arg7 : memref<!tpu.dma_semaphore, #tpu.memory_space<semaphore_mem>>) src(%dma_wait3A_474 : memref<8192xf32, #tpu.memory_space<hbm>>) dst(%dma_wait3A_472 : memref<8192xf32, #tpu.memory_space<vmem>>)
    %dma_wait3A_475 = arith.constant 2 : i32
    %dma_wait3A_476 = arith.constant 0 : i32
    %dma_wait3A_477 = tpu.memref_slice %arg5[%dma_wait3A_475, %dma_wait3A_476] : memref<4x8192xf32, #tpu.memory_space<vmem>> -> memref<1x8192xf32, #tpu.memory_space<vmem>>
    %dma_wait3A_478 = tpu.memref_squeeze %dma_wait3A_477 : memref<1x8192xf32, #tpu.memory_space<vmem>> -> memref<8192xf32, #tpu.memory_space<vmem>>
    %dma_wait3A_479 = arith.constant 0 : i32
    %dma_wait3A_480 = tpu.memref_slice %arg3[%dma_wait3A_479] : memref<16000000xf32, #tpu.memory_space<hbm>> -> memref<8192xf32, #tpu.memory_space<hbm>>
    %dma_wait3A_481 = arith.constant 0 : i32
    %dma_wait3A_482 = tpu.memref_slice %arg5[%dma_wait3A_475, %dma_wait3A_481] : memref<4x8192xf32, #tpu.memory_space<vmem>> -> memref<1x8192xf32, #tpu.memory_space<vmem>>
    %dma_wait3A_483 = tpu.memref_squeeze %dma_wait3A_482 : memref<1x8192xf32, #tpu.memory_space<vmem>> -> memref<8192xf32, #tpu.memory_space<vmem>>
    %dma_wait3A_484 = arith.constant 0 : i32
    %dma_wait3A_485 = tpu.memref_slice %arg3[%dma_wait3A_484] : memref<16000000xf32, #tpu.memory_space<hbm>> -> memref<8192xf32, #tpu.memory_space<hbm>>
    tpu.wait_dma2 semaphore(%arg7 : memref<!tpu.dma_semaphore, #tpu.memory_space<semaphore_mem>>) src(%dma_wait3A_485 : memref<8192xf32, #tpu.memory_space<hbm>>) dst(%dma_wait3A_483 : memref<8192xf32, #tpu.memory_space<vmem>>)
    return
  }
}

</mosaic_0001>

<sc_bundles>
// kernel: _tr_call.3.cloned.1.call-start
scs
__scs_entry_jumppad:
0x0: {  	(pc) =	sbr.rel $0x88, $3  }
0x1: {  	(tag) =	ssettag $0x0;
	lr =	simm.s32 $0x1  }
0x2: {  	[smem:$0x3FA0] =	sst lr;
	_ =	strace $0xD0000000  }
0x3: {  	_ = 	snop  }
0x4: {  	_ = 	snop  }
0x5: {  	_ = 	snop  }
0x6: {  	_ = 	snop  }
0x7: {  	_ = 	snop  }
__scs_overlays_trampoline_lowered:
0x8: {  	[smem:$0x3FAF] =	sst s0  }
0x9: {  	[smem:$0x3FB0] =	sst s1  }
0xa: {  	[smem:$0x3FB1] =	sst s2  }
0xb: {  	[smem:$0x3FB2] =	sst s3  }
0xc: {  	[smem:$0x3FB3] =	sst s4  }
0xd: {  	[smem:$0x3FB4] =	sst s5  }
0xe: {  	[smem:$0x3FB5] =	sst s6  }
0xf: {  	[smem:$0x3FB6] =	sst s7  }
0x10: {  	[smem:$0x3FB7] =	sst s8  }
0x11: {  	[smem:$0x3FB8] =	sst s9;
	s0 =	simm.s32 @!p0 $0x0  }
0x12: {  	s1 =	sld [smem:$0x3F9E];
	s0 =	simm.s32 @p0 $0x1  }
0x13: {  	[smem:$0x3FB9] =	sst s0;
	s0 =	simm.s32 @!p1 $0x0  }
0x14: {  	s2 =	sld [smem:$0x3F9D];
	s0 =	simm.s32 @p1 $0x1  }
0x15: {  	[smem:$0x3FBA] =	sst s0;
	s0 =	simm.s32 @!p2 $0x0  }
0x16: {  	s3 =	sld [smem:$0x3FDB];
	s0 =	simm.s32 @p2 $0x1  }
0x17: {  	s4 =	simm.s32 $0x1BF5;
	[smem:$0x3FBC] =	sst s0  }
0x18: {  	s0 =	sld [smem:$0x3F9F];
	_ =	swait.ge [sflag:s4], $0x0  }
0x19: {  	s7 =	sld [smem:$0x3FA0]  }
0x1a: {  	s8 =	sadd.s32 $0xFFFFE003, lr  }
0x1b: {  	s9 =	sadd.s32 $0xFFFFFEF7, lr;
	s5 =	simm.s32 $0xFFFFFFFF;
	p2 =	slt.u32 s8, $0xFFFFF086  }
0x1c: {  	p1 =	slt.u32 s9, $0xF7A;
	s5 =	simm.s32 @!p2 $0x0  }
0x1d: {  	s5 =	simm.s32 @p1 $0x1;
	p0 =	seq.s32 s7, s2  }
0x1e: {  	s7 =	smul.u32 @!p0 $0xF7A, s2;
	p2 =	seq.s32 @!p0 s5, $0x0  }
0x1f: {  	s9 =	smul.u32 $0xF7A, s1;
	s8 =	simm.s32 @!p0 $0x1BF5;
	p2 =	por !p2, p0  }
0x20: {  	[sflag:s8] =	ssyncset.s32 @!p0 $0xFFFFF086;
	s6 =	sadd.s32 @!p0 s3, s7;
	s7 =	simm.s32 @!p0 $0x108  }
0x21: {  	s3 =	sadd.s32 s3, s9;
	s6 =	sadd.s32 @!p0 $0x88, s6;
	s7 =	simm.s32 @p2 $0x1082  }
0x22: {  	[simem:s7], [sflag:s8] =	dma.local @!p0 [hbm:s6], $0xF7A  }
0x23: {  	s9 =	sor.u32 $0xD0000000, s2;
	s6 =	simm.s32 $0x108;
	_ =	swait.ge @!p0 [sflag:s8], $0x0  }
0x24: {  	s3 =	sadd.s32 $0x88, s3;
	s6 =	simm.s32 @!p1 $0x1082;
	[sflag:s4] =	ssyncset.s32 $0xFFFFF086  }
0x25: {  	[simem:s6], [sflag:s4] =	dma.local [hbm:s3], $0xF7A  }
0x26: {  	[smem:$0x3FA0] =	sst s1;
	(tag) =	ssettag s2;
	_ =	strace s9  }
0x27: {  	s1 =	sld [smem:$0x3FB0]  }
0x28: {  	s2 =	sld [smem:$0x3FB1]  }
0x29: {  	s4 =	sld [smem:$0x3FB3]  }
0x2a: {  	p0 =	seq.s32 s5, $0x0;
	s5 =	sld [smem:$0x3FB4]  }
0x2b: {  	s6 =	sld [smem:$0x3FB5]  }
0x2c: {  	s7 =	sld [smem:$0x3FB6]  }
0x2d: {  	s3 =	simm.s32 $0x108;
	s8 =	sld [smem:$0x3FB7]  }
0x2e: {  	s3 =	simm.s32 @!p0 $0x1082;
	s9 =	sld [smem:$0x3FB8]  }
0x2f: {  	lr =	sadd.s32 s0, s3;
	s0 =	sld [smem:$0x3FAF]  }
0x30: {  	s3 =	sld [smem:$0x3FB2]  }
0x31: {  	[smem:$0x3FBB] =	sst s10  }
0x32: {  	s10 =	sld [smem:$0x3FB9];
	_ =	sdelay $0x3  }
0x33: {  	p0 =	seq.s32 s10, $0x1;
	s10 =	sld [smem:$0x3FBB];
	_ =	sdelay $0x3  }
0x34: {  	[smem:$0x3FBB] =	sst s10  }
0x35: {  	s10 =	sld [smem:$0x3FBA];
	_ =	sdelay $0x3  }
0x36: {  	p1 =	seq.s32 s10, $0x1;
	s10 =	sld [smem:$0x3FBB];
	_ =	sdelay $0x3  }
0x37: {  	[smem:$0x3FBB] =	sst s10  }
0x38: {  	s10 =	sld [smem:$0x3FBC]  }
0x39: {  	_ = 	snop;
	(pc) =	sbr.ind lr, $3  }
0x3a: {  	_ = 	snop  }
0x3b: {  	_ = 	snop  }
0x3c: {  	p2 =	seq.s32 s10, $0x1;
	s10 =	sld [smem:$0x3FBB]  }
0x3d: {  	_ =	shalt  }
0x3e: {  	_ =	shalt  }
0x3f: {  	_ =	shalt  }
0x40: {  	_ =	shalt  }
0x41: {  	_ =	shalt  }
0x42: {  	_ =	shalt  }
0x43: {  	_ =	shalt  }
0x44: {  	_ =	shalt  }
0x45: {  	_ =	shalt  }
0x46: {  	_ =	shalt  }
0x47: {  	_ =	shalt  }
0x48: {  	_ =	shalt  }
0x49: {  	_ =	shalt  }
0x4a: {  	_ =	shalt  }
0x4b: {  	_ =	shalt  }
0x4c: {  	_ =	shalt  }
0x4d: {  	_ =	shalt  }
0x4e: {  	_ =	shalt  }
0x4f: {  	_ =	shalt  }
0x50: {  	_ =	shalt  }
0x51: {  	_ =	shalt  }
0x52: {  	_ =	shalt  }
0x53: {  	_ =	shalt  }
0x54: {  	_ =	shalt  }
0x55: {  	_ =	shalt  }
0x56: {  	_ =	shalt  }
0x57: {  	_ =	shalt  }
0x58: {  	_ =	shalt  }
0x59: {  	_ =	shalt  }
0x5a: {  	_ =	shalt  }
0x5b: {  	_ =	shalt  }
0x5c: {  	_ =	shalt  }
0x5d: {  	_ =	shalt  }
0x5e: {  	_ =	shalt  }
0x5f: {  	_ =	shalt  }
0x60: {  	_ =	shalt  }
0x61: {  	_ =	shalt  }
0x62: {  	_ =	shalt  }
0x63: {  	_ =	shalt  }
0x64: {  	_ =	shalt  }
0x65: {  	_ =	shalt  }
0x66: {  	_ =	shalt  }
0x67: {  	_ =	shalt  }
0x68: {  	_ =	shalt  }
0x69: {  	_ =	shalt  }
0x6a: {  	_ =	shalt  }
0x6b: {  	_ =	shalt  }
0x6c: {  	_ =	shalt  }
0x6d: {  	_ =	shalt  }
0x6e: {  	_ =	shalt  }
0x6f: {  	_ =	shalt  }
0x70: {  	_ =	shalt  }
0x71: {  	_ =	shalt  }
0x72: {  	_ =	shalt  }
0x73: {  	_ =	shalt  }
0x74: {  	_ =	shalt  }
0x75: {  	_ =	shalt  }
0x76: {  	_ =	shalt  }
0x77: {  	_ =	shalt  }
0x78: {  	_ =	shalt  }
0x79: {  	_ =	shalt  }
0x7a: {  	_ =	shalt  }
0x7b: {  	_ =	shalt  }
0x7c: {  	_ =	shalt  }
0x7d: {  	_ =	shalt  }
0x7e: {  	_ =	shalt  }
0x7f: {  	_ =	shalt  }
0x80: {  	_ =	shalt  }
0x81: {  	_ =	shalt  }
0x82: {  	_ =	shalt  }
0x83: {  	_ =	shalt  }
0x84: {  	_ =	shalt  }
0x85: {  	_ =	shalt  }
0x86: {  	_ =	shalt  }
0x87: {  	_ =	shalt  }
.Lfunc_end0:
.L_simem_size_0:
called_computation_lowered:
.L_overlay_start_0:
0x88: {  	s2 =	sld [smem:$0x3FD9]  }
0x89: {  	s3 =	sld [smem:$0x3FFE];
	_ =	sdelay $0x1  }
0x8a: {  	s1 =	srdreg.scid  }
0x8b: {  	s0 =	sand.u32 $0x1, s1  }
0x8c: {  	s18 =	sshll.u32 s0, $0xA;
	s2 =	sadd.s32 s3, s2  }
0x8d: {  	s2 =	sadd.s32 s2, s18  }
0x8e: {  	[smem:$0x3FC7] =	sst s2  }
0x8f: {  	_ = 	snop  }
0x90: {  	s2 =	sld [smem:$0x3FC9]  }
0x91: {  	s19 =	sld [smem:$0x3FD0];
	(tm) =	ssettm $0x1  }
0x92: {  	s4 =	sld [smem:$0x3FFB];
	_ =	sdelay $0x3  }
0x93: {  	_ =	strace s4  }
0x94: {  	s4 =	sld [smem:$0x3FFC];
	_ =	sdelay $0x3  }
0x95: {  	_ =	strace s4  }
0x96: {  	s4 =	sld [smem:$0x3FFD];
	_ =	sdelay $0x3  }
0x97: {  	_ =	strace s4  }
0x98: {  	_ =	strace $0x8FFFFFFF  }
0x99: {  	s20 =	sld [smem:$0x3FDB];
	_ =	sdelay $0x1  }
0x9a: {  	s5 =	simm.s32 $_scs_section_size  }
0x9b: {  	s6 =	simm.s32 $_size__tile_overlayer_lowered;
	s7 =	simm.s32 $_tile_overlayer_lowered  }
0x9c: {  	s23 =	simm.s32 $0x1BFF;
	s22 =	sshll.u32 s7, $0x1;
	s4 =	sadd.s32 s5, s20  }
0x9d: {  	s8 =	simm.s32 $0x0;
	s21 =	sshll.u32 s6, $0x1;
	s6 =	sadd.s32 s22, s4  }
0x9e: {  	[timem:s8], [sflag:s23] =	dma.local [hbm:s6], s21  }
0x9f: {  	_ =	swait.ge [sflag:s23], s21  }
0xa0: {  	s5 =	ssub.s32 $0x0, s21;
	[sflag:s23] =	ssyncset.done $0x0  }
0xa1: {  	[sflag:s23] =	ssyncadd.s32 s5;
	_ =	sdelay $0x1  }
0xa2: {  	s24 =	simm.s32 $0x1B8B  }
0xa3: {  	_ =	swait.ge [sflag:s24], $0x1  }
0xa4: {  	[sflag:s24] =	ssyncset.done $0x0  }
0xa5: {  	s25 =	simm.s32 $0x1B8E;
	[sflag:s24] =	ssyncadd.s32 $0xFFFFFFFF  }
0xa6: {  	s26 =	simm.s32 $execute0_lowered;
	[smem:$0x3FD2] =	sst s25  }
0xa7: {  	s5 =	sshll.u32 s26, $0x1;
	_ =	strace $0x80000046;
	[dreg:$0x1] =	wrdreg $0xFFFFFFFF  }
0xa8: {  	s28 =	simm.s32 $_size_execute0_lowered;
	s4 =	sadd.s32 s4, s5;
	[dreg:$0x0] =	wrdreg $0x0  }
0xa9: {  	s5 =	sshll.u32 s28, $0x1;
	[dreg:$0x2] =	wrdreg s4  }
0xaa: {  	[dreg:$0x3] =	wrdreg s5  }
0xab: {  	[dreg:$0x4] =	wrdreg $0xC0  }
0xac: {  	_ =	task [dreg:s8], $0x5FFFF  }
0xad: {  	[dreg:$0x1] =	wrdreg $0xFFFFFFFF  }
0xae: {  	[dreg:$0x0] =	wrdreg $0x60  }
0xaf: {  	[dreg:$0x2] =	wrdreg s2  }
0xb0: {  	[dreg:$0x3] =	wrdreg s19  }
0xb1: {  	[dreg:$0x4] =	wrdreg $0x9  }
0xb2: {  	_ =	task.clear_ibuf [dreg:s8], $0x5FFFF;
	_ =	strace $0x90000046  }
0xb3: {  	s29 =	simm.s32 $0x9;
	_ =	strace $0x80000048  }
0xb4: {  	_ =	swait.ge [sflag:s29], $0x1  }
0xb5: {  	[sflag:s29] =	ssyncadd.s32 $0xFFFFFFFF  }
0xb6: {  	_ =	strace $0x90000048  }
0xb7: {  	_ =	sfence  }
0xb8: {  	s30 =	sld [smem:$0x0];
	_ =	sdelay $0x2  }
0xb9: {  	s31 =	sshll.u32 s1, $0xD;
	s1 =	sshrl.u32 s1, $0x2  }
0xba: {  	s3 =	sand.u32 $0x4000, s31;
	s1 =	sadd.s32 s1, s30  }
0xbb: {  	s0 =	sor.u32 s3, s0;
	s1 =	sshll.u32 s1, $0x11  }
0xbc: {  	s0 =	sor.u32 s1, s0  }
0xbd: {  	s0 =	sadd.s32 $0x8F2B, s0  }
0xbe: {  	[sflag:s0] =	ssyncadd.remote.s32 $0x1  }
0xbf: {  	_ =	sfence.sel $0xFFFF  }
0xc0: {  	[dreg:$0x0] =	wrdreg $0xFFFFFFFF;
	(pc) =	sbr.abs _section_cstart, $3  }
0xc1: {  	[dreg:$0x1] =	wrdreg $0xFFFFFFFF  }
0xc2: {  	_ =	task.clear_ibuf [dreg:s8], $0x2FFFF;
	_ =	strace $0x9FFFFFFF  }
0xc3: {  	(tm) =	ssettm $0x7FFFFFFF  }
tec
execute0_lowered:
.L_overlay_start_1:
0x0: {  	(tag) =	ssettag $0x1  }
0x1: {  	v0 =	vimm.s32 $0x138F;
	vm0 =	vcmask $0x300;
	vm1 =	vcmask $0x704  }
0x2: {  	vm2 =	vcmask $0xB08;
	vm3 =	vcmask $0xF0C;
	vm4 =	vcmask $0x1310  }
0x3: {  	vm5 =	vcmask $0x1714;
	vm6 =	vcmask $0x1B18;
	vm7 =	vcmask $0x1F1C  }
0x4: {  	vm8 =	vcmask $0x2320;
	vm9 =	vcmask $0x2724;
	vm10 =	vcmask $0x2B28  }
0x5: {  	vm11 =	vcmask $0x2F2C;
	vm12 =	vcmask $0x3330;
	v36 =	vimm.s32 $0x46342210  }
0x6: {  	v1 =	vimm.s32 $0x8E7C6A58;
	v37 =	vimm.s32 $0xD6C4B2A0;
	vm15 =	vcmask $0x2F20  }
0x7: {  	vm13 =	vcmask $0xF00;
	vm14 =	vcmask $0x1F10;
	v3 =	vimm.s32 $0x56443220  }
0x8: {  	v40 =	vimm.s32 $0x9E8C7A68;
	v41 =	vimm.s32 $0xE6D4C2B0;
	v42 =	vimm.s32 $0x86746250  }
0x9: {  	v43 =	vimm.s32 $0xCEBCAA98;
	v7 =	vimm.s32 $0xF6E4D2C0;
	v49 =	vimm.s32 $0x164C3A28  }
0xa: {  	v50 =	vimm.s32 $0x96847260;
	v51 =	vimm.s32 $0xDECCBAA8;
	v54 =	vimm.s32 $0x3E2C1A00  }
0xb: {  	v59 =	vimm.s32 $0x26144A38;
	v9 =	vimm.s32 $0x36241248;
	v10 =	vimm.s32 $0x7E6C5A00  }
0xc: {  	v61 =	vimm.s32 $0xAE9C8A78;
	v62 =	vimm.s32 $0x66544230;
	v63 =	vimm.s32 $0x76645240  }
0xd: {  	v32 =	vimm.s32 $0xBEAC9A88;
	v33 =	vimm.s32 $0xF4E2D0;
	v11 =	vimm.s32 $0x4E3C2A18  }
0xe: {  	v18 =	vimm.s32 $0xFEECDAC8;
	v0 =	vsel vm0, $0x0, v0;
	v5 =	vunpack.c.0.s8.s32 v36  }
0xf: {  	v6 =	vunpack.c.0.s8.s32 v1;
	v12 =	vunpack.c.0.s8.s32 v37;
	v13 =	vunpack.c.0.s8.s32 v3  }
0x10: {  	v14 =	vunpack.c.0.s8.s32 v40;
	v16 =	vunpack.c.0.s8.s32 v41;
	v19 =	vunpack.c.0.s8.s32 v42  }
0x11: {  	v20 =	vunpack.c.0.s8.s32 v43;
	v21 =	vunpack.c.0.s8.s32 v7;
	v22 =	vunpack.c.0.s8.s32 v50  }
0x12: {  	v23 =	vunpack.c.0.s8.s32 v51;
	v56 =	vunpack.c.0.s8.s32 v54;
	v9 =	vunpack.c.0.s8.s32 v9  }
0x13: {  	v60 =	vunpack.c.0.s8.s32 v10;
	v15 =	vunpack.c.0.s8.s32 v61;
	v17 =	vunpack.c.0.s8.s32 v62  }
0x14: {  	v24 =	vunpack.c.0.s8.s32 v63;
	v25 =	vunpack.c.0.s8.s32 v32;
	v35 =	vunpack.c.0.s8.s32 v33  }
0x15: {  	v30 =	vunpack.c.0.s8.s32 v11;
	v18 =	vunpack.c.0.s8.s32 v18;
	v40 =	vimm.s32 $0x6F4E2D0  }
0x16: {  	v41 =	vimm.s32 $0x261402F0;
	v43 =	vimm.s32 $0x1380;
	v0 =	vsel vm1, $0x81, v0  }
0x17: {  	v0 =	vsel vm2, $0x102, v0;
	v38 =	vnsel vm13, $0x1E, v5;
	v1 =	vand.u32 $0xFF, v6  }
0x18: {  	v39 =	vand.u32 $0xFF, v12;
	v44 =	vnsel vm13, $0x2E, v13;
	v4 =	vand.u32 $0xFF, v14  }
0x19: {  	v46 =	vand.u32 $0xFF, v16;
	v47 =	vand.u32 $0xFF, v19;
	v8 =	vand.u32 $0xFF, v20  }
0x1a: {  	v53 =	vand.u32 $0xFF, v21;
	v55 =	vand.u32 $0xFF, v22;
	v58 =	vand.u32 $0xFF, v23  }
0x1b: {  	v34 =	vand.u32 $0xFF, v15;
	v63 =	vsel vm14, v6, v5;
	v14 =	vsel vm14, v14, v13  }
0x1c: {  	v0 =	vsel vm3, $0x183, v0;
	v45 =	vsel vm14, v4, v44;
	v4 =	vnsel vm13, $0x5E, v47  }
0x1d: {  	v57 =	vnsel vm13, $0x6E, v55;
	vm13 =	vcmask $0x3728;
	v0 =	vsel vm4, $0x204, v0  }
0x1e: {  	v36 =	vsel vm14, v34, v17;
	v55 =	vand.u32 $0xFF, v24;
	v0 =	vsel vm5, $0x285, v0  }
0x1f: {  	v17 =	vsel vm14, v15, v17;
	v15 =	vsel vm14, v25, v24;
	v0 =	vsel vm6, $0x306, v0  }
0x20: {  	v24 =	vimm.s32 $0x6E5C4A38;
	v48 =	vsel vm14, v8, v4;
	v0 =	vsel vm7, $0x387, v0  }
0x21: {  	v34 =	vimm.s32 $0xA9876543;
	v3 =	vsel vm8, $0xE0, v48;
	v0 =	vsel vm8, $0x1008, v0  }
0x22: {  	v4 =	vunpack.c.0.s8.s32 v49;
	v3 =	vsel vm9, $0xF2, v3;
	v0 =	vsel vm9, $0x1089, v0  }
0x23: {  	v42 =	vunpack.c.0.s8.s32 v24;
	v3 =	vsel vm10, $0x104, v3;
	v0 =	vsel vm10, $0x110A, v0  }
0x24: {  	v2 =	vsel vm11, $0x118B, v0;
	v0 =	vsel vm14, v1, v38;
	v38 =	vimm.s32 $0xC6B4A290  }
0x25: {  	v1 =	vsel vm15, v39, v0;
	v0 =	vsel vm15, v46, v45;
	vm15 =	vcmask $0x3B2C  }
0x26: {  	v52 =	vsel vm12, $0x120C, v2;
	v2 =	vsel vm4, $0x108, v53;
	v6 =	vunpack.c.0.s8.s32 v38  }
0x27: {  	v37 =	vsel vm15, v4, v3;
	v3 =	vsel vm14, v58, v57;
	v4 =	vunpack.c.0.s8.s32 v59  }
0x28: {  	v57 =	vimm.s32 $0xA6948270;
	v58 =	vimm.s32 $0xEEDCCAB8;
	v3 =	vsel vm8, $0xF0, v3  }
0x29: {  	v28 =	vunpack.c.0.s8.s32 v57;
	v31 =	vunpack.c.0.s8.s32 v58;
	v3 =	vsel vm9, $0x102, v3  }
0x2a: {  	v1 =	vsel vm12, $0xE8, v1;
	v0 =	vsel vm12, $0xF8, v0;
	v3 =	vsel vm13, v4, v3  }
0x2b: {  	vm13 =	vcmask $0x1304;
	v59 =	vand.u32 $0xFF, v28;
	v26 =	vand.u32 $0xFF, v31  }
0x2c: {  	v9 =	vnsel vm13, $0x100, v9;
	vm13 =	vcmask $0x1F14;
	v62 =	vsel vm14, v26, v59  }
0x2d: {  	v26 =	vimm.s32 $0x1E0CFAE8;
	v2 =	vsel vm13, v56, v2;
	v4 =	vsel vm13, v60, v9  }
0x2e: {  	vm13 =	vcmask $0x3734;
	v56 =	vand.u32 $0xFF, v25;
	v9 =	vand.u32 $0xFF, v35  }
0x2f: {  	v60 =	vimm.s32 $0xB6A49280;
	v13 =	vunpack.c.0.s8.s32 v26;
	v26 =	vimm.s32 $0x2E1C0AF8  }
0x30: {  	v27 =	vsel vm13, $0x128D, v52;
	v8 =	vsel vm14, v56, v55;
	v9 =	vsel vm3, $0x106, v9  }
0x31: {  	v29 =	vunpack.c.0.s8.s32 v60;
	v39 =	vunpack.c.0.s8.s32 v26;
	v1 =	vsel vm13, $0xFA, v1  }
0x32: {  	v0 =	vsel vm13, $0x10A, v0;
	v58 =	vcombine.low v36, v2;
	v61 =	vsel vm14, v30, v9  }
0x33: {  	v26 =	vsel vm14, v13, v12;
	v12 =	vsel vm14, v20, v19;
	v19 =	vimm.s32 $0x1604F2E0  }
0x34: {  	v20 =	vimm.s32 $0x5E4C3A28;
	v5 =	vsel vm14, v18, v29;
	v18 =	vimm.s32 $0xEFCEAD8  }
0x35: {  	v29 =	vimm.s32 $0x3E2C1A08;
	v16 =	vsel vm14, v39, v16;
	v19 =	vunpack.c.0.s8.s32 v19  }
0x36: {  	v20 =	vunpack.c.0.s8.s32 v20;
	v38 =	vcombine.low v8, v61;
	v18 =	vunpack.c.0.s8.s32 v18  }
0x37: {  	[tilespmem:$0x1FE20] =	vst v58;
	v61 =	vcombine.low v26, v17;
	v58 =	vimm.s32 $0x6543210F;
	v13 =	vunpack.c.0.s8.s32 v29  }
0x38: {  	v29 =	vsel vm14, v23, v22;
	v18 =	vsel vm14, v18, v6;
	v6 =	vunpack.c.0.s8.s32 v40  }
0x39: {  	v59 =	vcombine.low v5, v63;
	v13 =	vsel vm14, v13, v21;
	v21 =	vunpack.c.0.s8.s32 v41  }
0x3a: {  	v60 =	vcombine.low v18, v14;
	v63 =	vcombine.low v13, v12;
	v33 =	vsel vm14, v30, v6  }
0x3b: {  	v30 =	vsel vm14, v31, v28;
	v31 =	vsel vm14, v20, v19;
	v32 =	vsel vm14, v42, v21  }
0x3c: {  	vm14 =	vcmask $0x3B38;
	v6 =	vsel vm0, $0x1, v43;
	v20 =	vimm.s32 $0x1382  }
0x3d: {  	v19 =	vsel vm14, $0x130E, v27;
	v6 =	vsel vm1, $0x82, v6;
	v20 =	vsel vm0, $0x3, v20  }
0x3e: {  	v1 =	vsel vm14, $0x10C, v1;
	v0 =	vsel vm14, $0x1C, v0;
	v36 =	vsel vm14, $0x5C, v3  }
0x3f: {  	v27 =	vcombine.low v62, v4;
	v35 =	vand.u32 $0xFF, v60;
	v62 =	vcombine.low v16, v15  }
0x40: {  	v8 =	vcombine.low v33, v29;
	v10 =	vcombine.low v32, v5;
	v32 =	vimm.s32 $0x98765432  }
0x41: {  	v33 =	vimm.s32 $0x210FEDCB;
	v4 =	vunpack.c.l.s4.s8 v34;
	[tilespmem:$0x1FD10] =	vst v19;
	v19 =	vimm.s32 $0x1381  }
0x42: {  	v60 =	vimm.s32 $0xEDCBA987;
	v6 =	vsel vm2, $0x103, v6;
	v19 =	vsel vm0, $0x2, v19  }
0x43: {  	v20 =	vsel vm1, $0x84, v20;
	v2 =	vunpack.c.l.s4.s8 v32;
	v19 =	vsel vm1, $0x83, v19  }
0x44: {  	v3 =	vunpack.c.l.s4.s8 v33;
	v6 =	vsel vm3, $0x184, v6;
	v19 =	vsel vm2, $0x104, v19  }
0x45: {  	v20 =	vsel vm2, $0x105, v20;
	v6 =	vsel vm4, $0x205, v6;
	v19 =	vsel vm3, $0x185, v19  }
0x46: {  	v20 =	vsel vm3, $0x186, v20;
	v6 =	vsel vm5, $0x286, v6;
	v19 =	vsel vm4, $0x206, v19  }
0x47: {  	v20 =	vsel vm4, $0x207, v20;
	v6 =	vsel vm6, $0x307, v6;
	v19 =	vsel vm5, $0x287, v19  }
0x48: {  	v20 =	vsel vm5, $0x288, v20;
	v6 =	vsel vm7, $0x388, v6;
	v19 =	vsel vm6, $0x308, v19  }
0x49: {  	v20 =	vsel vm6, $0x309, v20;
	v6 =	vsel vm8, $0x1009, v6;
	v19 =	vsel vm7, $0x389, v19  }
0x4a: {  	v20 =	vsel vm7, $0x38A, v20;
	v6 =	vsel vm9, $0x108A, v6;
	v19 =	vsel vm8, $0x100A, v19  }
0x4b: {  	v20 =	vsel vm8, $0x100B, v20;
	v6 =	vsel vm10, $0x110B, v6;
	v19 =	vsel vm9, $0x108B, v19  }
0x4c: {  	v20 =	vsel vm9, $0x108C, v20;
	v6 =	vsel vm11, $0x118C, v6;
	v19 =	vsel vm10, $0x110C, v19  }
0x4d: {  	v20 =	vsel vm10, $0x110D, v20;
	v6 =	vsel vm12, $0x120D, v6;
	v19 =	vsel vm11, $0x118D, v19  }
0x4e: {  	v20 =	vsel vm11, $0x118E, v20;
	v6 =	vsel vm13, $0x128E, v6;
	v19 =	vsel vm12, $0x120E, v19  }
0x4f: {  	v6 =	vsel vm14, $0x130F, v6;
	v44 =	vsel vm13, $0x128F, v19;
	v19 =	vsel vm12, $0x120F, v20  }
0x50: {  	[tilespmem:$0x1FD20] =	vst v6;
	v20 =	vimm.s32 $0x1385;
	v6 =	vsel vm14, $0x1300, v44;
	v45 =	vsel vm13, $0x1280, v19  }
0x51: {  	v19 =	vimm.s32 $0x1383;
	v20 =	vsel vm0, $0x6, v20;
	v44 =	vimm.s32 $0xCBA98765  }
0x52: {  	[tilespmem:$0x1FD30] =	vst v6;
	v6 =	vsel vm14, $0x1301, v45;
	v46 =	vsel vm0, $0x4, v19;
	v19 =	vimm.s32 $0x1384  }
0x53: {  	v20 =	vsel vm1, $0x87, v20;
	[tilespmem:$0x1FD40] =	vst v6;
	v6 =	vsel vm1, $0x85, v46;
	v19 =	vsel vm0, $0x5, v19  }
0x54: {  	v20 =	vsel vm2, $0x108, v20;
	v6 =	vsel vm2, $0x106, v6;
	v19 =	vsel vm1, $0x86, v19  }
0x55: {  	v46 =	vunpack.c.0.s8.s32 v2;
	v6 =	vsel vm3, $0x187, v6;
	v19 =	vsel vm2, $0x107, v19  }
0x56: {  	v2 =	vunpack.c.l.s4.s8 v44;
	v6 =	vsel vm4, $0x208, v6;
	v19 =	vsel vm3, $0x188, v19  }
0x57: {  	v20 =	vsel vm3, $0x189, v20;
	v6 =	vsel vm5, $0x289, v6;
	v19 =	vsel vm4, $0x209, v19  }
0x58: {  	v20 =	vsel vm4, $0x20A, v20;
	v6 =	vsel vm6, $0x30A, v6;
	v19 =	vsel vm5, $0x28A, v19  }
0x59: {  	v20 =	vsel vm5, $0x28B, v20;
	v6 =	vsel vm7, $0x38B, v6;
	v19 =	vsel vm6, $0x30B, v19  }
0x5a: {  	v20 =	vsel vm6, $0x30C, v20;
	v6 =	vsel vm8, $0x100C, v6;
	v19 =	vsel vm7, $0x38C, v19  }
0x5b: {  	v20 =	vsel vm7, $0x38D, v20;
	v6 =	vsel vm9, $0x108D, v6;
	v19 =	vsel vm8, $0x100D, v19  }
0x5c: {  	v20 =	vsel vm8, $0x100E, v20;
	v6 =	vsel vm10, $0x110E, v6;
	v19 =	vsel vm9, $0x108E, v19  }
0x5d: {  	v20 =	vsel vm9, $0x108F, v20;
	v6 =	vsel vm11, $0x118F, v6;
	v19 =	vsel vm10, $0x110F, v19  }
0x5e: {  	v20 =	vsel vm10, $0x1100, v20;
	v6 =	vsel vm12, $0x1200, v6;
	v19 =	vsel vm11, $0x1180, v19  }
0x5f: {  	v20 =	vsel vm11, $0x1181, v20;
	v6 =	vsel vm13, $0x1281, v6;
	v19 =	vsel vm12, $0x1201, v19  }
0x60: {  	v6 =	vsel vm14, $0x1302, v6;
	v47 =	vsel vm13, $0x1282, v19;
	v19 =	vsel vm12, $0x1202, v20  }
0x61: {  	[tilespmem:$0x1FD50] =	vst v6;
	v6 =	vsel vm14, $0x1303, v47;
	v48 =	vsel vm13, $0x1283, v19;
	v19 =	vimm.s32 $0x1386  }
0x62: {  	v20 =	vimm.s32 $0x1388;
	[tilespmem:$0x1FD60] =	vst v6;
	v6 =	vsel vm14, $0x1304, v48;
	v49 =	vsel vm0, $0x7, v19  }
0x63: {  	v20 =	vsel vm0, $0x9, v20;
	v19 =	vimm.s32 $0x1387;
	[tilespmem:$0x1FD70] =	vst v6;
	v6 =	vsel vm1, $0x88, v49  }
0x64: {  	v47 =	vunpack.c.0.s8.s32 v3;
	v19 =	vsel vm0, $0x8, v19;
	v6 =	vsel vm2, $0x109, v6  }
0x65: {  	v20 =	vsel vm1, $0x8A, v20;
	v19 =	vsel vm1, $0x89, v19;
	v6 =	vsel vm3, $0x18A, v6  }
0x66: {  	v48 =	vunpack.c.0.s8.s32 v4;
	v19 =	vsel vm2, $0x10A, v19;
	v6 =	vsel vm4, $0x20B, v6  }
0x67: {  	v20 =	vsel vm2, $0x10B, v20;
	v19 =	vsel vm3, $0x18B, v19;
	v6 =	vsel vm5, $0x28C, v6  }
0x68: {  	v20 =	vsel vm3, $0x18C, v20;
	v19 =	vsel vm4, $0x20C, v19;
	v6 =	vsel vm6, $0x30D, v6  }
0x69: {  	v20 =	vsel vm4, $0x20D, v20;
	v19 =	vsel vm5, $0x28D, v19;
	v6 =	vsel vm7, $0x38E, v6  }
0x6a: {  	v20 =	vsel vm5, $0x28E, v20;
	v19 =	vsel vm6, $0x30E, v19;
	v6 =	vsel vm8, $0x100F, v6  }
0x6b: {  	v20 =	vsel vm6, $0x30F, v20;
	v19 =	vsel vm7, $0x38F, v19;
	v6 =	vsel vm9, $0x1080, v6  }
0x6c: {  	v20 =	vsel vm7, $0x380, v20;
	v19 =	vsel vm8, $0x1000, v19;
	v6 =	vsel vm10, $0x1101, v6  }
0x6d: {  	v20 =	vsel vm8, $0x1001, v20;
	v19 =	vsel vm9, $0x1081, v19;
	v6 =	vsel vm11, $0x1182, v6  }
0x6e: {  	v20 =	vsel vm9, $0x1082, v20;
	v19 =	vsel vm10, $0x1102, v19;
	v6 =	vsel vm12, $0x1203, v6  }
0x6f: {  	v20 =	vsel vm10, $0x1103, v20;
	v19 =	vsel vm11, $0x1183, v19;
	v6 =	vsel vm13, $0x1284, v6  }
0x70: {  	v20 =	vsel vm11, $0x1184, v20;
	v19 =	vsel vm12, $0x1204, v19;
	v6 =	vsel vm14, $0x1305, v6  }
0x71: {  	v50 =	vsel vm13, $0x1285, v19;
	v19 =	vsel vm12, $0x1205, v20;
	v20 =	vimm.s32 $0x138B  }
0x72: {  	[tilespmem:$0x1FD80] =	vst v6;
	v6 =	vsel vm14, $0x1306, v50;
	v51 =	vsel vm13, $0x1286, v19;
	v19 =	vimm.s32 $0x1389  }
0x73: {  	[tilespmem:$0x1FD90] =	vst v6;
	v6 =	vsel vm14, $0x1307, v51;
	v52 =	vsel vm0, $0xA, v19;
	v19 =	vimm.s32 $0x138A  }
0x74: {  	v20 =	vsel vm0, $0xC, v20;
	[tilespmem:$0x1FDA0] =	vst v6;
	v6 =	vsel vm1, $0x8B, v52;
	v19 =	vsel vm0, $0xB, v19  }
0x75: {  	v50 =	vimm.s32 $0xDCBA9876;
	v6 =	vsel vm2, $0x10C, v6;
	v19 =	vsel vm1, $0x8C, v19  }
0x76: {  	v20 =	vsel vm1, $0x8D, v20;
	v6 =	vsel vm3, $0x18D, v6;
	v19 =	vsel vm2, $0x10D, v19  }
0x77: {  	v20 =	vsel vm2, $0x10E, v20;
	v6 =	vsel vm4, $0x20E, v6;
	v19 =	vsel vm3, $0x18E, v19  }
0x78: {  	v20 =	vsel vm3, $0x18F, v20;
	v6 =	vsel vm5, $0x28F, v6;
	v19 =	vsel vm4, $0x20F, v19  }
0x79: {  	v20 =	vsel vm4, $0x200, v20;
	v6 =	vsel vm6, $0x300, v6;
	v19 =	vsel vm5, $0x280, v19  }
0x7a: {  	v20 =	vsel vm5, $0x281, v20;
	v6 =	vsel vm7, $0x381, v6;
	v19 =	vsel vm6, $0x301, v19  }
0x7b: {  	v20 =	vsel vm6, $0x302, v20;
	v6 =	vsel vm8, $0x1002, v6;
	v19 =	vsel vm7, $0x382, v19  }
0x7c: {  	v20 =	vsel vm7, $0x383, v20;
	v6 =	vsel vm9, $0x1083, v6;
	v19 =	vsel vm8, $0x1003, v19  }
0x7d: {  	v20 =	vsel vm8, $0x1004, v20;
	v6 =	vsel vm10, $0x1104, v6;
	v19 =	vsel vm9, $0x1084, v19  }
0x7e: {  	v20 =	vsel vm9, $0x1085, v20;
	v6 =	vsel vm11, $0x1185, v6;
	v19 =	vsel vm10, $0x1105, v19  }
0x7f: {  	v20 =	vsel vm10, $0x1106, v20;
	v6 =	vsel vm12, $0x1206, v6;
	v19 =	vsel vm11, $0x1186, v19  }
0x80: {  	v20 =	vsel vm11, $0x1187, v20;
	v6 =	vsel vm13, $0x1287, v6;
	v19 =	vsel vm12, $0x1207, v19  }
0x81: {  	v6 =	vsel vm14, $0x1308, v6;
	v53 =	vsel vm13, $0x1288, v19;
	v19 =	vsel vm12, $0x1208, v20  }
0x82: {  	[tilespmem:$0x1FDB0] =	vst v6;
	v6 =	vsel vm14, $0x1309, v53;
	v54 =	vsel vm13, $0x1289, v19;
	v19 =	vimm.s32 $0x138C  }
0x83: {  	[tilespmem:$0x1FDC0] =	vst v6;
	v6 =	vsel vm14, $0x130A, v54;
	v55 =	vsel vm0, $0xD, v19;
	v19 =	vimm.s32 $0x138D  }
0x84: {  	v20 =	vimm.s32 $0x138E;
	[tilespmem:$0x1FDD0] =	vst v6;
	v6 =	vsel vm1, $0x8E, v55;
	v19 =	vsel vm0, $0xE, v19  }
0x85: {  	v20 =	vsel vm0, $0xF, v20;
	v6 =	vsel vm2, $0x10F, v6;
	v19 =	vsel vm1, $0x8F, v19  }
0x86: {  	v20 =	vsel vm1, $0x80, v20;
	v6 =	vsel vm3, $0x180, v6;
	v19 =	vsel vm2, $0x100, v19  }
0x87: {  	v20 =	vsel vm2, $0x101, v20;
	v6 =	vsel vm4, $0x201, v6;
	v19 =	vsel vm3, $0x181, v19  }
0x88: {  	v20 =	vsel vm3, $0x182, v20;
	v6 =	vsel vm5, $0x282, v6;
	v19 =	vsel vm4, $0x202, v19  }
0x89: {  	v20 =	vsel vm4, $0x203, v20;
	v6 =	vsel vm6, $0x303, v6;
	v19 =	vsel vm5, $0x283, v19  }
0x8a: {  	v20 =	vsel vm5, $0x284, v20;
	v6 =	vsel vm7, $0x384, v6;
	v19 =	vsel vm6, $0x304, v19  }
0x8b: {  	v20 =	vsel vm6, $0x305, v20;
	v6 =	vsel vm8, $0x1005, v6;
	v19 =	vsel vm7, $0x385, v19  }
0x8c: {  	v20 =	vsel vm7, $0x386, v20;
	v6 =	vsel vm9, $0x1086, v6;
	v19 =	vsel vm8, $0x1006, v19  }
0x8d: {  	v20 =	vsel vm8, $0x1007, v20;
	v6 =	vsel vm10, $0x1107, v6;
	v19 =	vsel vm9, $0x1087, v19  }
0x8e: {  	v20 =	vsel vm9, $0x1088, v20;
	v6 =	vsel vm11, $0x1188, v6;
	v19 =	vsel vm10, $0x1108, v19  }
0x8f: {  	v20 =	vsel vm10, $0x1109, v20;
	v6 =	vsel vm12, $0x1209, v6;
	v19 =	vsel vm11, $0x1189, v19  }
0x90: {  	[tilespmem:$0x1FE10] =	vst v1;
	v20 =	vsel vm11, $0x118A, v20;
	v6 =	vsel vm13, $0x128A, v6;
	v19 =	vsel vm12, $0x120A, v19  }
0x91: {  	[tilespmem:$0x1FE30] =	vst v0;
	v6 =	vsel vm14, $0x130B, v6;
	v56 =	vsel vm13, $0x128B, v19;
	v19 =	vsel vm12, $0x120B, v20  }
0x92: {  	v4 =	vunpack.c.l.s4.s8 v50;
	[tilespmem:$0x1FDE0] =	vst v6;
	v6 =	vsel vm14, $0x130C, v56;
	v57 =	vsel vm13, $0x128C, v19  }
0x93: {  	s0 =	rddreg [dreg:$0x0];
	s4 =	simm.s32 $0x0;
	v3 =	vunpack.c.l.s4.s8 v58;
	v52 =	vunpack.c.0.s8.s32 v2;
	[tilespmem:$0x1FDF0] =	vst v6;
	v6 =	vsel vm14, $0x130D, v57  }
0x94: {  	[smem:$0x7FF] =	sst s4;
	v28 =	vand.u32 $0xFF, v61;
	v5 =	vunpack.c.l.s4.s8 v60;
	v61 =	vunpack.c.0.s8.s32 v4;
	[tilespmem:$0x1FE00] =	vst v6  }
0x95: {  	s1 =	rddreg [dreg:$0x1];
	v9 =	vcombine.low v31, v30;
	v30 =	vand.u32 $0xFF, v62;
	v62 =	vunpack.c.0.s8.s32 v3;
	_ =	strace $0x80000047;
	[tilespmem:$0x1FE40] =	vst v52  }
0x96: {  	v18 =	vand.u32 $0xFF, v63;
	v63 =	vunpack.c.0.s8.s32 v5;
	[tilespmem:$0x1FE60] =	vst v61  }
0x97: {  	v49 =	vlaneseq.u32;
	[tilespmem:$0x1FE70] =	vst v62  }
0x98: {  	v54 =	vmul.u32 $0x12, v49;
	[tilespmem:$0x1FE80] =	vst v63  }
0x99: {  	[tilespmem:$0x1FEA0] =	vst v37  }
0x9a: {  	[tilespmem:$0x1FEB0] =	vst v54  }
0x9b: {  	s2 =	srdreg.scid;
	s3 =	stileid.u32;
	[tilespmem:$0x1FEC0] =	vst v38  }
0x9c: {  	s2 =	sand.u32 $0x1, s2;
	s3 =	sshll.u32 s3, $0x1;
	[tilespmem:$0x1FED0] =	vst v36  }
0x9d: {  	s5 =	ssub.s32 $0x2, s2;
	s2 =	sor.u32 s2, s3;
	v39 =	vand.u32 $0xFF, v59;
	[tilespmem:$0x1FEE0] =	vst v27  }
0x9e: {  	s6 =	simm.s32 $0x1;
	s3 =	smul.u32 $0x3D, s2;
	p0 =	sne.s32 s2, $0x0;
	[tilespmem:$0x1FEF0] =	vst v39  }
0x9f: {  	s7 =	sshrl.u32 s5, $0x1;
	s6 =	simm.s32 @!p0 $0x0;
	[tilespmem:$0x1FF00] =	vst v35  }
0xa0: {  	s9 =	ssub.s32 s5, s7;
	s5 =	sadd.s32 s6, s3;
	[tilespmem:$0x1FF10] =	vst v28  }
0xa1: {  	v11 =	vimm.s32 $0xFEDCBA9;
	s17 =	sshll.u32 s5, $0x9;
	[tilespmem:$0x1FF20] =	vst v30  }
0xa2: {  	s8 =	sadd.s32 s0, s17;
	v22 =	vimm.s32 $0x87654321;
	v21 =	vunpack.c.l.s4.s8 v11;
	v16 =	vand.u32 $0xFF, v8;
	[tilespmem:$0x1FF30] =	vst v18  }
0xa3: {  	p0 =	seq.s32 s2, $0x0;
	s2 =	sadd.s32 $0x80, s8;
	v23 =	vimm.s32 $0x10FEDCBA;
	v0 =	vunpack.c.l.s4.s8 v22;
	v17 =	vand.u32 $0xFF, v9;
	[tilespmem:$0x1FF40] =	vst v16  }
0xa4: {  	s18 =	sadd.s32 $0x180, s8;
	v13 =	vunpack.c.0.s8.s32 v21;
	v1 =	vunpack.c.l.s4.s8 v23;
	v31 =	vand.u32 $0xFF, v10;
	[dreg:$0x3] =	wrdreg s2;
	[tilespmem:$0x1FF50] =	vst v17  }
0xa5: {  	s19 =	sadd.s32 $0xF4280, s8;
	v43 =	vimm.s32 $0x43210FED;
	v32 =	vunpack.c.0.s8.s32 v0;
	[dreg:$0x4] =	wrdreg s18;
	[tilespmem:$0x1FF60] =	vst v31  }
0xa6: {  	s31 =	simm.s32 $0x6000;
	s20 =	sadd.s32 $0xF4300, s8;
	v42 =	vimm.s32 $0xBA987654;
	v33 =	vunpack.c.0.s8.s32 v1;
	v1 =	vunpack.c.l.s4.s8 v43;
	[dreg:$0x5] =	wrdreg s19;
	[tilespmem:$0x1FF70] =	vst v13  }
0xa7: {  	s29 =	sadd.s32 $0x400, s0;
	s21 =	sadd.s32 $0xF4380, s8;
	v40 =	vimm.s32 $0x3210FEDC;
	v0 =	vunpack.c.l.s4.s8 v42;
	[dreg:$0x6] =	wrdreg s20;
	[tilespmem:$0x1FF80] =	vst v32  }
0xa8: {  	s30 =	sadd.s32 $0xF4680, s0;
	s22 =	sadd.s32 $0xF4400, s8;
	v41 =	vunpack.c.l.s4.s8 v40;
	v59 =	vunpack.c.0.s8.s32 v1;
	v51 =	vimm.s32 $0xFEDCBA98;
	[dreg:$0x7] =	wrdreg s21;
	[tilespmem:$0x1FF90] =	vst v33  }
0xa9: {  	s7 =	simm.s32 $0x1;
	s23 =	sadd.s32 $0x200, s8;
	v53 =	vimm.s32 $0x76543210;
	v57 =	vunpack.c.0.s8.s32 v0;
	v0 =	vunpack.c.l.s4.s8 v51;
	[dreg:$0x8] =	wrdreg s22;
	[tilespmem:$0x1FFA0] =	vst v46  }
0xaa: {  	s6 =	simm.s32 $0x3E;
	s24 =	sadd.s32 $0x280, s8;
	v45 =	vimm.s32 $0x543210FE;
	v1 =	vunpack.c.l.s4.s8 v53;
	v55 =	vunpack.c.0.s8.s32 v41;
	[dreg:$0x9] =	wrdreg s23;
	[tilespmem:$0x1FFB0] =	vst v47  }
0xab: {  	s6 =	simm.s32 @!p0 $0x3D;
	s25 =	sadd.s32 $0x300, s8;
	v56 =	vunpack.c.l.s4.s8 v45;
	[dreg:$0xa] =	wrdreg s24;
	v0 =	vunpack.c.0.s8.s32 v0;
	[tilespmem:$0x1FFC0] =	vst v48  }
.Ltmp0:
0xac: {  	s26 =	sadd.s32 $0x100, s8;
	v1 =	vunpack.c.0.s8.s32 v1;
	[dreg:$0xb] =	wrdreg s25;
	[tilespmem:$0x1FFD0] =	vst v55;
	(pc) =	sbr.rel .LBB2_1-.Ltmp0, $4  }
0xad: {  	s3 =	simm.s32 $0x2;
	s28 =	sadd.s32 $0xFFFFFFFC, s6;
	v2 =	vunpack.c.0.s8.s32 v56;
	[dreg:$0xc] =	wrdreg s26;
	[tilespmem:$0x1FFE0] =	vst v57;
	v0 =	vand.u32 $0xF, v0  }
0xae: {  	s19 =	sadd.s32 $0x380, s8;
	s20 =	sadd.s32 $0xF4480, s8;
	s21 =	sadd.s32 $0xF4500, s8;
	[tilespmem:$0x1FFF0] =	vst v59;
	v0 =	vcombine.low v0, v1  }
0xaf: {  	s22 =	sadd.s32 $0xF4580, s8;
	s23 =	sadd.s32 $0xF4600, s8;
	s24 =	sadd.s32 $0xFFFFFFFE, s6;
	[tilespmem:$0x1FE50] =	vst v2  }
0xb0: {  	s25 =	smax.u32 s9, $0x1;
	s26 =	sadd.s32 $0xFFFFFFFD, s6;
	s2 =	simm.s32 $0x0;
	[tilespmem:$0x1FE90] =	vst v0  }
.LBB2_27:
0xb1: {  	_ =	swait.ge [sflag:s3], $0x2000  }
0xb2: {  	[sflag:s3] =	ssyncset.done $0x0  }
0xb3: {  	s2 =	sadd.s32 $0x1, s2;
	[sflag:s3] =	ssyncadd.s32 $0xFFFFE000  }
0xb4: {  	p0 =	sne.s32 s2, s25;
	_ =	swait.ge [sflag:s3], $0x2000  }
.Ltmp1:
0xb5: {  	[sflag:s3] =	ssyncset.done $0x0;
	(pc) =	sbr.rel @!p0 .LBB2_28-.Ltmp1, $4  }
0xb6: {  	[sflag:s3] =	ssyncadd.s32 $0xFFFFE000  }
0xb7: {  	_ =	swait.ge [sflag:s3], $0x2000  }
0xb8: {  	[sflag:s3] =	ssyncset.done $0x0  }
0xb9: {  	[sflag:s3] =	ssyncadd.s32 $0xFFFFE000  }
.LBB2_1:
0xba: {  	[tilespmem:s4], [sflag:$0x1] =	stream.linear.gather [hbm4b:s8+s4], $0x400, $0x38;
	[tilespmem:$0xE000] =	vst v63  }
0xbb: {  	s9 =	rddreg [dreg:$0x3];
	s10 =	simm.s32 $0x400  }
0xbc: {  	[tilespmem:s10], [sflag:$0x1] =	stream.linear.gather [hbm4b:s9+s4], $0x400, $0x38;
	[tilespmem:$0xE000] =	vst v63  }
0xbd: {  	s13 =	rddreg [dreg:$0xc];
	s14 =	simm.s32 $0x800  }
0xbe: {  	[tilespmem:s14], [sflag:$0x1] =	stream.linear.gather [hbm4b:s13+s4], $0x400, $0x38;
	[tilespmem:$0xE000] =	vst v63  }
0xbf: {  	s15 =	rddreg [dreg:$0x4];
	s16 =	simm.s32 $0xC00  }
0xc0: {  	[tilespmem:s16], [sflag:$0x1] =	stream.linear.gather [hbm4b:s15+s4], $0x400, $0x38;
	[tilespmem:$0xE000] =	vst v63  }
0xc1: {  	s17 =	rddreg [dreg:$0x5];
	s18 =	simm.s32 $0x1000  }
0xc2: {  	[tilespmem:s18], [sflag:$0x1] =	stream.linear.gather [hbm4b:s17+s4], $0x400, $0x38;
	[tilespmem:$0xE000] =	vst v63  }
0xc3: {  	s11 =	rddreg [dreg:$0x6];
	s12 =	simm.s32 $0x1400  }
0xc4: {  	[tilespmem:s12], [sflag:$0x1] =	stream.linear.gather [hbm4b:s11+s4], $0x400, $0x38;
	[tilespmem:$0xE000] =	vst v63  }
0xc5: {  	s13 =	rddreg [dreg:$0x7];
	s14 =	simm.s32 $0x1800  }
0xc6: {  	[tilespmem:s14], [sflag:$0x1] =	stream.linear.gather [hbm4b:s13+s4], $0x400, $0x38;
	[tilespmem:$0xE000] =	vst v63  }
0xc7: {  	s15 =	rddreg [dreg:$0x8];
	s16 =	simm.s32 $0x1C00  }
0xc8: {  	[tilespmem:s16], [sflag:$0x1] =	stream.linear.gather [hbm4b:s15+s4], $0x400, $0x38;
	[tilespmem:$0xE000] =	vst v63  }
0xc9: {  	s17 =	rddreg [dreg:$0x9];
	s18 =	simm.s32 $0x2000  }
0xca: {  	[tilespmem:s18], [sflag:$0x1] =	stream.linear.gather [hbm4b:s17+s4], $0x400, $0x38;
	[tilespmem:$0xE000] =	vst v63  }
0xcb: {  	s10 =	rddreg [dreg:$0xa];
	s11 =	simm.s32 $0x2400  }
0xcc: {  	[tilespmem:s11], [sflag:$0x1] =	stream.linear.gather [hbm4b:s10+s4], $0x400, $0x38;
	[tilespmem:$0xE000] =	vst v63  }
0xcd: {  	s12 =	rddreg [dreg:$0xb];
	s13 =	simm.s32 $0x2800  }
0xce: {  	[tilespmem:s13], [sflag:$0x1] =	stream.linear.gather [hbm4b:s12+s4], $0x400, $0x38;
	[tilespmem:$0xE000] =	vst v63  }
0xcf: {  	s14 =	simm.s32 $0x2C00  }
0xd0: {  	[tilespmem:s14], [sflag:$0x1] =	stream.linear.gather [hbm4b:s19+s4], $0x400, $0x38;
	[tilespmem:$0xE000] =	vst v63  }
0xd1: {  	s15 =	simm.s32 $0x3000  }
0xd2: {  	[tilespmem:s15], [sflag:$0x1] =	stream.linear.gather [hbm4b:s20+s4], $0x400, $0x38;
	[tilespmem:$0xE000] =	vst v63  }
0xd3: {  	s16 =	simm.s32 $0x3400  }
0xd4: {  	[tilespmem:s16], [sflag:$0x1] =	stream.linear.gather [hbm4b:s21+s4], $0x400, $0x38;
	[tilespmem:$0xE000] =	vst v63  }
.Ltmp2:
0xd5: {  	_ = 	snop;
	(pc) =	sbr.rel .LBB2_2-.Ltmp2, $4  }
0xd6: {  	s17 =	simm.s32 $0x3800  }
0xd7: {  	[tilespmem:s17], [sflag:$0x1] =	stream.linear.gather [hbm4b:s22+s4], $0x400, $0x38;
	[tilespmem:$0xE000] =	vst v63  }
0xd8: {  	s9 =	simm.s32 $0x0;
	s18 =	simm.s32 $0x3C00  }
0xd9: {  	[tilespmem:s18], [sflag:$0x1] =	stream.linear.gather [hbm4b:s23+s4], $0x400, $0x38;
	[tilespmem:$0xE000] =	vst v63  }
.LBB2_25:
0xda: {  	[hbm4b:s14+s4] =	stream.linear.scatter [tilespmem:s11], [sflag:$0x2], $0x80, $0x38;
	[tilespmem:$0xE000] =	vst v63  }
.LBB2_26:
0xdb: {  	s9 =	sadd.s32 $0x1, s9  }
0xdc: {  	p0 =	sne.s32 s9, $0x15  }
.Ltmp3:
0xdd: {  	_ = 	snop;
	(pc) =	sbr.rel @!p0 .LBB2_27-.Ltmp3, $1  }
0xde: {  	_ =	sdelay $0x3  }
.LBB2_2:
0xdf: {  	s10 =	smul.u32 $0x3, s9;
	_ =	sdelay $0x1  }
0xe0: {  	p0 =	sge.u32 s10, s6  }
.Ltmp4:
0xe1: {  	_ = 	snop;
	(pc) =	sbr.rel @p0 .LBB2_10-.Ltmp4, $1  }
0xe2: {  	_ =	sdelay $0x3  }
0xe3: {  	_ =	swait.ge [sflag:s7], $0x400  }
0xe4: {  	[sflag:s7] =	ssyncset.done $0x0  }
0xe5: {  	[sflag:s7] =	ssyncadd.s32 $0xFFFFFC00  }
0xe6: {  	_ =	swait.ge [sflag:s7], $0x400  }
0xe7: {  	[sflag:s7] =	ssyncset.done $0x0  }
0xe8: {  	[sflag:s7] =	ssyncadd.s32 $0xFFFFFC00  }
0xe9: {  	_ =	swait.ge [sflag:s7], $0x400  }
0xea: {  	[sflag:s7] =	ssyncset.done $0x0  }
0xeb: {  	[sflag:s7] =	ssyncadd.s32 $0xFFFFFC00  }
0xec: {  	_ =	swait.ge [sflag:s7], $0x400  }
0xed: {  	[sflag:s7] =	ssyncset.done $0x0  }
0xee: {  	[sflag:s7] =	ssyncadd.s32 $0xFFFFFC00  }
0xef: {  	_ =	swait.ge [sflag:s7], $0x400  }
0xf0: {  	[sflag:s7] =	ssyncset.done $0x0  }
0xf1: {  	[sflag:s7] =	ssyncadd.s32 $0xFFFFFC00  }
0xf2: {  	_ =	swait.ge [sflag:s7], $0x400  }
0xf3: {  	[sflag:s7] =	ssyncset.done $0x0  }
0xf4: {  	[sflag:s7] =	ssyncadd.s32 $0xFFFFFC00  }
0xf5: {  	_ =	swait.ge [sflag:s7], $0x400  }
0xf6: {  	[sflag:s7] =	ssyncset.done $0x0  }
0xf7: {  	p0 =	sge.u32 s10, s24;
	[sflag:s7] =	ssyncadd.s32 $0xFFFFFC00  }
0xf8: {  	s11 =	sadd.s32 @!p0 s5, s10;
	_ =	swait.ge [sflag:s7], $0x400  }
0xf9: {  	s13 =	simm.s32 @!p0 $0x0;
	s11 =	sshll.u32 @!p0 s11, $0x9;
	[sflag:s7] =	ssyncset.done $0x0  }
0xfa: {  	s14 =	simm.s32 @!p0 $0x4000;
	s12 =	sadd.s32 @!p0 s11, s29;
	[sflag:s7] =	ssyncadd.s32 $0xFFFFFC00  }
0xfb: {  	[tilespmem:s14], [sflag:$0x1] =	stream.linear.gather @!p0 [hbm4b:s12+s13], $0x400, $0x38;
	[tilespmem:$0xE000] =	vst v63  }
0xfc: {  	s12 =	sand.u32 @!p0 $0x1FFFFE00, s11  }
0xfd: {  	s12 =	sadd.s32 @!p0 s0, s12  }
0xfe: {  	s15 =	simm.s32 @!p0 $0x4400;
	s14 =	sadd.s32 @!p0 $0x480, s12  }
0xff: {  	[tilespmem:s15], [sflag:$0x1] =	stream.linear.gather @!p0 [hbm4b:s14+s13], $0x400, $0x38;
	[tilespmem:$0xE000] =	vst v63  }
0x100: {  	s14 =	sadd.s32 @!p0 $0x500, s12;
	s15 =	simm.s32 @!p0 $0x4800  }
0x101: {  	[tilespmem:s15], [sflag:$0x1] =	stream.linear.gather @!p0 [hbm4b:s14+s13], $0x400, $0x38;
	[tilespmem:$0xE000] =	vst v63  }
0x102: {  	s14 =	sadd.s32 @!p0 $0x580, s12;
	s15 =	simm.s32 @!p0 $0x4C00  }
0x103: {  	[tilespmem:s15], [sflag:$0x1] =	stream.linear.gather @!p0 [hbm4b:s14+s13], $0x400, $0x38;
	[tilespmem:$0xE000] =	vst v63  }
0x104: {  	s11 =	sadd.s32 @!p0 s11, s30;
	s14 =	simm.s32 @!p0 $0x5000  }
0x105: {  	[tilespmem:s14], [sflag:$0x1] =	stream.linear.gather @!p0 [hbm4b:s11+s13], $0x400, $0x38;
	[tilespmem:$0xE000] =	vst v63  }
0x106: {  	s11 =	sadd.s32 @!p0 $0xF4700, s12;
	s14 =	simm.s32 @!p0 $0x5400  }
0x107: {  	[tilespmem:s14], [sflag:$0x1] =	stream.linear.gather @!p0 [hbm4b:s11+s13], $0x400, $0x38;
	[tilespmem:$0xE000] =	vst v63  }
0x108: {  	s11 =	sadd.s32 @!p0 $0xF4780, s12;
	s14 =	simm.s32 @!p0 $0x5800  }
0x109: {  	[tilespmem:s14], [sflag:$0x1] =	stream.linear.gather @!p0 [hbm4b:s11+s13], $0x400, $0x38;
	[tilespmem:$0xE000] =	vst v63  }
0x10a: {  	s11 =	sadd.s32 @!p0 $0xF4800, s12;
	s12 =	simm.s32 @!p0 $0x5C00  }
0x10b: {  	[tilespmem:s12], [sflag:$0x1] =	stream.linear.gather @!p0 [hbm4b:s11+s13], $0x400, $0x38;
	[tilespmem:$0xE000] =	vst v63  }
0x10c: {  	p0 =	seq.s32 s9, $0x0  }
0x10d: {  	s11 =	simm.s32 @!p0 $0x2  }
0x10e: {  	_ =	swait.ge @!p0 [sflag:s11], $0x2000  }
0x10f: {  	[sflag:s11] =	ssyncset.done @!p0 $0x0  }
0x110: {  	[sflag:s11] =	ssyncadd.s32 @!p0 $0xFFFFE000;
	s11 =	simm.s32 $0x0  }
.LBB2_4:
0x111: {  	v0 =	vld [tilespmem:$0x1FD10]  }
0x112: {  	v49 =	vld [tilespmem:$0x1FD20]  }
0x113: {  	v50 =	vld [tilespmem:$0x1FD30]  }
0x114: {  	v51 =	vld [tilespmem:$0x1FD40]  }
0x115: {  	s13 =	sshll.u32 s11, $0xA;
	v52 =	vld [tilespmem:$0x1FD50]  }
0x116: {  	v53 =	vld [tilespmem:$0x1FD60];
	v0 =	vor.u32 s13, v0  }
0x117: {  	v54 =	vld [tilespmem:$0x1FD70];
	[tilespmem:$0x1FC10] =	vst v0;
	v0 =	vor.u32 s13, v49  }
0x118: {  	v55 =	vld [tilespmem:$0x1FD80];
	[tilespmem:$0x1FC20] =	vst v0;
	v0 =	vor.u32 s13, v50  }
0x119: {  	v56 =	vld [tilespmem:$0x1FD90];
	[tilespmem:$0x1FC30] =	vst v0;
	v0 =	vor.u32 s13, v51  }
0x11a: {  	v57 =	vld [tilespmem:$0x1FDA0];
	[tilespmem:$0x1FC40] =	vst v0;
	v0 =	vor.u32 s13, v52  }
0x11b: {  	v58 =	vld [tilespmem:$0x1FDB0];
	[tilespmem:$0x1FC50] =	vst v0;
	v0 =	vor.u32 s13, v53  }
0x11c: {  	v59 =	vld [tilespmem:$0x1FDC0];
	[tilespmem:$0x1FC60] =	vst v0;
	v0 =	vor.u32 s13, v54  }
0x11d: {  	v60 =	vld [tilespmem:$0x1FDD0];
	[tilespmem:$0x1FC70] =	vst v0;
	v0 =	vor.u32 s13, v55  }
0x11e: {  	v61 =	vld [tilespmem:$0x1FDE0];
	[tilespmem:$0x1FC80] =	vst v0;
	v0 =	vor.u32 s13, v56  }
0x11f: {  	v62 =	vld [tilespmem:$0x1FDF0];
	[tilespmem:$0x1FC90] =	vst v0;
	v0 =	vor.u32 s13, v57  }
0x120: {  	v63 =	vld [tilespmem:$0x1FE00];
	[tilespmem:$0x1FCA0] =	vst v0;
	v0 =	vor.u32 s13, v58  }
0x121: {  	[tilespmem:$0x1FCB0] =	vst v0;
	v0 =	vor.u32 s13, v59  }
0x122: {  	[tilespmem:$0x1FCC0] =	vst v0;
	v0 =	vor.u32 s13, v60  }
0x123: {  	[tilespmem:$0x1FCD0] =	vst v0;
	v0 =	vor.u32 s13, v61  }
0x124: {  	[tilespmem:$0x1FCE0] =	vst v0;
	v0 =	vor.u32 s13, v62  }
0x125: {  	[tilespmem:$0x1FCF0] =	vst v0;
	v0 =	vor.u32 s13, v63  }
0x126: {  	s12 =	sshll.u32 s11, $0xB;
	p0 =	por $0x1, $0x1;
	s13 =	simm.s32 $0x0;
	[tilespmem:$0x1FD00] =	vst v0  }
.LBB2_5:
0x127: {  	v51 =	vld [tilespmem:$0x1FEB0]  }
0x128: {  	v52 =	vld [tilespmem:$0x1FE10]  }
0x129: {  	v1 =	vld [tilespmem:$0x1FE30]  }
0x12a: {  	v4 =	vld [tilespmem:$0x1FE20]  }
0x12b: {  	s14 =	sshll.u32 s13, $0x8  }
0x12c: {  	s14 =	sor.u32 s12, s14  }
0x12d: {  	v63 =	vadd.s32 s14, v38  }
0x12e: {  	v5 =	vshll.u32 v63, $0x2;
	v0 =	vadd.s32 s14, v51  }
0x12f: {  	v3 =	vadd.s32 s14, v52;
	v53 =	vadd.s32 s14, v1;
	v60 =	vadd.s32 s14, v4  }
0x130: {  	v2 =	vshll.u32 v0, $0x2;
	v0 =	vand.u32 $0x7F, v0;
	v46 =	vshll.u32 v3, $0x2  }
0x131: {  	v47 =	vand.u32 $0x7F, v3;
	v54 =	vshll.u32 v53, $0x2;
	v2 =	vand.u32 $0x7FFFFE00, v2  }
0x132: {  	v55 =	vand.u32 $0x7F, v53;
	v6 =	vor.u32 v0, v2;
	v0 =	vand.u32 $0x7FFFFE00, v46  }
0x133: {  	v61 =	vshll.u32 v60, $0x2;
	v11 =	vor.u32 v47, v0;
	v0 =	vand.u32 $0x7FFFFE00, v54  }
0x134: {  	v62 =	vand.u32 $0x7F, v60;
	v25 =	vor.u32 v55, v0;
	v0 =	vand.u32 $0x7FFFFE00, v61  }
0x135: {  	v7 =	vand.u32 $0x7F, v63;
	v21 =	vor.u32 v62, v0;
	v0 =	vand.u32 $0x7FFFFE00, v5  }
0x136: {  	v19 =	vor.u32 v7, v0;
	v7 =	vadd.s32 s14, v27  }
0x137: {  	v10 =	vadd.s32 s14, v37;
	v23 =	vadd.s32 s14, v36;
	v36 =	vshll.u32 v7, $0x2  }
0x138: {  	v40 =	vadd.s32 s14, v39;
	v37 =	vand.u32 $0x7F, v7;
	v2 =	vand.u32 $0x7FFFFE00, v36  }
0x139: {  	v41 =	vshll.u32 v40, $0x2;
	v2 =	vor.u32 v37, v2  }
0x13a: {  	[tilespmem:$0x1FB00] =	vst v2;
	v2 =	vand.u32 $0x7FFFFE00, v41;
	v41 =	vld [tilespmem:$0x1FCD0];
	_ =	sdelay $0x3  }
0x13b: {  	s15 =	sshll.u32 s13, $0x4;
	v12 =	vld [tilespmem:$0x1FC10]  }
0x13c: {  	v50 =	vld [tilespmem:$0x1FC20];
	v54 =	vor.u32 s15, v41  }
0x13d: {  	[tilespmem:$0x1FB70] =	vst v54;
	v54 =	vld [tilespmem:$0x1FCE0]  }
0x13e: {  	v57 =	vld [tilespmem:$0x1FC30]  }
0x13f: {  	v58 =	vld [tilespmem:$0x1FC40]  }
0x140: {  	v59 =	vld [tilespmem:$0x1FC50]  }
0x141: {  	v63 =	vld [tilespmem:$0x1FC90]  }
0x142: {  	v29 =	vadd.s32 s14, v35;
	v20 =	vadd.s32 s14, v28;
	v60 =	vld [tilespmem:$0x1FC60];
	v55 =	vor.u32 s15, v54  }
0x143: {  	v35 =	vadd.s32 s14, v18;
	v13 =	vshll.u32 v10, $0x2;
	v14 =	vand.u32 $0x7F, v10;
	[tilespmem:$0x1FBA0] =	vst v55;
	v55 =	vld [tilespmem:$0x1FCF0]  }
0x144: {  	s16 =	sor.u32 $0x1, s13;
	v32 =	vshll.u32 v23, $0x2;
	v33 =	vand.u32 $0x7F, v23;
	v10 =	vadd.s32 s14, v17;
	v3 =	vld [tilespmem:$0x1FCA0]  }
0x145: {  	s17 =	sshll.u32 s16, $0x8;
	v45 =	vand.u32 $0x7F, v40;
	v34 =	vand.u32 $0x7FFFFE00, v32;
	[tilespmem:$0x1FB90] =	vst v10;
	v10 =	vadd.s32 s14, v31;
	v53 =	vld [tilespmem:$0x1FCC0]  }
0x146: {  	s17 =	sor.u32 s12, s17;
	v9 =	vor.u32 s15, v12;
	v8 =	vor.u32 s15, v50;
	v15 =	vor.u32 s15, v57;
	v61 =	vld [tilespmem:$0x1FC70]  }
0x147: {  	v26 =	vor.u32 s15, v58;
	v22 =	vor.u32 s15, v59;
	v23 =	vadd.s32 s17, v51;
	v62 =	vld [tilespmem:$0x1FC80]  }
0x148: {  	v43 =	vor.u32 v33, v34;
	[tilespmem:$0x1FBE0] =	vst v10;
	v32 =	vshll.u32 v23, $0x2;
	v7 =	vld [tilespmem:$0x1FCB0];
	v56 =	vor.u32 s15, v55  }
0x149: {  	v10 =	vand.u32 $0xFFFFFE00, v32;
	v42 =	vor.u32 s15, v63;
	v5 =	vor.u32 s15, v60;
	[tilespmem:$0x1FBC0] =	vst v56;
	v56 =	vld [tilespmem:$0x1FD00]  }
0x14a: {  	v46 =	vor.u32 s15, v3;
	v49 =	vor.u32 s15, v53;
	v0 =	vand.u32 $0x7FFFFE00, v13  }
0x14b: {  	v13 =	vadd.s32 s14, v16;
	v48 =	vor.u32 v14, v0;
	v37 =	vadd.s32 s17, v1  }
0x14c: {  	[tilespmem:$0x1FB10] =	vst v42;
	v42 =	vld.idx.msk [tilespmem:v9+s4+$0x0], $0xffff;
	v0 =	vor.u32 s15, v61;
	v44 =	vor.u32 s15, v62;
	v32 =	vand.u32 $0x7F, v37  }
0x14d: {  	[tilespmem:$0x1FB30] =	vst v46;
	v27 =	vshll.u32 v37, $0x2;
	v2 =	vor.u32 v45, v2;
	v45 =	vadd.s32 s14, v30  }
0x14e: {  	[tilespmem:$0x1FB20] =	vst v2;
	v47 =	vor.u32 s15, v7;
	v2 =	vand.u32 $0x7F, v23;
	v14 =	vor.u32 s15, v56;
	s15 =	sshll.u32 s16, $0x4  }
0x14f: {  	[tilespmem:$0x1FB50] =	vst v49;
	v9 =	vand.u32 $0xFFFFFE00, v27;
	v34 =	vor.u32 v2, v10;
	v24 =	vor.u32 s15, v12  }
0x150: {  	[tilespmem:$0x1FBF0] =	vst v14;
	v14 =	vadd.s32 s17, v52;
	v40 =	vor.u32 s15, v50;
	v31 =	vor.u32 s15, v57  }
0x151: {  	s18 =	sor.u32 $0x2, s13;
	[tilespmem:v6+s31+$0x0] =	vst.idx.msk $0xffff, v42;
	v49 =	vor.u32 s15, v59;
	v28 =	vor.u32 s15, v60;
	v23 =	vor.u32 s15, v61  }
0x152: {  	s14 =	sshll.u32 s18, $0x8;
	[tilespmem:$0x1FB40] =	vst v47;
	s16 =	sshll.u32 s18, $0x4;
	v46 =	vor.u32 s15, v63;
	v10 =	vor.u32 s15, v3;
	v47 =	vor.u32 s15, v41  }
0x153: {  	v42 =	vld [tilespmem:$0x1FEA0];
	s18 =	sor.u32 $0x3, s13;
	s13 =	sor.u32 s12, s14;
	v39 =	vor.u32 s15, v53;
	v37 =	vor.u32 s15, v55;
	[tilespmem:$0x1FB80] =	vst v47;
	v47 =	vor.u32 s16, v12  }
0x154: {  	s14 =	sshll.u32 s18, $0x4;
	v27 =	vadd.s32 s13, v51;
	v33 =	vshll.u32 v14, $0x2;
	v36 =	vand.u32 $0x7F, v14  }
0x155: {  	v14 =	vor.u32 s15, v7;
	[tilespmem:$0x1FB60] =	vst v39;
	v39 =	vor.u32 s15, v56;
	v12 =	vor.u32 s14, v12  }
0x156: {  	s18 =	sshll.u32 s18, $0x8;
	v18 =	vshll.u32 v27, $0x2;
	v2 =	vand.u32 $0xFFFFFE00, v33;
	v33 =	vor.u32 s15, v58  }
0x157: {  	v30 =	vor.u32 v36, v2;
	v2 =	vor.u32 s15, v62;
	v36 =	vor.u32 s15, v54;
	s15 =	sor.u32 s12, s18;
	v24 =	vld.idx.msk [tilespmem:v24+s4+$0x0], $0xffff  }
0x158: {  	[tilespmem:$0x1FBD0] =	vst v37;
	v27 =	vand.u32 $0x7F, v27;
	v37 =	vadd.s32 s17, v42;
	v51 =	vadd.s32 s15, v51;
	v42 =	vld.idx.msk [tilespmem:v47+s4+$0x0], $0xffff  }
0x159: {  	v18 =	vand.u32 $0xFFFFFE00, v18;
	[tilespmem:$0x1FBB0] =	vst v36;
	v36 =	vand.u32 $0x7F, v51;
	v47 =	vshll.u32 v51, $0x2;
	v51 =	vld [tilespmem:$0x1FED0]  }
0x15a: {  	v18 =	vor.u32 v27, v18  }
0x15b: {  	v17 =	vadd.s32 s17, v38;
	v38 =	vld.idx.msk [tilespmem:v8+s4+$0x0], $0xffff;
	[tilespmem:$0x1FC00] =	vst v39;
	v39 =	vor.u32 s16, v50  }
0x15c: {  	v12 =	vld.idx.msk [tilespmem:v12+s4+$0x0], $0xffff  }
0x15d: {  	v6 =	vand.u32 $0xFFFFFE00, v47;
	[tilespmem:v34+s31+$0x0] =	vst.idx.msk $0xffff, v24;
	v34 =	vld [tilespmem:$0x1FEF0]  }
0x15e: {  	v36 =	vor.u32 v36, v6;
	v8 =	vadd.s32 s17, v51;
	v51 =	vld.idx.msk [tilespmem:v40+s4+$0x0], $0xffff  }
0x15f: {  	v50 =	vor.u32 s14, v50;
	v40 =	vld [tilespmem:$0x1FF00];
	[tilespmem:v18+s31+$0x0] =	vst.idx.msk $0xffff, v42  }
0x160: {  	[tilespmem:v11+s31+$0x0] =	vst.idx.msk $0xffff, v38;
	v38 =	vld.idx.msk [tilespmem:v39+s4+$0x0], $0xffff  }
0x161: {  	v39 =	vld.idx.msk [tilespmem:v15+s4+$0x0], $0xffff  }
0x162: {  	v15 =	vld [tilespmem:$0x1FF30]  }
0x163: {  	[tilespmem:v36+s31+$0x0] =	vst.idx.msk $0xffff, v12;
	v24 =	vadd.s32 s17, v34;
	v34 =	vadd.s32 s13, v52  }
0x164: {  	v36 =	vld.idx.msk [tilespmem:v50+s4+$0x0], $0xffff;
	v6 =	vadd.s32 s17, v40;
	v40 =	vshll.u32 v34, $0x2  }
0x165: {  	v18 =	vand.u32 $0x7F, v34;
	[tilespmem:v30+s31+$0x0] =	vst.idx.msk $0xffff, v51;
	v34 =	vand.u32 $0xFFFFFE00, v40;
	v40 =	vadd.s32 s15, v52;
	v52 =	vld [tilespmem:$0x1FF20]  }
0x166: {  	v9 =	vor.u32 v32, v9;
	v31 =	vld.idx.msk [tilespmem:v31+s4+$0x0], $0xffff;
	v18 =	vor.u32 v18, v34  }
0x167: {  	v34 =	vshll.u32 v40, $0x2;
	v12 =	vand.u32 $0x7F, v40;
	v40 =	vadd.s32 s17, v15;
	v15 =	vld [tilespmem:$0x1FF40]  }
0x168: {  	v51 =	vld [tilespmem:$0x1FF50];
	[tilespmem:v25+s31+$0x0] =	vst.idx.msk $0xffff, v39  }
0x169: {  	v26 =	vld.idx.msk [tilespmem:v26+s4+$0x0], $0xffff  }
0x16a: {  	v50 =	vor.u32 s14, v57;
	v42 =	vadd.s32 s17, v52;
	v52 =	vor.u32 s16, v57;
	v57 =	vld [tilespmem:$0x1FF60]  }
0x16b: {  	v16 =	vadd.s32 s17, v4;
	v30 =	vadd.s32 s13, v1;
	v11 =	vand.u32 $0xFFFFFE00, v34  }
0x16c: {  	v12 =	vor.u32 v12, v11;
	[tilespmem:v9+s31+$0x0] =	vst.idx.msk $0xffff, v31;
	v31 =	vor.u32 s14, v58;
	v34 =	vadd.s32 s17, v15  }
0x16d: {  	v15 =	vadd.s32 s17, v51;
	v51 =	vshll.u32 v30, $0x2;
	[tilespmem:v18+s31+$0x0] =	vst.idx.msk $0xffff, v38;
	v18 =	vand.u32 $0x7F, v30  }
0x16e: {  	v38 =	vand.u32 $0x7F, v29;
	v29 =	vshll.u32 v29, $0x2;
	[tilespmem:v21+s31+$0x0] =	vst.idx.msk $0xffff, v26;
	v26 =	vand.u32 $0x7F, v17  }
0x16f: {  	v30 =	vand.u32 $0xFFFFFE00, v51;
	v11 =	vadd.s32 s17, v57;
	v57 =	vadd.s32 s15, v1  }
0x170: {  	v17 =	vshll.u32 v17, $0x2;
	v18 =	vor.u32 v18, v30;
	v51 =	vld.idx.msk [tilespmem:v52+s4+$0x0], $0xffff;
	v30 =	vshll.u32 v57, $0x2  }
0x171: {  	v1 =	vor.u32 s16, v58;
	v32 =	vand.u32 $0x7F, v57;
	v30 =	vand.u32 $0xFFFFFE00, v30  }
0x172: {  	v33 =	vld.idx.msk [tilespmem:v33+s4+$0x0], $0xffff;
	[tilespmem:v12+s31+$0x0] =	vst.idx.msk $0xffff, v36;
	v25 =	vor.u32 v32, v30;
	v30 =	vand.u32 $0x7F, v16;
	v16 =	vshll.u32 v16, $0x2  }
0x173: {  	v29 =	vand.u32 $0x7FFFFE00, v29;
	v52 =	vld.idx.msk [tilespmem:v50+s4+$0x0], $0xffff;
	v57 =	vand.u32 $0xFFFFFE00, v16;
	v16 =	vadd.s32 s13, v4  }
0x174: {  	v58 =	vand.u32 $0xFFFFFE00, v17;
	v17 =	vld [tilespmem:$0x1FEC0];
	v9 =	vor.u32 v30, v57;
	v30 =	vshll.u32 v16, $0x2  }
0x175: {  	v21 =	vor.u32 v38, v29;
	v38 =	vld [tilespmem:$0x1FEC0];
	[tilespmem:v18+s31+$0x0] =	vst.idx.msk $0xffff, v51;
	v16 =	vand.u32 $0x7F, v16;
	v18 =	vand.u32 $0xFFFFFE00, v30  }
0x176: {  	v30 =	vadd.s32 s15, v4;
	v12 =	vld.idx.msk [tilespmem:v1+s4+$0x0], $0xffff;
	v16 =	vor.u32 v16, v18  }
0x177: {  	v18 =	vshll.u32 v30, $0x2  }
0x178: {  	v30 =	vand.u32 $0x7F, v30;
	v18 =	vand.u32 $0xFFFFFE00, v18  }
0x179: {  	v22 =	vld.idx.msk [tilespmem:v22+s4+$0x0], $0xffff;
	v17 =	vadd.s32 s13, v17;
	[tilespmem:v25+s31+$0x0] =	vst.idx.msk $0xffff, v52;
	v25 =	vor.u32 s16, v59;
	v18 =	vor.u32 v30, v18  }
0x17a: {  	v30 =	vld.idx.msk [tilespmem:v31+s4+$0x0], $0xffff;
	v31 =	vor.u32 s14, v59;
	[tilespmem:v9+s31+$0x0] =	vst.idx.msk $0xffff, v33;
	v9 =	vor.u32 v26, v58;
	v26 =	vshll.u32 v17, $0x2  }
0x17b: {  	v59 =	vand.u32 $0x7F, v17;
	v17 =	vadd.s32 s15, v38;
	[tilespmem:v16+s31+$0x0] =	vst.idx.msk $0xffff, v12;
	v16 =	vand.u32 $0xFFFFFE00, v26  }
0x17c: {  	v12 =	vor.u32 v59, v16;
	v16 =	vshll.u32 v17, $0x2  }
0x17d: {  	v17 =	vand.u32 $0x7F, v17;
	v16 =	vand.u32 $0xFFFFFE00, v16  }
0x17e: {  	[tilespmem:v19+s31+$0x0] =	vst.idx.msk $0xffff, v22;
	v19 =	vshll.u32 v37, $0x2;
	v16 =	vor.u32 v17, v16;
	v17 =	vand.u32 $0x7F, v37;
	v37 =	vld [tilespmem:$0x1FEA0]  }
0x17f: {  	v29 =	vld.idx.msk [tilespmem:v49+s4+$0x0], $0xffff;
	_ =	sdelay $0x1  }
0x180: {  	v25 =	vld.idx.msk [tilespmem:v25+s4+$0x0], $0xffff;
	_ =	sdelay $0x1  }
0x181: {  	v36 =	vld [tilespmem:$0x1FED0];
	v4 =	vand.u32 $0xFFFFFE00, v19;
	[tilespmem:v18+s31+$0x0] =	vst.idx.msk $0xffff, v30;
	v18 =	vor.u32 s16, v60;
	v19 =	vadd.s32 s13, v37  }
0x182: {  	v5 =	vld.idx.msk [tilespmem:v5+s4+$0x0], $0xffff;
	[tilespmem:v9+s31+$0x0] =	vst.idx.msk $0xffff, v29;
	v9 =	vor.u32 v17, v4;
	v17 =	vshll.u32 v19, $0x2  }
0x183: {  	v32 =	vand.u32 $0x7F, v19;
	v19 =	vadd.s32 s15, v37;
	v17 =	vand.u32 $0xFFFFFE00, v17  }
0x184: {  	v1 =	vld.idx.msk [tilespmem:v31+s4+$0x0], $0xffff;
	[tilespmem:v12+s31+$0x0] =	vst.idx.msk $0xffff, v25;
	v12 =	vor.u32 v32, v17;
	v17 =	vshll.u32 v19, $0x2  }
0x185: {  	v27 =	vld [tilespmem:$0x1FEE0];
	v29 =	vor.u32 s14, v60;
	v19 =	vand.u32 $0x7F, v19;
	v17 =	vand.u32 $0xFFFFFE00, v17  }
0x186: {  	v18 =	vld.idx.msk [tilespmem:v18+s4+$0x0], $0xffff;
	v33 =	vor.u32 v19, v17;
	v17 =	vand.u32 $0x7F, v8;
	v8 =	vshll.u32 v8, $0x2  }
0x187: {  	[tilespmem:v48+s31+$0x0] =	vst.idx.msk $0xffff, v5;
	v48 =	vadd.s32 s13, v36;
	v28 =	vld.idx.msk [tilespmem:v28+s4+$0x0], $0xffff;
	v8 =	vand.u32 $0xFFFFFE00, v8  }
0x188: {  	v8 =	vor.u32 v17, v8;
	v17 =	vshll.u32 v48, $0x2  }
0x189: {  	v0 =	vld.idx.msk [tilespmem:v0+s4+$0x0], $0xffff;
	[tilespmem:v16+s31+$0x0] =	vst.idx.msk $0xffff, v1;
	v16 =	vor.u32 s16, v61;
	v50 =	vand.u32 $0xFFFFFE00, v17;
	v17 =	vadd.s32 s15, v36  }
0x18a: {  	v27 =	vadd.s32 s17, v27;
	v19 =	vld.idx.msk [tilespmem:v29+s4+$0x0], $0xffff;
	v51 =	vshll.u32 v17, $0x2  }
0x18b: {  	v39 =	vld [tilespmem:$0x1FEF0];
	v58 =	vand.u32 $0x7F, v27;
	[tilespmem:v12+s31+$0x0] =	vst.idx.msk $0xffff, v18;
	v17 =	vand.u32 $0x7F, v17;
	v12 =	vand.u32 $0xFFFFFE00, v51  }
0x18c: {  	v49 =	vor.u32 s14, v61;
	[tilespmem:v9+s31+$0x0] =	vst.idx.msk $0xffff, v28;
	v57 =	vor.u32 v17, v12;
	v17 =	vshll.u32 v27, $0x2;
	v27 =	vld [tilespmem:$0x1FEE0]  }
0x18d: {  	v9 =	vand.u32 $0x7F, v48;
	v23 =	vld.idx.msk [tilespmem:v23+s4+$0x0], $0xffff  }
0x18e: {  	[tilespmem:v43+s31+$0x0] =	vst.idx.msk $0xffff, v0;
	v16 =	vld.idx.msk [tilespmem:v16+s4+$0x0], $0xffff;
	v9 =	vor.u32 v9, v50  }
0x18f: {  	v52 =	vor.u32 s16, v62;
	[tilespmem:v33+s31+$0x0] =	vst.idx.msk $0xffff, v19;
	v33 =	vld [tilespmem:$0x1FB00]  }
0x190: {  	v59 =	vld.idx.msk [tilespmem:v44+s4+$0x0], $0xffff  }
0x191: {  	v19 =	vld.idx.msk [tilespmem:v49+s4+$0x0], $0xffff;
	v60 =	vand.u32 $0xFFFFFE00, v17;
	v17 =	vadd.s32 s13, v27  }
0x192: {  	v44 =	vld [tilespmem:$0x1FB10];
	v61 =	vor.u32 s14, v62;
	[tilespmem:v8+s31+$0x0] =	vst.idx.msk $0xffff, v23;
	v62 =	vshll.u32 v17, $0x2  }
0x193: {  	v2 =	vld.idx.msk [tilespmem:v2+s4+$0x0], $0xffff;
	v8 =	vor.u32 v58, v60;
	[tilespmem:v9+s31+$0x0] =	vst.idx.msk $0xffff, v16;
	v1 =	vand.u32 $0x7F, v17;
	v12 =	vand.u32 $0xFFFFFE00, v62  }
0x194: {  	v5 =	vld.idx.msk [tilespmem:v52+s4+$0x0], $0xffff;
	v16 =	vadd.s32 s15, v27;
	v9 =	vor.u32 v1, v12  }
0x195: {  	v32 =	vor.u32 s16, v63;
	v49 =	vadd.s32 s13, v39;
	v4 =	vshll.u32 v16, $0x2  }
0x196: {  	[tilespmem:v57+s31+$0x0] =	vst.idx.msk $0xffff, v19;
	v19 =	vshll.u32 v24, $0x2;
	v16 =	vand.u32 $0x7F, v16;
	v12 =	vand.u32 $0xFFFFFE00, v4  }
0x197: {  	v43 =	vld.idx.msk [tilespmem:v61+s4+$0x0], $0xffff;
	v48 =	vand.u32 $0xFFFFFE00, v19;
	[tilespmem:v33+s31+$0x0] =	vst.idx.msk $0xffff, v59;
	v12 =	vor.u32 v16, v12;
	v16 =	vand.u32 $0x7F, v24  }
0x198: {  	v61 =	vld [tilespmem:$0x1FB30];
	[tilespmem:v8+s31+$0x0] =	vst.idx.msk $0xffff, v2;
	v2 =	vor.u32 v16, v48;
	v16 =	vshll.u32 v49, $0x2  }
0x199: {  	v50 =	vand.u32 $0x7F, v49;
	v59 =	vld [tilespmem:$0x1FB20];
	v51 =	vand.u32 $0xFFFFFE00, v16;
	[tilespmem:v9+s31+$0x0] =	vst.idx.msk $0xffff, v5  }
0x19a: {  	v25 =	vshll.u32 v45, $0x2;
	v19 =	vor.u32 s14, v63;
	v5 =	vor.u32 v50, v51;
	v0 =	vld.idx.msk [tilespmem:v32+s4+$0x0], $0xffff  }
0x19b: {  	v18 =	vand.u32 $0x7F, v45;
	v58 =	vor.u32 s16, v3;
	v17 =	vand.u32 $0x7FFFFE00, v25;
	v45 =	vld.idx.msk [tilespmem:v44+s4+$0x0], $0xffff  }
0x19c: {  	v17 =	vor.u32 v18, v17;
	v18 =	vld.idx.msk [tilespmem:v46+s4+$0x0], $0xffff  }
0x19d: {  	v44 =	vshll.u32 v35, $0x2;
	v16 =	vand.u32 $0x7F, v35;
	v35 =	vld [tilespmem:$0x1FF00]  }
0x19e: {  	v52 =	vadd.s32 s15, v39;
	[tilespmem:v12+s31+$0x0] =	vst.idx.msk $0xffff, v43;
	v43 =	vld [tilespmem:$0x1FF00]  }
0x19f: {  	v57 =	vshll.u32 v52, $0x2;
	v19 =	vld.idx.msk [tilespmem:v19+s4+$0x0], $0xffff;
	[tilespmem:v5+s31+$0x0] =	vst.idx.msk $0xffff, v0  }
0x1a0: {  	v8 =	vand.u32 $0xFFFFFE00, v57;
	v9 =	vand.u32 $0x7F, v52;
	v12 =	vld.idx.msk [tilespmem:v58+s4+$0x0], $0xffff  }
0x1a1: {  	v8 =	vor.u32 v9, v8;
	[tilespmem:v59+s31+$0x0] =	vst.idx.msk $0xffff, v45;
	v58 =	vld [tilespmem:$0x1FB40]  }
0x1a2: {  	[tilespmem:v2+s31+$0x0] =	vst.idx.msk $0xffff, v18;
	v18 =	vor.u32 s14, v3  }
0x1a3: {  	v60 =	vand.u32 $0x7F, v6;
	v6 =	vshll.u32 v6, $0x2;
	v62 =	vld.idx.msk [tilespmem:v61+s4+$0x0], $0xffff;
	v49 =	vadd.s32 s15, v35  }
0x1a4: {  	v47 =	vld [tilespmem:$0x1FF10];
	v26 =	vand.u32 $0x7F, v20;
	v63 =	vand.u32 $0xFFFFFE00, v6;
	v51 =	vshll.u32 v49, $0x2  }
0x1a5: {  	v28 =	vld [tilespmem:$0x1FF10];
	v2 =	vor.u32 v60, v63;
	v6 =	vadd.s32 s13, v43;
	v5 =	vand.u32 $0xFFFFFE00, v51  }
0x1a6: {  	v24 =	vld.idx.msk [tilespmem:v10+s4+$0x0], $0xffff;
	v45 =	vshll.u32 v6, $0x2;
	v46 =	vand.u32 $0x7F, v6;
	[tilespmem:v8+s31+$0x0] =	vst.idx.msk $0xffff, v19;
	v6 =	vand.u32 $0x7F, v49  }
0x1a7: {  	v20 =	vshll.u32 v20, $0x2;
	v48 =	vand.u32 $0xFFFFFE00, v45;
	v5 =	vor.u32 v6, v5;
	v18 =	vld.idx.msk [tilespmem:v18+s4+$0x0], $0xffff  }
0x1a8: {  	v20 =	vand.u32 $0x7FFFFE00, v20;
	v50 =	vand.u32 $0x7FFFFE00, v44;
	v44 =	vld [tilespmem:$0x1FB50];
	[tilespmem:v21+s31+$0x0] =	vst.idx.msk $0xffff, v62;
	v0 =	vor.u32 v46, v48  }
0x1a9: {  	v47 =	vadd.s32 s17, v47;
	v20 =	vor.u32 v26, v20;
	v21 =	vld.idx.msk [tilespmem:v58+s4+$0x0], $0xffff  }
0x1aa: {  	v23 =	vadd.s32 s15, v28;
	v60 =	vor.u32 s14, v7;
	v19 =	vshll.u32 v47, $0x2  }
0x1ab: {  	v30 =	vld [tilespmem:$0x1FF20];
	v57 =	vand.u32 $0x7F, v47;
	[tilespmem:v2+s31+$0x0] =	vst.idx.msk $0xffff, v24;
	v59 =	vand.u32 $0xFFFFFE00, v19;
	v19 =	vadd.s32 s13, v28  }
0x1ac: {  	v52 =	vor.u32 s16, v7;
	v32 =	vshll.u32 v23, $0x2;
	v47 =	vld [tilespmem:$0x1FB60];
	v62 =	vshll.u32 v19, $0x2;
	[tilespmem:v5+s31+$0x0] =	vst.idx.msk $0xffff, v18  }
0x1ad: {  	v61 =	vld.idx.msk [tilespmem:v14+s4+$0x0], $0xffff;
	v2 =	vor.u32 v57, v59;
	v63 =	vand.u32 $0x7F, v19;
	v6 =	vand.u32 $0xFFFFFE00, v62;
	[tilespmem:v0+s31+$0x0] =	vst.idx.msk $0xffff, v12  }
0x1ae: {  	v0 =	vor.u32 v63, v6;
	v12 =	vand.u32 $0x7F, v23;
	v6 =	vand.u32 $0xFFFFFE00, v32;
	[tilespmem:v20+s31+$0x0] =	vst.idx.msk $0xffff, v21;
	v21 =	vld [tilespmem:$0x1FB70]  }
0x1af: {  	v18 =	vshll.u32 v42, $0x2;
	v19 =	vld.idx.msk [tilespmem:v60+s4+$0x0], $0xffff;
	v6 =	vor.u32 v12, v6  }
0x1b0: {  	v45 =	vand.u32 $0xFFFFFE00, v18;
	v18 =	vor.u32 s14, v53;
	v20 =	vld.idx.msk [tilespmem:v44+s4+$0x0], $0xffff  }
0x1b1: {  	v43 =	vand.u32 $0x7F, v42;
	v42 =	vld [tilespmem:$0x1FB90]  }
0x1b2: {  	v8 =	vld.idx.msk [tilespmem:v52+s4+$0x0], $0xffff  }
0x1b3: {  	v33 =	vor.u32 s16, v53;
	[tilespmem:v2+s31+$0x0] =	vst.idx.msk $0xffff, v61;
	v23 =	vld [tilespmem:$0x1FB80]  }
0x1b4: {  	v9 =	vor.u32 v16, v50;
	v16 =	vand.u32 $0x7F, v13;
	v13 =	vshll.u32 v13, $0x2;
	v48 =	vld.idx.msk [tilespmem:v47+s4+$0x0], $0xffff;
	[tilespmem:v6+s31+$0x0] =	vst.idx.msk $0xffff, v19  }
0x1b5: {  	v46 =	vadd.s32 s13, v30;
	v53 =	vand.u32 $0x7FFFFE00, v13;
	v2 =	vor.u32 v43, v45;
	[tilespmem:v17+s31+$0x0] =	vst.idx.msk $0xffff, v20;
	v17 =	vld.idx.msk [tilespmem:v18+s4+$0x0], $0xffff  }
0x1b6: {  	v49 =	vshll.u32 v46, $0x2;
	v52 =	vadd.s32 s15, v30;
	v12 =	vor.u32 v16, v53;
	v16 =	vld.idx.msk [tilespmem:v21+s4+$0x0], $0xffff  }
0x1b7: {  	v50 =	vand.u32 $0x7F, v46;
	v51 =	vand.u32 $0xFFFFFE00, v49;
	v57 =	vshll.u32 v52, $0x2;
	[tilespmem:v0+s31+$0x0] =	vst.idx.msk $0xffff, v8;
	v18 =	vld [tilespmem:$0x1FF30]  }
0x1b8: {  	v10 =	vand.u32 $0x7F, v52;
	v0 =	vor.u32 v50, v51;
	v8 =	vand.u32 $0xFFFFFE00, v57;
	v5 =	vld.idx.msk [tilespmem:v33+s4+$0x0], $0xffff  }
0x1b9: {  	v59 =	vand.u32 $0x7F, v40;
	v8 =	vor.u32 v10, v8  }
0x1ba: {  	v60 =	vshll.u32 v40, $0x2;
	v63 =	vor.u32 s14, v41;
	v58 =	vor.u32 s16, v41;
	[tilespmem:v2+s31+$0x0] =	vst.idx.msk $0xffff, v48;
	v48 =	vld [tilespmem:$0x1FBA0]  }
0x1bb: {  	v61 =	vand.u32 $0xFFFFFE00, v60;
	v43 =	vand.u32 $0x7F, v42;
	v50 =	vshll.u32 v42, $0x2;
	[tilespmem:v9+s31+$0x0] =	vst.idx.msk $0xffff, v16;
	v16 =	vld [tilespmem:$0x1FF40]  }
0x1bc: {  	v52 =	vld [tilespmem:$0x1FBB0];
	v2 =	vor.u32 v59, v61;
	v7 =	vand.u32 $0x7FFFFE00, v50;
	v41 =	vadd.s32 s15, v18  }
0x1bd: {  	v32 =	vld.idx.msk [tilespmem:v23+s4+$0x0], $0xffff;
	v7 =	vor.u32 v43, v7;
	[tilespmem:v0+s31+$0x0] =	vst.idx.msk $0xffff, v5;
	v62 =	vadd.s32 s13, v18;
	v44 =	vshll.u32 v41, $0x2  }
0x1be: {  	v23 =	vld [tilespmem:$0x1FBC0];
	[tilespmem:v8+s31+$0x0] =	vst.idx.msk $0xffff, v17;
	v17 =	vshll.u32 v34, $0x2;
	v5 =	vand.u32 $0x7F, v41;
	v4 =	vand.u32 $0xFFFFFE00, v44  }
0x1bf: {  	v22 =	vshll.u32 v62, $0x2;
	v33 =	vand.u32 $0x7F, v62;
	v13 =	vld.idx.msk [tilespmem:v63+s4+$0x0], $0xffff;
	v4 =	vor.u32 v5, v4  }
0x1c0: {  	v43 =	vld [tilespmem:$0x1FBE0];
	v47 =	vand.u32 $0xFFFFFE00, v17;
	v17 =	vor.u32 s14, v54;
	v16 =	vadd.s32 s13, v16  }
0x1c1: {  	v40 =	vand.u32 $0xFFFFFE00, v22;
	v51 =	vshll.u32 v16, $0x2;
	v53 =	vand.u32 $0x7F, v16;
	v16 =	vld [tilespmem:$0x1FF40]  }
0x1c2: {  	v6 =	vld.idx.msk [tilespmem:v58+s4+$0x0], $0xffff;
	v0 =	vor.u32 v33, v40  }
0x1c3: {  	v45 =	vor.u32 s16, v54;
	v49 =	vld.idx.msk [tilespmem:v48+s4+$0x0], $0xffff  }
0x1c4: {  	v40 =	vld [tilespmem:$0x1FBD0];
	[tilespmem:v4+s31+$0x0] =	vst.idx.msk $0xffff, v13  }
0x1c5: {  	v60 =	vld.idx.msk [tilespmem:v17+s4+$0x0], $0xffff  }
0x1c6: {  	v14 =	vor.u32 s16, v56;
	v46 =	vand.u32 $0x7F, v34;
	[tilespmem:v2+s31+$0x0] =	vst.idx.msk $0xffff, v32;
	v17 =	vld [tilespmem:$0x1FF50];
	v54 =	vadd.s32 s15, v16  }
0x1c7: {  	v5 =	vor.u32 v46, v47;
	[tilespmem:v0+s31+$0x0] =	vst.idx.msk $0xffff, v6;
	v0 =	vld.idx.msk [tilespmem:v52+s4+$0x0], $0xffff;
	v9 =	vand.u32 $0xFFFFFE00, v51;
	v57 =	vshll.u32 v54, $0x2  }
0x1c8: {  	v8 =	vld.idx.msk [tilespmem:v45+s4+$0x0], $0xffff;
	v6 =	vor.u32 v53, v9;
	v59 =	vand.u32 $0x7F, v54;
	v9 =	vand.u32 $0xFFFFFE00, v57  }
0x1c9: {  	v31 =	vld [tilespmem:$0x1FF60];
	v61 =	vshll.u32 v15, $0x2;
	v58 =	vor.u32 s16, v55;
	v9 =	vor.u32 v59, v9  }
0x1ca: {  	v50 =	vand.u32 $0x7F, v11;
	v2 =	vand.u32 $0xFFFFFE00, v61;
	v63 =	vor.u32 s14, v55;
	v53 =	vld [tilespmem:$0x1FBF0]  }
0x1cb: {  	v21 =	vand.u32 $0x7F, v15;
	v44 =	vshll.u32 v43, $0x2;
	[tilespmem:v12+s31+$0x0] =	vst.idx.msk $0xffff, v49;
	v62 =	vadd.s32 s13, v17;
	v57 =	vld [tilespmem:$0x1FC00]  }
0x1cc: {  	v32 =	vld.idx.msk [tilespmem:v23+s4+$0x0], $0xffff;
	[tilespmem:v5+s31+$0x0] =	vst.idx.msk $0xffff, v0;
	v0 =	vor.u32 v21, v2;
	v34 =	vadd.s32 s15, v17;
	v22 =	vshll.u32 v62, $0x2  }
0x1cd: {  	v41 =	vld.idx.msk [tilespmem:v40+s4+$0x0], $0xffff;
	[tilespmem:v6+s31+$0x0] =	vst.idx.msk $0xffff, v8;
	v33 =	vand.u32 $0x7F, v62;
	v42 =	vshll.u32 v34, $0x2;
	v5 =	vand.u32 $0xFFFFFE00, v22  }
0x1ce: {  	v45 =	vand.u32 $0x7F, v34;
	v4 =	vld.idx.msk [tilespmem:v58+s4+$0x0], $0xffff;
	v8 =	vand.u32 $0xFFFFFE00, v42;
	v5 =	vor.u32 v33, v5;
	[tilespmem:v9+s31+$0x0] =	vst.idx.msk $0xffff, v60  }
0x1cf: {  	v46 =	vand.u32 $0x7F, v43;
	v48 =	vshll.u32 v11, $0x2;
	v8 =	vor.u32 v45, v8;
	v47 =	vld.idx.msk [tilespmem:v63+s4+$0x0], $0xffff  }
0x1d0: {  	v49 =	vor.u32 s14, v56;
	v52 =	vadd.s32 s13, v31;
	v56 =	vadd.s32 s15, v31  }
0x1d1: {  	v51 =	vand.u32 $0xFFFFFE00, v48;
	v55 =	vshll.u32 v52, $0x2;
	[tilespmem:v7+s31+$0x0] =	vst.idx.msk $0xffff, v32;
	v9 =	vand.u32 $0x7FFFFE00, v44  }
0x1d2: {  	v54 =	vor.u32 v50, v51;
	[tilespmem:v0+s31+$0x0] =	vst.idx.msk $0xffff, v41;
	v0 =	vld.idx.msk [tilespmem:v53+s4+$0x0], $0xffff;
	v3 =	vor.u32 v46, v9  }
0x1d3: {  	v6 =	vand.u32 $0xFFFFFE00, v55;
	v59 =	vand.u32 $0x7F, v52;
	v60 =	vshll.u32 v56, $0x2;
	[tilespmem:v5+s31+$0x0] =	vst.idx.msk $0xffff, v4;
	v58 =	vld.idx.msk [tilespmem:v57+s4+$0x0], $0xffff  }
0x1d4: {  	v7 =	vand.u32 $0x7F, v56;
	v5 =	vor.u32 v59, v6;
	v62 =	vand.u32 $0xFFFFFE00, v60;
	v61 =	vld.idx.msk [tilespmem:v14+s4+$0x0], $0xffff;
	[tilespmem:v8+s31+$0x0] =	vst.idx.msk $0xffff, v47  }
0x1d5: {  	p1 =	por p0, p0;
	v7 =	vor.u32 v7, v62;
	v63 =	vld.idx.msk [tilespmem:v49+s4+$0x0], $0xffff  }
.Ltmp5:
0x1d6: {  	_ = 	snop;
	(pc) =	sbr.rel @p1 .LBB2_5-.Ltmp5, $4  }
0x1d7: {  	[tilespmem:v3+s31+$0x0] =	vst.idx.msk $0xffff, v0  }
0x1d8: {  	[tilespmem:v54+s31+$0x0] =	vst.idx.msk $0xffff, v58  }
0x1d9: {  	[tilespmem:v5+s31+$0x0] =	vst.idx.msk $0xffff, v61  }
0x1da: {  	p0 =	por $0x0, $0x0;
	s13 =	simm.s32 $0x4;
	[tilespmem:v7+s31+$0x0] =	vst.idx.msk $0xffff, v63  }
0x1db: {  	s11 =	sadd.s32 $0x1, s11  }
0x1dc: {  	p0 =	sne.s32 s11, $0x4  }
.Ltmp6:
0x1dd: {  	_ = 	snop;
	(pc) =	sbr.rel @p0 .LBB2_4-.Ltmp6, $1  }
0x1de: {  	_ =	sdelay $0x3  }
0x1df: {  	s11 =	sadd.s32 s5, s10  }
0x1e0: {  	s11 =	sshll.u32 s11, $0xA  }
0x1e1: {  	s11 =	sand.u32 $0x1FFFFC00, s11  }
0x1e2: {  	s12 =	simm.s32 $0x6000;
	s11 =	sadd.s32 s1, s11  }
0x1e3: {  	s13 =	simm.s32 $0x10;
	s14 =	simm.s32 $0x6200;
	s15 =	sadd.s32 $0x0, s11  }
.LBB2_8:
0x1e4: {  	[hbm4b:s15+s4] =	stream.linear.scatter [tilespmem:s12], [sflag:$0x2], $0x80, $0x38;
	[tilespmem:$0xE000] =	vst v63  }
0x1e5: {  	s15 =	smov.u32 s13;
	s12 =	smov.u32 s14;
	p0 =	sne.s32 s13, $0x3F0  }
.Ltmp7:
0x1e6: {  	s13 =	sadd.s32 $0x10, s13;
	(pc) =	sbr.rel @p0 .LBB2_8-.Ltmp7, $2  }
0x1e7: {  	_ =	sdelay $0x2  }
0x1e8: {  	s14 =	sadd.s32 $0x200, s14;
	s15 =	sadd.s32 s15, s11  }
0x1e9: {  	v54 =	vld [tilespmem:$0x1FEB0]  }
0x1ea: {  	v13 =	vld [tilespmem:$0x1FF70]  }
0x1eb: {  	v32 =	vld [tilespmem:$0x1FF80]  }
0x1ec: {  	v33 =	vld [tilespmem:$0x1FF90]  }
0x1ed: {  	v46 =	vld [tilespmem:$0x1FFA0]  }
0x1ee: {  	v47 =	vld [tilespmem:$0x1FFB0]  }
0x1ef: {  	v48 =	vld [tilespmem:$0x1FFC0]  }
0x1f0: {  	v55 =	vld [tilespmem:$0x1FFD0]  }
0x1f1: {  	v57 =	vld [tilespmem:$0x1FFE0]  }
0x1f2: {  	[hbm4b:s15+s4] =	stream.linear.scatter [tilespmem:s12], [sflag:$0x2], $0x80, $0x38;
	v49 =	vlaneseq.u32;
	v59 =	vld [tilespmem:$0x1FFF0]  }
.LBB2_10:
0x1f3: {  	s11 =	sadd.s32 $0x1, s10  }
0x1f4: {  	p0 =	sge.u32 s11, s6  }
.Ltmp8:
0x1f5: {  	_ = 	snop;
	(pc) =	sbr.rel @p0 .LBB2_18-.Ltmp8, $1  }
0x1f6: {  	_ =	sdelay $0x3  }
0x1f7: {  	_ =	swait.ge [sflag:s7], $0x400  }
0x1f8: {  	[sflag:s7] =	ssyncset.done $0x0  }
0x1f9: {  	[sflag:s7] =	ssyncadd.s32 $0xFFFFFC00  }
0x1fa: {  	_ =	swait.ge [sflag:s7], $0x400  }
0x1fb: {  	[sflag:s7] =	ssyncset.done $0x0  }
0x1fc: {  	[sflag:s7] =	ssyncadd.s32 $0xFFFFFC00  }
0x1fd: {  	_ =	swait.ge [sflag:s7], $0x400  }
0x1fe: {  	[sflag:s7] =	ssyncset.done $0x0  }
0x1ff: {  	[sflag:s7] =	ssyncadd.s32 $0xFFFFFC00  }
0x200: {  	_ =	swait.ge [sflag:s7], $0x400  }
0x201: {  	[sflag:s7] =	ssyncset.done $0x0  }
0x202: {  	[sflag:s7] =	ssyncadd.s32 $0xFFFFFC00  }
0x203: {  	_ =	swait.ge [sflag:s7], $0x400  }
0x204: {  	[sflag:s7] =	ssyncset.done $0x0  }
0x205: {  	[sflag:s7] =	ssyncadd.s32 $0xFFFFFC00  }
0x206: {  	_ =	swait.ge [sflag:s7], $0x400  }
0x207: {  	[sflag:s7] =	ssyncset.done $0x0  }
0x208: {  	[sflag:s7] =	ssyncadd.s32 $0xFFFFFC00  }
0x209: {  	_ =	swait.ge [sflag:s7], $0x400  }
0x20a: {  	[sflag:s7] =	ssyncset.done $0x0  }
0x20b: {  	p0 =	sge.u32 s10, s26;
	[sflag:s7] =	ssyncadd.s32 $0xFFFFFC00  }
0x20c: {  	s12 =	sadd.s32 @!p0 s5, s11;
	_ =	swait.ge [sflag:s7], $0x400  }
0x20d: {  	s12 =	sshll.u32 @!p0 s12, $0x9;
	[sflag:s7] =	ssyncset.done $0x0  }
0x20e: {  	s14 =	simm.s32 @!p0 $0x0;
	s13 =	sadd.s32 @!p0 s12, s29;
	[sflag:s7] =	ssyncadd.s32 $0xFFFFFC00  }
0x20f: {  	[tilespmem:s14], [sflag:$0x1] =	stream.linear.gather @!p0 [hbm4b:s13+s14], $0x400, $0x38;
	[tilespmem:$0xE000] =	vst v63  }
0x210: {  	s13 =	sand.u32 @!p0 $0x1FFFFE00, s12  }
0x211: {  	s13 =	sadd.s32 @!p0 s0, s13  }
0x212: {  	s16 =	simm.s32 @!p0 $0x400;
	s15 =	sadd.s32 @!p0 $0x480, s13  }
0x213: {  	[tilespmem:s16], [sflag:$0x1] =	stream.linear.gather @!p0 [hbm4b:s15+s14], $0x400, $0x38;
	[tilespmem:$0xE000] =	vst v63  }
0x214: {  	s15 =	sadd.s32 @!p0 $0x500, s13;
	s16 =	simm.s32 @!p0 $0x800  }
0x215: {  	[tilespmem:s16], [sflag:$0x1] =	stream.linear.gather @!p0 [hbm4b:s15+s14], $0x400, $0x38;
	[tilespmem:$0xE000] =	vst v63  }
0x216: {  	s15 =	sadd.s32 @!p0 $0x580, s13;
	s16 =	simm.s32 @!p0 $0xC00  }
0x217: {  	[tilespmem:s16], [sflag:$0x1] =	stream.linear.gather @!p0 [hbm4b:s15+s14], $0x400, $0x38;
	[tilespmem:$0xE000] =	vst v63  }
0x218: {  	s12 =	sadd.s32 @!p0 s12, s30;
	s15 =	simm.s32 @!p0 $0x1000  }
0x219: {  	[tilespmem:s15], [sflag:$0x1] =	stream.linear.gather @!p0 [hbm4b:s12+s14], $0x400, $0x38;
	[tilespmem:$0xE000] =	vst v63  }
0x21a: {  	s12 =	sadd.s32 @!p0 $0xF4700, s13;
	s15 =	simm.s32 @!p0 $0x1400  }
0x21b: {  	[tilespmem:s15], [sflag:$0x1] =	stream.linear.gather @!p0 [hbm4b:s12+s14], $0x400, $0x38;
	[tilespmem:$0xE000] =	vst v63  }
0x21c: {  	s12 =	sadd.s32 @!p0 $0xF4780, s13;
	s15 =	simm.s32 @!p0 $0x1800  }
0x21d: {  	[tilespmem:s15], [sflag:$0x1] =	stream.linear.gather @!p0 [hbm4b:s12+s14], $0x400, $0x38;
	[tilespmem:$0xE000] =	vst v63  }
0x21e: {  	s12 =	sadd.s32 @!p0 $0xF4800, s13;
	s13 =	simm.s32 @!p0 $0x1C00  }
0x21f: {  	[tilespmem:s13], [sflag:$0x1] =	stream.linear.gather @!p0 [hbm4b:s12+s14], $0x400, $0x38;
	[tilespmem:$0xE000] =	vst v63  }
0x220: {  	p0 =	seq.s32 s9, $0x0  }
0x221: {  	s12 =	simm.s32 @!p0 $0x2  }
0x222: {  	_ =	swait.ge @!p0 [sflag:s12], $0x2000  }
0x223: {  	[sflag:s12] =	ssyncset.done @!p0 $0x0  }
0x224: {  	[sflag:s12] =	ssyncadd.s32 @!p0 $0xFFFFE000;
	s12 =	simm.s32 $0x0  }
.LBB2_12:
0x225: {  	v0 =	vimm.s32 $0x1380  }
0x226: {  	v0 =	vsel vm0, $0x0, v0  }
0x227: {  	v0 =	vsel vm1, $0x80, v0  }
0x228: {  	v0 =	vsel vm2, $0x100, v0  }
0x229: {  	v0 =	vsel vm3, $0x180, v0  }
0x22a: {  	v0 =	vsel vm4, $0x200, v0  }
0x22b: {  	v0 =	vsel vm5, $0x280, v0  }
0x22c: {  	v0 =	vsel vm6, $0x300, v0  }
0x22d: {  	v0 =	vsel vm7, $0x380, v0  }
0x22e: {  	v0 =	vsel vm8, $0x1000, v0  }
0x22f: {  	v0 =	vsel vm9, $0x1080, v0  }
0x230: {  	v0 =	vsel vm10, $0x1100, v0  }
0x231: {  	v0 =	vsel vm11, $0x1180, v0  }
0x232: {  	v56 =	vld [tilespmem:$0x1FE10];
	v0 =	vsel vm12, $0x1200, v0  }
0x233: {  	s13 =	sshll.u32 s12, $0xA;
	v58 =	vld [tilespmem:$0x1FE20];
	v0 =	vsel vm13, $0x1280, v0  }
0x234: {  	v60 =	vld [tilespmem:$0x1FE30];
	s13 =	sadd.s32 $0x2000, s13;
	v0 =	vsel vm14, $0x1300, v0  }
0x235: {  	v0 =	vor.u32 s13, v0  }
0x236: {  	p0 =	por $0x1, $0x1;
	s16 =	simm.s32 $0x0;
	v62 =	vld [tilespmem:$0x1FE90];
	s13 =	sshll.u32 s12, $0xB;
	[tilespmem:$0x1FAF0] =	vst v0  }
.LBB2_13:
0x237: {  	s14 =	sshll.u32 s16, $0x8  }
0x238: {  	s17 =	sor.u32 s13, s14  }
0x239: {  	v2 =	vadd.s32 s17, v56;
	v3 =	vadd.s32 s17, v60;
	v4 =	vadd.s32 s17, v58  }
0x23a: {  	v5 =	vadd.s32 s17, v38;
	v7 =	vadd.s32 s17, v37;
	v8 =	vadd.s32 s17, v36  }
0x23b: {  	v9 =	vadd.s32 s17, v27;
	v10 =	vadd.s32 s17, v39;
	v23 =	vadd.s32 s17, v35  }
0x23c: {  	v24 =	vadd.s32 s17, v28;
	v25 =	vadd.s32 s17, v30;
	v26 =	vadd.s32 s17, v18  }
0x23d: {  	v27 =	vadd.s32 s17, v16;
	v28 =	vadd.s32 s17, v17;
	v29 =	vadd.s32 s17, v31  }
0x23e: {  	v6 =	vld [tilespmem:$0x1FAF0];
	v11 =	vshll.u32 v2, $0x2;
	v2 =	vand.u32 $0x7F, v2;
	v41 =	vand.u32 $0x7F, v3  }
0x23f: {  	v43 =	vshll.u32 v3, $0x2;
	v53 =	vshll.u32 v4, $0x2;
	v61 =	vand.u32 $0x7F, v4  }
0x240: {  	v34 =	vshll.u32 v5, $0x2;
	v37 =	vand.u32 $0x7F, v5;
	v0 =	vadd.s32 s17, v54  }
0x241: {  	s14 =	sor.u32 $0x1, s16;
	v39 =	vcombine.low v32, v13;
	v11 =	vand.u32 $0x7FFFFE00, v11;
	v12 =	vcombine.low v46, v33  }
0x242: {  	s15 =	sshll.u32 s16, $0x4;
	s18 =	sshll.u32 s14, $0x4;
	v44 =	vcombine.low v48, v47;
	v63 =	vand.u32 $0x7FFFFE00, v53;
	v53 =	vshll.u32 v7, $0x2  }
0x243: {  	v1 =	vor.u32 s15, v6;
	v52 =	vor.u32 s18, v6;
	v38 =	vshll.u32 v0, $0x2  }
0x244: {  	v30 =	vld [tilespmem:$0x1FE40];
	v0 =	vand.u32 $0x7F, v0;
	v40 =	vor.u32 v11, v2;
	v2 =	vand.u32 $0x7FFFFE00, v43  }
0x245: {  	s15 =	sor.u32 $0x2, s16;
	s16 =	sor.u32 $0x3, s16;
	v11 =	vcombine.low v57, v55;
	v55 =	vcombine.low v55, v57;
	v57 =	vand.u32 $0x7F, v25  }
0x246: {  	v31 =	vld [tilespmem:$0x1FE50];
	s17 =	sshll.u32 s15, $0x4;
	s18 =	sshll.u32 s16, $0x4;
	v22 =	vor.u32 v49, v1;
	v19 =	vor.u32 $0x80, v40;
	v42 =	vand.u32 $0xF, v12  }
0x247: {  	v5 =	vld [tilespmem:$0x1FE60];
	v12 =	vor.u32 v62, v1;
	v51 =	vor.u32 s17, v6;
	v50 =	vor.u32 s18, v6  }
0x248: {  	v6 =	vand.u32 $0x7FFFFE00, v38;
	v45 =	vor.u32 v42, v1;
	v38 =	vand.u32 $0xF, v11  }
0x249: {  	v35 =	vcombine.low v30, v59;
	v11 =	vshll.u32 v8, $0x2;
	v0 =	vor.u32 v6, v0  }
0x24a: {  	v6 =	vand.u32 $0xF, v39;
	v39 =	vor.u32 v38, v1;
	v21 =	vor.u32 $0x80, v0  }
0x24b: {  	v20 =	vor.u32 v6, v1;
	v0 =	vor.u32 v2, v41;
	v41 =	vand.u32 $0xF, v44  }
0x24c: {  	v2 =	vor.u32 v63, v61;
	v35 =	vand.u32 $0xF, v35;
	v63 =	vcombine.low v5, v31  }
0x24d: {  	v44 =	vor.u32 $0x80, v0;
	v40 =	vor.u32 $0x80, v2;
	v0 =	vand.u32 $0x7FFFFE00, v34  }
0x24e: {  	v2 =	vand.u32 $0x7FFFFE00, v53;
	v53 =	vand.u32 $0x7F, v8;
	v0 =	vor.u32 v0, v37  }
0x24f: {  	v17 =	vand.u32 $0xF, v63;
	v63 =	vld [tilespmem:$0x1FE80];
	v37 =	vor.u32 $0x80, v0;
	v0 =	vand.u32 $0x7FFFFE00, v11  }
0x250: {  	v61 =	vand.u32 $0x7F, v7;
	v43 =	vor.u32 v41, v1;
	v0 =	vor.u32 v0, v53;
	v53 =	vld [tilespmem:$0x1FE70]  }
0x251: {  	v36 =	vor.u32 v35, v1;
	v8 =	vand.u32 $0x7F, v9;
	v7 =	vor.u32 v2, v61  }
0x252: {  	v34 =	vor.u32 $0x80, v7;
	v18 =	vor.u32 v17, v1;
	v7 =	vshll.u32 v9, $0x2  }
0x253: {  	v9 =	vshll.u32 v10, $0x2;
	v11 =	vand.u32 $0x7F, v10;
	v3 =	vand.u32 $0x7FFFFE00, v7  }
0x254: {  	v2 =	vand.u32 $0x7FFFFE00, v9;
	v9 =	vcombine.low v33, v46;
	v33 =	vcombine.low v47, v48  }
0x255: {  	v48 =	vshll.u32 v25, $0x2;
	v25 =	vand.u32 $0x7F, v28;
	v61 =	vcombine.low v63, v53  }
0x256: {  	v15 =	vor.u32 $0x80, v0;
	v0 =	vor.u32 v3, v8;
	v9 =	vand.u32 $0xF, v9  }
0x257: {  	v8 =	vshll.u32 v23, $0x2;
	v46 =	vor.u32 v9, v1;
	v14 =	vand.u32 $0xF, v61  }
0x258: {  	v61 =	vcombine.low v13, v32;
	v13 =	vor.u32 $0x80, v0;
	v32 =	vor.u32 v2, v11  }
0x259: {  	v2 =	vand.u32 $0x7FFFFE00, v8;
	v8 =	vshll.u32 v26, $0x2;
	v16 =	vor.u32 v14, v1  }
0x25a: {  	s14 =	sshll.u32 s14, $0x8;
	v11 =	vor.u32 $0x80, v32;
	v32 =	vand.u32 $0x7F, v24;
	v10 =	vand.u32 $0xF, v61  }
0x25b: {  	s14 =	sor.u32 s13, s14;
	v61 =	vand.u32 $0x7F, v23;
	v23 =	vshll.u32 v24, $0x2;
	v24 =	vcombine.low v59, v30  }
0x25c: {  	v30 =	vadd.s32 s14, v58;
	v7 =	vor.u32 v10, v1;
	v0 =	vor.u32 v2, v61  }
0x25d: {  	v4 =	vand.u32 $0x7FFFFE00, v23;
	v61 =	vand.u32 $0xF, v33;
	v33 =	vand.u32 $0x7FFFFE00, v8  }
0x25e: {  	v2 =	vor.u32 v4, v32;
	v23 =	vor.u32 $0x80, v0;
	v3 =	vor.u32 v61, v1  }
0x25f: {  	v0 =	vand.u32 $0x7FFFFE00, v48;
	v4 =	vand.u32 $0xF, v55;
	v32 =	vand.u32 $0x7F, v26  }
0x260: {  	v59 =	vand.u32 $0xF, v24;
	v48 =	vshll.u32 v27, $0x2;
	v24 =	vshll.u32 v28, $0x2  }
0x261: {  	[tilespmem:$0x1FA80] =	vst v46;
	v47 =	vor.u32 $0x80, v2;
	v0 =	vor.u32 v0, v57;
	v46 =	vor.u32 v4, v1  }
0x262: {  	v55 =	vor.u32 v59, v1;
	v57 =	vand.u32 $0x7F, v27;
	v24 =	vand.u32 $0x7FFFFE00, v24  }
0x263: {  	v27 =	vadd.s32 s14, v60;
	[tilespmem:$0x1FA90] =	vst v47;
	v2 =	vor.u32 $0x80, v0;
	v47 =	vor.u32 v33, v32  }
0x264: {  	v0 =	vand.u32 $0x7FFFFE00, v48;
	v32 =	vcombine.low v31, v5;
	v33 =	vor.u32 v24, v25  }
0x265: {  	v24 =	vcombine.low v53, v63;
	v5 =	vadd.s32 s14, v54;
	v25 =	vadd.s32 s14, v56  }
0x266: {  	[tilespmem:$0x1FAA0] =	vst v3;
	v31 =	vshll.u32 v30, $0x2;
	v3 =	vor.u32 $0x80, v47;
	v0 =	vor.u32 v0, v57  }
0x267: {  	v53 =	vor.u32 $0x80, v33;
	v47 =	vshll.u32 v29, $0x2;
	v26 =	vshll.u32 v25, $0x2  }
0x268: {  	[tilespmem:$0x1FAC0] =	vst v55;
	v0 =	vor.u32 $0x80, v0;
	v57 =	vand.u32 $0xF, v32;
	v55 =	vand.u32 $0xF, v24  }
0x269: {  	v24 =	vand.u32 $0x7F, v29;
	v8 =	vand.u32 $0x7FFFFE00, v47;
	v29 =	vshll.u32 v27, $0x2  }
0x26a: {  	s15 =	sshll.u32 s15, $0x8;
	[tilespmem:$0x1FAB0] =	vst v46;
	v33 =	vld [tilespmem:$0x1FEA0];
	v27 =	vand.u32 $0x7F, v27;
	v46 =	vor.u32 v57, v1;
	v63 =	vor.u32 v55, v1  }
0x26b: {  	s15 =	sor.u32 s13, s15;
	v32 =	vld [tilespmem:$0x1FEC0];
	v48 =	vor.u32 v8, v24;
	v24 =	vshll.u32 v5, $0x2;
	v8 =	vand.u32 $0x7F, v5  }
0x26c: {  	v29 =	vand.u32 $0xFFFFFE00, v29;
	v5 =	vadd.s32 s15, v54;
	v1 =	vor.u32 $0x80, v48  }
0x26d: {  	v24 =	vand.u32 $0xFFFFFE00, v24;
	v27 =	vor.u32 v29, v27;
	v29 =	vand.u32 $0x7F, v30  }
0x26e: {  	v30 =	vand.u32 $0xFFFFFE00, v31;
	v48 =	vld [tilespmem:$0x1FED0];
	v8 =	vor.u32 v24, v8;
	v24 =	vand.u32 $0x7F, v25  }
0x26f: {  	v25 =	vand.u32 $0xFFFFFE00, v26;
	v26 =	vor.u32 v49, v52;
	v29 =	vor.u32 v30, v29  }
0x270: {  	v8 =	vor.u32 $0x80, v8;
	v31 =	vadd.s32 s14, v33;
	v30 =	vadd.s32 s14, v32  }
0x271: {  	[tilespmem:$0x1FAE0] =	vst v46;
	v47 =	vshll.u32 v31, $0x2;
	v31 =	vand.u32 $0x7F, v31;
	v46 =	vand.u32 $0x7F, v30  }
0x272: {  	v30 =	vshll.u32 v30, $0x2;
	v33 =	vand.u32 $0xFFFFFE00, v47;
	v47 =	vor.u32 v49, v51  }
0x273: {  	v22 =	vld.idx.msk [tilespmem:v22+s4+$0x0], $0xffff;
	[tilespmem:$0x1FAD0] =	vst v0;
	v30 =	vand.u32 $0xFFFFFE00, v30;
	v31 =	vor.u32 v33, v31;
	v0 =	vadd.s32 s14, v48  }
0x274: {  	v33 =	vand.u32 $0x7F, v0;
	v32 =	vshll.u32 v0, $0x2;
	v0 =	vshll.u32 v5, $0x2  }
0x275: {  	s16 =	sshll.u32 s16, $0x8;
	v30 =	vor.u32 v30, v46;
	v46 =	vand.u32 $0x7F, v5;
	v26 =	vld.idx.msk [tilespmem:v26+s4+$0x0], $0xffff;
	v48 =	vand.u32 $0xFFFFFE00, v0  }
0x276: {  	s16 =	sor.u32 s13, s16;
	v24 =	vor.u32 v25, v24;
	v5 =	vor.u32 v48, v46;
	v48 =	vor.u32 v49, v50  }
0x277: {  	v25 =	vor.u32 v6, v52;
	v32 =	vand.u32 $0xFFFFFE00, v32;
	v0 =	vadd.s32 s16, v54  }
0x278: {  	[tilespmem:v21+s31+$0x0] =	vst.idx.msk $0xffff, v22;
	v22 =	vor.u32 v6, v51;
	v32 =	vor.u32 v32, v33;
	v54 =	vshll.u32 v0, $0x2  }
0x279: {  	v0 =	vand.u32 $0x7F, v0;
	v46 =	vand.u32 $0xFFFFFE00, v54;
	v47 =	vld.idx.msk [tilespmem:v47+s4+$0x0], $0xffff;
	v33 =	vor.u32 $0x80, v5  }
0x27a: {  	v28 =	vor.u32 v42, v52;
	v0 =	vor.u32 v46, v0;
	[tilespmem:v8+s31+$0x0] =	vst.idx.msk $0xffff, v26;
	v8 =	vld.idx.msk [tilespmem:v20+s4+$0x0], $0xffff  }
0x27b: {  	v24 =	vor.u32 $0x80, v24;
	v49 =	vadd.s32 s15, v56;
	v0 =	vor.u32 $0x80, v0;
	v48 =	vld.idx.msk [tilespmem:v48+s4+$0x0], $0xffff  }
0x27c: {  	v5 =	vshll.u32 v49, $0x2;
	v54 =	vor.u32 v6, v50;
	v6 =	vadd.s32 s16, v56;
	v25 =	vld.idx.msk [tilespmem:v25+s4+$0x0], $0xffff  }
0x27d: {  	v26 =	vor.u32 $0x80, v30;
	v20 =	vand.u32 $0x7F, v49;
	v30 =	vand.u32 $0xFFFFFE00, v5  }
0x27e: {  	v30 =	vor.u32 v30, v20;
	v20 =	vor.u32 $0x80, v32;
	[tilespmem:v33+s31+$0x0] =	vst.idx.msk $0xffff, v47;
	v33 =	vshll.u32 v6, $0x2  }
0x27f: {  	v32 =	vand.u32 $0x7F, v6;
	v30 =	vor.u32 $0x80, v30;
	v22 =	vld.idx.msk [tilespmem:v22+s4+$0x0], $0xffff;
	v5 =	vand.u32 $0xFFFFFE00, v33;
	[tilespmem:v19+s31+$0x0] =	vst.idx.msk $0xffff, v8  }
0x280: {  	v33 =	vor.u32 v42, v51;
	v19 =	vld [tilespmem:$0x1FEE0];
	v8 =	vor.u32 v5, v32;
	[tilespmem:v0+s31+$0x0] =	vst.idx.msk $0xffff, v48  }
0x281: {  	v5 =	vadd.s32 s15, v60;
	[tilespmem:v24+s31+$0x0] =	vst.idx.msk $0xffff, v25;
	v8 =	vor.u32 $0x80, v8;
	v25 =	vld.idx.msk [tilespmem:v54+s4+$0x0], $0xffff  }
0x282: {  	v27 =	vor.u32 $0x80, v27;
	v24 =	vshll.u32 v5, $0x2;
	v28 =	vld.idx.msk [tilespmem:v28+s4+$0x0], $0xffff  }
0x283: {  	v0 =	vld.idx.msk [tilespmem:v45+s4+$0x0], $0xffff;
	v45 =	vand.u32 $0x7F, v5;
	v24 =	vand.u32 $0xFFFFFE00, v24  }
0x284: {  	v46 =	vor.u32 v41, v52;
	v5 =	vor.u32 v24, v45;
	v24 =	vadd.s32 s16, v60;
	[tilespmem:v30+s31+$0x0] =	vst.idx.msk $0xffff, v22  }
0x285: {  	v42 =	vor.u32 v42, v50;
	v22 =	vor.u32 $0x80, v5;
	v45 =	vshll.u32 v24, $0x2;
	v30 =	vld.idx.msk [tilespmem:v33+s4+$0x0], $0xffff  }
0x286: {  	v24 =	vand.u32 $0x7F, v24;
	v19 =	vadd.s32 s14, v19;
	[tilespmem:v8+s31+$0x0] =	vst.idx.msk $0xffff, v25;
	v25 =	vadd.s32 s15, v58  }
0x287: {  	v32 =	vand.u32 $0x7F, v19;
	v19 =	vshll.u32 v19, $0x2;
	[tilespmem:v27+s31+$0x0] =	vst.idx.msk $0xffff, v28;
	v28 =	vshll.u32 v25, $0x2  }
0x288: {  	[tilespmem:v44+s31+$0x0] =	vst.idx.msk $0xffff, v0;
	v0 =	vor.u32 v41, v51;
	v27 =	vld [tilespmem:$0x1FEF0];
	v25 =	vand.u32 $0x7F, v25;
	v28 =	vand.u32 $0xFFFFFE00, v28  }
0x289: {  	v19 =	vand.u32 $0xFFFFFE00, v19;
	v5 =	vld.idx.msk [tilespmem:v43+s4+$0x0], $0xffff;
	v25 =	vor.u32 v28, v25;
	v28 =	vadd.s32 s16, v58  }
0x28a: {  	v19 =	vor.u32 v19, v32;
	v32 =	vand.u32 $0xFFFFFE00, v45;
	v33 =	vld.idx.msk [tilespmem:v46+s4+$0x0], $0xffff;
	[tilespmem:v22+s31+$0x0] =	vst.idx.msk $0xffff, v30;
	v30 =	vshll.u32 v28, $0x2  }
0x28b: {  	v24 =	vor.u32 v32, v24;
	v32 =	vld.idx.msk [tilespmem:v42+s4+$0x0], $0xffff;
	v28 =	vand.u32 $0x7F, v28;
	v30 =	vand.u32 $0xFFFFFE00, v30  }
0x28c: {  	v24 =	vor.u32 $0x80, v24;
	v28 =	vor.u32 v30, v28;
	v30 =	vld [tilespmem:$0x1FEC0]  }
0x28d: {  	v21 =	vor.u32 v38, v52;
	v29 =	vor.u32 $0x80, v29;
	v41 =	vor.u32 v41, v50;
	v0 =	vld.idx.msk [tilespmem:v0+s4+$0x0], $0xffff  }
0x28e: {  	v25 =	vor.u32 $0x80, v25;
	[tilespmem:v40+s31+$0x0] =	vst.idx.msk $0xffff, v5;
	v5 =	vor.u32 v38, v51;
	v40 =	vor.u32 v38, v50;
	v38 =	vld [tilespmem:$0x1FEC0]  }
0x28f: {  	v27 =	vadd.s32 s14, v27  }
0x290: {  	v45 =	vand.u32 $0x7F, v27;
	v27 =	vshll.u32 v27, $0x2  }
0x291: {  	v27 =	vand.u32 $0xFFFFFE00, v27;
	[tilespmem:v24+s31+$0x0] =	vst.idx.msk $0xffff, v32;
	v24 =	vld.idx.msk [tilespmem:v39+s4+$0x0], $0xffff;
	v30 =	vadd.s32 s15, v30  }
0x292: {  	[tilespmem:v29+s31+$0x0] =	vst.idx.msk $0xffff, v33;
	v22 =	vor.u32 v27, v45;
	v28 =	vor.u32 $0x80, v28;
	v29 =	vld.idx.msk [tilespmem:v41+s4+$0x0], $0xffff;
	v27 =	vshll.u32 v30, $0x2  }
0x293: {  	[tilespmem:v25+s31+$0x0] =	vst.idx.msk $0xffff, v0;
	v25 =	vadd.s32 s16, v38;
	v30 =	vand.u32 $0x7F, v30;
	v27 =	vand.u32 $0xFFFFFE00, v27  }
0x294: {  	v41 =	vor.u32 v27, v30;
	v27 =	vshll.u32 v25, $0x2  }
0x295: {  	v21 =	vld.idx.msk [tilespmem:v21+s4+$0x0], $0xffff;
	v25 =	vand.u32 $0x7F, v25;
	v27 =	vand.u32 $0xFFFFFE00, v27  }
0x296: {  	[tilespmem:v37+s31+$0x0] =	vst.idx.msk $0xffff, v24;
	v25 =	vor.u32 v27, v25;
	v27 =	vld [tilespmem:$0x1FEA0]  }
0x297: {  	v37 =	vld [tilespmem:$0x1FEA0];
	[tilespmem:v28+s31+$0x0] =	vst.idx.msk $0xffff, v29  }
0x298: {  	v32 =	vld.idx.msk [tilespmem:v40+s4+$0x0], $0xffff;
	v25 =	vor.u32 $0x80, v25  }
0x299: {  	v49 =	vor.u32 v35, v52;
	v24 =	vld [tilespmem:$0x1FF00]  }
0x29a: {  	v42 =	vld.idx.msk [tilespmem:v36+s4+$0x0], $0xffff  }
0x29b: {  	v8 =	vld.idx.msk [tilespmem:v5+s4+$0x0], $0xffff;
	v0 =	vor.u32 $0x80, v41;
	v27 =	vadd.s32 s15, v27  }
0x29c: {  	[tilespmem:v26+s31+$0x0] =	vst.idx.msk $0xffff, v21;
	v30 =	vor.u32 v35, v51;
	v29 =	vshll.u32 v27, $0x2  }
0x29d: {  	v26 =	vand.u32 $0x7F, v27;
	[tilespmem:v25+s31+$0x0] =	vst.idx.msk $0xffff, v32;
	v25 =	vld [tilespmem:$0x1FED0];
	v27 =	vand.u32 $0xFFFFFE00, v29;
	v29 =	vor.u32 v35, v50  }
0x29e: {  	v31 =	vor.u32 $0x80, v31;
	v47 =	vor.u32 v17, v52;
	v43 =	vld.idx.msk [tilespmem:v49+s4+$0x0], $0xffff;
	v5 =	vadd.s32 s16, v37  }
0x29f: {  	v36 =	vld [tilespmem:$0x1FED0];
	v24 =	vadd.s32 s14, v24;
	[tilespmem:v34+s31+$0x0] =	vst.idx.msk $0xffff, v42;
	v45 =	vor.u32 v27, v26;
	v27 =	vshll.u32 v5, $0x2  }
0x2a0: {  	v44 =	vand.u32 $0x7F, v24;
	v18 =	vld.idx.msk [tilespmem:v18+s4+$0x0], $0xffff;
	[tilespmem:v0+s31+$0x0] =	vst.idx.msk $0xffff, v8;
	v8 =	vand.u32 $0x7F, v5;
	v27 =	vand.u32 $0xFFFFFE00, v27  }
0x2a1: {  	v24 =	vshll.u32 v24, $0x2;
	v26 =	vld.idx.msk [tilespmem:v30+s4+$0x0], $0xffff;
	v0 =	vor.u32 $0x80, v45;
	v8 =	vor.u32 v27, v8  }
0x2a2: {  	v24 =	vand.u32 $0xFFFFFE00, v24;
	v25 =	vadd.s32 s15, v25;
	v8 =	vor.u32 $0x80, v8;
	v27 =	vld.idx.msk [tilespmem:v29+s4+$0x0], $0xffff  }
0x2a3: {  	[tilespmem:v31+s31+$0x0] =	vst.idx.msk $0xffff, v43;
	v40 =	vor.u32 v24, v44;
	v30 =	vor.u32 v17, v51;
	v24 =	vshll.u32 v25, $0x2  }
0x2a4: {  	v25 =	vand.u32 $0x7F, v25;
	v29 =	vld.idx.msk [tilespmem:v47+s4+$0x0], $0xffff;
	v24 =	vand.u32 $0xFFFFFE00, v24  }
0x2a5: {  	v6 =	vor.u32 v14, v52;
	[tilespmem:v15+s31+$0x0] =	vst.idx.msk $0xffff, v18;
	v41 =	vor.u32 v24, v25;
	v25 =	vld [tilespmem:$0x1FF10]  }
0x2a6: {  	v16 =	vld.idx.msk [tilespmem:v16+s4+$0x0], $0xffff;
	[tilespmem:v0+s31+$0x0] =	vst.idx.msk $0xffff, v26  }
0x2a7: {  	v17 =	vor.u32 v17, v50;
	v24 =	vadd.s32 s16, v36;
	[tilespmem:v8+s31+$0x0] =	vst.idx.msk $0xffff, v27;
	v27 =	vld [tilespmem:$0x1FEE0]  }
0x2a8: {  	v26 =	vld.idx.msk [tilespmem:v30+s4+$0x0], $0xffff;
	v30 =	vshll.u32 v24, $0x2  }
0x2a9: {  	v0 =	vor.u32 $0x80, v41;
	v24 =	vand.u32 $0x7F, v24;
	v30 =	vand.u32 $0xFFFFFE00, v30;
	[tilespmem:v20+s31+$0x0] =	vst.idx.msk $0xffff, v29  }
0x2aa: {  	v19 =	vor.u32 $0x80, v19;
	v24 =	vor.u32 v30, v24;
	v6 =	vld.idx.msk [tilespmem:v6+s4+$0x0], $0xffff;
	v25 =	vadd.s32 s14, v25  }
0x2ab: {  	v33 =	vor.u32 v62, v52;
	v30 =	vld [tilespmem:$0x1FF20];
	v18 =	vor.u32 $0x80, v24;
	v31 =	vand.u32 $0x7F, v25  }
0x2ac: {  	v17 =	vld.idx.msk [tilespmem:v17+s4+$0x0], $0xffff;
	v42 =	vshll.u32 v25, $0x2;
	v25 =	vor.u32 v14, v51;
	v15 =	vadd.s32 s15, v27  }
0x2ad: {  	[tilespmem:v13+s31+$0x0] =	vst.idx.msk $0xffff, v16;
	v14 =	vor.u32 v14, v50;
	v20 =	vshll.u32 v15, $0x2  }
0x2ae: {  	v39 =	vld [tilespmem:$0x1FEF0];
	[tilespmem:v0+s31+$0x0] =	vst.idx.msk $0xffff, v26;
	v43 =	vand.u32 $0x7F, v15;
	v15 =	vand.u32 $0xFFFFFE00, v20;
	v20 =	vadd.s32 s16, v27  }
0x2af: {  	v22 =	vor.u32 $0x80, v22;
	v12 =	vld.idx.msk [tilespmem:v12+s4+$0x0], $0xffff;
	[tilespmem:v19+s31+$0x0] =	vst.idx.msk $0xffff, v6;
	v0 =	vor.u32 v15, v43;
	v15 =	vshll.u32 v20, $0x2  }
0x2b0: {  	v28 =	vor.u32 v10, v52;
	v19 =	vld.idx.msk [tilespmem:v33+s4+$0x0], $0xffff;
	v20 =	vand.u32 $0x7F, v20;
	v15 =	vand.u32 $0xFFFFFE00, v15  }
0x2b1: {  	[tilespmem:v18+s31+$0x0] =	vst.idx.msk $0xffff, v17;
	v17 =	vadd.s32 s14, v30;
	v25 =	vld.idx.msk [tilespmem:v25+s4+$0x0], $0xffff;
	v0 =	vor.u32 $0x80, v0;
	v15 =	vor.u32 v15, v20  }
0x2b2: {  	v18 =	vand.u32 $0x7F, v17;
	v17 =	vshll.u32 v17, $0x2;
	v14 =	vld.idx.msk [tilespmem:v14+s4+$0x0], $0xffff;
	v15 =	vor.u32 $0x80, v15  }
0x2b3: {  	v35 =	vld [tilespmem:$0x1FF00];
	v16 =	vor.u32 v62, v51;
	v13 =	vand.u32 $0xFFFFFE00, v17;
	v17 =	vadd.s32 s15, v39  }
0x2b4: {  	v5 =	vld [tilespmem:$0x1FF30];
	[tilespmem:v11+s31+$0x0] =	vst.idx.msk $0xffff, v12;
	v44 =	vor.u32 v13, v18;
	v13 =	vshll.u32 v17, $0x2;
	v18 =	vor.u32 v62, v50  }
0x2b5: {  	v41 =	vld [tilespmem:$0x1FA80];
	v45 =	vand.u32 $0x7F, v17;
	v17 =	vadd.s32 s16, v39;
	v13 =	vand.u32 $0xFFFFFE00, v13;
	[tilespmem:v22+s31+$0x0] =	vst.idx.msk $0xffff, v19  }
0x2b6: {  	v22 =	vld.idx.msk [tilespmem:v28+s4+$0x0], $0xffff;
	[tilespmem:v0+s31+$0x0] =	vst.idx.msk $0xffff, v25;
	v0 =	vor.u32 v13, v45;
	v13 =	vshll.u32 v17, $0x2  }
0x2b7: {  	v25 =	vld.idx.msk [tilespmem:v7+s4+$0x0], $0xffff;
	v13 =	vand.u32 $0xFFFFFE00, v13;
	[tilespmem:v15+s31+$0x0] =	vst.idx.msk $0xffff, v14;
	v14 =	vand.u32 $0x7F, v17  }
0x2b8: {  	v16 =	vld.idx.msk [tilespmem:v16+s4+$0x0], $0xffff;
	v0 =	vor.u32 $0x80, v0;
	v13 =	vor.u32 v13, v14  }
0x2b9: {  	v14 =	vor.u32 v10, v51;
	v18 =	vld.idx.msk [tilespmem:v18+s4+$0x0], $0xffff;
	v13 =	vor.u32 $0x80, v13  }
0x2ba: {  	v21 =	vor.u32 $0x80, v40;
	v24 =	vor.u32 v9, v52;
	v45 =	vld [tilespmem:$0x1FA90];
	v17 =	vadd.s32 s15, v35  }
0x2bb: {  	v11 =	vadd.s32 s14, v5;
	v28 =	vld [tilespmem:$0x1FF10];
	v12 =	vshll.u32 v17, $0x2;
	v10 =	vor.u32 v10, v50  }
0x2bc: {  	v19 =	vadd.s32 s16, v35;
	v17 =	vand.u32 $0x7F, v17;
	v12 =	vand.u32 $0xFFFFFE00, v12;
	[tilespmem:v23+s31+$0x0] =	vst.idx.msk $0xffff, v25  }
0x2bd: {  	v40 =	vand.u32 $0x7F, v19;
	v12 =	vor.u32 v12, v17;
	v17 =	vshll.u32 v19, $0x2;
	[tilespmem:v0+s31+$0x0] =	vst.idx.msk $0xffff, v16;
	v19 =	vld.idx.msk [tilespmem:v41+s4+$0x0], $0xffff  }
0x2be: {  	v8 =	vand.u32 $0xFFFFFE00, v42;
	v16 =	vand.u32 $0xFFFFFE00, v17;
	v12 =	vor.u32 $0x80, v12;
	[tilespmem:v13+s31+$0x0] =	vst.idx.msk $0xffff, v18;
	v13 =	vld.idx.msk [tilespmem:v14+s4+$0x0], $0xffff  }
0x2bf: {  	v26 =	vand.u32 $0x7F, v11;
	v34 =	vshll.u32 v11, $0x2;
	v23 =	vld [tilespmem:$0x1FAA0];
	v11 =	vor.u32 v16, v40  }
0x2c0: {  	v16 =	vadd.s32 s15, v28;
	v11 =	vor.u32 $0x80, v11;
	v14 =	vor.u32 v9, v51;
	v10 =	vld.idx.msk [tilespmem:v10+s4+$0x0], $0xffff  }
0x2c1: {  	v8 =	vor.u32 v8, v31;
	[tilespmem:v21+s31+$0x0] =	vst.idx.msk $0xffff, v22;
	v17 =	vshll.u32 v16, $0x2;
	v9 =	vor.u32 v9, v50  }
0x2c2: {  	v16 =	vand.u32 $0x7F, v16;
	v17 =	vand.u32 $0xFFFFFE00, v17;
	v18 =	vadd.s32 s16, v28;
	[tilespmem:v45+s31+$0x0] =	vst.idx.msk $0xffff, v19;
	v45 =	vld [tilespmem:$0x1FAB0]  }
0x2c3: {  	v8 =	vor.u32 $0x80, v8;
	v16 =	vor.u32 v17, v16;
	v17 =	vshll.u32 v18, $0x2;
	[tilespmem:v12+s31+$0x0] =	vst.idx.msk $0xffff, v13;
	v13 =	vld [tilespmem:$0x1FF40]  }
0x2c4: {  	v20 =	vor.u32 v61, v52;
	v18 =	vand.u32 $0x7F, v18;
	v17 =	vand.u32 $0xFFFFFE00, v17;
	v12 =	vld.idx.msk [tilespmem:v24+s4+$0x0], $0xffff  }
0x2c5: {  	[tilespmem:v11+s31+$0x0] =	vst.idx.msk $0xffff, v10;
	v43 =	vld.idx.msk [tilespmem:v14+s4+$0x0], $0xffff;
	v14 =	vor.u32 $0x80, v16;
	v16 =	vor.u32 v17, v18  }
0x2c6: {  	v6 =	vor.u32 $0x80, v44;
	v9 =	vld.idx.msk [tilespmem:v9+s4+$0x0], $0xffff;
	v16 =	vor.u32 $0x80, v16  }
0x2c7: {  	v44 =	vor.u32 v61, v50;
	v0 =	vand.u32 $0xFFFFFE00, v34;
	v5 =	vld.idx.msk [tilespmem:v23+s4+$0x0], $0xffff;
	v18 =	vadd.s32 s15, v30  }
0x2c8: {  	v17 =	vor.u32 v61, v51;
	v61 =	vshll.u32 v18, $0x2;
	v13 =	vadd.s32 s14, v13  }
0x2c9: {  	v34 =	vand.u32 $0x7F, v18;
	v18 =	vld [tilespmem:$0x1FF30];
	[tilespmem:v8+s31+$0x0] =	vst.idx.msk $0xffff, v12;
	v42 =	vand.u32 $0x7F, v13;
	v13 =	vshll.u32 v13, $0x2  }
0x2ca: {  	v40 =	vld.idx.msk [tilespmem:v20+s4+$0x0], $0xffff;
	v13 =	vand.u32 $0xFFFFFE00, v13  }
0x2cb: {  	v15 =	vor.u32 v4, v52;
	[tilespmem:v16+s31+$0x0] =	vst.idx.msk $0xffff, v9;
	v16 =	vld [tilespmem:$0x1FF50];
	v7 =	vor.u32 v13, v42;
	v13 =	vadd.s32 s16, v30  }
0x2cc: {  	v48 =	vld [tilespmem:$0x1FFC0];
	v0 =	vor.u32 v0, v26;
	v10 =	vand.u32 $0xFFFFFE00, v61;
	[tilespmem:v2+s31+$0x0] =	vst.idx.msk $0xffff, v5;
	v12 =	vshll.u32 v13, $0x2  }
0x2cd: {  	v8 =	vor.u32 v10, v34;
	v2 =	vld.idx.msk [tilespmem:v45+s4+$0x0], $0xffff;
	[tilespmem:v14+s31+$0x0] =	vst.idx.msk $0xffff, v43;
	v41 =	vand.u32 $0x7F, v13;
	v12 =	vand.u32 $0xFFFFFE00, v12  }
0x2ce: {  	v0 =	vor.u32 $0x80, v0;
	v8 =	vor.u32 $0x80, v8;
	v13 =	vld.idx.msk [tilespmem:v17+s4+$0x0], $0xffff;
	v42 =	vor.u32 v12, v41  }
0x2cf: {  	v43 =	vor.u32 v4, v51;
	v12 =	vadd.s32 s15, v18;
	v9 =	vor.u32 $0x80, v42;
	v42 =	vld [tilespmem:$0x1FAC0]  }
0x2d0: {  	v4 =	vor.u32 v4, v50;
	v14 =	vld.idx.msk [tilespmem:v44+s4+$0x0], $0xffff;
	[tilespmem:v6+s31+$0x0] =	vst.idx.msk $0xffff, v40;
	v16 =	vadd.s32 s14, v16;
	v17 =	vshll.u32 v12, $0x2  }
0x2d1: {  	v44 =	vand.u32 $0x7F, v12;
	v23 =	vld.idx.msk [tilespmem:v15+s4+$0x0], $0xffff;
	v12 =	vand.u32 $0xFFFFFE00, v17;
	v17 =	vadd.s32 s16, v18  }
0x2d2: {  	v61 =	vand.u32 $0x7F, v16;
	v5 =	vor.u32 v12, v44;
	v12 =	vshll.u32 v16, $0x2;
	v16 =	vld [tilespmem:$0x1FF40]  }
0x2d3: {  	[tilespmem:v3+s31+$0x0] =	vst.idx.msk $0xffff, v2;
	v15 =	vld [tilespmem:$0x1FAD0];
	v22 =	vshll.u32 v17, $0x2  }
0x2d4: {  	v21 =	vor.u32 v59, v52;
	[tilespmem:v8+s31+$0x0] =	vst.idx.msk $0xffff, v13;
	v13 =	vand.u32 $0x7F, v17;
	v17 =	vld [tilespmem:$0x1FF50];
	v11 =	vand.u32 $0xFFFFFE00, v22  }
0x2d5: {  	v34 =	vand.u32 $0xFFFFFE00, v12;
	v10 =	vld.idx.msk [tilespmem:v43+s4+$0x0], $0xffff;
	v5 =	vor.u32 $0x80, v5;
	v11 =	vor.u32 v11, v13;
	[tilespmem:v9+s31+$0x0] =	vst.idx.msk $0xffff, v14  }
0x2d6: {  	v12 =	vor.u32 v59, v51;
	v6 =	vor.u32 v34, v61;
	v11 =	vor.u32 $0x80, v11;
	v4 =	vld.idx.msk [tilespmem:v4+s4+$0x0], $0xffff  }
0x2d7: {  	v43 =	vor.u32 $0x80, v7;
	v14 =	vor.u32 v59, v50;
	[tilespmem:v0+s31+$0x0] =	vst.idx.msk $0xffff, v23;
	v13 =	vadd.s32 s15, v16;
	v0 =	vld.idx.msk [tilespmem:v42+s4+$0x0], $0xffff  }
0x2d8: {  	v40 =	vshll.u32 v13, $0x2;
	v41 =	vand.u32 $0x7F, v13;
	v13 =	vadd.s32 s16, v16;
	v42 =	vld [tilespmem:$0x1FAE0]  }
0x2d9: {  	v61 =	vor.u32 v57, v52;
	v45 =	vld.idx.msk [tilespmem:v21+s4+$0x0], $0xffff;
	v9 =	vand.u32 $0xFFFFFE00, v40;
	v44 =	vshll.u32 v13, $0x2  }
0x2da: {  	v31 =	vld [tilespmem:$0x1FF60];
	[tilespmem:v5+s31+$0x0] =	vst.idx.msk $0xffff, v10;
	v21 =	vand.u32 $0x7F, v13;
	v2 =	vor.u32 v9, v41;
	v7 =	vand.u32 $0xFFFFFE00, v44  }
0x2db: {  	v6 =	vor.u32 $0x80, v6;
	v10 =	vld.idx.msk [tilespmem:v12+s4+$0x0], $0xffff;
	v2 =	vor.u32 $0x80, v2;
	[tilespmem:v11+s31+$0x0] =	vst.idx.msk $0xffff, v4;
	v22 =	vor.u32 v7, v21  }
0x2dc: {  	v23 =	vor.u32 v57, v51;
	v34 =	vadd.s32 s15, v17;
	v11 =	vld.idx.msk [tilespmem:v14+s4+$0x0], $0xffff;
	v4 =	vor.u32 $0x80, v22  }
0x2dd: {  	v54 =	vld [tilespmem:$0x1FEB0];
	v12 =	vor.u32 v55, v52;
	v13 =	vshll.u32 v34, $0x2;
	v14 =	vor.u32 v57, v50  }
0x2de: {  	v46 =	vld [tilespmem:$0x1FFA0];
	v40 =	vand.u32 $0x7F, v34;
	v41 =	vand.u32 $0xFFFFFE00, v13;
	v13 =	vadd.s32 s16, v17;
	[tilespmem:v43+s31+$0x0] =	vst.idx.msk $0xffff, v45  }
0x2df: {  	v34 =	vor.u32 v55, v51;
	v43 =	vadd.s32 s14, v31;
	v44 =	vshll.u32 v13, $0x2;
	v45 =	vld.idx.msk [tilespmem:v61+s4+$0x0], $0xffff;
	[tilespmem:v15+s31+$0x0] =	vst.idx.msk $0xffff, v0  }
0x2e0: {  	v61 =	vand.u32 $0x7F, v13;
	v9 =	vand.u32 $0xFFFFFE00, v44;
	v0 =	vor.u32 v41, v40;
	v3 =	vld.idx.msk [tilespmem:v42+s4+$0x0], $0xffff;
	[tilespmem:v2+s31+$0x0] =	vst.idx.msk $0xffff, v10  }
0x2e1: {  	v52 =	vand.u32 $0x7F, v43;
	v0 =	vor.u32 $0x80, v0;
	[tilespmem:v4+s31+$0x0] =	vst.idx.msk $0xffff, v11;
	v22 =	vld.idx.msk [tilespmem:v23+s4+$0x0], $0xffff;
	v23 =	vor.u32 v9, v61  }
0x2e2: {  	v21 =	vshll.u32 v43, $0x2;
	v13 =	vadd.s32 s16, v31;
	v40 =	vld.idx.msk [tilespmem:v14+s4+$0x0], $0xffff;
	v7 =	vor.u32 $0x80, v23  }
0x2e3: {  	v32 =	vld [tilespmem:$0x1FF80];
	v41 =	vadd.s32 s15, v31;
	v42 =	vor.u32 v55, v50;
	v4 =	vand.u32 $0xFFFFFE00, v21  }
0x2e4: {  	v47 =	vld [tilespmem:$0x1FFB0];
	v44 =	vshll.u32 v41, $0x2;
	v50 =	vshll.u32 v13, $0x2;
	[tilespmem:v6+s31+$0x0] =	vst.idx.msk $0xffff, v45;
	v4 =	vor.u32 v4, v52  }
0x2e5: {  	v45 =	vand.u32 $0x7F, v41;
	v51 =	vld.idx.msk [tilespmem:v12+s4+$0x0], $0xffff;
	v43 =	vor.u32 $0x80, v4;
	v4 =	vand.u32 $0xFFFFFE00, v44;
	[tilespmem:v53+s31+$0x0] =	vst.idx.msk $0xffff, v3  }
0x2e6: {  	v61 =	vand.u32 $0xFFFFFE00, v50;
	v52 =	vor.u32 v4, v45;
	v53 =	vand.u32 $0x7F, v13;
	v14 =	vld.idx.msk [tilespmem:v63+s4+$0x0], $0xffff;
	[tilespmem:v0+s31+$0x0] =	vst.idx.msk $0xffff, v22  }
0x2e7: {  	v0 =	vor.u32 $0x80, v52;
	v2 =	vor.u32 v61, v53;
	v5 =	vld.idx.msk [tilespmem:v34+s4+$0x0], $0xffff;
	[tilespmem:v7+s31+$0x0] =	vst.idx.msk $0xffff, v40  }
0x2e8: {  	p1 =	por p0, p0;
	v2 =	vor.u32 $0x80, v2;
	v63 =	vld.idx.msk [tilespmem:v42+s4+$0x0], $0xffff  }
.Ltmp9:
0x2e9: {  	v33 =	vld [tilespmem:$0x1FF90];
	(pc) =	sbr.rel @p1 .LBB2_13-.Ltmp9, $4  }
0x2ea: {  	v59 =	vld [tilespmem:$0x1FFF0];
	[tilespmem:v43+s31+$0x0] =	vst.idx.msk $0xffff, v51  }
0x2eb: {  	v57 =	vld [tilespmem:$0x1FFE0];
	[tilespmem:v1+s31+$0x0] =	vst.idx.msk $0xffff, v14  }
0x2ec: {  	v55 =	vld [tilespmem:$0x1FFD0];
	[tilespmem:v0+s31+$0x0] =	vst.idx.msk $0xffff, v5  }
0x2ed: {  	p0 =	por $0x0, $0x0;
	v49 =	vlaneseq.u32;
	s16 =	simm.s32 $0x4;
	v13 =	vld [tilespmem:$0x1FF70];
	[tilespmem:v2+s31+$0x0] =	vst.idx.msk $0xffff, v63  }
0x2ee: {  	s12 =	sadd.s32 $0x1, s12  }
0x2ef: {  	p0 =	sne.s32 s12, $0x4  }
.Ltmp10:
0x2f0: {  	_ = 	snop;
	(pc) =	sbr.rel @p0 .LBB2_12-.Ltmp10, $1  }
0x2f1: {  	_ =	sdelay $0x3  }
0x2f2: {  	s11 =	sadd.s32 s5, s11  }
0x2f3: {  	s11 =	sshll.u32 s11, $0xA  }
0x2f4: {  	s11 =	sand.u32 $0x1FFFFC00, s11  }
0x2f5: {  	s12 =	simm.s32 $0x6080;
	s11 =	sadd.s32 s1, s11  }
0x2f6: {  	s13 =	simm.s32 $0x10;
	s14 =	simm.s32 $0x6280;
	s15 =	sadd.s32 $0x0, s11  }
.LBB2_16:
0x2f7: {  	[hbm4b:s15+s4] =	stream.linear.scatter [tilespmem:s12], [sflag:$0x2], $0x80, $0x38;
	[tilespmem:$0xE000] =	vst v63  }
0x2f8: {  	s15 =	smov.u32 s13;
	s12 =	smov.u32 s14;
	p0 =	sne.s32 s13, $0x3F0  }
.Ltmp11:
0x2f9: {  	s13 =	sadd.s32 $0x10, s13;
	(pc) =	sbr.rel @p0 .LBB2_16-.Ltmp11, $2  }
0x2fa: {  	_ =	sdelay $0x2  }
0x2fb: {  	s14 =	sadd.s32 $0x200, s14;
	s15 =	sadd.s32 s15, s11  }
0x2fc: {  	[hbm4b:s15+s4] =	stream.linear.scatter [tilespmem:s12], [sflag:$0x2], $0x80, $0x38;
	[tilespmem:$0xE000] =	vst v63  }
.LBB2_18:
0x2fd: {  	s11 =	sadd.s32 $0x2, s10  }
0x2fe: {  	p0 =	sge.u32 s11, s6  }
.Ltmp12:
0x2ff: {  	_ = 	snop;
	(pc) =	sbr.rel @p0 .LBB2_26-.Ltmp12, $1  }
0x300: {  	_ =	sdelay $0x3  }
0x301: {  	_ =	swait.ge [sflag:s7], $0x400  }
0x302: {  	[sflag:s7] =	ssyncset.done $0x0  }
0x303: {  	[sflag:s7] =	ssyncadd.s32 $0xFFFFFC00  }
0x304: {  	_ =	swait.ge [sflag:s7], $0x400  }
0x305: {  	[sflag:s7] =	ssyncset.done $0x0  }
0x306: {  	[sflag:s7] =	ssyncadd.s32 $0xFFFFFC00  }
0x307: {  	_ =	swait.ge [sflag:s7], $0x400  }
0x308: {  	[sflag:s7] =	ssyncset.done $0x0  }
0x309: {  	[sflag:s7] =	ssyncadd.s32 $0xFFFFFC00  }
0x30a: {  	_ =	swait.ge [sflag:s7], $0x400  }
0x30b: {  	[sflag:s7] =	ssyncset.done $0x0  }
0x30c: {  	[sflag:s7] =	ssyncadd.s32 $0xFFFFFC00  }
0x30d: {  	_ =	swait.ge [sflag:s7], $0x400  }
0x30e: {  	[sflag:s7] =	ssyncset.done $0x0  }
0x30f: {  	[sflag:s7] =	ssyncadd.s32 $0xFFFFFC00  }
0x310: {  	_ =	swait.ge [sflag:s7], $0x400  }
0x311: {  	[sflag:s7] =	ssyncset.done $0x0  }
0x312: {  	[sflag:s7] =	ssyncadd.s32 $0xFFFFFC00  }
0x313: {  	_ =	swait.ge [sflag:s7], $0x400  }
0x314: {  	[sflag:s7] =	ssyncset.done $0x0  }
0x315: {  	p0 =	sge.u32 s10, s28;
	[sflag:s7] =	ssyncadd.s32 $0xFFFFFC00  }
0x316: {  	s10 =	sadd.s32 @!p0 s5, s11;
	_ =	swait.ge [sflag:s7], $0x400  }
0x317: {  	s13 =	simm.s32 @!p0 $0x0;
	s10 =	sshll.u32 @!p0 s10, $0x9;
	[sflag:s7] =	ssyncset.done $0x0  }
0x318: {  	s14 =	simm.s32 @!p0 $0x2000;
	s12 =	sadd.s32 @!p0 s10, s29;
	[sflag:s7] =	ssyncadd.s32 $0xFFFFFC00  }
0x319: {  	[tilespmem:s14], [sflag:$0x1] =	stream.linear.gather @!p0 [hbm4b:s12+s13], $0x400, $0x38;
	[tilespmem:$0xE000] =	vst v63  }
0x31a: {  	s12 =	sand.u32 @!p0 $0x1FFFFE00, s10  }
0x31b: {  	s12 =	sadd.s32 @!p0 s0, s12  }
0x31c: {  	s15 =	simm.s32 @!p0 $0x2400;
	s14 =	sadd.s32 @!p0 $0x480, s12  }
0x31d: {  	[tilespmem:s15], [sflag:$0x1] =	stream.linear.gather @!p0 [hbm4b:s14+s13], $0x400, $0x38;
	[tilespmem:$0xE000] =	vst v63  }
0x31e: {  	s14 =	sadd.s32 @!p0 $0x500, s12;
	s15 =	simm.s32 @!p0 $0x2800  }
0x31f: {  	[tilespmem:s15], [sflag:$0x1] =	stream.linear.gather @!p0 [hbm4b:s14+s13], $0x400, $0x38;
	[tilespmem:$0xE000] =	vst v63  }
0x320: {  	s14 =	sadd.s32 @!p0 $0x580, s12;
	s15 =	simm.s32 @!p0 $0x2C00  }
0x321: {  	[tilespmem:s15], [sflag:$0x1] =	stream.linear.gather @!p0 [hbm4b:s14+s13], $0x400, $0x38;
	[tilespmem:$0xE000] =	vst v63  }
0x322: {  	s10 =	sadd.s32 @!p0 s10, s30;
	s14 =	simm.s32 @!p0 $0x3000  }
0x323: {  	[tilespmem:s14], [sflag:$0x1] =	stream.linear.gather @!p0 [hbm4b:s10+s13], $0x400, $0x38;
	[tilespmem:$0xE000] =	vst v63  }
0x324: {  	s10 =	sadd.s32 @!p0 $0xF4700, s12;
	s14 =	simm.s32 @!p0 $0x3400  }
0x325: {  	[tilespmem:s14], [sflag:$0x1] =	stream.linear.gather @!p0 [hbm4b:s10+s13], $0x400, $0x38;
	[tilespmem:$0xE000] =	vst v63  }
0x326: {  	s10 =	sadd.s32 @!p0 $0xF4780, s12;
	s14 =	simm.s32 @!p0 $0x3800  }
0x327: {  	[tilespmem:s14], [sflag:$0x1] =	stream.linear.gather @!p0 [hbm4b:s10+s13], $0x400, $0x38;
	[tilespmem:$0xE000] =	vst v63  }
0x328: {  	s10 =	sadd.s32 @!p0 $0xF4800, s12;
	s12 =	simm.s32 @!p0 $0x3C00  }
0x329: {  	[tilespmem:s12], [sflag:$0x1] =	stream.linear.gather @!p0 [hbm4b:s10+s13], $0x400, $0x38;
	[tilespmem:$0xE000] =	vst v63  }
0x32a: {  	p0 =	seq.s32 s9, $0x0  }
0x32b: {  	s10 =	simm.s32 @!p0 $0x2  }
0x32c: {  	_ =	swait.ge @!p0 [sflag:s10], $0x2000  }
0x32d: {  	[sflag:s10] =	ssyncset.done @!p0 $0x0  }
0x32e: {  	[sflag:s10] =	ssyncadd.s32 @!p0 $0xFFFFE000;
	s10 =	simm.s32 $0x0  }
.LBB2_20:
0x32f: {  	v0 =	vimm.s32 $0x1380  }
0x330: {  	v0 =	vsel vm0, $0x0, v0  }
0x331: {  	v0 =	vsel vm1, $0x80, v0  }
0x332: {  	v0 =	vsel vm2, $0x100, v0  }
0x333: {  	v0 =	vsel vm3, $0x180, v0  }
0x334: {  	v0 =	vsel vm4, $0x200, v0  }
0x335: {  	v0 =	vsel vm5, $0x280, v0  }
0x336: {  	v0 =	vsel vm6, $0x300, v0  }
0x337: {  	v0 =	vsel vm7, $0x380, v0  }
0x338: {  	v0 =	vsel vm8, $0x1000, v0  }
0x339: {  	v0 =	vsel vm9, $0x1080, v0  }
0x33a: {  	v0 =	vsel vm10, $0x1100, v0  }
0x33b: {  	v0 =	vsel vm11, $0x1180, v0  }
0x33c: {  	v56 =	vld [tilespmem:$0x1FE10];
	v0 =	vsel vm12, $0x1200, v0  }
0x33d: {  	s12 =	sshll.u32 s10, $0xA;
	v58 =	vld [tilespmem:$0x1FE20];
	v0 =	vsel vm13, $0x1280, v0  }
0x33e: {  	v60 =	vld [tilespmem:$0x1FE30];
	s12 =	sadd.s32 $0x4000, s12;
	v0 =	vsel vm14, $0x1300, v0  }
0x33f: {  	v0 =	vor.u32 s12, v0  }
0x340: {  	p0 =	por $0x1, $0x1;
	s15 =	simm.s32 $0x0;
	v62 =	vld [tilespmem:$0x1FE90];
	s12 =	sshll.u32 s10, $0xB;
	[tilespmem:$0x1FA70] =	vst v0  }
.LBB2_21:
0x341: {  	s13 =	sshll.u32 s15, $0x8  }
0x342: {  	s16 =	sor.u32 s12, s13  }
0x343: {  	v2 =	vadd.s32 s16, v56;
	v3 =	vadd.s32 s16, v60;
	v4 =	vadd.s32 s16, v58  }
0x344: {  	v5 =	vadd.s32 s16, v38;
	v7 =	vadd.s32 s16, v37;
	v8 =	vadd.s32 s16, v36  }
0x345: {  	v9 =	vadd.s32 s16, v27;
	v10 =	vadd.s32 s16, v39;
	v23 =	vadd.s32 s16, v35  }
0x346: {  	v24 =	vadd.s32 s16, v28;
	v25 =	vadd.s32 s16, v30;
	v26 =	vadd.s32 s16, v18  }
0x347: {  	v27 =	vadd.s32 s16, v16;
	v28 =	vadd.s32 s16, v17;
	v29 =	vadd.s32 s16, v31  }
0x348: {  	v6 =	vld [tilespmem:$0x1FA70];
	v11 =	vshll.u32 v2, $0x2;
	v2 =	vand.u32 $0x7F, v2;
	v41 =	vand.u32 $0x7F, v3  }
0x349: {  	v43 =	vshll.u32 v3, $0x2;
	v53 =	vshll.u32 v4, $0x2;
	v61 =	vand.u32 $0x7F, v4  }
0x34a: {  	v34 =	vshll.u32 v5, $0x2;
	v37 =	vand.u32 $0x7F, v5;
	v0 =	vadd.s32 s16, v54  }
0x34b: {  	s13 =	sor.u32 $0x1, s15;
	v39 =	vcombine.low v32, v13;
	v11 =	vand.u32 $0x7FFFFE00, v11;
	v12 =	vcombine.low v46, v33  }
0x34c: {  	s14 =	sshll.u32 s15, $0x4;
	s17 =	sshll.u32 s13, $0x4;
	v44 =	vcombine.low v48, v47;
	v63 =	vand.u32 $0x7FFFFE00, v53;
	v53 =	vshll.u32 v7, $0x2  }
0x34d: {  	v1 =	vor.u32 s14, v6;
	v52 =	vor.u32 s17, v6;
	v38 =	vshll.u32 v0, $0x2  }
0x34e: {  	v30 =	vld [tilespmem:$0x1FE40];
	v0 =	vand.u32 $0x7F, v0;
	v40 =	vor.u32 v11, v2;
	v2 =	vand.u32 $0x7FFFFE00, v43  }
0x34f: {  	s14 =	sor.u32 $0x2, s15;
	s15 =	sor.u32 $0x3, s15;
	v11 =	vcombine.low v57, v55;
	v55 =	vcombine.low v55, v57;
	v57 =	vand.u32 $0x7F, v25  }
0x350: {  	v31 =	vld [tilespmem:$0x1FE50];
	s17 =	sshll.u32 s14, $0x4;
	s18 =	sshll.u32 s15, $0x4;
	v22 =	vor.u32 v49, v1;
	v19 =	vor.u32 $0x100, v40;
	v42 =	vand.u32 $0xF, v12  }
0x351: {  	v5 =	vld [tilespmem:$0x1FE60];
	v12 =	vor.u32 v62, v1;
	v51 =	vor.u32 s17, v6;
	v50 =	vor.u32 s18, v6  }
0x352: {  	v6 =	vand.u32 $0x7FFFFE00, v38;
	v45 =	vor.u32 v42, v1;
	v38 =	vand.u32 $0xF, v11  }
0x353: {  	v35 =	vcombine.low v30, v59;
	v11 =	vshll.u32 v8, $0x2;
	v0 =	vor.u32 v6, v0  }
0x354: {  	v6 =	vand.u32 $0xF, v39;
	v39 =	vor.u32 v38, v1;
	v21 =	vor.u32 $0x100, v0  }
0x355: {  	v20 =	vor.u32 v6, v1;
	v0 =	vor.u32 v2, v41;
	v41 =	vand.u32 $0xF, v44  }
0x356: {  	v2 =	vor.u32 v63, v61;
	v35 =	vand.u32 $0xF, v35;
	v63 =	vcombine.low v5, v31  }
0x357: {  	v44 =	vor.u32 $0x100, v0;
	v40 =	vor.u32 $0x100, v2;
	v0 =	vand.u32 $0x7FFFFE00, v34  }
0x358: {  	v2 =	vand.u32 $0x7FFFFE00, v53;
	v53 =	vand.u32 $0x7F, v8;
	v0 =	vor.u32 v0, v37  }
0x359: {  	v17 =	vand.u32 $0xF, v63;
	v63 =	vld [tilespmem:$0x1FE80];
	v37 =	vor.u32 $0x100, v0;
	v0 =	vand.u32 $0x7FFFFE00, v11  }
0x35a: {  	v61 =	vand.u32 $0x7F, v7;
	v43 =	vor.u32 v41, v1;
	v0 =	vor.u32 v0, v53;
	v53 =	vld [tilespmem:$0x1FE70]  }
0x35b: {  	v36 =	vor.u32 v35, v1;
	v8 =	vand.u32 $0x7F, v9;
	v7 =	vor.u32 v2, v61  }
0x35c: {  	v34 =	vor.u32 $0x100, v7;
	v18 =	vor.u32 v17, v1;
	v7 =	vshll.u32 v9, $0x2  }
0x35d: {  	v9 =	vshll.u32 v10, $0x2;
	v11 =	vand.u32 $0x7F, v10;
	v3 =	vand.u32 $0x7FFFFE00, v7  }
0x35e: {  	v2 =	vand.u32 $0x7FFFFE00, v9;
	v9 =	vcombine.low v33, v46;
	v33 =	vcombine.low v47, v48  }
0x35f: {  	v48 =	vshll.u32 v25, $0x2;
	v25 =	vand.u32 $0x7F, v28;
	v61 =	vcombine.low v63, v53  }
0x360: {  	v15 =	vor.u32 $0x100, v0;
	v0 =	vor.u32 v3, v8;
	v9 =	vand.u32 $0xF, v9  }
0x361: {  	v8 =	vshll.u32 v23, $0x2;
	v46 =	vor.u32 v9, v1;
	v14 =	vand.u32 $0xF, v61  }
0x362: {  	v61 =	vcombine.low v13, v32;
	v13 =	vor.u32 $0x100, v0;
	v32 =	vor.u32 v2, v11  }
0x363: {  	v2 =	vand.u32 $0x7FFFFE00, v8;
	v8 =	vshll.u32 v26, $0x2;
	v16 =	vor.u32 v14, v1  }
0x364: {  	s13 =	sshll.u32 s13, $0x8;
	v11 =	vor.u32 $0x100, v32;
	v32 =	vand.u32 $0x7F, v24;
	v10 =	vand.u32 $0xF, v61  }
0x365: {  	s13 =	sor.u32 s12, s13;
	v61 =	vand.u32 $0x7F, v23;
	v23 =	vshll.u32 v24, $0x2;
	v24 =	vcombine.low v59, v30  }
0x366: {  	v30 =	vadd.s32 s13, v58;
	v7 =	vor.u32 v10, v1;
	v0 =	vor.u32 v2, v61  }
0x367: {  	v4 =	vand.u32 $0x7FFFFE00, v23;
	v61 =	vand.u32 $0xF, v33;
	v33 =	vand.u32 $0x7FFFFE00, v8  }
0x368: {  	v2 =	vor.u32 v4, v32;
	v23 =	vor.u32 $0x100, v0;
	v3 =	vor.u32 v61, v1  }
0x369: {  	v0 =	vand.u32 $0x7FFFFE00, v48;
	v4 =	vand.u32 $0xF, v55;
	v32 =	vand.u32 $0x7F, v26  }
0x36a: {  	v59 =	vand.u32 $0xF, v24;
	v48 =	vshll.u32 v27, $0x2;
	v24 =	vshll.u32 v28, $0x2  }
0x36b: {  	[tilespmem:$0x1FA00] =	vst v46;
	v47 =	vor.u32 $0x100, v2;
	v0 =	vor.u32 v0, v57;
	v46 =	vor.u32 v4, v1  }
0x36c: {  	v55 =	vor.u32 v59, v1;
	v57 =	vand.u32 $0x7F, v27;
	v24 =	vand.u32 $0x7FFFFE00, v24  }
0x36d: {  	v27 =	vadd.s32 s13, v60;
	[tilespmem:$0x1FA10] =	vst v47;
	v2 =	vor.u32 $0x100, v0;
	v47 =	vor.u32 v33, v32  }
0x36e: {  	v0 =	vand.u32 $0x7FFFFE00, v48;
	v32 =	vcombine.low v31, v5;
	v33 =	vor.u32 v24, v25  }
0x36f: {  	v24 =	vcombine.low v53, v63;
	v5 =	vadd.s32 s13, v54;
	v25 =	vadd.s32 s13, v56  }
0x370: {  	[tilespmem:$0x1FA20] =	vst v3;
	v31 =	vshll.u32 v30, $0x2;
	v3 =	vor.u32 $0x100, v47;
	v0 =	vor.u32 v0, v57  }
0x371: {  	v53 =	vor.u32 $0x100, v33;
	v47 =	vshll.u32 v29, $0x2;
	v26 =	vshll.u32 v25, $0x2  }
0x372: {  	[tilespmem:$0x1FA40] =	vst v55;
	v0 =	vor.u32 $0x100, v0;
	v57 =	vand.u32 $0xF, v32;
	v55 =	vand.u32 $0xF, v24  }
0x373: {  	v24 =	vand.u32 $0x7F, v29;
	v8 =	vand.u32 $0x7FFFFE00, v47;
	v29 =	vshll.u32 v27, $0x2  }
0x374: {  	s14 =	sshll.u32 s14, $0x8;
	[tilespmem:$0x1FA30] =	vst v46;
	v33 =	vld [tilespmem:$0x1FEA0];
	v27 =	vand.u32 $0x7F, v27;
	v46 =	vor.u32 v57, v1;
	v63 =	vor.u32 v55, v1  }
0x375: {  	s14 =	sor.u32 s12, s14;
	v32 =	vld [tilespmem:$0x1FEC0];
	v48 =	vor.u32 v8, v24;
	v24 =	vshll.u32 v5, $0x2;
	v8 =	vand.u32 $0x7F, v5  }
0x376: {  	v29 =	vand.u32 $0xFFFFFE00, v29;
	v5 =	vadd.s32 s14, v54;
	v1 =	vor.u32 $0x100, v48  }
0x377: {  	v24 =	vand.u32 $0xFFFFFE00, v24;
	v27 =	vor.u32 v29, v27;
	v29 =	vand.u32 $0x7F, v30  }
0x378: {  	v30 =	vand.u32 $0xFFFFFE00, v31;
	v48 =	vld [tilespmem:$0x1FED0];
	v8 =	vor.u32 v24, v8;
	v24 =	vand.u32 $0x7F, v25  }
0x379: {  	v25 =	vand.u32 $0xFFFFFE00, v26;
	v26 =	vor.u32 v49, v52;
	v29 =	vor.u32 v30, v29  }
0x37a: {  	v8 =	vor.u32 $0x100, v8;
	v31 =	vadd.s32 s13, v33;
	v30 =	vadd.s32 s13, v32  }
0x37b: {  	[tilespmem:$0x1FA60] =	vst v46;
	v47 =	vshll.u32 v31, $0x2;
	v31 =	vand.u32 $0x7F, v31;
	v46 =	vand.u32 $0x7F, v30  }
0x37c: {  	v30 =	vshll.u32 v30, $0x2;
	v33 =	vand.u32 $0xFFFFFE00, v47;
	v47 =	vor.u32 v49, v51  }
0x37d: {  	v22 =	vld.idx.msk [tilespmem:v22+s4+$0x0], $0xffff;
	[tilespmem:$0x1FA50] =	vst v0;
	v30 =	vand.u32 $0xFFFFFE00, v30;
	v31 =	vor.u32 v33, v31;
	v0 =	vadd.s32 s13, v48  }
0x37e: {  	v33 =	vand.u32 $0x7F, v0;
	v32 =	vshll.u32 v0, $0x2;
	v0 =	vshll.u32 v5, $0x2  }
0x37f: {  	s15 =	sshll.u32 s15, $0x8;
	v30 =	vor.u32 v30, v46;
	v46 =	vand.u32 $0x7F, v5;
	v26 =	vld.idx.msk [tilespmem:v26+s4+$0x0], $0xffff;
	v48 =	vand.u32 $0xFFFFFE00, v0  }
0x380: {  	s15 =	sor.u32 s12, s15;
	v24 =	vor.u32 v25, v24;
	v5 =	vor.u32 v48, v46;
	v48 =	vor.u32 v49, v50  }
0x381: {  	v25 =	vor.u32 v6, v52;
	v32 =	vand.u32 $0xFFFFFE00, v32;
	v0 =	vadd.s32 s15, v54  }
0x382: {  	[tilespmem:v21+s31+$0x0] =	vst.idx.msk $0xffff, v22;
	v22 =	vor.u32 v6, v51;
	v32 =	vor.u32 v32, v33;
	v54 =	vshll.u32 v0, $0x2  }
0x383: {  	v0 =	vand.u32 $0x7F, v0;
	v46 =	vand.u32 $0xFFFFFE00, v54;
	v47 =	vld.idx.msk [tilespmem:v47+s4+$0x0], $0xffff;
	v33 =	vor.u32 $0x100, v5  }
0x384: {  	v28 =	vor.u32 v42, v52;
	v0 =	vor.u32 v46, v0;
	[tilespmem:v8+s31+$0x0] =	vst.idx.msk $0xffff, v26;
	v8 =	vld.idx.msk [tilespmem:v20+s4+$0x0], $0xffff  }
0x385: {  	v24 =	vor.u32 $0x100, v24;
	v49 =	vadd.s32 s14, v56;
	v0 =	vor.u32 $0x100, v0;
	v48 =	vld.idx.msk [tilespmem:v48+s4+$0x0], $0xffff  }
0x386: {  	v5 =	vshll.u32 v49, $0x2;
	v54 =	vor.u32 v6, v50;
	v6 =	vadd.s32 s15, v56;
	v25 =	vld.idx.msk [tilespmem:v25+s4+$0x0], $0xffff  }
0x387: {  	v26 =	vor.u32 $0x100, v30;
	v20 =	vand.u32 $0x7F, v49;
	v30 =	vand.u32 $0xFFFFFE00, v5  }
0x388: {  	v30 =	vor.u32 v30, v20;
	v20 =	vor.u32 $0x100, v32;
	[tilespmem:v33+s31+$0x0] =	vst.idx.msk $0xffff, v47;
	v33 =	vshll.u32 v6, $0x2  }
0x389: {  	v32 =	vand.u32 $0x7F, v6;
	v30 =	vor.u32 $0x100, v30;
	v22 =	vld.idx.msk [tilespmem:v22+s4+$0x0], $0xffff;
	v5 =	vand.u32 $0xFFFFFE00, v33;
	[tilespmem:v19+s31+$0x0] =	vst.idx.msk $0xffff, v8  }
0x38a: {  	v33 =	vor.u32 v42, v51;
	v19 =	vld [tilespmem:$0x1FEE0];
	v8 =	vor.u32 v5, v32;
	[tilespmem:v0+s31+$0x0] =	vst.idx.msk $0xffff, v48  }
0x38b: {  	v5 =	vadd.s32 s14, v60;
	[tilespmem:v24+s31+$0x0] =	vst.idx.msk $0xffff, v25;
	v8 =	vor.u32 $0x100, v8;
	v25 =	vld.idx.msk [tilespmem:v54+s4+$0x0], $0xffff  }
0x38c: {  	v27 =	vor.u32 $0x100, v27;
	v24 =	vshll.u32 v5, $0x2;
	v28 =	vld.idx.msk [tilespmem:v28+s4+$0x0], $0xffff  }
0x38d: {  	v0 =	vld.idx.msk [tilespmem:v45+s4+$0x0], $0xffff;
	v45 =	vand.u32 $0x7F, v5;
	v24 =	vand.u32 $0xFFFFFE00, v24  }
0x38e: {  	v46 =	vor.u32 v41, v52;
	v5 =	vor.u32 v24, v45;
	v24 =	vadd.s32 s15, v60;
	[tilespmem:v30+s31+$0x0] =	vst.idx.msk $0xffff, v22  }
0x38f: {  	v42 =	vor.u32 v42, v50;
	v22 =	vor.u32 $0x100, v5;
	v45 =	vshll.u32 v24, $0x2;
	v30 =	vld.idx.msk [tilespmem:v33+s4+$0x0], $0xffff  }
0x390: {  	v24 =	vand.u32 $0x7F, v24;
	v19 =	vadd.s32 s13, v19;
	[tilespmem:v8+s31+$0x0] =	vst.idx.msk $0xffff, v25;
	v25 =	vadd.s32 s14, v58  }
0x391: {  	v32 =	vand.u32 $0x7F, v19;
	v19 =	vshll.u32 v19, $0x2;
	[tilespmem:v27+s31+$0x0] =	vst.idx.msk $0xffff, v28;
	v28 =	vshll.u32 v25, $0x2  }
0x392: {  	[tilespmem:v44+s31+$0x0] =	vst.idx.msk $0xffff, v0;
	v0 =	vor.u32 v41, v51;
	v27 =	vld [tilespmem:$0x1FEF0];
	v25 =	vand.u32 $0x7F, v25;
	v28 =	vand.u32 $0xFFFFFE00, v28  }
0x393: {  	v19 =	vand.u32 $0xFFFFFE00, v19;
	v5 =	vld.idx.msk [tilespmem:v43+s4+$0x0], $0xffff;
	v25 =	vor.u32 v28, v25;
	v28 =	vadd.s32 s15, v58  }
0x394: {  	v19 =	vor.u32 v19, v32;
	v32 =	vand.u32 $0xFFFFFE00, v45;
	v33 =	vld.idx.msk [tilespmem:v46+s4+$0x0], $0xffff;
	[tilespmem:v22+s31+$0x0] =	vst.idx.msk $0xffff, v30;
	v30 =	vshll.u32 v28, $0x2  }
0x395: {  	v24 =	vor.u32 v32, v24;
	v32 =	vld.idx.msk [tilespmem:v42+s4+$0x0], $0xffff;
	v28 =	vand.u32 $0x7F, v28;
	v30 =	vand.u32 $0xFFFFFE00, v30  }
0x396: {  	v24 =	vor.u32 $0x100, v24;
	v28 =	vor.u32 v30, v28;
	v30 =	vld [tilespmem:$0x1FEC0]  }
0x397: {  	v21 =	vor.u32 v38, v52;
	v29 =	vor.u32 $0x100, v29;
	v41 =	vor.u32 v41, v50;
	v0 =	vld.idx.msk [tilespmem:v0+s4+$0x0], $0xffff  }
0x398: {  	v25 =	vor.u32 $0x100, v25;
	[tilespmem:v40+s31+$0x0] =	vst.idx.msk $0xffff, v5;
	v5 =	vor.u32 v38, v51;
	v40 =	vor.u32 v38, v50;
	v38 =	vld [tilespmem:$0x1FEC0]  }
0x399: {  	v27 =	vadd.s32 s13, v27  }
0x39a: {  	v45 =	vand.u32 $0x7F, v27;
	v27 =	vshll.u32 v27, $0x2  }
0x39b: {  	v27 =	vand.u32 $0xFFFFFE00, v27;
	[tilespmem:v24+s31+$0x0] =	vst.idx.msk $0xffff, v32;
	v24 =	vld.idx.msk [tilespmem:v39+s4+$0x0], $0xffff;
	v30 =	vadd.s32 s14, v30  }
0x39c: {  	[tilespmem:v29+s31+$0x0] =	vst.idx.msk $0xffff, v33;
	v22 =	vor.u32 v27, v45;
	v28 =	vor.u32 $0x100, v28;
	v29 =	vld.idx.msk [tilespmem:v41+s4+$0x0], $0xffff;
	v27 =	vshll.u32 v30, $0x2  }
0x39d: {  	[tilespmem:v25+s31+$0x0] =	vst.idx.msk $0xffff, v0;
	v25 =	vadd.s32 s15, v38;
	v30 =	vand.u32 $0x7F, v30;
	v27 =	vand.u32 $0xFFFFFE00, v27  }
0x39e: {  	v41 =	vor.u32 v27, v30;
	v27 =	vshll.u32 v25, $0x2  }
0x39f: {  	v21 =	vld.idx.msk [tilespmem:v21+s4+$0x0], $0xffff;
	v25 =	vand.u32 $0x7F, v25;
	v27 =	vand.u32 $0xFFFFFE00, v27  }
0x3a0: {  	[tilespmem:v37+s31+$0x0] =	vst.idx.msk $0xffff, v24;
	v25 =	vor.u32 v27, v25;
	v27 =	vld [tilespmem:$0x1FEA0]  }
0x3a1: {  	v37 =	vld [tilespmem:$0x1FEA0];
	[tilespmem:v28+s31+$0x0] =	vst.idx.msk $0xffff, v29  }
0x3a2: {  	v32 =	vld.idx.msk [tilespmem:v40+s4+$0x0], $0xffff;
	v25 =	vor.u32 $0x100, v25  }
0x3a3: {  	v49 =	vor.u32 v35, v52;
	v24 =	vld [tilespmem:$0x1FF00]  }
0x3a4: {  	v42 =	vld.idx.msk [tilespmem:v36+s4+$0x0], $0xffff  }
0x3a5: {  	v8 =	vld.idx.msk [tilespmem:v5+s4+$0x0], $0xffff;
	v0 =	vor.u32 $0x100, v41;
	v27 =	vadd.s32 s14, v27  }
0x3a6: {  	[tilespmem:v26+s31+$0x0] =	vst.idx.msk $0xffff, v21;
	v30 =	vor.u32 v35, v51;
	v29 =	vshll.u32 v27, $0x2  }
0x3a7: {  	v26 =	vand.u32 $0x7F, v27;
	[tilespmem:v25+s31+$0x0] =	vst.idx.msk $0xffff, v32;
	v25 =	vld [tilespmem:$0x1FED0];
	v27 =	vand.u32 $0xFFFFFE00, v29;
	v29 =	vor.u32 v35, v50  }
0x3a8: {  	v31 =	vor.u32 $0x100, v31;
	v47 =	vor.u32 v17, v52;
	v43 =	vld.idx.msk [tilespmem:v49+s4+$0x0], $0xffff;
	v5 =	vadd.s32 s15, v37  }
0x3a9: {  	v36 =	vld [tilespmem:$0x1FED0];
	v24 =	vadd.s32 s13, v24;
	[tilespmem:v34+s31+$0x0] =	vst.idx.msk $0xffff, v42;
	v45 =	vor.u32 v27, v26;
	v27 =	vshll.u32 v5, $0x2  }
0x3aa: {  	v44 =	vand.u32 $0x7F, v24;
	v18 =	vld.idx.msk [tilespmem:v18+s4+$0x0], $0xffff;
	[tilespmem:v0+s31+$0x0] =	vst.idx.msk $0xffff, v8;
	v8 =	vand.u32 $0x7F, v5;
	v27 =	vand.u32 $0xFFFFFE00, v27  }
0x3ab: {  	v24 =	vshll.u32 v24, $0x2;
	v26 =	vld.idx.msk [tilespmem:v30+s4+$0x0], $0xffff;
	v0 =	vor.u32 $0x100, v45;
	v8 =	vor.u32 v27, v8  }
0x3ac: {  	v24 =	vand.u32 $0xFFFFFE00, v24;
	v25 =	vadd.s32 s14, v25;
	v8 =	vor.u32 $0x100, v8;
	v27 =	vld.idx.msk [tilespmem:v29+s4+$0x0], $0xffff  }
0x3ad: {  	[tilespmem:v31+s31+$0x0] =	vst.idx.msk $0xffff, v43;
	v40 =	vor.u32 v24, v44;
	v30 =	vor.u32 v17, v51;
	v24 =	vshll.u32 v25, $0x2  }
0x3ae: {  	v25 =	vand.u32 $0x7F, v25;
	v29 =	vld.idx.msk [tilespmem:v47+s4+$0x0], $0xffff;
	v24 =	vand.u32 $0xFFFFFE00, v24  }
0x3af: {  	v6 =	vor.u32 v14, v52;
	[tilespmem:v15+s31+$0x0] =	vst.idx.msk $0xffff, v18;
	v41 =	vor.u32 v24, v25;
	v25 =	vld [tilespmem:$0x1FF10]  }
0x3b0: {  	v16 =	vld.idx.msk [tilespmem:v16+s4+$0x0], $0xffff;
	[tilespmem:v0+s31+$0x0] =	vst.idx.msk $0xffff, v26  }
0x3b1: {  	v17 =	vor.u32 v17, v50;
	v24 =	vadd.s32 s15, v36;
	[tilespmem:v8+s31+$0x0] =	vst.idx.msk $0xffff, v27;
	v27 =	vld [tilespmem:$0x1FEE0]  }
0x3b2: {  	v26 =	vld.idx.msk [tilespmem:v30+s4+$0x0], $0xffff;
	v30 =	vshll.u32 v24, $0x2  }
0x3b3: {  	v0 =	vor.u32 $0x100, v41;
	v24 =	vand.u32 $0x7F, v24;
	v30 =	vand.u32 $0xFFFFFE00, v30;
	[tilespmem:v20+s31+$0x0] =	vst.idx.msk $0xffff, v29  }
0x3b4: {  	v19 =	vor.u32 $0x100, v19;
	v24 =	vor.u32 v30, v24;
	v6 =	vld.idx.msk [tilespmem:v6+s4+$0x0], $0xffff;
	v25 =	vadd.s32 s13, v25  }
0x3b5: {  	v33 =	vor.u32 v62, v52;
	v30 =	vld [tilespmem:$0x1FF20];
	v18 =	vor.u32 $0x100, v24;
	v31 =	vand.u32 $0x7F, v25  }
0x3b6: {  	v17 =	vld.idx.msk [tilespmem:v17+s4+$0x0], $0xffff;
	v42 =	vshll.u32 v25, $0x2;
	v25 =	vor.u32 v14, v51;
	v15 =	vadd.s32 s14, v27  }
0x3b7: {  	[tilespmem:v13+s31+$0x0] =	vst.idx.msk $0xffff, v16;
	v14 =	vor.u32 v14, v50;
	v20 =	vshll.u32 v15, $0x2  }
0x3b8: {  	v39 =	vld [tilespmem:$0x1FEF0];
	[tilespmem:v0+s31+$0x0] =	vst.idx.msk $0xffff, v26;
	v43 =	vand.u32 $0x7F, v15;
	v15 =	vand.u32 $0xFFFFFE00, v20;
	v20 =	vadd.s32 s15, v27  }
0x3b9: {  	v22 =	vor.u32 $0x100, v22;
	v12 =	vld.idx.msk [tilespmem:v12+s4+$0x0], $0xffff;
	[tilespmem:v19+s31+$0x0] =	vst.idx.msk $0xffff, v6;
	v0 =	vor.u32 v15, v43;
	v15 =	vshll.u32 v20, $0x2  }
0x3ba: {  	v28 =	vor.u32 v10, v52;
	v19 =	vld.idx.msk [tilespmem:v33+s4+$0x0], $0xffff;
	v20 =	vand.u32 $0x7F, v20;
	v15 =	vand.u32 $0xFFFFFE00, v15  }
0x3bb: {  	[tilespmem:v18+s31+$0x0] =	vst.idx.msk $0xffff, v17;
	v17 =	vadd.s32 s13, v30;
	v25 =	vld.idx.msk [tilespmem:v25+s4+$0x0], $0xffff;
	v0 =	vor.u32 $0x100, v0;
	v15 =	vor.u32 v15, v20  }
0x3bc: {  	v18 =	vand.u32 $0x7F, v17;
	v17 =	vshll.u32 v17, $0x2;
	v14 =	vld.idx.msk [tilespmem:v14+s4+$0x0], $0xffff;
	v15 =	vor.u32 $0x100, v15  }
0x3bd: {  	v35 =	vld [tilespmem:$0x1FF00];
	v16 =	vor.u32 v62, v51;
	v13 =	vand.u32 $0xFFFFFE00, v17;
	v17 =	vadd.s32 s14, v39  }
0x3be: {  	v5 =	vld [tilespmem:$0x1FF30];
	[tilespmem:v11+s31+$0x0] =	vst.idx.msk $0xffff, v12;
	v44 =	vor.u32 v13, v18;
	v13 =	vshll.u32 v17, $0x2;
	v18 =	vor.u32 v62, v50  }
0x3bf: {  	v41 =	vld [tilespmem:$0x1FA00];
	v45 =	vand.u32 $0x7F, v17;
	v17 =	vadd.s32 s15, v39;
	v13 =	vand.u32 $0xFFFFFE00, v13;
	[tilespmem:v22+s31+$0x0] =	vst.idx.msk $0xffff, v19  }
0x3c0: {  	v22 =	vld.idx.msk [tilespmem:v28+s4+$0x0], $0xffff;
	[tilespmem:v0+s31+$0x0] =	vst.idx.msk $0xffff, v25;
	v0 =	vor.u32 v13, v45;
	v13 =	vshll.u32 v17, $0x2  }
0x3c1: {  	v25 =	vld.idx.msk [tilespmem:v7+s4+$0x0], $0xffff;
	v13 =	vand.u32 $0xFFFFFE00, v13;
	[tilespmem:v15+s31+$0x0] =	vst.idx.msk $0xffff, v14;
	v14 =	vand.u32 $0x7F, v17  }
0x3c2: {  	v16 =	vld.idx.msk [tilespmem:v16+s4+$0x0], $0xffff;
	v0 =	vor.u32 $0x100, v0;
	v13 =	vor.u32 v13, v14  }
0x3c3: {  	v14 =	vor.u32 v10, v51;
	v18 =	vld.idx.msk [tilespmem:v18+s4+$0x0], $0xffff;
	v13 =	vor.u32 $0x100, v13  }
0x3c4: {  	v21 =	vor.u32 $0x100, v40;
	v24 =	vor.u32 v9, v52;
	v45 =	vld [tilespmem:$0x1FA10];
	v17 =	vadd.s32 s14, v35  }
0x3c5: {  	v11 =	vadd.s32 s13, v5;
	v28 =	vld [tilespmem:$0x1FF10];
	v12 =	vshll.u32 v17, $0x2;
	v10 =	vor.u32 v10, v50  }
0x3c6: {  	v19 =	vadd.s32 s15, v35;
	v17 =	vand.u32 $0x7F, v17;
	v12 =	vand.u32 $0xFFFFFE00, v12;
	[tilespmem:v23+s31+$0x0] =	vst.idx.msk $0xffff, v25  }
0x3c7: {  	v40 =	vand.u32 $0x7F, v19;
	v12 =	vor.u32 v12, v17;
	v17 =	vshll.u32 v19, $0x2;
	[tilespmem:v0+s31+$0x0] =	vst.idx.msk $0xffff, v16;
	v19 =	vld.idx.msk [tilespmem:v41+s4+$0x0], $0xffff  }
0x3c8: {  	v8 =	vand.u32 $0xFFFFFE00, v42;
	v16 =	vand.u32 $0xFFFFFE00, v17;
	v12 =	vor.u32 $0x100, v12;
	[tilespmem:v13+s31+$0x0] =	vst.idx.msk $0xffff, v18;
	v13 =	vld.idx.msk [tilespmem:v14+s4+$0x0], $0xffff  }
0x3c9: {  	v26 =	vand.u32 $0x7F, v11;
	v34 =	vshll.u32 v11, $0x2;
	v23 =	vld [tilespmem:$0x1FA20];
	v11 =	vor.u32 v16, v40  }
0x3ca: {  	v16 =	vadd.s32 s14, v28;
	v11 =	vor.u32 $0x100, v11;
	v14 =	vor.u32 v9, v51;
	v10 =	vld.idx.msk [tilespmem:v10+s4+$0x0], $0xffff  }
0x3cb: {  	v8 =	vor.u32 v8, v31;
	[tilespmem:v21+s31+$0x0] =	vst.idx.msk $0xffff, v22;
	v17 =	vshll.u32 v16, $0x2;
	v9 =	vor.u32 v9, v50  }
0x3cc: {  	v16 =	vand.u32 $0x7F, v16;
	v17 =	vand.u32 $0xFFFFFE00, v17;
	v18 =	vadd.s32 s15, v28;
	[tilespmem:v45+s31+$0x0] =	vst.idx.msk $0xffff, v19;
	v45 =	vld [tilespmem:$0x1FA30]  }
0x3cd: {  	v8 =	vor.u32 $0x100, v8;
	v16 =	vor.u32 v17, v16;
	v17 =	vshll.u32 v18, $0x2;
	[tilespmem:v12+s31+$0x0] =	vst.idx.msk $0xffff, v13;
	v13 =	vld [tilespmem:$0x1FF40]  }
0x3ce: {  	v20 =	vor.u32 v61, v52;
	v18 =	vand.u32 $0x7F, v18;
	v17 =	vand.u32 $0xFFFFFE00, v17;
	v12 =	vld.idx.msk [tilespmem:v24+s4+$0x0], $0xffff  }
0x3cf: {  	[tilespmem:v11+s31+$0x0] =	vst.idx.msk $0xffff, v10;
	v43 =	vld.idx.msk [tilespmem:v14+s4+$0x0], $0xffff;
	v14 =	vor.u32 $0x100, v16;
	v16 =	vor.u32 v17, v18  }
0x3d0: {  	v6 =	vor.u32 $0x100, v44;
	v9 =	vld.idx.msk [tilespmem:v9+s4+$0x0], $0xffff;
	v16 =	vor.u32 $0x100, v16  }
0x3d1: {  	v44 =	vor.u32 v61, v50;
	v0 =	vand.u32 $0xFFFFFE00, v34;
	v5 =	vld.idx.msk [tilespmem:v23+s4+$0x0], $0xffff;
	v18 =	vadd.s32 s14, v30  }
0x3d2: {  	v17 =	vor.u32 v61, v51;
	v61 =	vshll.u32 v18, $0x2;
	v13 =	vadd.s32 s13, v13  }
0x3d3: {  	v34 =	vand.u32 $0x7F, v18;
	v18 =	vld [tilespmem:$0x1FF30];
	[tilespmem:v8+s31+$0x0] =	vst.idx.msk $0xffff, v12;
	v42 =	vand.u32 $0x7F, v13;
	v13 =	vshll.u32 v13, $0x2  }
0x3d4: {  	v40 =	vld.idx.msk [tilespmem:v20+s4+$0x0], $0xffff;
	v13 =	vand.u32 $0xFFFFFE00, v13  }
0x3d5: {  	v15 =	vor.u32 v4, v52;
	[tilespmem:v16+s31+$0x0] =	vst.idx.msk $0xffff, v9;
	v16 =	vld [tilespmem:$0x1FF50];
	v7 =	vor.u32 v13, v42;
	v13 =	vadd.s32 s15, v30  }
0x3d6: {  	v48 =	vld [tilespmem:$0x1FFC0];
	v0 =	vor.u32 v0, v26;
	v10 =	vand.u32 $0xFFFFFE00, v61;
	[tilespmem:v2+s31+$0x0] =	vst.idx.msk $0xffff, v5;
	v12 =	vshll.u32 v13, $0x2  }
0x3d7: {  	v8 =	vor.u32 v10, v34;
	v2 =	vld.idx.msk [tilespmem:v45+s4+$0x0], $0xffff;
	[tilespmem:v14+s31+$0x0] =	vst.idx.msk $0xffff, v43;
	v41 =	vand.u32 $0x7F, v13;
	v12 =	vand.u32 $0xFFFFFE00, v12  }
0x3d8: {  	v0 =	vor.u32 $0x100, v0;
	v8 =	vor.u32 $0x100, v8;
	v13 =	vld.idx.msk [tilespmem:v17+s4+$0x0], $0xffff;
	v42 =	vor.u32 v12, v41  }
0x3d9: {  	v43 =	vor.u32 v4, v51;
	v12 =	vadd.s32 s14, v18;
	v9 =	vor.u32 $0x100, v42;
	v42 =	vld [tilespmem:$0x1FA40]  }
0x3da: {  	v4 =	vor.u32 v4, v50;
	v14 =	vld.idx.msk [tilespmem:v44+s4+$0x0], $0xffff;
	[tilespmem:v6+s31+$0x0] =	vst.idx.msk $0xffff, v40;
	v16 =	vadd.s32 s13, v16;
	v17 =	vshll.u32 v12, $0x2  }
0x3db: {  	v44 =	vand.u32 $0x7F, v12;
	v23 =	vld.idx.msk [tilespmem:v15+s4+$0x0], $0xffff;
	v12 =	vand.u32 $0xFFFFFE00, v17;
	v17 =	vadd.s32 s15, v18  }
0x3dc: {  	v61 =	vand.u32 $0x7F, v16;
	v5 =	vor.u32 v12, v44;
	v12 =	vshll.u32 v16, $0x2;
	v16 =	vld [tilespmem:$0x1FF40]  }
0x3dd: {  	[tilespmem:v3+s31+$0x0] =	vst.idx.msk $0xffff, v2;
	v15 =	vld [tilespmem:$0x1FA50];
	v22 =	vshll.u32 v17, $0x2  }
0x3de: {  	v21 =	vor.u32 v59, v52;
	[tilespmem:v8+s31+$0x0] =	vst.idx.msk $0xffff, v13;
	v13 =	vand.u32 $0x7F, v17;
	v17 =	vld [tilespmem:$0x1FF50];
	v11 =	vand.u32 $0xFFFFFE00, v22  }
0x3df: {  	v34 =	vand.u32 $0xFFFFFE00, v12;
	v10 =	vld.idx.msk [tilespmem:v43+s4+$0x0], $0xffff;
	v5 =	vor.u32 $0x100, v5;
	v11 =	vor.u32 v11, v13;
	[tilespmem:v9+s31+$0x0] =	vst.idx.msk $0xffff, v14  }
0x3e0: {  	v12 =	vor.u32 v59, v51;
	v6 =	vor.u32 v34, v61;
	v11 =	vor.u32 $0x100, v11;
	v4 =	vld.idx.msk [tilespmem:v4+s4+$0x0], $0xffff  }
0x3e1: {  	v43 =	vor.u32 $0x100, v7;
	v14 =	vor.u32 v59, v50;
	[tilespmem:v0+s31+$0x0] =	vst.idx.msk $0xffff, v23;
	v13 =	vadd.s32 s14, v16;
	v0 =	vld.idx.msk [tilespmem:v42+s4+$0x0], $0xffff  }
0x3e2: {  	v40 =	vshll.u32 v13, $0x2;
	v41 =	vand.u32 $0x7F, v13;
	v13 =	vadd.s32 s15, v16;
	v42 =	vld [tilespmem:$0x1FA60]  }
0x3e3: {  	v61 =	vor.u32 v57, v52;
	v45 =	vld.idx.msk [tilespmem:v21+s4+$0x0], $0xffff;
	v9 =	vand.u32 $0xFFFFFE00, v40;
	v44 =	vshll.u32 v13, $0x2  }
0x3e4: {  	v31 =	vld [tilespmem:$0x1FF60];
	[tilespmem:v5+s31+$0x0] =	vst.idx.msk $0xffff, v10;
	v21 =	vand.u32 $0x7F, v13;
	v2 =	vor.u32 v9, v41;
	v7 =	vand.u32 $0xFFFFFE00, v44  }
0x3e5: {  	v6 =	vor.u32 $0x100, v6;
	v10 =	vld.idx.msk [tilespmem:v12+s4+$0x0], $0xffff;
	v2 =	vor.u32 $0x100, v2;
	[tilespmem:v11+s31+$0x0] =	vst.idx.msk $0xffff, v4;
	v22 =	vor.u32 v7, v21  }
0x3e6: {  	v23 =	vor.u32 v57, v51;
	v34 =	vadd.s32 s14, v17;
	v11 =	vld.idx.msk [tilespmem:v14+s4+$0x0], $0xffff;
	v4 =	vor.u32 $0x100, v22  }
0x3e7: {  	v54 =	vld [tilespmem:$0x1FEB0];
	v12 =	vor.u32 v55, v52;
	v13 =	vshll.u32 v34, $0x2;
	v14 =	vor.u32 v57, v50  }
0x3e8: {  	v46 =	vld [tilespmem:$0x1FFA0];
	v40 =	vand.u32 $0x7F, v34;
	v41 =	vand.u32 $0xFFFFFE00, v13;
	v13 =	vadd.s32 s15, v17;
	[tilespmem:v43+s31+$0x0] =	vst.idx.msk $0xffff, v45  }
0x3e9: {  	v34 =	vor.u32 v55, v51;
	v43 =	vadd.s32 s13, v31;
	v44 =	vshll.u32 v13, $0x2;
	v45 =	vld.idx.msk [tilespmem:v61+s4+$0x0], $0xffff;
	[tilespmem:v15+s31+$0x0] =	vst.idx.msk $0xffff, v0  }
0x3ea: {  	v61 =	vand.u32 $0x7F, v13;
	v9 =	vand.u32 $0xFFFFFE00, v44;
	v0 =	vor.u32 v41, v40;
	v3 =	vld.idx.msk [tilespmem:v42+s4+$0x0], $0xffff;
	[tilespmem:v2+s31+$0x0] =	vst.idx.msk $0xffff, v10  }
0x3eb: {  	v52 =	vand.u32 $0x7F, v43;
	v0 =	vor.u32 $0x100, v0;
	[tilespmem:v4+s31+$0x0] =	vst.idx.msk $0xffff, v11;
	v22 =	vld.idx.msk [tilespmem:v23+s4+$0x0], $0xffff;
	v23 =	vor.u32 v9, v61  }
0x3ec: {  	v21 =	vshll.u32 v43, $0x2;
	v13 =	vadd.s32 s15, v31;
	v40 =	vld.idx.msk [tilespmem:v14+s4+$0x0], $0xffff;
	v7 =	vor.u32 $0x100, v23  }
0x3ed: {  	v32 =	vld [tilespmem:$0x1FF80];
	v41 =	vadd.s32 s14, v31;
	v42 =	vor.u32 v55, v50;
	v4 =	vand.u32 $0xFFFFFE00, v21  }
0x3ee: {  	v47 =	vld [tilespmem:$0x1FFB0];
	v44 =	vshll.u32 v41, $0x2;
	v50 =	vshll.u32 v13, $0x2;
	[tilespmem:v6+s31+$0x0] =	vst.idx.msk $0xffff, v45;
	v4 =	vor.u32 v4, v52  }
0x3ef: {  	v45 =	vand.u32 $0x7F, v41;
	v51 =	vld.idx.msk [tilespmem:v12+s4+$0x0], $0xffff;
	v43 =	vor.u32 $0x100, v4;
	v4 =	vand.u32 $0xFFFFFE00, v44;
	[tilespmem:v53+s31+$0x0] =	vst.idx.msk $0xffff, v3  }
0x3f0: {  	v61 =	vand.u32 $0xFFFFFE00, v50;
	v52 =	vor.u32 v4, v45;
	v53 =	vand.u32 $0x7F, v13;
	v14 =	vld.idx.msk [tilespmem:v63+s4+$0x0], $0xffff;
	[tilespmem:v0+s31+$0x0] =	vst.idx.msk $0xffff, v22  }
0x3f1: {  	v0 =	vor.u32 $0x100, v52;
	v2 =	vor.u32 v61, v53;
	v5 =	vld.idx.msk [tilespmem:v34+s4+$0x0], $0xffff;
	[tilespmem:v7+s31+$0x0] =	vst.idx.msk $0xffff, v40  }
0x3f2: {  	p1 =	por p0, p0;
	v2 =	vor.u32 $0x100, v2;
	v63 =	vld.idx.msk [tilespmem:v42+s4+$0x0], $0xffff  }
.Ltmp13:
0x3f3: {  	v33 =	vld [tilespmem:$0x1FF90];
	(pc) =	sbr.rel @p1 .LBB2_21-.Ltmp13, $4  }
0x3f4: {  	v59 =	vld [tilespmem:$0x1FFF0];
	[tilespmem:v43+s31+$0x0] =	vst.idx.msk $0xffff, v51  }
0x3f5: {  	v57 =	vld [tilespmem:$0x1FFE0];
	[tilespmem:v1+s31+$0x0] =	vst.idx.msk $0xffff, v14  }
0x3f6: {  	v55 =	vld [tilespmem:$0x1FFD0];
	[tilespmem:v0+s31+$0x0] =	vst.idx.msk $0xffff, v5  }
0x3f7: {  	p0 =	por $0x0, $0x0;
	v49 =	vlaneseq.u32;
	s15 =	simm.s32 $0x4;
	v13 =	vld [tilespmem:$0x1FF70];
	[tilespmem:v2+s31+$0x0] =	vst.idx.msk $0xffff, v63  }
0x3f8: {  	s10 =	sadd.s32 $0x1, s10  }
0x3f9: {  	p0 =	sne.s32 s10, $0x4  }
.Ltmp14:
0x3fa: {  	_ = 	snop;
	(pc) =	sbr.rel @p0 .LBB2_20-.Ltmp14, $1  }
0x3fb: {  	_ =	sdelay $0x3  }
0x3fc: {  	s10 =	sadd.s32 s5, s11  }
0x3fd: {  	s10 =	sshll.u32 s10, $0xA  }
0x3fe: {  	s10 =	sand.u32 $0x1FFFFC00, s10  }
0x3ff: {  	s11 =	simm.s32 $0x6100;
	s10 =	sadd.s32 s1, s10  }
0x400: {  	s12 =	simm.s32 $0x10;
	s13 =	simm.s32 $0x6300;
	s14 =	sadd.s32 $0x0, s10  }
.LBB2_24:
0x401: {  	[hbm4b:s14+s4] =	stream.linear.scatter [tilespmem:s11], [sflag:$0x2], $0x80, $0x38;
	[tilespmem:$0xE000] =	vst v63  }
0x402: {  	s14 =	smov.u32 s12;
	s11 =	smov.u32 s13;
	p0 =	sne.s32 s12, $0x3F0  }
.Ltmp15:
0x403: {  	s12 =	sadd.s32 $0x10, s12;
	(pc) =	sbr.rel @p0 .LBB2_24-.Ltmp15, $2  }
0x404: {  	_ =	sdelay $0x2  }
0x405: {  	s13 =	sadd.s32 $0x200, s13;
	s14 =	sadd.s32 s14, s10  }
.Ltmp16:
0x406: {  	_ = 	snop;
	(pc) =	sbr.rel .LBB2_25-.Ltmp16, $1  }
0x407: {  	_ =	sdelay $0x3  }
.LBB2_28:
0x408: {  	_ =	sfence.sel $0x180000  }
0x409: {  	[bflag:$0x0] =	sbarrier.arrive $0xFFFF  }
0x40a: {  	_ =	strace $0x90000047  }
0x40b: {  	s0 =	stileid.u32;
	[bflag:$0x2] =	sbarrier.arrive $0xFFFF  }
0x40c: {  	p0 =	sne.s32 s0, $0x0;
	s0 =	rddreg [dreg:$0x2]  }
0x40d: {  	s0 =	sadd.s32 @!p0 $0x100000, s0  }
0x40e: {  	[sflag:s0] =	ssyncadd.tile.s32 @!p0 $0x1;
	_ =	shalt  }
.Lfunc_end2:
_tile_overlayer_lowered:
.L_overlay_start_2:
0x40f: {  	(tag) =	ssettag $0x2  }
0x410: {  	s0 =	rddreg [dreg:$0x0];
	s2 =	stileid.u32  }
0x411: {  	s1 =	rddreg [dreg:$0x1];
	p0 =	sne.s32 s2, $0x0  }
0x412: {  	s3 =	rddreg [dreg:$0x2];
	[bflag:$0x3] =	sbarrier.arrive $0xFFFF;
	s2 =	simm.s32 @!p0 $0x1C03  }
0x413: {  	[timem:s3], [sflag:s2] =	dma.local @!p0 [hbm:s0], s1  }
0x414: {  	s0 =	simm.s32 @!p0 $0x3  }
0x415: {  	_ =	swait.ge @!p0 [sflag:s0], s1  }
0x416: {  	s1 =	ssub.s32 @!p0 $0x0, s1;
	[sflag:s0] =	ssyncset.done @!p0 $0x0  }
0x417: {  	[sflag:s0] =	ssyncadd.s32 @!p0 s1  }
0x418: {  	[bflag:$0x3] =	sbarrier.arrive $0xFFFF  }
0x419: {  	_ =	shalt  }

</sc_bundles>
